<compile_context>
chip_gen: v7x
topology: tpu7x:2x2x1
jax: 0.10.2.dev20260603
libtpu: 0.0.44.dev20260713+nightly
codegen_flags: <defaults>
</compile_context>

<pallas_src>
import functools

import jax
import jax.numpy as jnp
from jax import lax
from jax.experimental import pallas as pl
from jax.experimental.pallas import tpu as pltpu
from jax.experimental.pallas import tpu_sc as plsc

VOCAB = 1000000
EMBED_DIM = 64
BATCH = 16384
N_FIELDS = 26

_INFO = plsc.get_sparse_core_info()
NC, NS = _INFO.num_cores, _INFO.num_subcores
NW = NC * NS
TOTAL = BATCH * N_FIELDS
CHUNK = 128

NBLK = VOCAB // 128
TAIL_V = NBLK * 128
TAIL_W = VOCAB - TAIL_V
BASE_BLKS = NBLK // NW
EXTRA = NBLK - BASE_BLKS * NW


@functools.partial(
    pl.kernel,
    mesh=plsc.VectorSubcoreMesh(core_axis_name="c", subcore_axis_name="s"),
    out_type=jax.ShapeDtypeStruct((VOCAB * EMBED_DIM,), jnp.float32),
    scratch_types=[
        [pltpu.VMEM((EMBED_DIM, 128), jnp.float32) for _ in range(4)],
        [pltpu.VMEM((128 * EMBED_DIM,), jnp.float32) for _ in range(4)],
        pltpu.SemaphoreType.DMA,
        pltpu.SemaphoreType.DMA,
    ],
    compiler_params=pltpu.CompilerParams(
        use_tc_tiling_on_sc=True, needs_layout_passes=False
    ),
)
def _untile_kernel(tt_hbm, tail_hbm, scratch_hbm, slabs, rows, in_sem, out_sem):
    wid = lax.axis_index("s") * NC + lax.axis_index("c")
    start = wid * BASE_BLKS + lax.min(wid, EXTRA)

    def slab_in(blk, buf):
        col0 = pl.multiple_of(blk * 128, 128)
        pltpu.make_async_copy(
            tt_hbm.at[:, pl.ds(col0, 128)], slabs[buf], in_sem
        ).start()

    def slab_in_wait(buf):
        pltpu.make_async_copy(
            tt_hbm.at[:, pl.ds(0, 128)], slabs[buf], in_sem
        ).wait()

    def rows_out(blk, buf):
        pltpu.make_async_copy(
            rows[buf], scratch_hbm.at[pl.ds(blk * 128 * 64, 128 * 64)], out_sem
        ).start()

    def rows_out_wait():
        pltpu.make_async_copy(
            rows[0], scratch_hbm.at[pl.ds(0, 128 * 64)], out_sem
        ).wait()

    lanes = lax.iota(jnp.int32, 16)

    def transpose_slab(buf):
        @plsc.parallel_loop(0, 64, step=1, unroll=4)
        def _(d0):
            drow = lax.rem(lanes + d0, 64)
            for j in range(8):
                cols = lanes + j * 16
                vec = plsc.load_gather(slabs[buf], [drow, cols])
                plsc.store_scatter(rows[buf], [cols * 64 + drow], vec)

    for k in range(3):
        slab_in(start + k, k)

    def body(i4, _):
        for b in range(4):
            i = i4 * 4 + b
            blk = start + i

            @pl.when(i + 3 < BASE_BLKS)
            def _():
                slab_in(blk + 3, (b + 3) % 4)

            slab_in_wait(b)

            @pl.when(i >= 4)
            def _():
                rows_out_wait()

            transpose_slab(b)
            rows_out(blk, b)
        return 0

    lax.fori_loop(0, BASE_BLKS // 4, body, 0)
    for _k in range(4):
        rows_out_wait()

    @pl.when(wid < EXTRA)
    def _():
        blk = start + BASE_BLKS
        slab_in(blk, 0)
        slab_in_wait(0)
        transpose_slab(0)
        rows_out(blk, 0)
        rows_out_wait()

    @pl.when(wid == NW - 1)
    def _():
        pltpu.make_async_copy(
            tail_hbm, rows[0].at[pl.ds(0, TAIL_W * 64)], in_sem
        ).start()
        pltpu.make_async_copy(
            tail_hbm, rows[0].at[pl.ds(0, TAIL_W * 64)], in_sem
        ).wait()
        pltpu.make_async_copy(
            rows[0].at[pl.ds(0, TAIL_W * 64)],
            scratch_hbm.at[pl.ds(TAIL_V * 64, TAIL_W * 64)],
            out_sem,
        ).start()
        pltpu.make_async_copy(
            rows[0].at[pl.ds(0, TAIL_W * 64)],
            scratch_hbm.at[pl.ds(0, TAIL_W * 64)],
            out_sem,
        ).wait()


@functools.partial(
    pl.kernel,
    mesh=plsc.VectorSubcoreMesh(core_axis_name="c", subcore_axis_name="s"),
    out_type=jax.ShapeDtypeStruct((N_FIELDS, 8, 128, 8, 128), jnp.float32),
    scratch_types=[
        pltpu.VMEM((N_FIELDS, 512), jnp.int32),
        [pltpu.VMEM((CHUNK, EMBED_DIM), jnp.float32) for _ in range(4)],
        [pltpu.VMEM((8, 8, 128), jnp.float32) for _ in range(4)],
        pltpu.SemaphoreType.DMA,
        pltpu.SemaphoreType.DMA,
        pltpu.SemaphoreType.DMA,
    ],
    compiler_params=pltpu.CompilerParams(
        use_tc_tiling_on_sc=False, needs_layout_passes=False
    ),
)
def _gather_kernel(xt_hbm, table_hbm, out5, idx_v, rows, stage, gsem, osem, isem):
    wid = lax.axis_index("s") * NC + lax.axis_index("c")
    b0 = wid * 512
    pltpu.make_async_copy(xt_hbm.at[:, pl.ds(b0, 512)], idx_v, isem).start()
    pltpu.make_async_copy(xt_hbm.at[:, pl.ds(b0, 512)], idx_v, isem).wait()

    NUNIT = N_FIELDS * 4

    def gather(u, buf):
        f, bb = lax.div(u, 4), lax.rem(u, 4)
        pltpu.make_async_copy(
            table_hbm.at[idx_v.at[f, pl.ds(bb * 128, 128)]], rows[buf], gsem
        ).start()

    def gather_wait(buf):
        pltpu.make_async_copy(
            table_hbm.at[idx_v.at[0, pl.ds(0, 128)]], rows[buf], gsem
        ).wait()

    lanes = lax.iota(jnp.int32, 16)

    def transpose(buf):
        @plsc.parallel_loop(0, 64, step=1, unroll=4)
        def _(d0):
            dvec = lax.rem(lanes + d0, 64)
            for j in range(8):
                bvec = lanes + j * 16
                vec = plsc.load_gather(rows[buf], [bvec, dvec])
                plsc.store_scatter(
                    stage[buf],
                    [
                        lax.shift_right_logical(dvec, 3),
                        lax.bitwise_and(dvec, 7),
                        bvec,
                    ],
                    vec,
                )

    def put(u, buf):
        f, bb = lax.div(u, 4), lax.rem(u, 4)
        pltpu.make_async_copy(
            stage[buf], out5.at[f, :, wid * 4 + bb], osem
        ).start()

    def put_wait(buf):
        pltpu.make_async_copy(stage[buf], out5.at[0, :, 0], osem).wait()

    for k in range(3):
        gather(k, k)

    def body(u4, _):
        for b in range(4):
            u = u4 * 4 + b

            @pl.when(u + 3 < NUNIT)
            def _():
                gather(u + 3, (b + 3) % 4)

            gather_wait(b)

            @pl.when(u >= 4)
            def _():
                put_wait(b)

            transpose(b)
            put(u, b)
        return 0

    lax.fori_loop(0, NUNIT // 4, body, 0)
    for _k in range(4):
        put_wait(0)


def kernel(x, table):
    tt = table.T
    tail = table[TAIL_V:].reshape(-1)
    scratch = _untile_kernel(tt, tail)
    table_rm = scratch.reshape(VOCAB, EMBED_DIM)
    out5 = _gather_kernel(x.T, table_rm)
    return out5.transpose(2, 4, 0, 1, 3).reshape(BATCH, N_FIELDS, EMBED_DIM)

# --- scband reference (transcript-rebuilt; emitter-appended) ---
"""Pipeline reference for scband-embedding-wrapper-82806969467496 (READ-ONLY COPY).

The authoritative reference and input builder live on the scoring server;
editing this copy changes nothing except your own understanding.
"""

import jax, jax.numpy as jnp
import numpy as np

VOCAB = 1000000
EMBED_DIM = 64
BATCH = 16384
N_FIELDS = 26


def setup_inputs(seed: int = 0) -> dict:
    key = jax.random.key(seed)
    k1, k2 = jax.random.split(key)
    x = jax.random.randint(k1, (BATCH, N_FIELDS), 0, VOCAB, dtype=jnp.int32)
    table = jax.random.normal(k2, (VOCAB, EMBED_DIM), dtype=jnp.float32)
    return {"x": x, "table": table}


def reference(x, table):
    # EmbeddingWrapper.forward: h = embedding(x); dropout1d(p=0.0) and
    # dropout2d(p=0.0) are identity (eval / p=0), noise=False is a no-op.
    h = jnp.take(table, x, axis=0)  # [BATCH, N_FIELDS, EMBED_DIM]
    return h

if __name__ == "__main__":
    import jax
    _d = setup_inputs()
    print(jax.jit(kernel)(*tuple(_d.values())))

</pallas_src>

<mosaic_0001>
#map = affine_map<(d0, d1) -> (0, 0)>
#map1 = affine_map<(d0, d1) -> (0)>
module attributes {stable_mosaic.version = 14 : i64} {
  func.func @_untile_kernel(%arg0: i32, %arg1: i32, %arg2: memref<64x1000000xf32, #tpu.memory_space<hbm>>, %arg3: memref<4096xf32, #tpu.memory_space<hbm>>, %arg4: memref<64000000xf32, #tpu.memory_space<hbm>>, %arg5: memref<64x128xf32, #tpu.memory_space<vmem>>, %arg6: memref<64x128xf32, #tpu.memory_space<vmem>>, %arg7: memref<64x128xf32, #tpu.memory_space<vmem>>, %arg8: memref<64x128xf32, #tpu.memory_space<vmem>>, %arg9: memref<8192xf32, #tpu.memory_space<vmem>>, %arg10: memref<8192xf32, #tpu.memory_space<vmem>>, %arg11: memref<8192xf32, #tpu.memory_space<vmem>>, %arg12: memref<8192xf32, #tpu.memory_space<vmem>>, %arg13: memref<!tpu.dma_semaphore, #tpu.memory_space<semaphore_mem>>, %arg14: memref<!tpu.dma_semaphore, #tpu.memory_space<semaphore_mem>>) attributes {dimension_semantics = [#tpu.dimension_semantics<core_parallel>, #tpu.dimension_semantics<subcore_parallel>], iteration_bounds = array<i64: 2, 16>, scalar_prefetch = 0 : i64, scratch_operands = 10 : i64, tpu.core_type = #tpu.core_type<sc_vector_subcore>, window_params = [{transform_indices = #map}, {transform_indices = #map1}, {transform_indices = #map1}]} {
    %mul3A = arith.constant 2 : i32
    %mul3A_0 = arith.muli %arg1, %mul3A : i32
    %add3A = arith.addi %mul3A_0, %arg0 : i32
    %mul3A_1 = arith.constant 244 : i32
    %mul3A_2 = arith.muli %add3A, %mul3A_1 : i32
    %min3A = arith.constant 4 : i32
    %min3A_3 = arith.minsi %add3A, %min3A : i32
    %add3A_4 = arith.addi %mul3A_2, %min3A_3 : i32
    %iota3A = tpu.iota {dimensions = array<i32: 0>} : vector<16xi32>
    %add3A_5 = arith.constant 0 : i32
    %add3A_6 = arith.addi %add3A_4, %add3A_5 : i32
    %mul3A_7 = arith.constant 128 : i32
    %mul3A_8 = arith.muli %add3A_6, %mul3A_7 : i32
    %multiple_of3A = tpu.assume_multiple %mul3A_8, 128 : i32
    %dma_start3A = arith.constant 0 : i32
    %dma_start3A_9 = tpu.memref_slice %arg2[%dma_start3A, %multiple_of3A] : memref<64x1000000xf32, #tpu.memory_space<hbm>> -> memref<64x128xf32, #tpu.memory_space<hbm>>
    %dma_start3A_10 = arith.constant 0 : i32
    %dma_start3A_11 = tpu.memref_slice %arg2[%dma_start3A_10, %multiple_of3A] : memref<64x1000000xf32, #tpu.memory_space<hbm>> -> memref<64x128xf32, #tpu.memory_space<hbm>>
    tpu.enqueue_dma source(%dma_start3A_11 : memref<64x128xf32, #tpu.memory_space<hbm>>) target(%arg5 : memref<64x128xf32, #tpu.memory_space<vmem>>) target_semaphore(%arg13 : memref<!tpu.dma_semaphore, #tpu.memory_space<semaphore_mem>>)
    %add3A_12 = arith.constant 1 : i32
    %add3A_13 = arith.addi %add3A_4, %add3A_12 : i32
    %mul3A_14 = arith.constant 128 : i32
    %mul3A_15 = arith.muli %add3A_13, %mul3A_14 : i32
    %multiple_of3A_16 = tpu.assume_multiple %mul3A_15, 128 : i32
    %dma_start3A_17 = arith.constant 0 : i32
    %dma_start3A_18 = tpu.memref_slice %arg2[%dma_start3A_17, %multiple_of3A_16] : memref<64x1000000xf32, #tpu.memory_space<hbm>> -> memref<64x128xf32, #tpu.memory_space<hbm>>
    %dma_start3A_19 = arith.constant 0 : i32
    %dma_start3A_20 = tpu.memref_slice %arg2[%dma_start3A_19, %multiple_of3A_16] : memref<64x1000000xf32, #tpu.memory_space<hbm>> -> memref<64x128xf32, #tpu.memory_space<hbm>>
    tpu.enqueue_dma source(%dma_start3A_20 : memref<64x128xf32, #tpu.memory_space<hbm>>) target(%arg6 : memref<64x128xf32, #tpu.memory_space<vmem>>) target_semaphore(%arg13 : memref<!tpu.dma_semaphore, #tpu.memory_space<semaphore_mem>>)
    %add3A_21 = arith.constant 2 : i32
    %add3A_22 = arith.addi %add3A_4, %add3A_21 : i32
    %mul3A_23 = arith.constant 128 : i32
    %mul3A_24 = arith.muli %add3A_22, %mul3A_23 : i32
    %multiple_of3A_25 = tpu.assume_multiple %mul3A_24, 128 : i32
    %dma_start3A_26 = arith.constant 0 : i32
    %dma_start3A_27 = tpu.memref_slice %arg2[%dma_start3A_26, %multiple_of3A_25] : memref<64x1000000xf32, #tpu.memory_space<hbm>> -> memref<64x128xf32, #tpu.memory_space<hbm>>
    %dma_start3A_28 = arith.constant 0 : i32
    %dma_start3A_29 = tpu.memref_slice %arg2[%dma_start3A_28, %multiple_of3A_25] : memref<64x1000000xf32, #tpu.memory_space<hbm>> -> memref<64x128xf32, #tpu.memory_space<hbm>>
    tpu.enqueue_dma source(%dma_start3A_29 : memref<64x128xf32, #tpu.memory_space<hbm>>) target(%arg7 : memref<64x128xf32, #tpu.memory_space<vmem>>) target_semaphore(%arg13 : memref<!tpu.dma_semaphore, #tpu.memory_space<semaphore_mem>>)
    %scan3A = arith.constant 0 : i32
    %scan3A_30 = arith.constant 0 : i32
    %scan3A_31 = arith.constant 61 : i32
    %scan3A_32 = arith.addi %scan3A_30, %scan3A_31 : i32
    %scan3A_33 = arith.constant 1 : i32
    %scan3A_34 = scf.for %scan3A_57 = %scan3A_30 to %scan3A_32 step %scan3A_33 iter_args(%scan3A_58 = %scan3A) -> (i32)  : i32 {
      %mul3A_59 = arith.constant 4 : i32
      %mul3A_60 = arith.muli %scan3A_57, %mul3A_59 : i32
      %add3A_61 = arith.constant 0 : i32
      %add3A_62 = arith.addi %mul3A_60, %add3A_61 : i32
      %add3A_63 = arith.addi %add3A_4, %add3A_62 : i32
      %add3A_64 = arith.constant 3 : i32
      %add3A_65 = arith.addi %add3A_62, %add3A_64 : i32
      %lt3A_66 = arith.constant 244 : i32
      %lt3A_67 = arith.cmpi slt, %add3A_65, %lt3A_66 : i32
      %convert_element_type3A_68 = arith.extui %lt3A_67 : i1 to i32
      %cond3A_69 = arith.constant 0 : i32
      %cond3A_70 = arith.cmpi ne, %convert_element_type3A_68, %cond3A_69 : i32
      scf.if %cond3A_70 {
        %add3A_186 = arith.constant 3 : i32
        %add3A_187 = arith.addi %add3A_63, %add3A_186 : i32
        %mul3A_188 = arith.constant 128 : i32
        %mul3A_189 = arith.muli %add3A_187, %mul3A_188 : i32
        %multiple_of3A_190 = tpu.assume_multiple %mul3A_189, 128 : i32
        %dma_start3A_191 = arith.constant 0 : i32
        %dma_start3A_192 = tpu.memref_slice %arg2[%dma_start3A_191, %multiple_of3A_190] : memref<64x1000000xf32, #tpu.memory_space<hbm>> -> memref<64x128xf32, #tpu.memory_space<hbm>>
        %dma_start3A_193 = arith.constant 0 : i32
        %dma_start3A_194 = tpu.memref_slice %arg2[%dma_start3A_193, %multiple_of3A_190] : memref<64x1000000xf32, #tpu.memory_space<hbm>> -> memref<64x128xf32, #tpu.memory_space<hbm>>
        tpu.enqueue_dma source(%dma_start3A_194 : memref<64x128xf32, #tpu.memory_space<hbm>>) target(%arg8 : memref<64x128xf32, #tpu.memory_space<vmem>>) target_semaphore(%arg13 : memref<!tpu.dma_semaphore, #tpu.memory_space<semaphore_mem>>)
      } else {
      }
      %dma_wait3A_71 = arith.constant 0 : i32
      %dma_wait3A_72 = arith.constant 0 : i32
      %dma_wait3A_73 = tpu.memref_slice %arg2[%dma_wait3A_71, %dma_wait3A_72] : memref<64x1000000xf32, #tpu.memory_space<hbm>> -> memref<64x128xf32, #tpu.memory_space<hbm>>
      %dma_wait3A_74 = arith.constant 0 : i32
      %dma_wait3A_75 = arith.constant 0 : i32
      %dma_wait3A_76 = tpu.memref_slice %arg2[%dma_wait3A_74, %dma_wait3A_75] : memref<64x1000000xf32, #tpu.memory_space<hbm>> -> memref<64x128xf32, #tpu.memory_space<hbm>>
      tpu.wait_dma2 semaphore(%arg13 : memref<!tpu.dma_semaphore, #tpu.memory_space<semaphore_mem>>) src(%dma_wait3A_76 : memref<64x128xf32, #tpu.memory_space<hbm>>) dst(%arg5 : memref<64x128xf32, #tpu.memory_space<vmem>>)
      %ge3A = arith.constant 4 : i32
      %ge3A_77 = arith.cmpi sge, %add3A_62, %ge3A : i32
      %convert_element_type3A_78 = arith.extui %ge3A_77 : i1 to i32
      %cond3A_79 = arith.constant 0 : i32
      %cond3A_80 = arith.cmpi ne, %convert_element_type3A_78, %cond3A_79 : i32
      scf.if %cond3A_80 {
        %dma_wait3A_186 = arith.constant 0 : i32
        %dma_wait3A_187 = tpu.memref_slice %arg4[%dma_wait3A_186] : memref<64000000xf32, #tpu.memory_space<hbm>> -> memref<8192xf32, #tpu.memory_space<hbm>>
        %dma_wait3A_188 = arith.constant 0 : i32
        %dma_wait3A_189 = tpu.memref_slice %arg4[%dma_wait3A_188] : memref<64000000xf32, #tpu.memory_space<hbm>> -> memref<8192xf32, #tpu.memory_space<hbm>>
        tpu.wait_dma2 semaphore(%arg14 : memref<!tpu.dma_semaphore, #tpu.memory_space<semaphore_mem>>) src(%arg9 : memref<8192xf32, #tpu.memory_space<vmem>>) dst(%dma_wait3A_189 : memref<8192xf32, #tpu.memory_space<hbm>>)
      } else {
      }
      %parallel_loop3A = arith.constant 0 : i32
      %parallel_loop3A_81 = arith.constant 64 : i32
      %parallel_loop3A_82 = arith.constant 1 : i32
      scf.for %parallel_loop3A_186 = %parallel_loop3A to %parallel_loop3A_81 step %parallel_loop3A_82  : i32 {
        %parallel_loop3A_187 = vector.broadcast %parallel_loop3A_186 : i32 to vector<16xi32>
        %parallel_loop3A_188 = arith.addi %iota3A, %parallel_loop3A_187 : vector<16xi32>
        %parallel_loop3A_189 = arith.constant 64 : i32
        %parallel_loop3A_190 = vector.broadcast %parallel_loop3A_189 : i32 to vector<16xi32>
        %parallel_loop3A_191 = arith.remsi %parallel_loop3A_188, %parallel_loop3A_190 : vector<16xi32>
        %parallel_loop3A_192 = arith.constant 0 : i32
        %parallel_loop3A_193 = vector.broadcast %parallel_loop3A_192 : i32 to vector<16xi32>
        %parallel_loop3A_194 = arith.addi %iota3A, %parallel_loop3A_193 : vector<16xi32>
        %parallel_loop3A_195 = tpu.vector_load_idx %arg5[%parallel_loop3A_191, %parallel_loop3A_194] : memref<64x128xf32, #tpu.memory_space<vmem>>[vector<16xi32>, vector<16xi32>], vector<16xf32>,
        %parallel_loop3A_196 = arith.constant 64 : i32
        %parallel_loop3A_197 = vector.broadcast %parallel_loop3A_196 : i32 to vector<16xi32>
        %parallel_loop3A_198 = arith.muli %parallel_loop3A_194, %parallel_loop3A_197 : vector<16xi32>
        %parallel_loop3A_199 = arith.addi %parallel_loop3A_198, %parallel_loop3A_191 : vector<16xi32>
        tpu.vector_store_idx %arg9[%parallel_loop3A_199], %parallel_loop3A_195 : memref<8192xf32, #tpu.memory_space<vmem>>[vector<16xi32>], vector<16xf32>,
        %parallel_loop3A_200 = arith.constant 16 : i32
        %parallel_loop3A_201 = vector.broadcast %parallel_loop3A_200 : i32 to vector<16xi32>
        %parallel_loop3A_202 = arith.addi %iota3A, %parallel_loop3A_201 : vector<16xi32>
        %parallel_loop3A_203 = tpu.vector_load_idx %arg5[%parallel_loop3A_191, %parallel_loop3A_202] : memref<64x128xf32, #tpu.memory_space<vmem>>[vector<16xi32>, vector<16xi32>], vector<16xf32>,
        %parallel_loop3A_204 = arith.constant 64 : i32
        %parallel_loop3A_205 = vector.broadcast %parallel_loop3A_204 : i32 to vector<16xi32>
        %parallel_loop3A_206 = arith.muli %parallel_loop3A_202, %parallel_loop3A_205 : vector<16xi32>
        %parallel_loop3A_207 = arith.addi %parallel_loop3A_206, %parallel_loop3A_191 : vector<16xi32>
        tpu.vector_store_idx %arg9[%parallel_loop3A_207], %parallel_loop3A_203 : memref<8192xf32, #tpu.memory_space<vmem>>[vector<16xi32>], vector<16xf32>,
        %parallel_loop3A_208 = arith.constant 32 : i32
        %parallel_loop3A_209 = vector.broadcast %parallel_loop3A_208 : i32 to vector<16xi32>
        %parallel_loop3A_210 = arith.addi %iota3A, %parallel_loop3A_209 : vector<16xi32>
        %parallel_loop3A_211 = tpu.vector_load_idx %arg5[%parallel_loop3A_191, %parallel_loop3A_210] : memref<64x128xf32, #tpu.memory_space<vmem>>[vector<16xi32>, vector<16xi32>], vector<16xf32>,
        %parallel_loop3A_212 = arith.constant 64 : i32
        %parallel_loop3A_213 = vector.broadcast %parallel_loop3A_212 : i32 to vector<16xi32>
        %parallel_loop3A_214 = arith.muli %parallel_loop3A_210, %parallel_loop3A_213 : vector<16xi32>
        %parallel_loop3A_215 = arith.addi %parallel_loop3A_214, %parallel_loop3A_191 : vector<16xi32>
        tpu.vector_store_idx %arg9[%parallel_loop3A_215], %parallel_loop3A_211 : memref<8192xf32, #tpu.memory_space<vmem>>[vector<16xi32>], vector<16xf32>,
        %parallel_loop3A_216 = arith.constant 48 : i32
        %parallel_loop3A_217 = vector.broadcast %parallel_loop3A_216 : i32 to vector<16xi32>
        %parallel_loop3A_218 = arith.addi %iota3A, %parallel_loop3A_217 : vector<16xi32>
        %parallel_loop3A_219 = tpu.vector_load_idx %arg5[%parallel_loop3A_191, %parallel_loop3A_218] : memref<64x128xf32, #tpu.memory_space<vmem>>[vector<16xi32>, vector<16xi32>], vector<16xf32>,
        %parallel_loop3A_220 = arith.constant 64 : i32
        %parallel_loop3A_221 = vector.broadcast %parallel_loop3A_220 : i32 to vector<16xi32>
        %parallel_loop3A_222 = arith.muli %parallel_loop3A_218, %parallel_loop3A_221 : vector<16xi32>
        %parallel_loop3A_223 = arith.addi %parallel_loop3A_222, %parallel_loop3A_191 : vector<16xi32>
        tpu.vector_store_idx %arg9[%parallel_loop3A_223], %parallel_loop3A_219 : memref<8192xf32, #tpu.memory_space<vmem>>[vector<16xi32>], vector<16xf32>,
        %parallel_loop3A_224 = arith.constant 64 : i32
        %parallel_loop3A_225 = vector.broadcast %parallel_loop3A_224 : i32 to vector<16xi32>
        %parallel_loop3A_226 = arith.addi %iota3A, %parallel_loop3A_225 : vector<16xi32>
        %parallel_loop3A_227 = tpu.vector_load_idx %arg5[%parallel_loop3A_191, %parallel_loop3A_226] : memref<64x128xf32, #tpu.memory_space<vmem>>[vector<16xi32>, vector<16xi32>], vector<16xf32>,
        %parallel_loop3A_228 = arith.constant 64 : i32
        %parallel_loop3A_229 = vector.broadcast %parallel_loop3A_228 : i32 to vector<16xi32>
        %parallel_loop3A_230 = arith.muli %parallel_loop3A_226, %parallel_loop3A_229 : vector<16xi32>
        %parallel_loop3A_231 = arith.addi %parallel_loop3A_230, %parallel_loop3A_191 : vector<16xi32>
        tpu.vector_store_idx %arg9[%parallel_loop3A_231], %parallel_loop3A_227 : memref<8192xf32, #tpu.memory_space<vmem>>[vector<16xi32>], vector<16xf32>,
        %parallel_loop3A_232 = arith.constant 80 : i32
        %parallel_loop3A_233 = vector.broadcast %parallel_loop3A_232 : i32 to vector<16xi32>
        %parallel_loop3A_234 = arith.addi %iota3A, %parallel_loop3A_233 : vector<16xi32>
        %parallel_loop3A_235 = tpu.vector_load_idx %arg5[%parallel_loop3A_191, %parallel_loop3A_234] : memref<64x128xf32, #tpu.memory_space<vmem>>[vector<16xi32>, vector<16xi32>], vector<16xf32>,
        %parallel_loop3A_236 = arith.constant 64 : i32
        %parallel_loop3A_237 = vector.broadcast %parallel_loop3A_236 : i32 to vector<16xi32>
        %parallel_loop3A_238 = arith.muli %parallel_loop3A_234, %parallel_loop3A_237 : vector<16xi32>
        %parallel_loop3A_239 = arith.addi %parallel_loop3A_238, %parallel_loop3A_191 : vector<16xi32>
        tpu.vector_store_idx %arg9[%parallel_loop3A_239], %parallel_loop3A_235 : memref<8192xf32, #tpu.memory_space<vmem>>[vector<16xi32>], vector<16xf32>,
        %parallel_loop3A_240 = arith.constant 96 : i32
        %parallel_loop3A_241 = vector.broadcast %parallel_loop3A_240 : i32 to vector<16xi32>
        %parallel_loop3A_242 = arith.addi %iota3A, %parallel_loop3A_241 : vector<16xi32>
        %parallel_loop3A_243 = tpu.vector_load_idx %arg5[%parallel_loop3A_191, %parallel_loop3A_242] : memref<64x128xf32, #tpu.memory_space<vmem>>[vector<16xi32>, vector<16xi32>], vector<16xf32>,
        %parallel_loop3A_244 = arith.constant 64 : i32
        %parallel_loop3A_245 = vector.broadcast %parallel_loop3A_244 : i32 to vector<16xi32>
        %parallel_loop3A_246 = arith.muli %parallel_loop3A_242, %parallel_loop3A_245 : vector<16xi32>
        %parallel_loop3A_247 = arith.addi %parallel_loop3A_246, %parallel_loop3A_191 : vector<16xi32>
        tpu.vector_store_idx %arg9[%parallel_loop3A_247], %parallel_loop3A_243 : memref<8192xf32, #tpu.memory_space<vmem>>[vector<16xi32>], vector<16xf32>,
        %parallel_loop3A_248 = arith.constant 112 : i32
        %parallel_loop3A_249 = vector.broadcast %parallel_loop3A_248 : i32 to vector<16xi32>
        %parallel_loop3A_250 = arith.addi %iota3A, %parallel_loop3A_249 : vector<16xi32>
        %parallel_loop3A_251 = tpu.vector_load_idx %arg5[%parallel_loop3A_191, %parallel_loop3A_250] : memref<64x128xf32, #tpu.memory_space<vmem>>[vector<16xi32>, vector<16xi32>], vector<16xf32>,
        %parallel_loop3A_252 = arith.constant 64 : i32
        %parallel_loop3A_253 = vector.broadcast %parallel_loop3A_252 : i32 to vector<16xi32>
        %parallel_loop3A_254 = arith.muli %parallel_loop3A_250, %parallel_loop3A_253 : vector<16xi32>
        %parallel_loop3A_255 = arith.addi %parallel_loop3A_254, %parallel_loop3A_191 : vector<16xi32>
        tpu.vector_store_idx %arg9[%parallel_loop3A_255], %parallel_loop3A_251 : memref<8192xf32, #tpu.memory_space<vmem>>[vector<16xi32>], vector<16xf32>,
      } {sc.loop_unroll_factor = 4 : i64, sc.parallel_access}
      %mul3A_83 = arith.constant 128 : i32
      %mul3A_84 = arith.muli %add3A_63, %mul3A_83 : i32
      %mul3A_85 = arith.constant 64 : i32
      %mul3A_86 = arith.muli %mul3A_84, %mul3A_85 : i32
      %dma_start3A_87 = tpu.memref_slice %arg4[%mul3A_86] : memref<64000000xf32, #tpu.memory_space<hbm>> -> memref<8192xf32, #tpu.memory_space<hbm>>
      %dma_start3A_88 = tpu.memref_slice %arg4[%mul3A_86] : memref<64000000xf32, #tpu.memory_space<hbm>> -> memref<8192xf32, #tpu.memory_space<hbm>>
      tpu.enqueue_dma source(%arg9 : memref<8192xf32, #tpu.memory_space<vmem>>) target(%dma_start3A_88 : memref<8192xf32, #tpu.memory_space<hbm>>) target_semaphore(%arg14 : memref<!tpu.dma_semaphore, #tpu.memory_space<semaphore_mem>>)
      %mul3A_89 = arith.constant 4 : i32
      %mul3A_90 = arith.muli %scan3A_57, %mul3A_89 : i32
      %add3A_91 = arith.constant 1 : i32
      %add3A_92 = arith.addi %mul3A_90, %add3A_91 : i32
      %add3A_93 = arith.addi %add3A_4, %add3A_92 : i32
      %add3A_94 = arith.constant 3 : i32
      %add3A_95 = arith.addi %add3A_92, %add3A_94 : i32
      %lt3A_96 = arith.constant 244 : i32
      %lt3A_97 = arith.cmpi slt, %add3A_95, %lt3A_96 : i32
      %convert_element_type3A_98 = arith.extui %lt3A_97 : i1 to i32
      %cond3A_99 = arith.constant 0 : i32
      %cond3A_100 = arith.cmpi ne, %convert_element_type3A_98, %cond3A_99 : i32
      scf.if %cond3A_100 {
        %add3A_186 = arith.constant 3 : i32
        %add3A_187 = arith.addi %add3A_93, %add3A_186 : i32
        %mul3A_188 = arith.constant 128 : i32
        %mul3A_189 = arith.muli %add3A_187, %mul3A_188 : i32
        %multiple_of3A_190 = tpu.assume_multiple %mul3A_189, 128 : i32
        %dma_start3A_191 = arith.constant 0 : i32
        %dma_start3A_192 = tpu.memref_slice %arg2[%dma_start3A_191, %multiple_of3A_190] : memref<64x1000000xf32, #tpu.memory_space<hbm>> -> memref<64x128xf32, #tpu.memory_space<hbm>>
        %dma_start3A_193 = arith.constant 0 : i32
        %dma_start3A_194 = tpu.memref_slice %arg2[%dma_start3A_193, %multiple_of3A_190] : memref<64x1000000xf32, #tpu.memory_space<hbm>> -> memref<64x128xf32, #tpu.memory_space<hbm>>
        tpu.enqueue_dma source(%dma_start3A_194 : memref<64x128xf32, #tpu.memory_space<hbm>>) target(%arg5 : memref<64x128xf32, #tpu.memory_space<vmem>>) target_semaphore(%arg13 : memref<!tpu.dma_semaphore, #tpu.memory_space<semaphore_mem>>)
      } else {
      }
      %dma_wait3A_101 = arith.constant 0 : i32
      %dma_wait3A_102 = arith.constant 0 : i32
      %dma_wait3A_103 = tpu.memref_slice %arg2[%dma_wait3A_101, %dma_wait3A_102] : memref<64x1000000xf32, #tpu.memory_space<hbm>> -> memref<64x128xf32, #tpu.memory_space<hbm>>
      %dma_wait3A_104 = arith.constant 0 : i32
      %dma_wait3A_105 = arith.constant 0 : i32
      %dma_wait3A_106 = tpu.memref_slice %arg2[%dma_wait3A_104, %dma_wait3A_105] : memref<64x1000000xf32, #tpu.memory_space<hbm>> -> memref<64x128xf32, #tpu.memory_space<hbm>>
      tpu.wait_dma2 semaphore(%arg13 : memref<!tpu.dma_semaphore, #tpu.memory_space<semaphore_mem>>) src(%dma_wait3A_106 : memref<64x128xf32, #tpu.memory_space<hbm>>) dst(%arg6 : memref<64x128xf32, #tpu.memory_space<vmem>>)
      %ge3A_107 = arith.constant 4 : i32
      %ge3A_108 = arith.cmpi sge, %add3A_92, %ge3A_107 : i32
      %convert_element_type3A_109 = arith.extui %ge3A_108 : i1 to i32
      %cond3A_110 = arith.constant 0 : i32
      %cond3A_111 = arith.cmpi ne, %convert_element_type3A_109, %cond3A_110 : i32
      scf.if %cond3A_111 {
        %dma_wait3A_186 = arith.constant 0 : i32
        %dma_wait3A_187 = tpu.memref_slice %arg4[%dma_wait3A_186] : memref<64000000xf32, #tpu.memory_space<hbm>> -> memref<8192xf32, #tpu.memory_space<hbm>>
        %dma_wait3A_188 = arith.constant 0 : i32
        %dma_wait3A_189 = tpu.memref_slice %arg4[%dma_wait3A_188] : memref<64000000xf32, #tpu.memory_space<hbm>> -> memref<8192xf32, #tpu.memory_space<hbm>>
        tpu.wait_dma2 semaphore(%arg14 : memref<!tpu.dma_semaphore, #tpu.memory_space<semaphore_mem>>) src(%arg9 : memref<8192xf32, #tpu.memory_space<vmem>>) dst(%dma_wait3A_189 : memref<8192xf32, #tpu.memory_space<hbm>>)
      } else {
      }
      %parallel_loop3A_112 = arith.constant 0 : i32
      %parallel_loop3A_113 = arith.constant 64 : i32
      %parallel_loop3A_114 = arith.constant 1 : i32
      scf.for %parallel_loop3A_186 = %parallel_loop3A_112 to %parallel_loop3A_113 step %parallel_loop3A_114  : i32 {
        %parallel_loop3A_187 = vector.broadcast %parallel_loop3A_186 : i32 to vector<16xi32>
        %parallel_loop3A_188 = arith.addi %iota3A, %parallel_loop3A_187 : vector<16xi32>
        %parallel_loop3A_189 = arith.constant 64 : i32
        %parallel_loop3A_190 = vector.broadcast %parallel_loop3A_189 : i32 to vector<16xi32>
        %parallel_loop3A_191 = arith.remsi %parallel_loop3A_188, %parallel_loop3A_190 : vector<16xi32>
        %parallel_loop3A_192 = arith.constant 0 : i32
        %parallel_loop3A_193 = vector.broadcast %parallel_loop3A_192 : i32 to vector<16xi32>
        %parallel_loop3A_194 = arith.addi %iota3A, %parallel_loop3A_193 : vector<16xi32>
        %parallel_loop3A_195 = tpu.vector_load_idx %arg6[%parallel_loop3A_191, %parallel_loop3A_194] : memref<64x128xf32, #tpu.memory_space<vmem>>[vector<16xi32>, vector<16xi32>], vector<16xf32>,
        %parallel_loop3A_196 = arith.constant 64 : i32
        %parallel_loop3A_197 = vector.broadcast %parallel_loop3A_196 : i32 to vector<16xi32>
        %parallel_loop3A_198 = arith.muli %parallel_loop3A_194, %parallel_loop3A_197 : vector<16xi32>
        %parallel_loop3A_199 = arith.addi %parallel_loop3A_198, %parallel_loop3A_191 : vector<16xi32>
        tpu.vector_store_idx %arg10[%parallel_loop3A_199], %parallel_loop3A_195 : memref<8192xf32, #tpu.memory_space<vmem>>[vector<16xi32>], vector<16xf32>,
        %parallel_loop3A_200 = arith.constant 16 : i32
        %parallel_loop3A_201 = vector.broadcast %parallel_loop3A_200 : i32 to vector<16xi32>
        %parallel_loop3A_202 = arith.addi %iota3A, %parallel_loop3A_201 : vector<16xi32>
        %parallel_loop3A_203 = tpu.vector_load_idx %arg6[%parallel_loop3A_191, %parallel_loop3A_202] : memref<64x128xf32, #tpu.memory_space<vmem>>[vector<16xi32>, vector<16xi32>], vector<16xf32>,
        %parallel_loop3A_204 = arith.constant 64 : i32
        %parallel_loop3A_205 = vector.broadcast %parallel_loop3A_204 : i32 to vector<16xi32>
        %parallel_loop3A_206 = arith.muli %parallel_loop3A_202, %parallel_loop3A_205 : vector<16xi32>
        %parallel_loop3A_207 = arith.addi %parallel_loop3A_206, %parallel_loop3A_191 : vector<16xi32>
        tpu.vector_store_idx %arg10[%parallel_loop3A_207], %parallel_loop3A_203 : memref<8192xf32, #tpu.memory_space<vmem>>[vector<16xi32>], vector<16xf32>,
        %parallel_loop3A_208 = arith.constant 32 : i32
        %parallel_loop3A_209 = vector.broadcast %parallel_loop3A_208 : i32 to vector<16xi32>
        %parallel_loop3A_210 = arith.addi %iota3A, %parallel_loop3A_209 : vector<16xi32>
        %parallel_loop3A_211 = tpu.vector_load_idx %arg6[%parallel_loop3A_191, %parallel_loop3A_210] : memref<64x128xf32, #tpu.memory_space<vmem>>[vector<16xi32>, vector<16xi32>], vector<16xf32>,
        %parallel_loop3A_212 = arith.constant 64 : i32
        %parallel_loop3A_213 = vector.broadcast %parallel_loop3A_212 : i32 to vector<16xi32>
        %parallel_loop3A_214 = arith.muli %parallel_loop3A_210, %parallel_loop3A_213 : vector<16xi32>
        %parallel_loop3A_215 = arith.addi %parallel_loop3A_214, %parallel_loop3A_191 : vector<16xi32>
        tpu.vector_store_idx %arg10[%parallel_loop3A_215], %parallel_loop3A_211 : memref<8192xf32, #tpu.memory_space<vmem>>[vector<16xi32>], vector<16xf32>,
        %parallel_loop3A_216 = arith.constant 48 : i32
        %parallel_loop3A_217 = vector.broadcast %parallel_loop3A_216 : i32 to vector<16xi32>
        %parallel_loop3A_218 = arith.addi %iota3A, %parallel_loop3A_217 : vector<16xi32>
        %parallel_loop3A_219 = tpu.vector_load_idx %arg6[%parallel_loop3A_191, %parallel_loop3A_218] : memref<64x128xf32, #tpu.memory_space<vmem>>[vector<16xi32>, vector<16xi32>], vector<16xf32>,
        %parallel_loop3A_220 = arith.constant 64 : i32
        %parallel_loop3A_221 = vector.broadcast %parallel_loop3A_220 : i32 to vector<16xi32>
        %parallel_loop3A_222 = arith.muli %parallel_loop3A_218, %parallel_loop3A_221 : vector<16xi32>
        %parallel_loop3A_223 = arith.addi %parallel_loop3A_222, %parallel_loop3A_191 : vector<16xi32>
        tpu.vector_store_idx %arg10[%parallel_loop3A_223], %parallel_loop3A_219 : memref<8192xf32, #tpu.memory_space<vmem>>[vector<16xi32>], vector<16xf32>,
        %parallel_loop3A_224 = arith.constant 64 : i32
        %parallel_loop3A_225 = vector.broadcast %parallel_loop3A_224 : i32 to vector<16xi32>
        %parallel_loop3A_226 = arith.addi %iota3A, %parallel_loop3A_225 : vector<16xi32>
        %parallel_loop3A_227 = tpu.vector_load_idx %arg6[%parallel_loop3A_191, %parallel_loop3A_226] : memref<64x128xf32, #tpu.memory_space<vmem>>[vector<16xi32>, vector<16xi32>], vector<16xf32>,
        %parallel_loop3A_228 = arith.constant 64 : i32
        %parallel_loop3A_229 = vector.broadcast %parallel_loop3A_228 : i32 to vector<16xi32>
        %parallel_loop3A_230 = arith.muli %parallel_loop3A_226, %parallel_loop3A_229 : vector<16xi32>
        %parallel_loop3A_231 = arith.addi %parallel_loop3A_230, %parallel_loop3A_191 : vector<16xi32>
        tpu.vector_store_idx %arg10[%parallel_loop3A_231], %parallel_loop3A_227 : memref<8192xf32, #tpu.memory_space<vmem>>[vector<16xi32>], vector<16xf32>,
        %parallel_loop3A_232 = arith.constant 80 : i32
        %parallel_loop3A_233 = vector.broadcast %parallel_loop3A_232 : i32 to vector<16xi32>
        %parallel_loop3A_234 = arith.addi %iota3A, %parallel_loop3A_233 : vector<16xi32>
        %parallel_loop3A_235 = tpu.vector_load_idx %arg6[%parallel_loop3A_191, %parallel_loop3A_234] : memref<64x128xf32, #tpu.memory_space<vmem>>[vector<16xi32>, vector<16xi32>], vector<16xf32>,
        %parallel_loop3A_236 = arith.constant 64 : i32
        %parallel_loop3A_237 = vector.broadcast %parallel_loop3A_236 : i32 to vector<16xi32>
        %parallel_loop3A_238 = arith.muli %parallel_loop3A_234, %parallel_loop3A_237 : vector<16xi32>
        %parallel_loop3A_239 = arith.addi %parallel_loop3A_238, %parallel_loop3A_191 : vector<16xi32>
        tpu.vector_store_idx %arg10[%parallel_loop3A_239], %parallel_loop3A_235 : memref<8192xf32, #tpu.memory_space<vmem>>[vector<16xi32>], vector<16xf32>,
        %parallel_loop3A_240 = arith.constant 96 : i32
        %parallel_loop3A_241 = vector.broadcast %parallel_loop3A_240 : i32 to vector<16xi32>
        %parallel_loop3A_242 = arith.addi %iota3A, %parallel_loop3A_241 : vector<16xi32>
        %parallel_loop3A_243 = tpu.vector_load_idx %arg6[%parallel_loop3A_191, %parallel_loop3A_242] : memref<64x128xf32, #tpu.memory_space<vmem>>[vector<16xi32>, vector<16xi32>], vector<16xf32>,
        %parallel_loop3A_244 = arith.constant 64 : i32
        %parallel_loop3A_245 = vector.broadcast %parallel_loop3A_244 : i32 to vector<16xi32>
        %parallel_loop3A_246 = arith.muli %parallel_loop3A_242, %parallel_loop3A_245 : vector<16xi32>
        %parallel_loop3A_247 = arith.addi %parallel_loop3A_246, %parallel_loop3A_191 : vector<16xi32>
        tpu.vector_store_idx %arg10[%parallel_loop3A_247], %parallel_loop3A_243 : memref<8192xf32, #tpu.memory_space<vmem>>[vector<16xi32>], vector<16xf32>,
        %parallel_loop3A_248 = arith.constant 112 : i32
        %parallel_loop3A_249 = vector.broadcast %parallel_loop3A_248 : i32 to vector<16xi32>
        %parallel_loop3A_250 = arith.addi %iota3A, %parallel_loop3A_249 : vector<16xi32>
        %parallel_loop3A_251 = tpu.vector_load_idx %arg6[%parallel_loop3A_191, %parallel_loop3A_250] : memref<64x128xf32, #tpu.memory_space<vmem>>[vector<16xi32>, vector<16xi32>], vector<16xf32>,
        %parallel_loop3A_252 = arith.constant 64 : i32
        %parallel_loop3A_253 = vector.broadcast %parallel_loop3A_252 : i32 to vector<16xi32>
        %parallel_loop3A_254 = arith.muli %parallel_loop3A_250, %parallel_loop3A_253 : vector<16xi32>
        %parallel_loop3A_255 = arith.addi %parallel_loop3A_254, %parallel_loop3A_191 : vector<16xi32>
        tpu.vector_store_idx %arg10[%parallel_loop3A_255], %parallel_loop3A_251 : memref<8192xf32, #tpu.memory_space<vmem>>[vector<16xi32>], vector<16xf32>,
      } {sc.loop_unroll_factor = 4 : i64, sc.parallel_access}
      %mul3A_115 = arith.constant 128 : i32
      %mul3A_116 = arith.muli %add3A_93, %mul3A_115 : i32
      %mul3A_117 = arith.constant 64 : i32
      %mul3A_118 = arith.muli %mul3A_116, %mul3A_117 : i32
      %dma_start3A_119 = tpu.memref_slice %arg4[%mul3A_118] : memref<64000000xf32, #tpu.memory_space<hbm>> -> memref<8192xf32, #tpu.memory_space<hbm>>
      %dma_start3A_120 = tpu.memref_slice %arg4[%mul3A_118] : memref<64000000xf32, #tpu.memory_space<hbm>> -> memref<8192xf32, #tpu.memory_space<hbm>>
      tpu.enqueue_dma source(%arg10 : memref<8192xf32, #tpu.memory_space<vmem>>) target(%dma_start3A_120 : memref<8192xf32, #tpu.memory_space<hbm>>) target_semaphore(%arg14 : memref<!tpu.dma_semaphore, #tpu.memory_space<semaphore_mem>>)
      %mul3A_121 = arith.constant 4 : i32
      %mul3A_122 = arith.muli %scan3A_57, %mul3A_121 : i32
      %add3A_123 = arith.constant 2 : i32
      %add3A_124 = arith.addi %mul3A_122, %add3A_123 : i32
      %add3A_125 = arith.addi %add3A_4, %add3A_124 : i32
      %add3A_126 = arith.constant 3 : i32
      %add3A_127 = arith.addi %add3A_124, %add3A_126 : i32
      %lt3A_128 = arith.constant 244 : i32
      %lt3A_129 = arith.cmpi slt, %add3A_127, %lt3A_128 : i32
      %convert_element_type3A_130 = arith.extui %lt3A_129 : i1 to i32
      %cond3A_131 = arith.constant 0 : i32
      %cond3A_132 = arith.cmpi ne, %convert_element_type3A_130, %cond3A_131 : i32
      scf.if %cond3A_132 {
        %add3A_186 = arith.constant 3 : i32
        %add3A_187 = arith.addi %add3A_125, %add3A_186 : i32
        %mul3A_188 = arith.constant 128 : i32
        %mul3A_189 = arith.muli %add3A_187, %mul3A_188 : i32
        %multiple_of3A_190 = tpu.assume_multiple %mul3A_189, 128 : i32
        %dma_start3A_191 = arith.constant 0 : i32
        %dma_start3A_192 = tpu.memref_slice %arg2[%dma_start3A_191, %multiple_of3A_190] : memref<64x1000000xf32, #tpu.memory_space<hbm>> -> memref<64x128xf32, #tpu.memory_space<hbm>>
        %dma_start3A_193 = arith.constant 0 : i32
        %dma_start3A_194 = tpu.memref_slice %arg2[%dma_start3A_193, %multiple_of3A_190] : memref<64x1000000xf32, #tpu.memory_space<hbm>> -> memref<64x128xf32, #tpu.memory_space<hbm>>
        tpu.enqueue_dma source(%dma_start3A_194 : memref<64x128xf32, #tpu.memory_space<hbm>>) target(%arg6 : memref<64x128xf32, #tpu.memory_space<vmem>>) target_semaphore(%arg13 : memref<!tpu.dma_semaphore, #tpu.memory_space<semaphore_mem>>)
      } else {
      }
      %dma_wait3A_133 = arith.constant 0 : i32
      %dma_wait3A_134 = arith.constant 0 : i32
      %dma_wait3A_135 = tpu.memref_slice %arg2[%dma_wait3A_133, %dma_wait3A_134] : memref<64x1000000xf32, #tpu.memory_space<hbm>> -> memref<64x128xf32, #tpu.memory_space<hbm>>
      %dma_wait3A_136 = arith.constant 0 : i32
      %dma_wait3A_137 = arith.constant 0 : i32
      %dma_wait3A_138 = tpu.memref_slice %arg2[%dma_wait3A_136, %dma_wait3A_137] : memref<64x1000000xf32, #tpu.memory_space<hbm>> -> memref<64x128xf32, #tpu.memory_space<hbm>>
      tpu.wait_dma2 semaphore(%arg13 : memref<!tpu.dma_semaphore, #tpu.memory_space<semaphore_mem>>) src(%dma_wait3A_138 : memref<64x128xf32, #tpu.memory_space<hbm>>) dst(%arg7 : memref<64x128xf32, #tpu.memory_space<vmem>>)
      %ge3A_139 = arith.constant 4 : i32
      %ge3A_140 = arith.cmpi sge, %add3A_124, %ge3A_139 : i32
      %convert_element_type3A_141 = arith.extui %ge3A_140 : i1 to i32
      %cond3A_142 = arith.constant 0 : i32
      %cond3A_143 = arith.cmpi ne, %convert_element_type3A_141, %cond3A_142 : i32
      scf.if %cond3A_143 {
        %dma_wait3A_186 = arith.constant 0 : i32
        %dma_wait3A_187 = tpu.memref_slice %arg4[%dma_wait3A_186] : memref<64000000xf32, #tpu.memory_space<hbm>> -> memref<8192xf32, #tpu.memory_space<hbm>>
        %dma_wait3A_188 = arith.constant 0 : i32
        %dma_wait3A_189 = tpu.memref_slice %arg4[%dma_wait3A_188] : memref<64000000xf32, #tpu.memory_space<hbm>> -> memref<8192xf32, #tpu.memory_space<hbm>>
        tpu.wait_dma2 semaphore(%arg14 : memref<!tpu.dma_semaphore, #tpu.memory_space<semaphore_mem>>) src(%arg9 : memref<8192xf32, #tpu.memory_space<vmem>>) dst(%dma_wait3A_189 : memref<8192xf32, #tpu.memory_space<hbm>>)
      } else {
      }
      %parallel_loop3A_144 = arith.constant 0 : i32
      %parallel_loop3A_145 = arith.constant 64 : i32
      %parallel_loop3A_146 = arith.constant 1 : i32
      scf.for %parallel_loop3A_186 = %parallel_loop3A_144 to %parallel_loop3A_145 step %parallel_loop3A_146  : i32 {
        %parallel_loop3A_187 = vector.broadcast %parallel_loop3A_186 : i32 to vector<16xi32>
        %parallel_loop3A_188 = arith.addi %iota3A, %parallel_loop3A_187 : vector<16xi32>
        %parallel_loop3A_189 = arith.constant 64 : i32
        %parallel_loop3A_190 = vector.broadcast %parallel_loop3A_189 : i32 to vector<16xi32>
        %parallel_loop3A_191 = arith.remsi %parallel_loop3A_188, %parallel_loop3A_190 : vector<16xi32>
        %parallel_loop3A_192 = arith.constant 0 : i32
        %parallel_loop3A_193 = vector.broadcast %parallel_loop3A_192 : i32 to vector<16xi32>
        %parallel_loop3A_194 = arith.addi %iota3A, %parallel_loop3A_193 : vector<16xi32>
        %parallel_loop3A_195 = tpu.vector_load_idx %arg7[%parallel_loop3A_191, %parallel_loop3A_194] : memref<64x128xf32, #tpu.memory_space<vmem>>[vector<16xi32>, vector<16xi32>], vector<16xf32>,
        %parallel_loop3A_196 = arith.constant 64 : i32
        %parallel_loop3A_197 = vector.broadcast %parallel_loop3A_196 : i32 to vector<16xi32>
        %parallel_loop3A_198 = arith.muli %parallel_loop3A_194, %parallel_loop3A_197 : vector<16xi32>
        %parallel_loop3A_199 = arith.addi %parallel_loop3A_198, %parallel_loop3A_191 : vector<16xi32>
        tpu.vector_store_idx %arg11[%parallel_loop3A_199], %parallel_loop3A_195 : memref<8192xf32, #tpu.memory_space<vmem>>[vector<16xi32>], vector<16xf32>,
        %parallel_loop3A_200 = arith.constant 16 : i32
        %parallel_loop3A_201 = vector.broadcast %parallel_loop3A_200 : i32 to vector<16xi32>
        %parallel_loop3A_202 = arith.addi %iota3A, %parallel_loop3A_201 : vector<16xi32>
        %parallel_loop3A_203 = tpu.vector_load_idx %arg7[%parallel_loop3A_191, %parallel_loop3A_202] : memref<64x128xf32, #tpu.memory_space<vmem>>[vector<16xi32>, vector<16xi32>], vector<16xf32>,
        %parallel_loop3A_204 = arith.constant 64 : i32
        %parallel_loop3A_205 = vector.broadcast %parallel_loop3A_204 : i32 to vector<16xi32>
        %parallel_loop3A_206 = arith.muli %parallel_loop3A_202, %parallel_loop3A_205 : vector<16xi32>
        %parallel_loop3A_207 = arith.addi %parallel_loop3A_206, %parallel_loop3A_191 : vector<16xi32>
        tpu.vector_store_idx %arg11[%parallel_loop3A_207], %parallel_loop3A_203 : memref<8192xf32, #tpu.memory_space<vmem>>[vector<16xi32>], vector<16xf32>,
        %parallel_loop3A_208 = arith.constant 32 : i32
        %parallel_loop3A_209 = vector.broadcast %parallel_loop3A_208 : i32 to vector<16xi32>
        %parallel_loop3A_210 = arith.addi %iota3A, %parallel_loop3A_209 : vector<16xi32>
        %parallel_loop3A_211 = tpu.vector_load_idx %arg7[%parallel_loop3A_191, %parallel_loop3A_210] : memref<64x128xf32, #tpu.memory_space<vmem>>[vector<16xi32>, vector<16xi32>], vector<16xf32>,
        %parallel_loop3A_212 = arith.constant 64 : i32
        %parallel_loop3A_213 = vector.broadcast %parallel_loop3A_212 : i32 to vector<16xi32>
        %parallel_loop3A_214 = arith.muli %parallel_loop3A_210, %parallel_loop3A_213 : vector<16xi32>
        %parallel_loop3A_215 = arith.addi %parallel_loop3A_214, %parallel_loop3A_191 : vector<16xi32>
        tpu.vector_store_idx %arg11[%parallel_loop3A_215], %parallel_loop3A_211 : memref<8192xf32, #tpu.memory_space<vmem>>[vector<16xi32>], vector<16xf32>,
        %parallel_loop3A_216 = arith.constant 48 : i32
        %parallel_loop3A_217 = vector.broadcast %parallel_loop3A_216 : i32 to vector<16xi32>
        %parallel_loop3A_218 = arith.addi %iota3A, %parallel_loop3A_217 : vector<16xi32>
        %parallel_loop3A_219 = tpu.vector_load_idx %arg7[%parallel_loop3A_191, %parallel_loop3A_218] : memref<64x128xf32, #tpu.memory_space<vmem>>[vector<16xi32>, vector<16xi32>], vector<16xf32>,
        %parallel_loop3A_220 = arith.constant 64 : i32
        %parallel_loop3A_221 = vector.broadcast %parallel_loop3A_220 : i32 to vector<16xi32>
        %parallel_loop3A_222 = arith.muli %parallel_loop3A_218, %parallel_loop3A_221 : vector<16xi32>
        %parallel_loop3A_223 = arith.addi %parallel_loop3A_222, %parallel_loop3A_191 : vector<16xi32>
        tpu.vector_store_idx %arg11[%parallel_loop3A_223], %parallel_loop3A_219 : memref<8192xf32, #tpu.memory_space<vmem>>[vector<16xi32>], vector<16xf32>,
        %parallel_loop3A_224 = arith.constant 64 : i32
        %parallel_loop3A_225 = vector.broadcast %parallel_loop3A_224 : i32 to vector<16xi32>
        %parallel_loop3A_226 = arith.addi %iota3A, %parallel_loop3A_225 : vector<16xi32>
        %parallel_loop3A_227 = tpu.vector_load_idx %arg7[%parallel_loop3A_191, %parallel_loop3A_226] : memref<64x128xf32, #tpu.memory_space<vmem>>[vector<16xi32>, vector<16xi32>], vector<16xf32>,
        %parallel_loop3A_228 = arith.constant 64 : i32
        %parallel_loop3A_229 = vector.broadcast %parallel_loop3A_228 : i32 to vector<16xi32>
        %parallel_loop3A_230 = arith.muli %parallel_loop3A_226, %parallel_loop3A_229 : vector<16xi32>
        %parallel_loop3A_231 = arith.addi %parallel_loop3A_230, %parallel_loop3A_191 : vector<16xi32>
        tpu.vector_store_idx %arg11[%parallel_loop3A_231], %parallel_loop3A_227 : memref<8192xf32, #tpu.memory_space<vmem>>[vector<16xi32>], vector<16xf32>,
        %parallel_loop3A_232 = arith.constant 80 : i32
        %parallel_loop3A_233 = vector.broadcast %parallel_loop3A_232 : i32 to vector<16xi32>
        %parallel_loop3A_234 = arith.addi %iota3A, %parallel_loop3A_233 : vector<16xi32>
        %parallel_loop3A_235 = tpu.vector_load_idx %arg7[%parallel_loop3A_191, %parallel_loop3A_234] : memref<64x128xf32, #tpu.memory_space<vmem>>[vector<16xi32>, vector<16xi32>], vector<16xf32>,
        %parallel_loop3A_236 = arith.constant 64 : i32
        %parallel_loop3A_237 = vector.broadcast %parallel_loop3A_236 : i32 to vector<16xi32>
        %parallel_loop3A_238 = arith.muli %parallel_loop3A_234, %parallel_loop3A_237 : vector<16xi32>
        %parallel_loop3A_239 = arith.addi %parallel_loop3A_238, %parallel_loop3A_191 : vector<16xi32>
        tpu.vector_store_idx %arg11[%parallel_loop3A_239], %parallel_loop3A_235 : memref<8192xf32, #tpu.memory_space<vmem>>[vector<16xi32>], vector<16xf32>,
        %parallel_loop3A_240 = arith.constant 96 : i32
        %parallel_loop3A_241 = vector.broadcast %parallel_loop3A_240 : i32 to vector<16xi32>
        %parallel_loop3A_242 = arith.addi %iota3A, %parallel_loop3A_241 : vector<16xi32>
        %parallel_loop3A_243 = tpu.vector_load_idx %arg7[%parallel_loop3A_191, %parallel_loop3A_242] : memref<64x128xf32, #tpu.memory_space<vmem>>[vector<16xi32>, vector<16xi32>], vector<16xf32>,
        %parallel_loop3A_244 = arith.constant 64 : i32
        %parallel_loop3A_245 = vector.broadcast %parallel_loop3A_244 : i32 to vector<16xi32>
        %parallel_loop3A_246 = arith.muli %parallel_loop3A_242, %parallel_loop3A_245 : vector<16xi32>
        %parallel_loop3A_247 = arith.addi %parallel_loop3A_246, %parallel_loop3A_191 : vector<16xi32>
        tpu.vector_store_idx %arg11[%parallel_loop3A_247], %parallel_loop3A_243 : memref<8192xf32, #tpu.memory_space<vmem>>[vector<16xi32>], vector<16xf32>,
        %parallel_loop3A_248 = arith.constant 112 : i32
        %parallel_loop3A_249 = vector.broadcast %parallel_loop3A_248 : i32 to vector<16xi32>
        %parallel_loop3A_250 = arith.addi %iota3A, %parallel_loop3A_249 : vector<16xi32>
        %parallel_loop3A_251 = tpu.vector_load_idx %arg7[%parallel_loop3A_191, %parallel_loop3A_250] : memref<64x128xf32, #tpu.memory_space<vmem>>[vector<16xi32>, vector<16xi32>], vector<16xf32>,
        %parallel_loop3A_252 = arith.constant 64 : i32
        %parallel_loop3A_253 = vector.broadcast %parallel_loop3A_252 : i32 to vector<16xi32>
        %parallel_loop3A_254 = arith.muli %parallel_loop3A_250, %parallel_loop3A_253 : vector<16xi32>
        %parallel_loop3A_255 = arith.addi %parallel_loop3A_254, %parallel_loop3A_191 : vector<16xi32>
        tpu.vector_store_idx %arg11[%parallel_loop3A_255], %parallel_loop3A_251 : memref<8192xf32, #tpu.memory_space<vmem>>[vector<16xi32>], vector<16xf32>,
      } {sc.loop_unroll_factor = 4 : i64, sc.parallel_access}
      %mul3A_147 = arith.constant 128 : i32
      %mul3A_148 = arith.muli %add3A_125, %mul3A_147 : i32
      %mul3A_149 = arith.constant 64 : i32
      %mul3A_150 = arith.muli %mul3A_148, %mul3A_149 : i32
      %dma_start3A_151 = tpu.memref_slice %arg4[%mul3A_150] : memref<64000000xf32, #tpu.memory_space<hbm>> -> memref<8192xf32, #tpu.memory_space<hbm>>
      %dma_start3A_152 = tpu.memref_slice %arg4[%mul3A_150] : memref<64000000xf32, #tpu.memory_space<hbm>> -> memref<8192xf32, #tpu.memory_space<hbm>>
      tpu.enqueue_dma source(%arg11 : memref<8192xf32, #tpu.memory_space<vmem>>) target(%dma_start3A_152 : memref<8192xf32, #tpu.memory_space<hbm>>) target_semaphore(%arg14 : memref<!tpu.dma_semaphore, #tpu.memory_space<semaphore_mem>>)
      %mul3A_153 = arith.constant 4 : i32
      %mul3A_154 = arith.muli %scan3A_57, %mul3A_153 : i32
      %add3A_155 = arith.constant 3 : i32
      %add3A_156 = arith.addi %mul3A_154, %add3A_155 : i32
      %add3A_157 = arith.addi %add3A_4, %add3A_156 : i32
      %add3A_158 = arith.constant 3 : i32
      %add3A_159 = arith.addi %add3A_156, %add3A_158 : i32
      %lt3A_160 = arith.constant 244 : i32
      %lt3A_161 = arith.cmpi slt, %add3A_159, %lt3A_160 : i32
      %convert_element_type3A_162 = arith.extui %lt3A_161 : i1 to i32
      %cond3A_163 = arith.constant 0 : i32
      %cond3A_164 = arith.cmpi ne, %convert_element_type3A_162, %cond3A_163 : i32
      scf.if %cond3A_164 {
        %add3A_186 = arith.constant 3 : i32
        %add3A_187 = arith.addi %add3A_157, %add3A_186 : i32
        %mul3A_188 = arith.constant 128 : i32
        %mul3A_189 = arith.muli %add3A_187, %mul3A_188 : i32
        %multiple_of3A_190 = tpu.assume_multiple %mul3A_189, 128 : i32
        %dma_start3A_191 = arith.constant 0 : i32
        %dma_start3A_192 = tpu.memref_slice %arg2[%dma_start3A_191, %multiple_of3A_190] : memref<64x1000000xf32, #tpu.memory_space<hbm>> -> memref<64x128xf32, #tpu.memory_space<hbm>>
        %dma_start3A_193 = arith.constant 0 : i32
        %dma_start3A_194 = tpu.memref_slice %arg2[%dma_start3A_193, %multiple_of3A_190] : memref<64x1000000xf32, #tpu.memory_space<hbm>> -> memref<64x128xf32, #tpu.memory_space<hbm>>
        tpu.enqueue_dma source(%dma_start3A_194 : memref<64x128xf32, #tpu.memory_space<hbm>>) target(%arg7 : memref<64x128xf32, #tpu.memory_space<vmem>>) target_semaphore(%arg13 : memref<!tpu.dma_semaphore, #tpu.memory_space<semaphore_mem>>)
      } else {
      }
      %dma_wait3A_165 = arith.constant 0 : i32
      %dma_wait3A_166 = arith.constant 0 : i32
      %dma_wait3A_167 = tpu.memref_slice %arg2[%dma_wait3A_165, %dma_wait3A_166] : memref<64x1000000xf32, #tpu.memory_space<hbm>> -> memref<64x128xf32, #tpu.memory_space<hbm>>
      %dma_wait3A_168 = arith.constant 0 : i32
      %dma_wait3A_169 = arith.constant 0 : i32
      %dma_wait3A_170 = tpu.memref_slice %arg2[%dma_wait3A_168, %dma_wait3A_169] : memref<64x1000000xf32, #tpu.memory_space<hbm>> -> memref<64x128xf32, #tpu.memory_space<hbm>>
      tpu.wait_dma2 semaphore(%arg13 : memref<!tpu.dma_semaphore, #tpu.memory_space<semaphore_mem>>) src(%dma_wait3A_170 : memref<64x128xf32, #tpu.memory_space<hbm>>) dst(%arg8 : memref<64x128xf32, #tpu.memory_space<vmem>>)
      %ge3A_171 = arith.constant 4 : i32
      %ge3A_172 = arith.cmpi sge, %add3A_156, %ge3A_171 : i32
      %convert_element_type3A_173 = arith.extui %ge3A_172 : i1 to i32
      %cond3A_174 = arith.constant 0 : i32
      %cond3A_175 = arith.cmpi ne, %convert_element_type3A_173, %cond3A_174 : i32
      scf.if %cond3A_175 {
        %dma_wait3A_186 = arith.constant 0 : i32
        %dma_wait3A_187 = tpu.memref_slice %arg4[%dma_wait3A_186] : memref<64000000xf32, #tpu.memory_space<hbm>> -> memref<8192xf32, #tpu.memory_space<hbm>>
        %dma_wait3A_188 = arith.constant 0 : i32
        %dma_wait3A_189 = tpu.memref_slice %arg4[%dma_wait3A_188] : memref<64000000xf32, #tpu.memory_space<hbm>> -> memref<8192xf32, #tpu.memory_space<hbm>>
        tpu.wait_dma2 semaphore(%arg14 : memref<!tpu.dma_semaphore, #tpu.memory_space<semaphore_mem>>) src(%arg9 : memref<8192xf32, #tpu.memory_space<vmem>>) dst(%dma_wait3A_189 : memref<8192xf32, #tpu.memory_space<hbm>>)
      } else {
      }
      %parallel_loop3A_176 = arith.constant 0 : i32
      %parallel_loop3A_177 = arith.constant 64 : i32
      %parallel_loop3A_178 = arith.constant 1 : i32
      scf.for %parallel_loop3A_186 = %parallel_loop3A_176 to %parallel_loop3A_177 step %parallel_loop3A_178  : i32 {
        %parallel_loop3A_187 = vector.broadcast %parallel_loop3A_186 : i32 to vector<16xi32>
        %parallel_loop3A_188 = arith.addi %iota3A, %parallel_loop3A_187 : vector<16xi32>
        %parallel_loop3A_189 = arith.constant 64 : i32
        %parallel_loop3A_190 = vector.broadcast %parallel_loop3A_189 : i32 to vector<16xi32>
        %parallel_loop3A_191 = arith.remsi %parallel_loop3A_188, %parallel_loop3A_190 : vector<16xi32>
        %parallel_loop3A_192 = arith.constant 0 : i32
        %parallel_loop3A_193 = vector.broadcast %parallel_loop3A_192 : i32 to vector<16xi32>
        %parallel_loop3A_194 = arith.addi %iota3A, %parallel_loop3A_193 : vector<16xi32>
        %parallel_loop3A_195 = tpu.vector_load_idx %arg8[%parallel_loop3A_191, %parallel_loop3A_194] : memref<64x128xf32, #tpu.memory_space<vmem>>[vector<16xi32>, vector<16xi32>], vector<16xf32>,
        %parallel_loop3A_196 = arith.constant 64 : i32
        %parallel_loop3A_197 = vector.broadcast %parallel_loop3A_196 : i32 to vector<16xi32>
        %parallel_loop3A_198 = arith.muli %parallel_loop3A_194, %parallel_loop3A_197 : vector<16xi32>
        %parallel_loop3A_199 = arith.addi %parallel_loop3A_198, %parallel_loop3A_191 : vector<16xi32>
        tpu.vector_store_idx %arg12[%parallel_loop3A_199], %parallel_loop3A_195 : memref<8192xf32, #tpu.memory_space<vmem>>[vector<16xi32>], vector<16xf32>,
        %parallel_loop3A_200 = arith.constant 16 : i32
        %parallel_loop3A_201 = vector.broadcast %parallel_loop3A_200 : i32 to vector<16xi32>
        %parallel_loop3A_202 = arith.addi %iota3A, %parallel_loop3A_201 : vector<16xi32>
        %parallel_loop3A_203 = tpu.vector_load_idx %arg8[%parallel_loop3A_191, %parallel_loop3A_202] : memref<64x128xf32, #tpu.memory_space<vmem>>[vector<16xi32>, vector<16xi32>], vector<16xf32>,
        %parallel_loop3A_204 = arith.constant 64 : i32
        %parallel_loop3A_205 = vector.broadcast %parallel_loop3A_204 : i32 to vector<16xi32>
        %parallel_loop3A_206 = arith.muli %parallel_loop3A_202, %parallel_loop3A_205 : vector<16xi32>
        %parallel_loop3A_207 = arith.addi %parallel_loop3A_206, %parallel_loop3A_191 : vector<16xi32>
        tpu.vector_store_idx %arg12[%parallel_loop3A_207], %parallel_loop3A_203 : memref<8192xf32, #tpu.memory_space<vmem>>[vector<16xi32>], vector<16xf32>,
        %parallel_loop3A_208 = arith.constant 32 : i32
        %parallel_loop3A_209 = vector.broadcast %parallel_loop3A_208 : i32 to vector<16xi32>
        %parallel_loop3A_210 = arith.addi %iota3A, %parallel_loop3A_209 : vector<16xi32>
        %parallel_loop3A_211 = tpu.vector_load_idx %arg8[%parallel_loop3A_191, %parallel_loop3A_210] : memref<64x128xf32, #tpu.memory_space<vmem>>[vector<16xi32>, vector<16xi32>], vector<16xf32>,
        %parallel_loop3A_212 = arith.constant 64 : i32
        %parallel_loop3A_213 = vector.broadcast %parallel_loop3A_212 : i32 to vector<16xi32>
        %parallel_loop3A_214 = arith.muli %parallel_loop3A_210, %parallel_loop3A_213 : vector<16xi32>
        %parallel_loop3A_215 = arith.addi %parallel_loop3A_214, %parallel_loop3A_191 : vector<16xi32>
        tpu.vector_store_idx %arg12[%parallel_loop3A_215], %parallel_loop3A_211 : memref<8192xf32, #tpu.memory_space<vmem>>[vector<16xi32>], vector<16xf32>,
        %parallel_loop3A_216 = arith.constant 48 : i32
        %parallel_loop3A_217 = vector.broadcast %parallel_loop3A_216 : i32 to vector<16xi32>
        %parallel_loop3A_218 = arith.addi %iota3A, %parallel_loop3A_217 : vector<16xi32>
        %parallel_loop3A_219 = tpu.vector_load_idx %arg8[%parallel_loop3A_191, %parallel_loop3A_218] : memref<64x128xf32, #tpu.memory_space<vmem>>[vector<16xi32>, vector<16xi32>], vector<16xf32>,
        %parallel_loop3A_220 = arith.constant 64 : i32
        %parallel_loop3A_221 = vector.broadcast %parallel_loop3A_220 : i32 to vector<16xi32>
        %parallel_loop3A_222 = arith.muli %parallel_loop3A_218, %parallel_loop3A_221 : vector<16xi32>
        %parallel_loop3A_223 = arith.addi %parallel_loop3A_222, %parallel_loop3A_191 : vector<16xi32>
        tpu.vector_store_idx %arg12[%parallel_loop3A_223], %parallel_loop3A_219 : memref<8192xf32, #tpu.memory_space<vmem>>[vector<16xi32>], vector<16xf32>,
        %parallel_loop3A_224 = arith.constant 64 : i32
        %parallel_loop3A_225 = vector.broadcast %parallel_loop3A_224 : i32 to vector<16xi32>
        %parallel_loop3A_226 = arith.addi %iota3A, %parallel_loop3A_225 : vector<16xi32>
        %parallel_loop3A_227 = tpu.vector_load_idx %arg8[%parallel_loop3A_191, %parallel_loop3A_226] : memref<64x128xf32, #tpu.memory_space<vmem>>[vector<16xi32>, vector<16xi32>], vector<16xf32>,
        %parallel_loop3A_228 = arith.constant 64 : i32
        %parallel_loop3A_229 = vector.broadcast %parallel_loop3A_228 : i32 to vector<16xi32>
        %parallel_loop3A_230 = arith.muli %parallel_loop3A_226, %parallel_loop3A_229 : vector<16xi32>
        %parallel_loop3A_231 = arith.addi %parallel_loop3A_230, %parallel_loop3A_191 : vector<16xi32>
        tpu.vector_store_idx %arg12[%parallel_loop3A_231], %parallel_loop3A_227 : memref<8192xf32, #tpu.memory_space<vmem>>[vector<16xi32>], vector<16xf32>,
        %parallel_loop3A_232 = arith.constant 80 : i32
        %parallel_loop3A_233 = vector.broadcast %parallel_loop3A_232 : i32 to vector<16xi32>
        %parallel_loop3A_234 = arith.addi %iota3A, %parallel_loop3A_233 : vector<16xi32>
        %parallel_loop3A_235 = tpu.vector_load_idx %arg8[%parallel_loop3A_191, %parallel_loop3A_234] : memref<64x128xf32, #tpu.memory_space<vmem>>[vector<16xi32>, vector<16xi32>], vector<16xf32>,
        %parallel_loop3A_236 = arith.constant 64 : i32
        %parallel_loop3A_237 = vector.broadcast %parallel_loop3A_236 : i32 to vector<16xi32>
        %parallel_loop3A_238 = arith.muli %parallel_loop3A_234, %parallel_loop3A_237 : vector<16xi32>
        %parallel_loop3A_239 = arith.addi %parallel_loop3A_238, %parallel_loop3A_191 : vector<16xi32>
        tpu.vector_store_idx %arg12[%parallel_loop3A_239], %parallel_loop3A_235 : memref<8192xf32, #tpu.memory_space<vmem>>[vector<16xi32>], vector<16xf32>,
        %parallel_loop3A_240 = arith.constant 96 : i32
        %parallel_loop3A_241 = vector.broadcast %parallel_loop3A_240 : i32 to vector<16xi32>
        %parallel_loop3A_242 = arith.addi %iota3A, %parallel_loop3A_241 : vector<16xi32>
        %parallel_loop3A_243 = tpu.vector_load_idx %arg8[%parallel_loop3A_191, %parallel_loop3A_242] : memref<64x128xf32, #tpu.memory_space<vmem>>[vector<16xi32>, vector<16xi32>], vector<16xf32>,
        %parallel_loop3A_244 = arith.constant 64 : i32
        %parallel_loop3A_245 = vector.broadcast %parallel_loop3A_244 : i32 to vector<16xi32>
        %parallel_loop3A_246 = arith.muli %parallel_loop3A_242, %parallel_loop3A_245 : vector<16xi32>
        %parallel_loop3A_247 = arith.addi %parallel_loop3A_246, %parallel_loop3A_191 : vector<16xi32>
        tpu.vector_store_idx %arg12[%parallel_loop3A_247], %parallel_loop3A_243 : memref<8192xf32, #tpu.memory_space<vmem>>[vector<16xi32>], vector<16xf32>,
        %parallel_loop3A_248 = arith.constant 112 : i32
        %parallel_loop3A_249 = vector.broadcast %parallel_loop3A_248 : i32 to vector<16xi32>
        %parallel_loop3A_250 = arith.addi %iota3A, %parallel_loop3A_249 : vector<16xi32>
        %parallel_loop3A_251 = tpu.vector_load_idx %arg8[%parallel_loop3A_191, %parallel_loop3A_250] : memref<64x128xf32, #tpu.memory_space<vmem>>[vector<16xi32>, vector<16xi32>], vector<16xf32>,
        %parallel_loop3A_252 = arith.constant 64 : i32
        %parallel_loop3A_253 = vector.broadcast %parallel_loop3A_252 : i32 to vector<16xi32>
        %parallel_loop3A_254 = arith.muli %parallel_loop3A_250, %parallel_loop3A_253 : vector<16xi32>
        %parallel_loop3A_255 = arith.addi %parallel_loop3A_254, %parallel_loop3A_191 : vector<16xi32>
        tpu.vector_store_idx %arg12[%parallel_loop3A_255], %parallel_loop3A_251 : memref<8192xf32, #tpu.memory_space<vmem>>[vector<16xi32>], vector<16xf32>,
      } {sc.loop_unroll_factor = 4 : i64, sc.parallel_access}
      %mul3A_179 = arith.constant 128 : i32
      %mul3A_180 = arith.muli %add3A_157, %mul3A_179 : i32
      %mul3A_181 = arith.constant 64 : i32
      %mul3A_182 = arith.muli %mul3A_180, %mul3A_181 : i32
      %dma_start3A_183 = tpu.memref_slice %arg4[%mul3A_182] : memref<64000000xf32, #tpu.memory_space<hbm>> -> memref<8192xf32, #tpu.memory_space<hbm>>
      %dma_start3A_184 = tpu.memref_slice %arg4[%mul3A_182] : memref<64000000xf32, #tpu.memory_space<hbm>> -> memref<8192xf32, #tpu.memory_space<hbm>>
      tpu.enqueue_dma source(%arg12 : memref<8192xf32, #tpu.memory_space<vmem>>) target(%dma_start3A_184 : memref<8192xf32, #tpu.memory_space<hbm>>) target_semaphore(%arg14 : memref<!tpu.dma_semaphore, #tpu.memory_space<semaphore_mem>>)
      %scan3A_185 = arith.constant 0 : i32
      scf.yield %scan3A_185 : i32
    }
    %scan3A_35 = arith.constant 61 : i32
    %dma_wait3A = arith.constant 0 : i32
    %dma_wait3A_36 = tpu.memref_slice %arg4[%dma_wait3A] : memref<64000000xf32, #tpu.memory_space<hbm>> -> memref<8192xf32, #tpu.memory_space<hbm>>
    %dma_wait3A_37 = arith.constant 0 : i32
    %dma_wait3A_38 = tpu.memref_slice %arg4[%dma_wait3A_37] : memref<64000000xf32, #tpu.memory_space<hbm>> -> memref<8192xf32, #tpu.memory_space<hbm>>
    tpu.wait_dma2 semaphore(%arg14 : memref<!tpu.dma_semaphore, #tpu.memory_space<semaphore_mem>>) src(%arg9 : memref<8192xf32, #tpu.memory_space<vmem>>) dst(%dma_wait3A_38 : memref<8192xf32, #tpu.memory_space<hbm>>)
    %dma_wait3A_39 = arith.constant 0 : i32
    %dma_wait3A_40 = tpu.memref_slice %arg4[%dma_wait3A_39] : memref<64000000xf32, #tpu.memory_space<hbm>> -> memref<8192xf32, #tpu.memory_space<hbm>>
    %dma_wait3A_41 = arith.constant 0 : i32
    %dma_wait3A_42 = tpu.memref_slice %arg4[%dma_wait3A_41] : memref<64000000xf32, #tpu.memory_space<hbm>> -> memref<8192xf32, #tpu.memory_space<hbm>>
    tpu.wait_dma2 semaphore(%arg14 : memref<!tpu.dma_semaphore, #tpu.memory_space<semaphore_mem>>) src(%arg9 : memref<8192xf32, #tpu.memory_space<vmem>>) dst(%dma_wait3A_42 : memref<8192xf32, #tpu.memory_space<hbm>>)
    %dma_wait3A_43 = arith.constant 0 : i32
    %dma_wait3A_44 = tpu.memref_slice %arg4[%dma_wait3A_43] : memref<64000000xf32, #tpu.memory_space<hbm>> -> memref<8192xf32, #tpu.memory_space<hbm>>
    %dma_wait3A_45 = arith.constant 0 : i32
    %dma_wait3A_46 = tpu.memref_slice %arg4[%dma_wait3A_45] : memref<64000000xf32, #tpu.memory_space<hbm>> -> memref<8192xf32, #tpu.memory_space<hbm>>
    tpu.wait_dma2 semaphore(%arg14 : memref<!tpu.dma_semaphore, #tpu.memory_space<semaphore_mem>>) src(%arg9 : memref<8192xf32, #tpu.memory_space<vmem>>) dst(%dma_wait3A_46 : memref<8192xf32, #tpu.memory_space<hbm>>)
    %dma_wait3A_47 = arith.constant 0 : i32
    %dma_wait3A_48 = tpu.memref_slice %arg4[%dma_wait3A_47] : memref<64000000xf32, #tpu.memory_space<hbm>> -> memref<8192xf32, #tpu.memory_space<hbm>>
    %dma_wait3A_49 = arith.constant 0 : i32
    %dma_wait3A_50 = tpu.memref_slice %arg4[%dma_wait3A_49] : memref<64000000xf32, #tpu.memory_space<hbm>> -> memref<8192xf32, #tpu.memory_space<hbm>>
    tpu.wait_dma2 semaphore(%arg14 : memref<!tpu.dma_semaphore, #tpu.memory_space<semaphore_mem>>) src(%arg9 : memref<8192xf32, #tpu.memory_space<vmem>>) dst(%dma_wait3A_50 : memref<8192xf32, #tpu.memory_space<hbm>>)
    %lt3A = arith.constant 4 : i32
    %lt3A_51 = arith.cmpi slt, %add3A, %lt3A : i32
    %convert_element_type3A = arith.extui %lt3A_51 : i1 to i32
    %cond3A = arith.constant 0 : i32
    %cond3A_52 = arith.cmpi ne, %convert_element_type3A, %cond3A : i32
    scf.if %cond3A_52 {
      %add3A_57 = arith.constant 244 : i32
      %add3A_58 = arith.addi %add3A_4, %add3A_57 : i32
      %mul3A_59 = arith.constant 128 : i32
      %mul3A_60 = arith.muli %add3A_58, %mul3A_59 : i32
      %multiple_of3A_61 = tpu.assume_multiple %mul3A_60, 128 : i32
      %dma_start3A_62 = arith.constant 0 : i32
      %dma_start3A_63 = tpu.memref_slice %arg2[%dma_start3A_62, %multiple_of3A_61] : memref<64x1000000xf32, #tpu.memory_space<hbm>> -> memref<64x128xf32, #tpu.memory_space<hbm>>
      %dma_start3A_64 = arith.constant 0 : i32
      %dma_start3A_65 = tpu.memref_slice %arg2[%dma_start3A_64, %multiple_of3A_61] : memref<64x1000000xf32, #tpu.memory_space<hbm>> -> memref<64x128xf32, #tpu.memory_space<hbm>>
      tpu.enqueue_dma source(%dma_start3A_65 : memref<64x128xf32, #tpu.memory_space<hbm>>) target(%arg5 : memref<64x128xf32, #tpu.memory_space<vmem>>) target_semaphore(%arg13 : memref<!tpu.dma_semaphore, #tpu.memory_space<semaphore_mem>>)
      %dma_wait3A_66 = arith.constant 0 : i32
      %dma_wait3A_67 = arith.constant 0 : i32
      %dma_wait3A_68 = tpu.memref_slice %arg2[%dma_wait3A_66, %dma_wait3A_67] : memref<64x1000000xf32, #tpu.memory_space<hbm>> -> memref<64x128xf32, #tpu.memory_space<hbm>>
      %dma_wait3A_69 = arith.constant 0 : i32
      %dma_wait3A_70 = arith.constant 0 : i32
      %dma_wait3A_71 = tpu.memref_slice %arg2[%dma_wait3A_69, %dma_wait3A_70] : memref<64x1000000xf32, #tpu.memory_space<hbm>> -> memref<64x128xf32, #tpu.memory_space<hbm>>
      tpu.wait_dma2 semaphore(%arg13 : memref<!tpu.dma_semaphore, #tpu.memory_space<semaphore_mem>>) src(%dma_wait3A_71 : memref<64x128xf32, #tpu.memory_space<hbm>>) dst(%arg5 : memref<64x128xf32, #tpu.memory_space<vmem>>)
      %parallel_loop3A = arith.constant 0 : i32
      %parallel_loop3A_72 = arith.constant 64 : i32
      %parallel_loop3A_73 = arith.constant 1 : i32
      scf.for %parallel_loop3A_84 = %parallel_loop3A to %parallel_loop3A_72 step %parallel_loop3A_73  : i32 {
        %parallel_loop3A_85 = vector.broadcast %parallel_loop3A_84 : i32 to vector<16xi32>
        %parallel_loop3A_86 = arith.addi %iota3A, %parallel_loop3A_85 : vector<16xi32>
        %parallel_loop3A_87 = arith.constant 64 : i32
        %parallel_loop3A_88 = vector.broadcast %parallel_loop3A_87 : i32 to vector<16xi32>
        %parallel_loop3A_89 = arith.remsi %parallel_loop3A_86, %parallel_loop3A_88 : vector<16xi32>
        %parallel_loop3A_90 = arith.constant 0 : i32
        %parallel_loop3A_91 = vector.broadcast %parallel_loop3A_90 : i32 to vector<16xi32>
        %parallel_loop3A_92 = arith.addi %iota3A, %parallel_loop3A_91 : vector<16xi32>
        %parallel_loop3A_93 = tpu.vector_load_idx %arg5[%parallel_loop3A_89, %parallel_loop3A_92] : memref<64x128xf32, #tpu.memory_space<vmem>>[vector<16xi32>, vector<16xi32>], vector<16xf32>,
        %parallel_loop3A_94 = arith.constant 64 : i32
        %parallel_loop3A_95 = vector.broadcast %parallel_loop3A_94 : i32 to vector<16xi32>
        %parallel_loop3A_96 = arith.muli %parallel_loop3A_92, %parallel_loop3A_95 : vector<16xi32>
        %parallel_loop3A_97 = arith.addi %parallel_loop3A_96, %parallel_loop3A_89 : vector<16xi32>
        tpu.vector_store_idx %arg9[%parallel_loop3A_97], %parallel_loop3A_93 : memref<8192xf32, #tpu.memory_space<vmem>>[vector<16xi32>], vector<16xf32>,
        %parallel_loop3A_98 = arith.constant 16 : i32
        %parallel_loop3A_99 = vector.broadcast %parallel_loop3A_98 : i32 to vector<16xi32>
        %parallel_loop3A_100 = arith.addi %iota3A, %parallel_loop3A_99 : vector<16xi32>
        %parallel_loop3A_101 = tpu.vector_load_idx %arg5[%parallel_loop3A_89, %parallel_loop3A_100] : memref<64x128xf32, #tpu.memory_space<vmem>>[vector<16xi32>, vector<16xi32>], vector<16xf32>,
        %parallel_loop3A_102 = arith.constant 64 : i32
        %parallel_loop3A_103 = vector.broadcast %parallel_loop3A_102 : i32 to vector<16xi32>
        %parallel_loop3A_104 = arith.muli %parallel_loop3A_100, %parallel_loop3A_103 : vector<16xi32>
        %parallel_loop3A_105 = arith.addi %parallel_loop3A_104, %parallel_loop3A_89 : vector<16xi32>
        tpu.vector_store_idx %arg9[%parallel_loop3A_105], %parallel_loop3A_101 : memref<8192xf32, #tpu.memory_space<vmem>>[vector<16xi32>], vector<16xf32>,
        %parallel_loop3A_106 = arith.constant 32 : i32
        %parallel_loop3A_107 = vector.broadcast %parallel_loop3A_106 : i32 to vector<16xi32>
        %parallel_loop3A_108 = arith.addi %iota3A, %parallel_loop3A_107 : vector<16xi32>
        %parallel_loop3A_109 = tpu.vector_load_idx %arg5[%parallel_loop3A_89, %parallel_loop3A_108] : memref<64x128xf32, #tpu.memory_space<vmem>>[vector<16xi32>, vector<16xi32>], vector<16xf32>,
        %parallel_loop3A_110 = arith.constant 64 : i32
        %parallel_loop3A_111 = vector.broadcast %parallel_loop3A_110 : i32 to vector<16xi32>
        %parallel_loop3A_112 = arith.muli %parallel_loop3A_108, %parallel_loop3A_111 : vector<16xi32>
        %parallel_loop3A_113 = arith.addi %parallel_loop3A_112, %parallel_loop3A_89 : vector<16xi32>
        tpu.vector_store_idx %arg9[%parallel_loop3A_113], %parallel_loop3A_109 : memref<8192xf32, #tpu.memory_space<vmem>>[vector<16xi32>], vector<16xf32>,
        %parallel_loop3A_114 = arith.constant 48 : i32
        %parallel_loop3A_115 = vector.broadcast %parallel_loop3A_114 : i32 to vector<16xi32>
        %parallel_loop3A_116 = arith.addi %iota3A, %parallel_loop3A_115 : vector<16xi32>
        %parallel_loop3A_117 = tpu.vector_load_idx %arg5[%parallel_loop3A_89, %parallel_loop3A_116] : memref<64x128xf32, #tpu.memory_space<vmem>>[vector<16xi32>, vector<16xi32>], vector<16xf32>,
        %parallel_loop3A_118 = arith.constant 64 : i32
        %parallel_loop3A_119 = vector.broadcast %parallel_loop3A_118 : i32 to vector<16xi32>
        %parallel_loop3A_120 = arith.muli %parallel_loop3A_116, %parallel_loop3A_119 : vector<16xi32>
        %parallel_loop3A_121 = arith.addi %parallel_loop3A_120, %parallel_loop3A_89 : vector<16xi32>
        tpu.vector_store_idx %arg9[%parallel_loop3A_121], %parallel_loop3A_117 : memref<8192xf32, #tpu.memory_space<vmem>>[vector<16xi32>], vector<16xf32>,
        %parallel_loop3A_122 = arith.constant 64 : i32
        %parallel_loop3A_123 = vector.broadcast %parallel_loop3A_122 : i32 to vector<16xi32>
        %parallel_loop3A_124 = arith.addi %iota3A, %parallel_loop3A_123 : vector<16xi32>
        %parallel_loop3A_125 = tpu.vector_load_idx %arg5[%parallel_loop3A_89, %parallel_loop3A_124] : memref<64x128xf32, #tpu.memory_space<vmem>>[vector<16xi32>, vector<16xi32>], vector<16xf32>,
        %parallel_loop3A_126 = arith.constant 64 : i32
        %parallel_loop3A_127 = vector.broadcast %parallel_loop3A_126 : i32 to vector<16xi32>
        %parallel_loop3A_128 = arith.muli %parallel_loop3A_124, %parallel_loop3A_127 : vector<16xi32>
        %parallel_loop3A_129 = arith.addi %parallel_loop3A_128, %parallel_loop3A_89 : vector<16xi32>
        tpu.vector_store_idx %arg9[%parallel_loop3A_129], %parallel_loop3A_125 : memref<8192xf32, #tpu.memory_space<vmem>>[vector<16xi32>], vector<16xf32>,
        %parallel_loop3A_130 = arith.constant 80 : i32
        %parallel_loop3A_131 = vector.broadcast %parallel_loop3A_130 : i32 to vector<16xi32>
        %parallel_loop3A_132 = arith.addi %iota3A, %parallel_loop3A_131 : vector<16xi32>
        %parallel_loop3A_133 = tpu.vector_load_idx %arg5[%parallel_loop3A_89, %parallel_loop3A_132] : memref<64x128xf32, #tpu.memory_space<vmem>>[vector<16xi32>, vector<16xi32>], vector<16xf32>,
        %parallel_loop3A_134 = arith.constant 64 : i32
        %parallel_loop3A_135 = vector.broadcast %parallel_loop3A_134 : i32 to vector<16xi32>
        %parallel_loop3A_136 = arith.muli %parallel_loop3A_132, %parallel_loop3A_135 : vector<16xi32>
        %parallel_loop3A_137 = arith.addi %parallel_loop3A_136, %parallel_loop3A_89 : vector<16xi32>
        tpu.vector_store_idx %arg9[%parallel_loop3A_137], %parallel_loop3A_133 : memref<8192xf32, #tpu.memory_space<vmem>>[vector<16xi32>], vector<16xf32>,
        %parallel_loop3A_138 = arith.constant 96 : i32
        %parallel_loop3A_139 = vector.broadcast %parallel_loop3A_138 : i32 to vector<16xi32>
        %parallel_loop3A_140 = arith.addi %iota3A, %parallel_loop3A_139 : vector<16xi32>
        %parallel_loop3A_141 = tpu.vector_load_idx %arg5[%parallel_loop3A_89, %parallel_loop3A_140] : memref<64x128xf32, #tpu.memory_space<vmem>>[vector<16xi32>, vector<16xi32>], vector<16xf32>,
        %parallel_loop3A_142 = arith.constant 64 : i32
        %parallel_loop3A_143 = vector.broadcast %parallel_loop3A_142 : i32 to vector<16xi32>
        %parallel_loop3A_144 = arith.muli %parallel_loop3A_140, %parallel_loop3A_143 : vector<16xi32>
        %parallel_loop3A_145 = arith.addi %parallel_loop3A_144, %parallel_loop3A_89 : vector<16xi32>
        tpu.vector_store_idx %arg9[%parallel_loop3A_145], %parallel_loop3A_141 : memref<8192xf32, #tpu.memory_space<vmem>>[vector<16xi32>], vector<16xf32>,
        %parallel_loop3A_146 = arith.constant 112 : i32
        %parallel_loop3A_147 = vector.broadcast %parallel_loop3A_146 : i32 to vector<16xi32>
        %parallel_loop3A_148 = arith.addi %iota3A, %parallel_loop3A_147 : vector<16xi32>
        %parallel_loop3A_149 = tpu.vector_load_idx %arg5[%parallel_loop3A_89, %parallel_loop3A_148] : memref<64x128xf32, #tpu.memory_space<vmem>>[vector<16xi32>, vector<16xi32>], vector<16xf32>,
        %parallel_loop3A_150 = arith.constant 64 : i32
        %parallel_loop3A_151 = vector.broadcast %parallel_loop3A_150 : i32 to vector<16xi32>
        %parallel_loop3A_152 = arith.muli %parallel_loop3A_148, %parallel_loop3A_151 : vector<16xi32>
        %parallel_loop3A_153 = arith.addi %parallel_loop3A_152, %parallel_loop3A_89 : vector<16xi32>
        tpu.vector_store_idx %arg9[%parallel_loop3A_153], %parallel_loop3A_149 : memref<8192xf32, #tpu.memory_space<vmem>>[vector<16xi32>], vector<16xf32>,
      } {sc.loop_unroll_factor = 4 : i64, sc.parallel_access}
      %mul3A_74 = arith.constant 128 : i32
      %mul3A_75 = arith.muli %add3A_58, %mul3A_74 : i32
      %mul3A_76 = arith.constant 64 : i32
      %mul3A_77 = arith.muli %mul3A_75, %mul3A_76 : i32
      %dma_start3A_78 = tpu.memref_slice %arg4[%mul3A_77] : memref<64000000xf32, #tpu.memory_space<hbm>> -> memref<8192xf32, #tpu.memory_space<hbm>>
      %dma_start3A_79 = tpu.memref_slice %arg4[%mul3A_77] : memref<64000000xf32, #tpu.memory_space<hbm>> -> memref<8192xf32, #tpu.memory_space<hbm>>
      tpu.enqueue_dma source(%arg9 : memref<8192xf32, #tpu.memory_space<vmem>>) target(%dma_start3A_79 : memref<8192xf32, #tpu.memory_space<hbm>>) target_semaphore(%arg14 : memref<!tpu.dma_semaphore, #tpu.memory_space<semaphore_mem>>)
      %dma_wait3A_80 = arith.constant 0 : i32
      %dma_wait3A_81 = tpu.memref_slice %arg4[%dma_wait3A_80] : memref<64000000xf32, #tpu.memory_space<hbm>> -> memref<8192xf32, #tpu.memory_space<hbm>>
      %dma_wait3A_82 = arith.constant 0 : i32
      %dma_wait3A_83 = tpu.memref_slice %arg4[%dma_wait3A_82] : memref<64000000xf32, #tpu.memory_space<hbm>> -> memref<8192xf32, #tpu.memory_space<hbm>>
      tpu.wait_dma2 semaphore(%arg14 : memref<!tpu.dma_semaphore, #tpu.memory_space<semaphore_mem>>) src(%arg9 : memref<8192xf32, #tpu.memory_space<vmem>>) dst(%dma_wait3A_83 : memref<8192xf32, #tpu.memory_space<hbm>>)
    } else {
    }
    %eq3A = arith.constant 31 : i32
    %eq3A_53 = arith.cmpi eq, %add3A, %eq3A : i32
    %convert_element_type3A_54 = arith.extui %eq3A_53 : i1 to i32
    %cond3A_55 = arith.constant 0 : i32
    %cond3A_56 = arith.cmpi ne, %convert_element_type3A_54, %cond3A_55 : i32
    scf.if %cond3A_56 {
      %dma_start3A_57 = arith.constant 0 : i32
      %dma_start3A_58 = tpu.memref_slice %arg9[%dma_start3A_57] : memref<8192xf32, #tpu.memory_space<vmem>> -> memref<4096xf32, #tpu.memory_space<vmem>>
      %dma_start3A_59 = arith.constant 0 : i32
      %dma_start3A_60 = tpu.memref_slice %arg9[%dma_start3A_59] : memref<8192xf32, #tpu.memory_space<vmem>> -> memref<4096xf32, #tpu.memory_space<vmem>>
      tpu.enqueue_dma source(%arg3 : memref<4096xf32, #tpu.memory_space<hbm>>) target(%dma_start3A_60 : memref<4096xf32, #tpu.memory_space<vmem>>) target_semaphore(%arg13 : memref<!tpu.dma_semaphore, #tpu.memory_space<semaphore_mem>>)
      %dma_wait3A_61 = arith.constant 0 : i32
      %dma_wait3A_62 = tpu.memref_slice %arg9[%dma_wait3A_61] : memref<8192xf32, #tpu.memory_space<vmem>> -> memref<4096xf32, #tpu.memory_space<vmem>>
      %dma_wait3A_63 = arith.constant 0 : i32
      %dma_wait3A_64 = tpu.memref_slice %arg9[%dma_wait3A_63] : memref<8192xf32, #tpu.memory_space<vmem>> -> memref<4096xf32, #tpu.memory_space<vmem>>
      tpu.wait_dma2 semaphore(%arg13 : memref<!tpu.dma_semaphore, #tpu.memory_space<semaphore_mem>>) src(%arg3 : memref<4096xf32, #tpu.memory_space<hbm>>) dst(%dma_wait3A_64 : memref<4096xf32, #tpu.memory_space<vmem>>)
      %dma_start3A_65 = arith.constant 0 : i32
      %dma_start3A_66 = tpu.memref_slice %arg9[%dma_start3A_65] : memref<8192xf32, #tpu.memory_space<vmem>> -> memref<4096xf32, #tpu.memory_space<vmem>>
      %dma_start3A_67 = arith.constant 63995904 : i32
      %dma_start3A_68 = tpu.memref_slice %arg4[%dma_start3A_67] : memref<64000000xf32, #tpu.memory_space<hbm>> -> memref<4096xf32, #tpu.memory_space<hbm>>
      %dma_start3A_69 = arith.constant 63995904 : i32
      %dma_start3A_70 = tpu.memref_slice %arg4[%dma_start3A_69] : memref<64000000xf32, #tpu.memory_space<hbm>> -> memref<4096xf32, #tpu.memory_space<hbm>>
      %dma_start3A_71 = arith.constant 0 : i32
      %dma_start3A_72 = tpu.memref_slice %arg9[%dma_start3A_71] : memref<8192xf32, #tpu.memory_space<vmem>> -> memref<4096xf32, #tpu.memory_space<vmem>>
      tpu.enqueue_dma source(%dma_start3A_72 : memref<4096xf32, #tpu.memory_space<vmem>>) target(%dma_start3A_70 : memref<4096xf32, #tpu.memory_space<hbm>>) target_semaphore(%arg14 : memref<!tpu.dma_semaphore, #tpu.memory_space<semaphore_mem>>)
      %dma_wait3A_73 = arith.constant 0 : i32
      %dma_wait3A_74 = tpu.memref_slice %arg9[%dma_wait3A_73] : memref<8192xf32, #tpu.memory_space<vmem>> -> memref<4096xf32, #tpu.memory_space<vmem>>
      %dma_wait3A_75 = arith.constant 0 : i32
      %dma_wait3A_76 = tpu.memref_slice %arg4[%dma_wait3A_75] : memref<64000000xf32, #tpu.memory_space<hbm>> -> memref<4096xf32, #tpu.memory_space<hbm>>
      %dma_wait3A_77 = arith.constant 0 : i32
      %dma_wait3A_78 = tpu.memref_slice %arg4[%dma_wait3A_77] : memref<64000000xf32, #tpu.memory_space<hbm>> -> memref<4096xf32, #tpu.memory_space<hbm>>
      %dma_wait3A_79 = arith.constant 0 : i32
      %dma_wait3A_80 = tpu.memref_slice %arg9[%dma_wait3A_79] : memref<8192xf32, #tpu.memory_space<vmem>> -> memref<4096xf32, #tpu.memory_space<vmem>>
      tpu.wait_dma2 semaphore(%arg14 : memref<!tpu.dma_semaphore, #tpu.memory_space<semaphore_mem>>) src(%dma_wait3A_80 : memref<4096xf32, #tpu.memory_space<vmem>>) dst(%dma_wait3A_78 : memref<4096xf32, #tpu.memory_space<hbm>>)
    } else {
    }
    return
  }
}

#map = affine_map<(d0, d1) -> (0, 0)>
#map1 = affine_map<(d0, d1) -> (0, 0, 0, 0, 0)>
module attributes {stable_mosaic.version = 14 : i64} {
  func.func @_gather_kernel(%arg0: i32, %arg1: i32, %arg2: memref<26x16384xi32, #tpu.memory_space<hbm>>, %arg3: memref<1000000x64xf32, #tpu.memory_space<hbm>>, %arg4: memref<26x8x128x8x128xf32, #tpu.memory_space<hbm>>, %arg5: memref<26x512xi32, #tpu.memory_space<vmem>>, %arg6: memref<128x64xf32, #tpu.memory_space<vmem>>, %arg7: memref<128x64xf32, #tpu.memory_space<vmem>>, %arg8: memref<128x64xf32, #tpu.memory_space<vmem>>, %arg9: memref<128x64xf32, #tpu.memory_space<vmem>>, %arg10: memref<8x8x128xf32, #tpu.memory_space<vmem>>, %arg11: memref<8x8x128xf32, #tpu.memory_space<vmem>>, %arg12: memref<8x8x128xf32, #tpu.memory_space<vmem>>, %arg13: memref<8x8x128xf32, #tpu.memory_space<vmem>>, %arg14: memref<!tpu.dma_semaphore, #tpu.memory_space<semaphore_mem>>, %arg15: memref<!tpu.dma_semaphore, #tpu.memory_space<semaphore_mem>>, %arg16: memref<!tpu.dma_semaphore, #tpu.memory_space<semaphore_mem>>) attributes {dimension_semantics = [#tpu.dimension_semantics<core_parallel>, #tpu.dimension_semantics<subcore_parallel>], iteration_bounds = array<i64: 2, 16>, scalar_prefetch = 0 : i64, scratch_operands = 12 : i64, tpu.core_type = #tpu.core_type<sc_vector_subcore>, window_params = [{transform_indices = #map}, {transform_indices = #map}, {transform_indices = #map1}]} {
    %mul3A = arith.constant 2 : i32
    %mul3A_0 = arith.muli %arg1, %mul3A : i32
    %add3A = arith.addi %mul3A_0, %arg0 : i32
    %mul3A_1 = arith.constant 512 : i32
    %mul3A_2 = arith.muli %add3A, %mul3A_1 : i32
    %dma_start3A = arith.constant 0 : i32
    %dma_start3A_3 = tpu.memref_slice %arg2[%dma_start3A, %mul3A_2] : memref<26x16384xi32, #tpu.memory_space<hbm>> -> memref<26x512xi32, #tpu.memory_space<hbm>>
    %dma_start3A_4 = arith.constant 0 : i32
    %dma_start3A_5 = tpu.memref_slice %arg2[%dma_start3A_4, %mul3A_2] : memref<26x16384xi32, #tpu.memory_space<hbm>> -> memref<26x512xi32, #tpu.memory_space<hbm>>
    tpu.enqueue_dma source(%dma_start3A_5 : memref<26x512xi32, #tpu.memory_space<hbm>>) target(%arg5 : memref<26x512xi32, #tpu.memory_space<vmem>>) target_semaphore(%arg16 : memref<!tpu.dma_semaphore, #tpu.memory_space<semaphore_mem>>)
    %dma_wait3A = arith.constant 0 : i32
    %dma_wait3A_6 = tpu.memref_slice %arg2[%dma_wait3A, %mul3A_2] : memref<26x16384xi32, #tpu.memory_space<hbm>> -> memref<26x512xi32, #tpu.memory_space<hbm>>
    %dma_wait3A_7 = arith.constant 0 : i32
    %dma_wait3A_8 = tpu.memref_slice %arg2[%dma_wait3A_7, %mul3A_2] : memref<26x16384xi32, #tpu.memory_space<hbm>> -> memref<26x512xi32, #tpu.memory_space<hbm>>
    tpu.wait_dma2 semaphore(%arg16 : memref<!tpu.dma_semaphore, #tpu.memory_space<semaphore_mem>>) src(%dma_wait3A_8 : memref<26x512xi32, #tpu.memory_space<hbm>>) dst(%arg5 : memref<26x512xi32, #tpu.memory_space<vmem>>)
    %iota3A = tpu.iota {dimensions = array<i32: 0>} : vector<16xi32>
    %div3A = arith.constant 0 : i32
    %div3A_9 = arith.constant 4 : i32
    %div3A_10 = arith.divsi %div3A, %div3A_9 : i32
    %rem3A = arith.constant 0 : i32
    %rem3A_11 = arith.constant 4 : i32
    %rem3A_12 = arith.remsi %rem3A, %rem3A_11 : i32
    %mul3A_13 = arith.constant 128 : i32
    %mul3A_14 = arith.muli %rem3A_12, %mul3A_13 : i32
    %dma_start3A_15 = tpu.memref_slice %arg5[%div3A_10, %mul3A_14] : memref<26x512xi32, #tpu.memory_space<vmem>> -> memref<1x128xi32, #tpu.memory_space<vmem>>
    %dma_start3A_16 = tpu.memref_squeeze %dma_start3A_15 : memref<1x128xi32, #tpu.memory_space<vmem>> -> memref<128xi32, #tpu.memory_space<vmem>>
    %dma_start3A_17 = arith.constant 0 : i32
    %dma_start3A_18 = arith.constant 0 : i32
    %dma_start3A_19 = tpu.memref_slice %arg3[%dma_start3A_17, %dma_start3A_18] : memref<1000000x64xf32, #tpu.memory_space<hbm>> -> memref<1000000x64xf32, #tpu.memory_space<hbm>>
    tpu.enqueue_indirect_dma source(%dma_start3A_19 : memref<1000000x64xf32, #tpu.memory_space<hbm>>) target(%arg6 : memref<128x64xf32, #tpu.memory_space<vmem>>) offsets(%dma_start3A_16 : memref<128xi32, #tpu.memory_space<vmem>>) semaphore(%arg14 : memref<!tpu.dma_semaphore, #tpu.memory_space<semaphore_mem>>)
    %div3A_20 = arith.constant 1 : i32
    %div3A_21 = arith.constant 4 : i32
    %div3A_22 = arith.divsi %div3A_20, %div3A_21 : i32
    %rem3A_23 = arith.constant 1 : i32
    %rem3A_24 = arith.constant 4 : i32
    %rem3A_25 = arith.remsi %rem3A_23, %rem3A_24 : i32
    %mul3A_26 = arith.constant 128 : i32
    %mul3A_27 = arith.muli %rem3A_25, %mul3A_26 : i32
    %dma_start3A_28 = tpu.memref_slice %arg5[%div3A_22, %mul3A_27] : memref<26x512xi32, #tpu.memory_space<vmem>> -> memref<1x128xi32, #tpu.memory_space<vmem>>
    %dma_start3A_29 = tpu.memref_squeeze %dma_start3A_28 : memref<1x128xi32, #tpu.memory_space<vmem>> -> memref<128xi32, #tpu.memory_space<vmem>>
    %dma_start3A_30 = arith.constant 0 : i32
    %dma_start3A_31 = arith.constant 0 : i32
    %dma_start3A_32 = tpu.memref_slice %arg3[%dma_start3A_30, %dma_start3A_31] : memref<1000000x64xf32, #tpu.memory_space<hbm>> -> memref<1000000x64xf32, #tpu.memory_space<hbm>>
    tpu.enqueue_indirect_dma source(%dma_start3A_32 : memref<1000000x64xf32, #tpu.memory_space<hbm>>) target(%arg7 : memref<128x64xf32, #tpu.memory_space<vmem>>) offsets(%dma_start3A_29 : memref<128xi32, #tpu.memory_space<vmem>>) semaphore(%arg14 : memref<!tpu.dma_semaphore, #tpu.memory_space<semaphore_mem>>)
    %div3A_33 = arith.constant 2 : i32
    %div3A_34 = arith.constant 4 : i32
    %div3A_35 = arith.divsi %div3A_33, %div3A_34 : i32
    %rem3A_36 = arith.constant 2 : i32
    %rem3A_37 = arith.constant 4 : i32
    %rem3A_38 = arith.remsi %rem3A_36, %rem3A_37 : i32
    %mul3A_39 = arith.constant 128 : i32
    %mul3A_40 = arith.muli %rem3A_38, %mul3A_39 : i32
    %dma_start3A_41 = tpu.memref_slice %arg5[%div3A_35, %mul3A_40] : memref<26x512xi32, #tpu.memory_space<vmem>> -> memref<1x128xi32, #tpu.memory_space<vmem>>
    %dma_start3A_42 = tpu.memref_squeeze %dma_start3A_41 : memref<1x128xi32, #tpu.memory_space<vmem>> -> memref<128xi32, #tpu.memory_space<vmem>>
    %dma_start3A_43 = arith.constant 0 : i32
    %dma_start3A_44 = arith.constant 0 : i32
    %dma_start3A_45 = tpu.memref_slice %arg3[%dma_start3A_43, %dma_start3A_44] : memref<1000000x64xf32, #tpu.memory_space<hbm>> -> memref<1000000x64xf32, #tpu.memory_space<hbm>>
    tpu.enqueue_indirect_dma source(%dma_start3A_45 : memref<1000000x64xf32, #tpu.memory_space<hbm>>) target(%arg8 : memref<128x64xf32, #tpu.memory_space<vmem>>) offsets(%dma_start3A_42 : memref<128xi32, #tpu.memory_space<vmem>>) semaphore(%arg14 : memref<!tpu.dma_semaphore, #tpu.memory_space<semaphore_mem>>)
    %scan3A = arith.constant 0 : i32
    %scan3A_46 = arith.constant 0 : i32
    %scan3A_47 = arith.constant 26 : i32
    %scan3A_48 = arith.addi %scan3A_46, %scan3A_47 : i32
    %scan3A_49 = arith.constant 1 : i32
    %scan3A_50 = scf.for %scan3A_100 = %scan3A_46 to %scan3A_48 step %scan3A_49 iter_args(%scan3A_101 = %scan3A) -> (i32)  : i32 {
      %mul3A_102 = arith.constant 4 : i32
      %mul3A_103 = arith.muli %scan3A_100, %mul3A_102 : i32
      %add3A_104 = arith.constant 0 : i32
      %add3A_105 = arith.addi %mul3A_103, %add3A_104 : i32
      %add3A_106 = arith.constant 3 : i32
      %add3A_107 = arith.addi %add3A_105, %add3A_106 : i32
      %lt3A = arith.constant 104 : i32
      %lt3A_108 = arith.cmpi slt, %add3A_107, %lt3A : i32
      %convert_element_type3A = arith.extui %lt3A_108 : i1 to i32
      %cond3A = arith.constant 0 : i32
      %cond3A_109 = arith.cmpi ne, %convert_element_type3A, %cond3A : i32
      scf.if %cond3A_109 {
        %add3A_270 = arith.constant 3 : i32
        %add3A_271 = arith.addi %add3A_105, %add3A_270 : i32
        %div3A_272 = arith.constant 4 : i32
        %div3A_273 = arith.divsi %add3A_271, %div3A_272 : i32
        %rem3A_274 = arith.constant 4 : i32
        %rem3A_275 = arith.remsi %add3A_271, %rem3A_274 : i32
        %mul3A_276 = arith.constant 128 : i32
        %mul3A_277 = arith.muli %rem3A_275, %mul3A_276 : i32
        %dma_start3A_278 = tpu.memref_slice %arg5[%div3A_273, %mul3A_277] : memref<26x512xi32, #tpu.memory_space<vmem>> -> memref<1x128xi32, #tpu.memory_space<vmem>>
        %dma_start3A_279 = tpu.memref_squeeze %dma_start3A_278 : memref<1x128xi32, #tpu.memory_space<vmem>> -> memref<128xi32, #tpu.memory_space<vmem>>
        %dma_start3A_280 = arith.constant 0 : i32
        %dma_start3A_281 = arith.constant 0 : i32
        %dma_start3A_282 = tpu.memref_slice %arg3[%dma_start3A_280, %dma_start3A_281] : memref<1000000x64xf32, #tpu.memory_space<hbm>> -> memref<1000000x64xf32, #tpu.memory_space<hbm>>
        tpu.enqueue_indirect_dma source(%dma_start3A_282 : memref<1000000x64xf32, #tpu.memory_space<hbm>>) target(%arg9 : memref<128x64xf32, #tpu.memory_space<vmem>>) offsets(%dma_start3A_279 : memref<128xi32, #tpu.memory_space<vmem>>) semaphore(%arg14 : memref<!tpu.dma_semaphore, #tpu.memory_space<semaphore_mem>>)
      } else {
      }
      %dma_wait3A_110 = arith.constant 0 : i32
      %dma_wait3A_111 = arith.constant 0 : i32
      %dma_wait3A_112 = tpu.memref_slice %arg5[%dma_wait3A_110, %dma_wait3A_111] : memref<26x512xi32, #tpu.memory_space<vmem>> -> memref<1x128xi32, #tpu.memory_space<vmem>>
      %dma_wait3A_113 = tpu.memref_squeeze %dma_wait3A_112 : memref<1x128xi32, #tpu.memory_space<vmem>> -> memref<128xi32, #tpu.memory_space<vmem>>
      %dma_wait3A_114 = arith.constant 0 : i32
      %dma_wait3A_115 = arith.constant 0 : i32
      %dma_wait3A_116 = tpu.memref_slice %arg3[%dma_wait3A_114, %dma_wait3A_115] : memref<1000000x64xf32, #tpu.memory_space<hbm>> -> memref<1000000x64xf32, #tpu.memory_space<hbm>>
      tpu.wait_indirect_dma semaphore(%arg14 : memref<!tpu.dma_semaphore, #tpu.memory_space<semaphore_mem>>) src(%dma_wait3A_116 : memref<1000000x64xf32, #tpu.memory_space<hbm>>) dst(%arg6 : memref<128x64xf32, #tpu.memory_space<vmem>>)
      %ge3A = arith.constant 4 : i32
      %ge3A_117 = arith.cmpi sge, %add3A_105, %ge3A : i32
      %convert_element_type3A_118 = arith.extui %ge3A_117 : i1 to i32
      %cond3A_119 = arith.constant 0 : i32
      %cond3A_120 = arith.cmpi ne, %convert_element_type3A_118, %cond3A_119 : i32
      scf.if %cond3A_120 {
        %dma_wait3A_270 = arith.constant 0 : i32
        %dma_wait3A_271 = arith.constant 0 : i32
        %dma_wait3A_272 = arith.constant 0 : i32
        %dma_wait3A_273 = arith.constant 0 : i32
        %dma_wait3A_274 = arith.constant 0 : i32
        %dma_wait3A_275 = tpu.memref_slice %arg4[%dma_wait3A_270, %dma_wait3A_272, %dma_wait3A_271, %dma_wait3A_273, %dma_wait3A_274] : memref<26x8x128x8x128xf32, #tpu.memory_space<hbm>> -> memref<1x8x1x8x128xf32, #tpu.memory_space<hbm>>
        %dma_wait3A_276 = tpu.memref_squeeze %dma_wait3A_275 : memref<1x8x1x8x128xf32, #tpu.memory_space<hbm>> -> memref<8x8x128xf32, #tpu.memory_space<hbm>>
        %dma_wait3A_277 = arith.constant 0 : i32
        %dma_wait3A_278 = arith.constant 0 : i32
        %dma_wait3A_279 = arith.constant 0 : i32
        %dma_wait3A_280 = tpu.memref_slice %arg4[%dma_wait3A_270, %dma_wait3A_277, %dma_wait3A_271, %dma_wait3A_278, %dma_wait3A_279] : memref<26x8x128x8x128xf32, #tpu.memory_space<hbm>> -> memref<1x8x1x8x128xf32, #tpu.memory_space<hbm>>
        %dma_wait3A_281 = tpu.memref_squeeze %dma_wait3A_280 : memref<1x8x1x8x128xf32, #tpu.memory_space<hbm>> -> memref<8x8x128xf32, #tpu.memory_space<hbm>>
        tpu.wait_dma2 semaphore(%arg15 : memref<!tpu.dma_semaphore, #tpu.memory_space<semaphore_mem>>) src(%arg10 : memref<8x8x128xf32, #tpu.memory_space<vmem>>) dst(%dma_wait3A_281 : memref<8x8x128xf32, #tpu.memory_space<hbm>>)
      } else {
      }
      %parallel_loop3A = arith.constant 0 : i32
      %parallel_loop3A_121 = arith.constant 64 : i32
      %parallel_loop3A_122 = arith.constant 1 : i32
      scf.for %parallel_loop3A_270 = %parallel_loop3A to %parallel_loop3A_121 step %parallel_loop3A_122  : i32 {
        %parallel_loop3A_271 = vector.broadcast %parallel_loop3A_270 : i32 to vector<16xi32>
        %parallel_loop3A_272 = arith.addi %iota3A, %parallel_loop3A_271 : vector<16xi32>
        %parallel_loop3A_273 = arith.constant 64 : i32
        %parallel_loop3A_274 = vector.broadcast %parallel_loop3A_273 : i32 to vector<16xi32>
        %parallel_loop3A_275 = arith.remsi %parallel_loop3A_272, %parallel_loop3A_274 : vector<16xi32>
        %parallel_loop3A_276 = arith.constant 0 : i32
        %parallel_loop3A_277 = vector.broadcast %parallel_loop3A_276 : i32 to vector<16xi32>
        %parallel_loop3A_278 = arith.addi %iota3A, %parallel_loop3A_277 : vector<16xi32>
        %parallel_loop3A_279 = tpu.vector_load_idx %arg6[%parallel_loop3A_278, %parallel_loop3A_275] : memref<128x64xf32, #tpu.memory_space<vmem>>[vector<16xi32>, vector<16xi32>], vector<16xf32>,
        %parallel_loop3A_280 = arith.constant 3 : i32
        %parallel_loop3A_281 = vector.broadcast %parallel_loop3A_280 : i32 to vector<16xi32>
        %parallel_loop3A_282 = arith.shrui %parallel_loop3A_275, %parallel_loop3A_281 : vector<16xi32>
        %parallel_loop3A_283 = arith.constant 7 : i32
        %parallel_loop3A_284 = vector.broadcast %parallel_loop3A_283 : i32 to vector<16xi32>
        %parallel_loop3A_285 = arith.andi %parallel_loop3A_275, %parallel_loop3A_284 : vector<16xi32>
        tpu.vector_store_idx %arg10[%parallel_loop3A_282, %parallel_loop3A_285, %parallel_loop3A_278], %parallel_loop3A_279 : memref<8x8x128xf32, #tpu.memory_space<vmem>>[vector<16xi32>, vector<16xi32>, vector<16xi32>], vector<16xf32>,
        %parallel_loop3A_286 = arith.constant 16 : i32
        %parallel_loop3A_287 = vector.broadcast %parallel_loop3A_286 : i32 to vector<16xi32>
        %parallel_loop3A_288 = arith.addi %iota3A, %parallel_loop3A_287 : vector<16xi32>
        %parallel_loop3A_289 = tpu.vector_load_idx %arg6[%parallel_loop3A_288, %parallel_loop3A_275] : memref<128x64xf32, #tpu.memory_space<vmem>>[vector<16xi32>, vector<16xi32>], vector<16xf32>,
        %parallel_loop3A_290 = arith.constant 3 : i32
        %parallel_loop3A_291 = vector.broadcast %parallel_loop3A_290 : i32 to vector<16xi32>
        %parallel_loop3A_292 = arith.shrui %parallel_loop3A_275, %parallel_loop3A_291 : vector<16xi32>
        %parallel_loop3A_293 = arith.constant 7 : i32
        %parallel_loop3A_294 = vector.broadcast %parallel_loop3A_293 : i32 to vector<16xi32>
        %parallel_loop3A_295 = arith.andi %parallel_loop3A_275, %parallel_loop3A_294 : vector<16xi32>
        tpu.vector_store_idx %arg10[%parallel_loop3A_292, %parallel_loop3A_295, %parallel_loop3A_288], %parallel_loop3A_289 : memref<8x8x128xf32, #tpu.memory_space<vmem>>[vector<16xi32>, vector<16xi32>, vector<16xi32>], vector<16xf32>,
        %parallel_loop3A_296 = arith.constant 32 : i32
        %parallel_loop3A_297 = vector.broadcast %parallel_loop3A_296 : i32 to vector<16xi32>
        %parallel_loop3A_298 = arith.addi %iota3A, %parallel_loop3A_297 : vector<16xi32>
        %parallel_loop3A_299 = tpu.vector_load_idx %arg6[%parallel_loop3A_298, %parallel_loop3A_275] : memref<128x64xf32, #tpu.memory_space<vmem>>[vector<16xi32>, vector<16xi32>], vector<16xf32>,
        %parallel_loop3A_300 = arith.constant 3 : i32
        %parallel_loop3A_301 = vector.broadcast %parallel_loop3A_300 : i32 to vector<16xi32>
        %parallel_loop3A_302 = arith.shrui %parallel_loop3A_275, %parallel_loop3A_301 : vector<16xi32>
        %parallel_loop3A_303 = arith.constant 7 : i32
        %parallel_loop3A_304 = vector.broadcast %parallel_loop3A_303 : i32 to vector<16xi32>
        %parallel_loop3A_305 = arith.andi %parallel_loop3A_275, %parallel_loop3A_304 : vector<16xi32>
        tpu.vector_store_idx %arg10[%parallel_loop3A_302, %parallel_loop3A_305, %parallel_loop3A_298], %parallel_loop3A_299 : memref<8x8x128xf32, #tpu.memory_space<vmem>>[vector<16xi32>, vector<16xi32>, vector<16xi32>], vector<16xf32>,
        %parallel_loop3A_306 = arith.constant 48 : i32
        %parallel_loop3A_307 = vector.broadcast %parallel_loop3A_306 : i32 to vector<16xi32>
        %parallel_loop3A_308 = arith.addi %iota3A, %parallel_loop3A_307 : vector<16xi32>
        %parallel_loop3A_309 = tpu.vector_load_idx %arg6[%parallel_loop3A_308, %parallel_loop3A_275] : memref<128x64xf32, #tpu.memory_space<vmem>>[vector<16xi32>, vector<16xi32>], vector<16xf32>,
        %parallel_loop3A_310 = arith.constant 3 : i32
        %parallel_loop3A_311 = vector.broadcast %parallel_loop3A_310 : i32 to vector<16xi32>
        %parallel_loop3A_312 = arith.shrui %parallel_loop3A_275, %parallel_loop3A_311 : vector<16xi32>
        %parallel_loop3A_313 = arith.constant 7 : i32
        %parallel_loop3A_314 = vector.broadcast %parallel_loop3A_313 : i32 to vector<16xi32>
        %parallel_loop3A_315 = arith.andi %parallel_loop3A_275, %parallel_loop3A_314 : vector<16xi32>
        tpu.vector_store_idx %arg10[%parallel_loop3A_312, %parallel_loop3A_315, %parallel_loop3A_308], %parallel_loop3A_309 : memref<8x8x128xf32, #tpu.memory_space<vmem>>[vector<16xi32>, vector<16xi32>, vector<16xi32>], vector<16xf32>,
        %parallel_loop3A_316 = arith.constant 64 : i32
        %parallel_loop3A_317 = vector.broadcast %parallel_loop3A_316 : i32 to vector<16xi32>
        %parallel_loop3A_318 = arith.addi %iota3A, %parallel_loop3A_317 : vector<16xi32>
        %parallel_loop3A_319 = tpu.vector_load_idx %arg6[%parallel_loop3A_318, %parallel_loop3A_275] : memref<128x64xf32, #tpu.memory_space<vmem>>[vector<16xi32>, vector<16xi32>], vector<16xf32>,
        %parallel_loop3A_320 = arith.constant 3 : i32
        %parallel_loop3A_321 = vector.broadcast %parallel_loop3A_320 : i32 to vector<16xi32>
        %parallel_loop3A_322 = arith.shrui %parallel_loop3A_275, %parallel_loop3A_321 : vector<16xi32>
        %parallel_loop3A_323 = arith.constant 7 : i32
        %parallel_loop3A_324 = vector.broadcast %parallel_loop3A_323 : i32 to vector<16xi32>
        %parallel_loop3A_325 = arith.andi %parallel_loop3A_275, %parallel_loop3A_324 : vector<16xi32>
        tpu.vector_store_idx %arg10[%parallel_loop3A_322, %parallel_loop3A_325, %parallel_loop3A_318], %parallel_loop3A_319 : memref<8x8x128xf32, #tpu.memory_space<vmem>>[vector<16xi32>, vector<16xi32>, vector<16xi32>], vector<16xf32>,
        %parallel_loop3A_326 = arith.constant 80 : i32
        %parallel_loop3A_327 = vector.broadcast %parallel_loop3A_326 : i32 to vector<16xi32>
        %parallel_loop3A_328 = arith.addi %iota3A, %parallel_loop3A_327 : vector<16xi32>
        %parallel_loop3A_329 = tpu.vector_load_idx %arg6[%parallel_loop3A_328, %parallel_loop3A_275] : memref<128x64xf32, #tpu.memory_space<vmem>>[vector<16xi32>, vector<16xi32>], vector<16xf32>,
        %parallel_loop3A_330 = arith.constant 3 : i32
        %parallel_loop3A_331 = vector.broadcast %parallel_loop3A_330 : i32 to vector<16xi32>
        %parallel_loop3A_332 = arith.shrui %parallel_loop3A_275, %parallel_loop3A_331 : vector<16xi32>
        %parallel_loop3A_333 = arith.constant 7 : i32
        %parallel_loop3A_334 = vector.broadcast %parallel_loop3A_333 : i32 to vector<16xi32>
        %parallel_loop3A_335 = arith.andi %parallel_loop3A_275, %parallel_loop3A_334 : vector<16xi32>
        tpu.vector_store_idx %arg10[%parallel_loop3A_332, %parallel_loop3A_335, %parallel_loop3A_328], %parallel_loop3A_329 : memref<8x8x128xf32, #tpu.memory_space<vmem>>[vector<16xi32>, vector<16xi32>, vector<16xi32>], vector<16xf32>,
        %parallel_loop3A_336 = arith.constant 96 : i32
        %parallel_loop3A_337 = vector.broadcast %parallel_loop3A_336 : i32 to vector<16xi32>
        %parallel_loop3A_338 = arith.addi %iota3A, %parallel_loop3A_337 : vector<16xi32>
        %parallel_loop3A_339 = tpu.vector_load_idx %arg6[%parallel_loop3A_338, %parallel_loop3A_275] : memref<128x64xf32, #tpu.memory_space<vmem>>[vector<16xi32>, vector<16xi32>], vector<16xf32>,
        %parallel_loop3A_340 = arith.constant 3 : i32
        %parallel_loop3A_341 = vector.broadcast %parallel_loop3A_340 : i32 to vector<16xi32>
        %parallel_loop3A_342 = arith.shrui %parallel_loop3A_275, %parallel_loop3A_341 : vector<16xi32>
        %parallel_loop3A_343 = arith.constant 7 : i32
        %parallel_loop3A_344 = vector.broadcast %parallel_loop3A_343 : i32 to vector<16xi32>
        %parallel_loop3A_345 = arith.andi %parallel_loop3A_275, %parallel_loop3A_344 : vector<16xi32>
        tpu.vector_store_idx %arg10[%parallel_loop3A_342, %parallel_loop3A_345, %parallel_loop3A_338], %parallel_loop3A_339 : memref<8x8x128xf32, #tpu.memory_space<vmem>>[vector<16xi32>, vector<16xi32>, vector<16xi32>], vector<16xf32>,
        %parallel_loop3A_346 = arith.constant 112 : i32
        %parallel_loop3A_347 = vector.broadcast %parallel_loop3A_346 : i32 to vector<16xi32>
        %parallel_loop3A_348 = arith.addi %iota3A, %parallel_loop3A_347 : vector<16xi32>
        %parallel_loop3A_349 = tpu.vector_load_idx %arg6[%parallel_loop3A_348, %parallel_loop3A_275] : memref<128x64xf32, #tpu.memory_space<vmem>>[vector<16xi32>, vector<16xi32>], vector<16xf32>,
        %parallel_loop3A_350 = arith.constant 3 : i32
        %parallel_loop3A_351 = vector.broadcast %parallel_loop3A_350 : i32 to vector<16xi32>
        %parallel_loop3A_352 = arith.shrui %parallel_loop3A_275, %parallel_loop3A_351 : vector<16xi32>
        %parallel_loop3A_353 = arith.constant 7 : i32
        %parallel_loop3A_354 = vector.broadcast %parallel_loop3A_353 : i32 to vector<16xi32>
        %parallel_loop3A_355 = arith.andi %parallel_loop3A_275, %parallel_loop3A_354 : vector<16xi32>
        tpu.vector_store_idx %arg10[%parallel_loop3A_352, %parallel_loop3A_355, %parallel_loop3A_348], %parallel_loop3A_349 : memref<8x8x128xf32, #tpu.memory_space<vmem>>[vector<16xi32>, vector<16xi32>, vector<16xi32>], vector<16xf32>,
      } {sc.loop_unroll_factor = 4 : i64, sc.parallel_access}
      %div3A_123 = arith.constant 4 : i32
      %div3A_124 = arith.divsi %add3A_105, %div3A_123 : i32
      %rem3A_125 = arith.constant 4 : i32
      %rem3A_126 = arith.remsi %add3A_105, %rem3A_125 : i32
      %mul3A_127 = arith.constant 4 : i32
      %mul3A_128 = arith.muli %add3A, %mul3A_127 : i32
      %add3A_129 = arith.addi %mul3A_128, %rem3A_126 : i32
      %dma_start3A_130 = arith.constant 0 : i32
      %dma_start3A_131 = arith.constant 0 : i32
      %dma_start3A_132 = arith.constant 0 : i32
      %dma_start3A_133 = tpu.memref_slice %arg4[%div3A_124, %dma_start3A_130, %add3A_129, %dma_start3A_131, %dma_start3A_132] : memref<26x8x128x8x128xf32, #tpu.memory_space<hbm>> -> memref<1x8x1x8x128xf32, #tpu.memory_space<hbm>>
      %dma_start3A_134 = tpu.memref_squeeze %dma_start3A_133 : memref<1x8x1x8x128xf32, #tpu.memory_space<hbm>> -> memref<8x8x128xf32, #tpu.memory_space<hbm>>
      %dma_start3A_135 = arith.constant 0 : i32
      %dma_start3A_136 = arith.constant 0 : i32
      %dma_start3A_137 = arith.constant 0 : i32
      %dma_start3A_138 = tpu.memref_slice %arg4[%div3A_124, %dma_start3A_135, %add3A_129, %dma_start3A_136, %dma_start3A_137] : memref<26x8x128x8x128xf32, #tpu.memory_space<hbm>> -> memref<1x8x1x8x128xf32, #tpu.memory_space<hbm>>
      %dma_start3A_139 = tpu.memref_squeeze %dma_start3A_138 : memref<1x8x1x8x128xf32, #tpu.memory_space<hbm>> -> memref<8x8x128xf32, #tpu.memory_space<hbm>>
      tpu.enqueue_dma source(%arg10 : memref<8x8x128xf32, #tpu.memory_space<vmem>>) target(%dma_start3A_139 : memref<8x8x128xf32, #tpu.memory_space<hbm>>) target_semaphore(%arg15 : memref<!tpu.dma_semaphore, #tpu.memory_space<semaphore_mem>>)
      %mul3A_140 = arith.constant 4 : i32
      %mul3A_141 = arith.muli %scan3A_100, %mul3A_140 : i32
      %add3A_142 = arith.constant 1 : i32
      %add3A_143 = arith.addi %mul3A_141, %add3A_142 : i32
      %add3A_144 = arith.constant 3 : i32
      %add3A_145 = arith.addi %add3A_143, %add3A_144 : i32
      %lt3A_146 = arith.constant 104 : i32
      %lt3A_147 = arith.cmpi slt, %add3A_145, %lt3A_146 : i32
      %convert_element_type3A_148 = arith.extui %lt3A_147 : i1 to i32
      %cond3A_149 = arith.constant 0 : i32
      %cond3A_150 = arith.cmpi ne, %convert_element_type3A_148, %cond3A_149 : i32
      scf.if %cond3A_150 {
        %add3A_270 = arith.constant 3 : i32
        %add3A_271 = arith.addi %add3A_143, %add3A_270 : i32
        %div3A_272 = arith.constant 4 : i32
        %div3A_273 = arith.divsi %add3A_271, %div3A_272 : i32
        %rem3A_274 = arith.constant 4 : i32
        %rem3A_275 = arith.remsi %add3A_271, %rem3A_274 : i32
        %mul3A_276 = arith.constant 128 : i32
        %mul3A_277 = arith.muli %rem3A_275, %mul3A_276 : i32
        %dma_start3A_278 = tpu.memref_slice %arg5[%div3A_273, %mul3A_277] : memref<26x512xi32, #tpu.memory_space<vmem>> -> memref<1x128xi32, #tpu.memory_space<vmem>>
        %dma_start3A_279 = tpu.memref_squeeze %dma_start3A_278 : memref<1x128xi32, #tpu.memory_space<vmem>> -> memref<128xi32, #tpu.memory_space<vmem>>
        %dma_start3A_280 = arith.constant 0 : i32
        %dma_start3A_281 = arith.constant 0 : i32
        %dma_start3A_282 = tpu.memref_slice %arg3[%dma_start3A_280, %dma_start3A_281] : memref<1000000x64xf32, #tpu.memory_space<hbm>> -> memref<1000000x64xf32, #tpu.memory_space<hbm>>
        tpu.enqueue_indirect_dma source(%dma_start3A_282 : memref<1000000x64xf32, #tpu.memory_space<hbm>>) target(%arg6 : memref<128x64xf32, #tpu.memory_space<vmem>>) offsets(%dma_start3A_279 : memref<128xi32, #tpu.memory_space<vmem>>) semaphore(%arg14 : memref<!tpu.dma_semaphore, #tpu.memory_space<semaphore_mem>>)
      } else {
      }
      %dma_wait3A_151 = arith.constant 0 : i32
      %dma_wait3A_152 = arith.constant 0 : i32
      %dma_wait3A_153 = tpu.memref_slice %arg5[%dma_wait3A_151, %dma_wait3A_152] : memref<26x512xi32, #tpu.memory_space<vmem>> -> memref<1x128xi32, #tpu.memory_space<vmem>>
      %dma_wait3A_154 = tpu.memref_squeeze %dma_wait3A_153 : memref<1x128xi32, #tpu.memory_space<vmem>> -> memref<128xi32, #tpu.memory_space<vmem>>
      %dma_wait3A_155 = arith.constant 0 : i32
      %dma_wait3A_156 = arith.constant 0 : i32
      %dma_wait3A_157 = tpu.memref_slice %arg3[%dma_wait3A_155, %dma_wait3A_156] : memref<1000000x64xf32, #tpu.memory_space<hbm>> -> memref<1000000x64xf32, #tpu.memory_space<hbm>>
      tpu.wait_indirect_dma semaphore(%arg14 : memref<!tpu.dma_semaphore, #tpu.memory_space<semaphore_mem>>) src(%dma_wait3A_157 : memref<1000000x64xf32, #tpu.memory_space<hbm>>) dst(%arg7 : memref<128x64xf32, #tpu.memory_space<vmem>>)
      %ge3A_158 = arith.constant 4 : i32
      %ge3A_159 = arith.cmpi sge, %add3A_143, %ge3A_158 : i32
      %convert_element_type3A_160 = arith.extui %ge3A_159 : i1 to i32
      %cond3A_161 = arith.constant 0 : i32
      %cond3A_162 = arith.cmpi ne, %convert_element_type3A_160, %cond3A_161 : i32
      scf.if %cond3A_162 {
        %dma_wait3A_270 = arith.constant 0 : i32
        %dma_wait3A_271 = arith.constant 0 : i32
        %dma_wait3A_272 = arith.constant 0 : i32
        %dma_wait3A_273 = arith.constant 0 : i32
        %dma_wait3A_274 = arith.constant 0 : i32
        %dma_wait3A_275 = tpu.memref_slice %arg4[%dma_wait3A_270, %dma_wait3A_272, %dma_wait3A_271, %dma_wait3A_273, %dma_wait3A_274] : memref<26x8x128x8x128xf32, #tpu.memory_space<hbm>> -> memref<1x8x1x8x128xf32, #tpu.memory_space<hbm>>
        %dma_wait3A_276 = tpu.memref_squeeze %dma_wait3A_275 : memref<1x8x1x8x128xf32, #tpu.memory_space<hbm>> -> memref<8x8x128xf32, #tpu.memory_space<hbm>>
        %dma_wait3A_277 = arith.constant 0 : i32
        %dma_wait3A_278 = arith.constant 0 : i32
        %dma_wait3A_279 = arith.constant 0 : i32
        %dma_wait3A_280 = tpu.memref_slice %arg4[%dma_wait3A_270, %dma_wait3A_277, %dma_wait3A_271, %dma_wait3A_278, %dma_wait3A_279] : memref<26x8x128x8x128xf32, #tpu.memory_space<hbm>> -> memref<1x8x1x8x128xf32, #tpu.memory_space<hbm>>
        %dma_wait3A_281 = tpu.memref_squeeze %dma_wait3A_280 : memref<1x8x1x8x128xf32, #tpu.memory_space<hbm>> -> memref<8x8x128xf32, #tpu.memory_space<hbm>>
        tpu.wait_dma2 semaphore(%arg15 : memref<!tpu.dma_semaphore, #tpu.memory_space<semaphore_mem>>) src(%arg11 : memref<8x8x128xf32, #tpu.memory_space<vmem>>) dst(%dma_wait3A_281 : memref<8x8x128xf32, #tpu.memory_space<hbm>>)
      } else {
      }
      %parallel_loop3A_163 = arith.constant 0 : i32
      %parallel_loop3A_164 = arith.constant 64 : i32
      %parallel_loop3A_165 = arith.constant 1 : i32
      scf.for %parallel_loop3A_270 = %parallel_loop3A_163 to %parallel_loop3A_164 step %parallel_loop3A_165  : i32 {
        %parallel_loop3A_271 = vector.broadcast %parallel_loop3A_270 : i32 to vector<16xi32>
        %parallel_loop3A_272 = arith.addi %iota3A, %parallel_loop3A_271 : vector<16xi32>
        %parallel_loop3A_273 = arith.constant 64 : i32
        %parallel_loop3A_274 = vector.broadcast %parallel_loop3A_273 : i32 to vector<16xi32>
        %parallel_loop3A_275 = arith.remsi %parallel_loop3A_272, %parallel_loop3A_274 : vector<16xi32>
        %parallel_loop3A_276 = arith.constant 0 : i32
        %parallel_loop3A_277 = vector.broadcast %parallel_loop3A_276 : i32 to vector<16xi32>
        %parallel_loop3A_278 = arith.addi %iota3A, %parallel_loop3A_277 : vector<16xi32>
        %parallel_loop3A_279 = tpu.vector_load_idx %arg7[%parallel_loop3A_278, %parallel_loop3A_275] : memref<128x64xf32, #tpu.memory_space<vmem>>[vector<16xi32>, vector<16xi32>], vector<16xf32>,
        %parallel_loop3A_280 = arith.constant 3 : i32
        %parallel_loop3A_281 = vector.broadcast %parallel_loop3A_280 : i32 to vector<16xi32>
        %parallel_loop3A_282 = arith.shrui %parallel_loop3A_275, %parallel_loop3A_281 : vector<16xi32>
        %parallel_loop3A_283 = arith.constant 7 : i32
        %parallel_loop3A_284 = vector.broadcast %parallel_loop3A_283 : i32 to vector<16xi32>
        %parallel_loop3A_285 = arith.andi %parallel_loop3A_275, %parallel_loop3A_284 : vector<16xi32>
        tpu.vector_store_idx %arg11[%parallel_loop3A_282, %parallel_loop3A_285, %parallel_loop3A_278], %parallel_loop3A_279 : memref<8x8x128xf32, #tpu.memory_space<vmem>>[vector<16xi32>, vector<16xi32>, vector<16xi32>], vector<16xf32>,
        %parallel_loop3A_286 = arith.constant 16 : i32
        %parallel_loop3A_287 = vector.broadcast %parallel_loop3A_286 : i32 to vector<16xi32>
        %parallel_loop3A_288 = arith.addi %iota3A, %parallel_loop3A_287 : vector<16xi32>
        %parallel_loop3A_289 = tpu.vector_load_idx %arg7[%parallel_loop3A_288, %parallel_loop3A_275] : memref<128x64xf32, #tpu.memory_space<vmem>>[vector<16xi32>, vector<16xi32>], vector<16xf32>,
        %parallel_loop3A_290 = arith.constant 3 : i32
        %parallel_loop3A_291 = vector.broadcast %parallel_loop3A_290 : i32 to vector<16xi32>
        %parallel_loop3A_292 = arith.shrui %parallel_loop3A_275, %parallel_loop3A_291 : vector<16xi32>
        %parallel_loop3A_293 = arith.constant 7 : i32
        %parallel_loop3A_294 = vector.broadcast %parallel_loop3A_293 : i32 to vector<16xi32>
        %parallel_loop3A_295 = arith.andi %parallel_loop3A_275, %parallel_loop3A_294 : vector<16xi32>
        tpu.vector_store_idx %arg11[%parallel_loop3A_292, %parallel_loop3A_295, %parallel_loop3A_288], %parallel_loop3A_289 : memref<8x8x128xf32, #tpu.memory_space<vmem>>[vector<16xi32>, vector<16xi32>, vector<16xi32>], vector<16xf32>,
        %parallel_loop3A_296 = arith.constant 32 : i32
        %parallel_loop3A_297 = vector.broadcast %parallel_loop3A_296 : i32 to vector<16xi32>
        %parallel_loop3A_298 = arith.addi %iota3A, %parallel_loop3A_297 : vector<16xi32>
        %parallel_loop3A_299 = tpu.vector_load_idx %arg7[%parallel_loop3A_298, %parallel_loop3A_275] : memref<128x64xf32, #tpu.memory_space<vmem>>[vector<16xi32>, vector<16xi32>], vector<16xf32>,
        %parallel_loop3A_300 = arith.constant 3 : i32
        %parallel_loop3A_301 = vector.broadcast %parallel_loop3A_300 : i32 to vector<16xi32>
        %parallel_loop3A_302 = arith.shrui %parallel_loop3A_275, %parallel_loop3A_301 : vector<16xi32>
        %parallel_loop3A_303 = arith.constant 7 : i32
        %parallel_loop3A_304 = vector.broadcast %parallel_loop3A_303 : i32 to vector<16xi32>
        %parallel_loop3A_305 = arith.andi %parallel_loop3A_275, %parallel_loop3A_304 : vector<16xi32>
        tpu.vector_store_idx %arg11[%parallel_loop3A_302, %parallel_loop3A_305, %parallel_loop3A_298], %parallel_loop3A_299 : memref<8x8x128xf32, #tpu.memory_space<vmem>>[vector<16xi32>, vector<16xi32>, vector<16xi32>], vector<16xf32>,
        %parallel_loop3A_306 = arith.constant 48 : i32
        %parallel_loop3A_307 = vector.broadcast %parallel_loop3A_306 : i32 to vector<16xi32>
        %parallel_loop3A_308 = arith.addi %iota3A, %parallel_loop3A_307 : vector<16xi32>
        %parallel_loop3A_309 = tpu.vector_load_idx %arg7[%parallel_loop3A_308, %parallel_loop3A_275] : memref<128x64xf32, #tpu.memory_space<vmem>>[vector<16xi32>, vector<16xi32>], vector<16xf32>,
        %parallel_loop3A_310 = arith.constant 3 : i32
        %parallel_loop3A_311 = vector.broadcast %parallel_loop3A_310 : i32 to vector<16xi32>
        %parallel_loop3A_312 = arith.shrui %parallel_loop3A_275, %parallel_loop3A_311 : vector<16xi32>
        %parallel_loop3A_313 = arith.constant 7 : i32
        %parallel_loop3A_314 = vector.broadcast %parallel_loop3A_313 : i32 to vector<16xi32>
        %parallel_loop3A_315 = arith.andi %parallel_loop3A_275, %parallel_loop3A_314 : vector<16xi32>
        tpu.vector_store_idx %arg11[%parallel_loop3A_312, %parallel_loop3A_315, %parallel_loop3A_308], %parallel_loop3A_309 : memref<8x8x128xf32, #tpu.memory_space<vmem>>[vector<16xi32>, vector<16xi32>, vector<16xi32>], vector<16xf32>,
        %parallel_loop3A_316 = arith.constant 64 : i32
        %parallel_loop3A_317 = vector.broadcast %parallel_loop3A_316 : i32 to vector<16xi32>
        %parallel_loop3A_318 = arith.addi %iota3A, %parallel_loop3A_317 : vector<16xi32>
        %parallel_loop3A_319 = tpu.vector_load_idx %arg7[%parallel_loop3A_318, %parallel_loop3A_275] : memref<128x64xf32, #tpu.memory_space<vmem>>[vector<16xi32>, vector<16xi32>], vector<16xf32>,
        %parallel_loop3A_320 = arith.constant 3 : i32
        %parallel_loop3A_321 = vector.broadcast %parallel_loop3A_320 : i32 to vector<16xi32>
        %parallel_loop3A_322 = arith.shrui %parallel_loop3A_275, %parallel_loop3A_321 : vector<16xi32>
        %parallel_loop3A_323 = arith.constant 7 : i32
        %parallel_loop3A_324 = vector.broadcast %parallel_loop3A_323 : i32 to vector<16xi32>
        %parallel_loop3A_325 = arith.andi %parallel_loop3A_275, %parallel_loop3A_324 : vector<16xi32>
        tpu.vector_store_idx %arg11[%parallel_loop3A_322, %parallel_loop3A_325, %parallel_loop3A_318], %parallel_loop3A_319 : memref<8x8x128xf32, #tpu.memory_space<vmem>>[vector<16xi32>, vector<16xi32>, vector<16xi32>], vector<16xf32>,
        %parallel_loop3A_326 = arith.constant 80 : i32
        %parallel_loop3A_327 = vector.broadcast %parallel_loop3A_326 : i32 to vector<16xi32>
        %parallel_loop3A_328 = arith.addi %iota3A, %parallel_loop3A_327 : vector<16xi32>
        %parallel_loop3A_329 = tpu.vector_load_idx %arg7[%parallel_loop3A_328, %parallel_loop3A_275] : memref<128x64xf32, #tpu.memory_space<vmem>>[vector<16xi32>, vector<16xi32>], vector<16xf32>,
        %parallel_loop3A_330 = arith.constant 3 : i32
        %parallel_loop3A_331 = vector.broadcast %parallel_loop3A_330 : i32 to vector<16xi32>
        %parallel_loop3A_332 = arith.shrui %parallel_loop3A_275, %parallel_loop3A_331 : vector<16xi32>
        %parallel_loop3A_333 = arith.constant 7 : i32
        %parallel_loop3A_334 = vector.broadcast %parallel_loop3A_333 : i32 to vector<16xi32>
        %parallel_loop3A_335 = arith.andi %parallel_loop3A_275, %parallel_loop3A_334 : vector<16xi32>
        tpu.vector_store_idx %arg11[%parallel_loop3A_332, %parallel_loop3A_335, %parallel_loop3A_328], %parallel_loop3A_329 : memref<8x8x128xf32, #tpu.memory_space<vmem>>[vector<16xi32>, vector<16xi32>, vector<16xi32>], vector<16xf32>,
        %parallel_loop3A_336 = arith.constant 96 : i32
        %parallel_loop3A_337 = vector.broadcast %parallel_loop3A_336 : i32 to vector<16xi32>
        %parallel_loop3A_338 = arith.addi %iota3A, %parallel_loop3A_337 : vector<16xi32>
        %parallel_loop3A_339 = tpu.vector_load_idx %arg7[%parallel_loop3A_338, %parallel_loop3A_275] : memref<128x64xf32, #tpu.memory_space<vmem>>[vector<16xi32>, vector<16xi32>], vector<16xf32>,
        %parallel_loop3A_340 = arith.constant 3 : i32
        %parallel_loop3A_341 = vector.broadcast %parallel_loop3A_340 : i32 to vector<16xi32>
        %parallel_loop3A_342 = arith.shrui %parallel_loop3A_275, %parallel_loop3A_341 : vector<16xi32>
        %parallel_loop3A_343 = arith.constant 7 : i32
        %parallel_loop3A_344 = vector.broadcast %parallel_loop3A_343 : i32 to vector<16xi32>
        %parallel_loop3A_345 = arith.andi %parallel_loop3A_275, %parallel_loop3A_344 : vector<16xi32>
        tpu.vector_store_idx %arg11[%parallel_loop3A_342, %parallel_loop3A_345, %parallel_loop3A_338], %parallel_loop3A_339 : memref<8x8x128xf32, #tpu.memory_space<vmem>>[vector<16xi32>, vector<16xi32>, vector<16xi32>], vector<16xf32>,
        %parallel_loop3A_346 = arith.constant 112 : i32
        %parallel_loop3A_347 = vector.broadcast %parallel_loop3A_346 : i32 to vector<16xi32>
        %parallel_loop3A_348 = arith.addi %iota3A, %parallel_loop3A_347 : vector<16xi32>
        %parallel_loop3A_349 = tpu.vector_load_idx %arg7[%parallel_loop3A_348, %parallel_loop3A_275] : memref<128x64xf32, #tpu.memory_space<vmem>>[vector<16xi32>, vector<16xi32>], vector<16xf32>,
        %parallel_loop3A_350 = arith.constant 3 : i32
        %parallel_loop3A_351 = vector.broadcast %parallel_loop3A_350 : i32 to vector<16xi32>
        %parallel_loop3A_352 = arith.shrui %parallel_loop3A_275, %parallel_loop3A_351 : vector<16xi32>
        %parallel_loop3A_353 = arith.constant 7 : i32
        %parallel_loop3A_354 = vector.broadcast %parallel_loop3A_353 : i32 to vector<16xi32>
        %parallel_loop3A_355 = arith.andi %parallel_loop3A_275, %parallel_loop3A_354 : vector<16xi32>
        tpu.vector_store_idx %arg11[%parallel_loop3A_352, %parallel_loop3A_355, %parallel_loop3A_348], %parallel_loop3A_349 : memref<8x8x128xf32, #tpu.memory_space<vmem>>[vector<16xi32>, vector<16xi32>, vector<16xi32>], vector<16xf32>,
      } {sc.loop_unroll_factor = 4 : i64, sc.parallel_access}
      %div3A_166 = arith.constant 4 : i32
      %div3A_167 = arith.divsi %add3A_143, %div3A_166 : i32
      %rem3A_168 = arith.constant 4 : i32
      %rem3A_169 = arith.remsi %add3A_143, %rem3A_168 : i32
      %mul3A_170 = arith.constant 4 : i32
      %mul3A_171 = arith.muli %add3A, %mul3A_170 : i32
      %add3A_172 = arith.addi %mul3A_171, %rem3A_169 : i32
      %dma_start3A_173 = arith.constant 0 : i32
      %dma_start3A_174 = arith.constant 0 : i32
      %dma_start3A_175 = arith.constant 0 : i32
      %dma_start3A_176 = tpu.memref_slice %arg4[%div3A_167, %dma_start3A_173, %add3A_172, %dma_start3A_174, %dma_start3A_175] : memref<26x8x128x8x128xf32, #tpu.memory_space<hbm>> -> memref<1x8x1x8x128xf32, #tpu.memory_space<hbm>>
      %dma_start3A_177 = tpu.memref_squeeze %dma_start3A_176 : memref<1x8x1x8x128xf32, #tpu.memory_space<hbm>> -> memref<8x8x128xf32, #tpu.memory_space<hbm>>
      %dma_start3A_178 = arith.constant 0 : i32
      %dma_start3A_179 = arith.constant 0 : i32
      %dma_start3A_180 = arith.constant 0 : i32
      %dma_start3A_181 = tpu.memref_slice %arg4[%div3A_167, %dma_start3A_178, %add3A_172, %dma_start3A_179, %dma_start3A_180] : memref<26x8x128x8x128xf32, #tpu.memory_space<hbm>> -> memref<1x8x1x8x128xf32, #tpu.memory_space<hbm>>
      %dma_start3A_182 = tpu.memref_squeeze %dma_start3A_181 : memref<1x8x1x8x128xf32, #tpu.memory_space<hbm>> -> memref<8x8x128xf32, #tpu.memory_space<hbm>>
      tpu.enqueue_dma source(%arg11 : memref<8x8x128xf32, #tpu.memory_space<vmem>>) target(%dma_start3A_182 : memref<8x8x128xf32, #tpu.memory_space<hbm>>) target_semaphore(%arg15 : memref<!tpu.dma_semaphore, #tpu.memory_space<semaphore_mem>>)
      %mul3A_183 = arith.constant 4 : i32
      %mul3A_184 = arith.muli %scan3A_100, %mul3A_183 : i32
      %add3A_185 = arith.constant 2 : i32
      %add3A_186 = arith.addi %mul3A_184, %add3A_185 : i32
      %add3A_187 = arith.constant 3 : i32
      %add3A_188 = arith.addi %add3A_186, %add3A_187 : i32
      %lt3A_189 = arith.constant 104 : i32
      %lt3A_190 = arith.cmpi slt, %add3A_188, %lt3A_189 : i32
      %convert_element_type3A_191 = arith.extui %lt3A_190 : i1 to i32
      %cond3A_192 = arith.constant 0 : i32
      %cond3A_193 = arith.cmpi ne, %convert_element_type3A_191, %cond3A_192 : i32
      scf.if %cond3A_193 {
        %add3A_270 = arith.constant 3 : i32
        %add3A_271 = arith.addi %add3A_186, %add3A_270 : i32
        %div3A_272 = arith.constant 4 : i32
        %div3A_273 = arith.divsi %add3A_271, %div3A_272 : i32
        %rem3A_274 = arith.constant 4 : i32
        %rem3A_275 = arith.remsi %add3A_271, %rem3A_274 : i32
        %mul3A_276 = arith.constant 128 : i32
        %mul3A_277 = arith.muli %rem3A_275, %mul3A_276 : i32
        %dma_start3A_278 = tpu.memref_slice %arg5[%div3A_273, %mul3A_277] : memref<26x512xi32, #tpu.memory_space<vmem>> -> memref<1x128xi32, #tpu.memory_space<vmem>>
        %dma_start3A_279 = tpu.memref_squeeze %dma_start3A_278 : memref<1x128xi32, #tpu.memory_space<vmem>> -> memref<128xi32, #tpu.memory_space<vmem>>
        %dma_start3A_280 = arith.constant 0 : i32
        %dma_start3A_281 = arith.constant 0 : i32
        %dma_start3A_282 = tpu.memref_slice %arg3[%dma_start3A_280, %dma_start3A_281] : memref<1000000x64xf32, #tpu.memory_space<hbm>> -> memref<1000000x64xf32, #tpu.memory_space<hbm>>
        tpu.enqueue_indirect_dma source(%dma_start3A_282 : memref<1000000x64xf32, #tpu.memory_space<hbm>>) target(%arg7 : memref<128x64xf32, #tpu.memory_space<vmem>>) offsets(%dma_start3A_279 : memref<128xi32, #tpu.memory_space<vmem>>) semaphore(%arg14 : memref<!tpu.dma_semaphore, #tpu.memory_space<semaphore_mem>>)
      } else {
      }
      %dma_wait3A_194 = arith.constant 0 : i32
      %dma_wait3A_195 = arith.constant 0 : i32
      %dma_wait3A_196 = tpu.memref_slice %arg5[%dma_wait3A_194, %dma_wait3A_195] : memref<26x512xi32, #tpu.memory_space<vmem>> -> memref<1x128xi32, #tpu.memory_space<vmem>>
      %dma_wait3A_197 = tpu.memref_squeeze %dma_wait3A_196 : memref<1x128xi32, #tpu.memory_space<vmem>> -> memref<128xi32, #tpu.memory_space<vmem>>
      %dma_wait3A_198 = arith.constant 0 : i32
      %dma_wait3A_199 = arith.constant 0 : i32
      %dma_wait3A_200 = tpu.memref_slice %arg3[%dma_wait3A_198, %dma_wait3A_199] : memref<1000000x64xf32, #tpu.memory_space<hbm>> -> memref<1000000x64xf32, #tpu.memory_space<hbm>>
      tpu.wait_indirect_dma semaphore(%arg14 : memref<!tpu.dma_semaphore, #tpu.memory_space<semaphore_mem>>) src(%dma_wait3A_200 : memref<1000000x64xf32, #tpu.memory_space<hbm>>) dst(%arg8 : memref<128x64xf32, #tpu.memory_space<vmem>>)
      %ge3A_201 = arith.constant 4 : i32
      %ge3A_202 = arith.cmpi sge, %add3A_186, %ge3A_201 : i32
      %convert_element_type3A_203 = arith.extui %ge3A_202 : i1 to i32
      %cond3A_204 = arith.constant 0 : i32
      %cond3A_205 = arith.cmpi ne, %convert_element_type3A_203, %cond3A_204 : i32
      scf.if %cond3A_205 {
        %dma_wait3A_270 = arith.constant 0 : i32
        %dma_wait3A_271 = arith.constant 0 : i32
        %dma_wait3A_272 = arith.constant 0 : i32
        %dma_wait3A_273 = arith.constant 0 : i32
        %dma_wait3A_274 = arith.constant 0 : i32
        %dma_wait3A_275 = tpu.memref_slice %arg4[%dma_wait3A_270, %dma_wait3A_272, %dma_wait3A_271, %dma_wait3A_273, %dma_wait3A_274] : memref<26x8x128x8x128xf32, #tpu.memory_space<hbm>> -> memref<1x8x1x8x128xf32, #tpu.memory_space<hbm>>
        %dma_wait3A_276 = tpu.memref_squeeze %dma_wait3A_275 : memref<1x8x1x8x128xf32, #tpu.memory_space<hbm>> -> memref<8x8x128xf32, #tpu.memory_space<hbm>>
        %dma_wait3A_277 = arith.constant 0 : i32
        %dma_wait3A_278 = arith.constant 0 : i32
        %dma_wait3A_279 = arith.constant 0 : i32
        %dma_wait3A_280 = tpu.memref_slice %arg4[%dma_wait3A_270, %dma_wait3A_277, %dma_wait3A_271, %dma_wait3A_278, %dma_wait3A_279] : memref<26x8x128x8x128xf32, #tpu.memory_space<hbm>> -> memref<1x8x1x8x128xf32, #tpu.memory_space<hbm>>
        %dma_wait3A_281 = tpu.memref_squeeze %dma_wait3A_280 : memref<1x8x1x8x128xf32, #tpu.memory_space<hbm>> -> memref<8x8x128xf32, #tpu.memory_space<hbm>>
        tpu.wait_dma2 semaphore(%arg15 : memref<!tpu.dma_semaphore, #tpu.memory_space<semaphore_mem>>) src(%arg12 : memref<8x8x128xf32, #tpu.memory_space<vmem>>) dst(%dma_wait3A_281 : memref<8x8x128xf32, #tpu.memory_space<hbm>>)
      } else {
      }
      %parallel_loop3A_206 = arith.constant 0 : i32
      %parallel_loop3A_207 = arith.constant 64 : i32
      %parallel_loop3A_208 = arith.constant 1 : i32
      scf.for %parallel_loop3A_270 = %parallel_loop3A_206 to %parallel_loop3A_207 step %parallel_loop3A_208  : i32 {
        %parallel_loop3A_271 = vector.broadcast %parallel_loop3A_270 : i32 to vector<16xi32>
        %parallel_loop3A_272 = arith.addi %iota3A, %parallel_loop3A_271 : vector<16xi32>
        %parallel_loop3A_273 = arith.constant 64 : i32
        %parallel_loop3A_274 = vector.broadcast %parallel_loop3A_273 : i32 to vector<16xi32>
        %parallel_loop3A_275 = arith.remsi %parallel_loop3A_272, %parallel_loop3A_274 : vector<16xi32>
        %parallel_loop3A_276 = arith.constant 0 : i32
        %parallel_loop3A_277 = vector.broadcast %parallel_loop3A_276 : i32 to vector<16xi32>
        %parallel_loop3A_278 = arith.addi %iota3A, %parallel_loop3A_277 : vector<16xi32>
        %parallel_loop3A_279 = tpu.vector_load_idx %arg8[%parallel_loop3A_278, %parallel_loop3A_275] : memref<128x64xf32, #tpu.memory_space<vmem>>[vector<16xi32>, vector<16xi32>], vector<16xf32>,
        %parallel_loop3A_280 = arith.constant 3 : i32
        %parallel_loop3A_281 = vector.broadcast %parallel_loop3A_280 : i32 to vector<16xi32>
        %parallel_loop3A_282 = arith.shrui %parallel_loop3A_275, %parallel_loop3A_281 : vector<16xi32>
        %parallel_loop3A_283 = arith.constant 7 : i32
        %parallel_loop3A_284 = vector.broadcast %parallel_loop3A_283 : i32 to vector<16xi32>
        %parallel_loop3A_285 = arith.andi %parallel_loop3A_275, %parallel_loop3A_284 : vector<16xi32>
        tpu.vector_store_idx %arg12[%parallel_loop3A_282, %parallel_loop3A_285, %parallel_loop3A_278], %parallel_loop3A_279 : memref<8x8x128xf32, #tpu.memory_space<vmem>>[vector<16xi32>, vector<16xi32>, vector<16xi32>], vector<16xf32>,
        %parallel_loop3A_286 = arith.constant 16 : i32
        %parallel_loop3A_287 = vector.broadcast %parallel_loop3A_286 : i32 to vector<16xi32>
        %parallel_loop3A_288 = arith.addi %iota3A, %parallel_loop3A_287 : vector<16xi32>
        %parallel_loop3A_289 = tpu.vector_load_idx %arg8[%parallel_loop3A_288, %parallel_loop3A_275] : memref<128x64xf32, #tpu.memory_space<vmem>>[vector<16xi32>, vector<16xi32>], vector<16xf32>,
        %parallel_loop3A_290 = arith.constant 3 : i32
        %parallel_loop3A_291 = vector.broadcast %parallel_loop3A_290 : i32 to vector<16xi32>
        %parallel_loop3A_292 = arith.shrui %parallel_loop3A_275, %parallel_loop3A_291 : vector<16xi32>
        %parallel_loop3A_293 = arith.constant 7 : i32
        %parallel_loop3A_294 = vector.broadcast %parallel_loop3A_293 : i32 to vector<16xi32>
        %parallel_loop3A_295 = arith.andi %parallel_loop3A_275, %parallel_loop3A_294 : vector<16xi32>
        tpu.vector_store_idx %arg12[%parallel_loop3A_292, %parallel_loop3A_295, %parallel_loop3A_288], %parallel_loop3A_289 : memref<8x8x128xf32, #tpu.memory_space<vmem>>[vector<16xi32>, vector<16xi32>, vector<16xi32>], vector<16xf32>,
        %parallel_loop3A_296 = arith.constant 32 : i32
        %parallel_loop3A_297 = vector.broadcast %parallel_loop3A_296 : i32 to vector<16xi32>
        %parallel_loop3A_298 = arith.addi %iota3A, %parallel_loop3A_297 : vector<16xi32>
        %parallel_loop3A_299 = tpu.vector_load_idx %arg8[%parallel_loop3A_298, %parallel_loop3A_275] : memref<128x64xf32, #tpu.memory_space<vmem>>[vector<16xi32>, vector<16xi32>], vector<16xf32>,
        %parallel_loop3A_300 = arith.constant 3 : i32
        %parallel_loop3A_301 = vector.broadcast %parallel_loop3A_300 : i32 to vector<16xi32>
        %parallel_loop3A_302 = arith.shrui %parallel_loop3A_275, %parallel_loop3A_301 : vector<16xi32>
        %parallel_loop3A_303 = arith.constant 7 : i32
        %parallel_loop3A_304 = vector.broadcast %parallel_loop3A_303 : i32 to vector<16xi32>
        %parallel_loop3A_305 = arith.andi %parallel_loop3A_275, %parallel_loop3A_304 : vector<16xi32>
        tpu.vector_store_idx %arg12[%parallel_loop3A_302, %parallel_loop3A_305, %parallel_loop3A_298], %parallel_loop3A_299 : memref<8x8x128xf32, #tpu.memory_space<vmem>>[vector<16xi32>, vector<16xi32>, vector<16xi32>], vector<16xf32>,
        %parallel_loop3A_306 = arith.constant 48 : i32
        %parallel_loop3A_307 = vector.broadcast %parallel_loop3A_306 : i32 to vector<16xi32>
        %parallel_loop3A_308 = arith.addi %iota3A, %parallel_loop3A_307 : vector<16xi32>
        %parallel_loop3A_309 = tpu.vector_load_idx %arg8[%parallel_loop3A_308, %parallel_loop3A_275] : memref<128x64xf32, #tpu.memory_space<vmem>>[vector<16xi32>, vector<16xi32>], vector<16xf32>,
        %parallel_loop3A_310 = arith.constant 3 : i32
        %parallel_loop3A_311 = vector.broadcast %parallel_loop3A_310 : i32 to vector<16xi32>
        %parallel_loop3A_312 = arith.shrui %parallel_loop3A_275, %parallel_loop3A_311 : vector<16xi32>
        %parallel_loop3A_313 = arith.constant 7 : i32
        %parallel_loop3A_314 = vector.broadcast %parallel_loop3A_313 : i32 to vector<16xi32>
        %parallel_loop3A_315 = arith.andi %parallel_loop3A_275, %parallel_loop3A_314 : vector<16xi32>
        tpu.vector_store_idx %arg12[%parallel_loop3A_312, %parallel_loop3A_315, %parallel_loop3A_308], %parallel_loop3A_309 : memref<8x8x128xf32, #tpu.memory_space<vmem>>[vector<16xi32>, vector<16xi32>, vector<16xi32>], vector<16xf32>,
        %parallel_loop3A_316 = arith.constant 64 : i32
        %parallel_loop3A_317 = vector.broadcast %parallel_loop3A_316 : i32 to vector<16xi32>
        %parallel_loop3A_318 = arith.addi %iota3A, %parallel_loop3A_317 : vector<16xi32>
        %parallel_loop3A_319 = tpu.vector_load_idx %arg8[%parallel_loop3A_318, %parallel_loop3A_275] : memref<128x64xf32, #tpu.memory_space<vmem>>[vector<16xi32>, vector<16xi32>], vector<16xf32>,
        %parallel_loop3A_320 = arith.constant 3 : i32
        %parallel_loop3A_321 = vector.broadcast %parallel_loop3A_320 : i32 to vector<16xi32>
        %parallel_loop3A_322 = arith.shrui %parallel_loop3A_275, %parallel_loop3A_321 : vector<16xi32>
        %parallel_loop3A_323 = arith.constant 7 : i32
        %parallel_loop3A_324 = vector.broadcast %parallel_loop3A_323 : i32 to vector<16xi32>
        %parallel_loop3A_325 = arith.andi %parallel_loop3A_275, %parallel_loop3A_324 : vector<16xi32>
        tpu.vector_store_idx %arg12[%parallel_loop3A_322, %parallel_loop3A_325, %parallel_loop3A_318], %parallel_loop3A_319 : memref<8x8x128xf32, #tpu.memory_space<vmem>>[vector<16xi32>, vector<16xi32>, vector<16xi32>], vector<16xf32>,
        %parallel_loop3A_326 = arith.constant 80 : i32
        %parallel_loop3A_327 = vector.broadcast %parallel_loop3A_326 : i32 to vector<16xi32>
        %parallel_loop3A_328 = arith.addi %iota3A, %parallel_loop3A_327 : vector<16xi32>
        %parallel_loop3A_329 = tpu.vector_load_idx %arg8[%parallel_loop3A_328, %parallel_loop3A_275] : memref<128x64xf32, #tpu.memory_space<vmem>>[vector<16xi32>, vector<16xi32>], vector<16xf32>,
        %parallel_loop3A_330 = arith.constant 3 : i32
        %parallel_loop3A_331 = vector.broadcast %parallel_loop3A_330 : i32 to vector<16xi32>
        %parallel_loop3A_332 = arith.shrui %parallel_loop3A_275, %parallel_loop3A_331 : vector<16xi32>
        %parallel_loop3A_333 = arith.constant 7 : i32
        %parallel_loop3A_334 = vector.broadcast %parallel_loop3A_333 : i32 to vector<16xi32>
        %parallel_loop3A_335 = arith.andi %parallel_loop3A_275, %parallel_loop3A_334 : vector<16xi32>
        tpu.vector_store_idx %arg12[%parallel_loop3A_332, %parallel_loop3A_335, %parallel_loop3A_328], %parallel_loop3A_329 : memref<8x8x128xf32, #tpu.memory_space<vmem>>[vector<16xi32>, vector<16xi32>, vector<16xi32>], vector<16xf32>,
        %parallel_loop3A_336 = arith.constant 96 : i32
        %parallel_loop3A_337 = vector.broadcast %parallel_loop3A_336 : i32 to vector<16xi32>
        %parallel_loop3A_338 = arith.addi %iota3A, %parallel_loop3A_337 : vector<16xi32>
        %parallel_loop3A_339 = tpu.vector_load_idx %arg8[%parallel_loop3A_338, %parallel_loop3A_275] : memref<128x64xf32, #tpu.memory_space<vmem>>[vector<16xi32>, vector<16xi32>], vector<16xf32>,
        %parallel_loop3A_340 = arith.constant 3 : i32
        %parallel_loop3A_341 = vector.broadcast %parallel_loop3A_340 : i32 to vector<16xi32>
        %parallel_loop3A_342 = arith.shrui %parallel_loop3A_275, %parallel_loop3A_341 : vector<16xi32>
        %parallel_loop3A_343 = arith.constant 7 : i32
        %parallel_loop3A_344 = vector.broadcast %parallel_loop3A_343 : i32 to vector<16xi32>
        %parallel_loop3A_345 = arith.andi %parallel_loop3A_275, %parallel_loop3A_344 : vector<16xi32>
        tpu.vector_store_idx %arg12[%parallel_loop3A_342, %parallel_loop3A_345, %parallel_loop3A_338], %parallel_loop3A_339 : memref<8x8x128xf32, #tpu.memory_space<vmem>>[vector<16xi32>, vector<16xi32>, vector<16xi32>], vector<16xf32>,
        %parallel_loop3A_346 = arith.constant 112 : i32
        %parallel_loop3A_347 = vector.broadcast %parallel_loop3A_346 : i32 to vector<16xi32>
        %parallel_loop3A_348 = arith.addi %iota3A, %parallel_loop3A_347 : vector<16xi32>
        %parallel_loop3A_349 = tpu.vector_load_idx %arg8[%parallel_loop3A_348, %parallel_loop3A_275] : memref<128x64xf32, #tpu.memory_space<vmem>>[vector<16xi32>, vector<16xi32>], vector<16xf32>,
        %parallel_loop3A_350 = arith.constant 3 : i32
        %parallel_loop3A_351 = vector.broadcast %parallel_loop3A_350 : i32 to vector<16xi32>
        %parallel_loop3A_352 = arith.shrui %parallel_loop3A_275, %parallel_loop3A_351 : vector<16xi32>
        %parallel_loop3A_353 = arith.constant 7 : i32
        %parallel_loop3A_354 = vector.broadcast %parallel_loop3A_353 : i32 to vector<16xi32>
        %parallel_loop3A_355 = arith.andi %parallel_loop3A_275, %parallel_loop3A_354 : vector<16xi32>
        tpu.vector_store_idx %arg12[%parallel_loop3A_352, %parallel_loop3A_355, %parallel_loop3A_348], %parallel_loop3A_349 : memref<8x8x128xf32, #tpu.memory_space<vmem>>[vector<16xi32>, vector<16xi32>, vector<16xi32>], vector<16xf32>,
      } {sc.loop_unroll_factor = 4 : i64, sc.parallel_access}
      %div3A_209 = arith.constant 4 : i32
      %div3A_210 = arith.divsi %add3A_186, %div3A_209 : i32
      %rem3A_211 = arith.constant 4 : i32
      %rem3A_212 = arith.remsi %add3A_186, %rem3A_211 : i32
      %mul3A_213 = arith.constant 4 : i32
      %mul3A_214 = arith.muli %add3A, %mul3A_213 : i32
      %add3A_215 = arith.addi %mul3A_214, %rem3A_212 : i32
      %dma_start3A_216 = arith.constant 0 : i32
      %dma_start3A_217 = arith.constant 0 : i32
      %dma_start3A_218 = arith.constant 0 : i32
      %dma_start3A_219 = tpu.memref_slice %arg4[%div3A_210, %dma_start3A_216, %add3A_215, %dma_start3A_217, %dma_start3A_218] : memref<26x8x128x8x128xf32, #tpu.memory_space<hbm>> -> memref<1x8x1x8x128xf32, #tpu.memory_space<hbm>>
      %dma_start3A_220 = tpu.memref_squeeze %dma_start3A_219 : memref<1x8x1x8x128xf32, #tpu.memory_space<hbm>> -> memref<8x8x128xf32, #tpu.memory_space<hbm>>
      %dma_start3A_221 = arith.constant 0 : i32
      %dma_start3A_222 = arith.constant 0 : i32
      %dma_start3A_223 = arith.constant 0 : i32
      %dma_start3A_224 = tpu.memref_slice %arg4[%div3A_210, %dma_start3A_221, %add3A_215, %dma_start3A_222, %dma_start3A_223] : memref<26x8x128x8x128xf32, #tpu.memory_space<hbm>> -> memref<1x8x1x8x128xf32, #tpu.memory_space<hbm>>
      %dma_start3A_225 = tpu.memref_squeeze %dma_start3A_224 : memref<1x8x1x8x128xf32, #tpu.memory_space<hbm>> -> memref<8x8x128xf32, #tpu.memory_space<hbm>>
      tpu.enqueue_dma source(%arg12 : memref<8x8x128xf32, #tpu.memory_space<vmem>>) target(%dma_start3A_225 : memref<8x8x128xf32, #tpu.memory_space<hbm>>) target_semaphore(%arg15 : memref<!tpu.dma_semaphore, #tpu.memory_space<semaphore_mem>>)
      %mul3A_226 = arith.constant 4 : i32
      %mul3A_227 = arith.muli %scan3A_100, %mul3A_226 : i32
      %add3A_228 = arith.constant 3 : i32
      %add3A_229 = arith.addi %mul3A_227, %add3A_228 : i32
      %add3A_230 = arith.constant 3 : i32
      %add3A_231 = arith.addi %add3A_229, %add3A_230 : i32
      %lt3A_232 = arith.constant 104 : i32
      %lt3A_233 = arith.cmpi slt, %add3A_231, %lt3A_232 : i32
      %convert_element_type3A_234 = arith.extui %lt3A_233 : i1 to i32
      %cond3A_235 = arith.constant 0 : i32
      %cond3A_236 = arith.cmpi ne, %convert_element_type3A_234, %cond3A_235 : i32
      scf.if %cond3A_236 {
        %add3A_270 = arith.constant 3 : i32
        %add3A_271 = arith.addi %add3A_229, %add3A_270 : i32
        %div3A_272 = arith.constant 4 : i32
        %div3A_273 = arith.divsi %add3A_271, %div3A_272 : i32
        %rem3A_274 = arith.constant 4 : i32
        %rem3A_275 = arith.remsi %add3A_271, %rem3A_274 : i32
        %mul3A_276 = arith.constant 128 : i32
        %mul3A_277 = arith.muli %rem3A_275, %mul3A_276 : i32
        %dma_start3A_278 = tpu.memref_slice %arg5[%div3A_273, %mul3A_277] : memref<26x512xi32, #tpu.memory_space<vmem>> -> memref<1x128xi32, #tpu.memory_space<vmem>>
        %dma_start3A_279 = tpu.memref_squeeze %dma_start3A_278 : memref<1x128xi32, #tpu.memory_space<vmem>> -> memref<128xi32, #tpu.memory_space<vmem>>
        %dma_start3A_280 = arith.constant 0 : i32
        %dma_start3A_281 = arith.constant 0 : i32
        %dma_start3A_282 = tpu.memref_slice %arg3[%dma_start3A_280, %dma_start3A_281] : memref<1000000x64xf32, #tpu.memory_space<hbm>> -> memref<1000000x64xf32, #tpu.memory_space<hbm>>
        tpu.enqueue_indirect_dma source(%dma_start3A_282 : memref<1000000x64xf32, #tpu.memory_space<hbm>>) target(%arg8 : memref<128x64xf32, #tpu.memory_space<vmem>>) offsets(%dma_start3A_279 : memref<128xi32, #tpu.memory_space<vmem>>) semaphore(%arg14 : memref<!tpu.dma_semaphore, #tpu.memory_space<semaphore_mem>>)
      } else {
      }
      %dma_wait3A_237 = arith.constant 0 : i32
      %dma_wait3A_238 = arith.constant 0 : i32
      %dma_wait3A_239 = tpu.memref_slice %arg5[%dma_wait3A_237, %dma_wait3A_238] : memref<26x512xi32, #tpu.memory_space<vmem>> -> memref<1x128xi32, #tpu.memory_space<vmem>>
      %dma_wait3A_240 = tpu.memref_squeeze %dma_wait3A_239 : memref<1x128xi32, #tpu.memory_space<vmem>> -> memref<128xi32, #tpu.memory_space<vmem>>
      %dma_wait3A_241 = arith.constant 0 : i32
      %dma_wait3A_242 = arith.constant 0 : i32
      %dma_wait3A_243 = tpu.memref_slice %arg3[%dma_wait3A_241, %dma_wait3A_242] : memref<1000000x64xf32, #tpu.memory_space<hbm>> -> memref<1000000x64xf32, #tpu.memory_space<hbm>>
      tpu.wait_indirect_dma semaphore(%arg14 : memref<!tpu.dma_semaphore, #tpu.memory_space<semaphore_mem>>) src(%dma_wait3A_243 : memref<1000000x64xf32, #tpu.memory_space<hbm>>) dst(%arg9 : memref<128x64xf32, #tpu.memory_space<vmem>>)
      %ge3A_244 = arith.constant 4 : i32
      %ge3A_245 = arith.cmpi sge, %add3A_229, %ge3A_244 : i32
      %convert_element_type3A_246 = arith.extui %ge3A_245 : i1 to i32
      %cond3A_247 = arith.constant 0 : i32
      %cond3A_248 = arith.cmpi ne, %convert_element_type3A_246, %cond3A_247 : i32
      scf.if %cond3A_248 {
        %dma_wait3A_270 = arith.constant 0 : i32
        %dma_wait3A_271 = arith.constant 0 : i32
        %dma_wait3A_272 = arith.constant 0 : i32
        %dma_wait3A_273 = arith.constant 0 : i32
        %dma_wait3A_274 = arith.constant 0 : i32
        %dma_wait3A_275 = tpu.memref_slice %arg4[%dma_wait3A_270, %dma_wait3A_272, %dma_wait3A_271, %dma_wait3A_273, %dma_wait3A_274] : memref<26x8x128x8x128xf32, #tpu.memory_space<hbm>> -> memref<1x8x1x8x128xf32, #tpu.memory_space<hbm>>
        %dma_wait3A_276 = tpu.memref_squeeze %dma_wait3A_275 : memref<1x8x1x8x128xf32, #tpu.memory_space<hbm>> -> memref<8x8x128xf32, #tpu.memory_space<hbm>>
        %dma_wait3A_277 = arith.constant 0 : i32
        %dma_wait3A_278 = arith.constant 0 : i32
        %dma_wait3A_279 = arith.constant 0 : i32
        %dma_wait3A_280 = tpu.memref_slice %arg4[%dma_wait3A_270, %dma_wait3A_277, %dma_wait3A_271, %dma_wait3A_278, %dma_wait3A_279] : memref<26x8x128x8x128xf32, #tpu.memory_space<hbm>> -> memref<1x8x1x8x128xf32, #tpu.memory_space<hbm>>
        %dma_wait3A_281 = tpu.memref_squeeze %dma_wait3A_280 : memref<1x8x1x8x128xf32, #tpu.memory_space<hbm>> -> memref<8x8x128xf32, #tpu.memory_space<hbm>>
        tpu.wait_dma2 semaphore(%arg15 : memref<!tpu.dma_semaphore, #tpu.memory_space<semaphore_mem>>) src(%arg13 : memref<8x8x128xf32, #tpu.memory_space<vmem>>) dst(%dma_wait3A_281 : memref<8x8x128xf32, #tpu.memory_space<hbm>>)
      } else {
      }
      %parallel_loop3A_249 = arith.constant 0 : i32
      %parallel_loop3A_250 = arith.constant 64 : i32
      %parallel_loop3A_251 = arith.constant 1 : i32
      scf.for %parallel_loop3A_270 = %parallel_loop3A_249 to %parallel_loop3A_250 step %parallel_loop3A_251  : i32 {
        %parallel_loop3A_271 = vector.broadcast %parallel_loop3A_270 : i32 to vector<16xi32>
        %parallel_loop3A_272 = arith.addi %iota3A, %parallel_loop3A_271 : vector<16xi32>
        %parallel_loop3A_273 = arith.constant 64 : i32
        %parallel_loop3A_274 = vector.broadcast %parallel_loop3A_273 : i32 to vector<16xi32>
        %parallel_loop3A_275 = arith.remsi %parallel_loop3A_272, %parallel_loop3A_274 : vector<16xi32>
        %parallel_loop3A_276 = arith.constant 0 : i32
        %parallel_loop3A_277 = vector.broadcast %parallel_loop3A_276 : i32 to vector<16xi32>
        %parallel_loop3A_278 = arith.addi %iota3A, %parallel_loop3A_277 : vector<16xi32>
        %parallel_loop3A_279 = tpu.vector_load_idx %arg9[%parallel_loop3A_278, %parallel_loop3A_275] : memref<128x64xf32, #tpu.memory_space<vmem>>[vector<16xi32>, vector<16xi32>], vector<16xf32>,
        %parallel_loop3A_280 = arith.constant 3 : i32
        %parallel_loop3A_281 = vector.broadcast %parallel_loop3A_280 : i32 to vector<16xi32>
        %parallel_loop3A_282 = arith.shrui %parallel_loop3A_275, %parallel_loop3A_281 : vector<16xi32>
        %parallel_loop3A_283 = arith.constant 7 : i32
        %parallel_loop3A_284 = vector.broadcast %parallel_loop3A_283 : i32 to vector<16xi32>
        %parallel_loop3A_285 = arith.andi %parallel_loop3A_275, %parallel_loop3A_284 : vector<16xi32>
        tpu.vector_store_idx %arg13[%parallel_loop3A_282, %parallel_loop3A_285, %parallel_loop3A_278], %parallel_loop3A_279 : memref<8x8x128xf32, #tpu.memory_space<vmem>>[vector<16xi32>, vector<16xi32>, vector<16xi32>], vector<16xf32>,
        %parallel_loop3A_286 = arith.constant 16 : i32
        %parallel_loop3A_287 = vector.broadcast %parallel_loop3A_286 : i32 to vector<16xi32>
        %parallel_loop3A_288 = arith.addi %iota3A, %parallel_loop3A_287 : vector<16xi32>
        %parallel_loop3A_289 = tpu.vector_load_idx %arg9[%parallel_loop3A_288, %parallel_loop3A_275] : memref<128x64xf32, #tpu.memory_space<vmem>>[vector<16xi32>, vector<16xi32>], vector<16xf32>,
        %parallel_loop3A_290 = arith.constant 3 : i32
        %parallel_loop3A_291 = vector.broadcast %parallel_loop3A_290 : i32 to vector<16xi32>
        %parallel_loop3A_292 = arith.shrui %parallel_loop3A_275, %parallel_loop3A_291 : vector<16xi32>
        %parallel_loop3A_293 = arith.constant 7 : i32
        %parallel_loop3A_294 = vector.broadcast %parallel_loop3A_293 : i32 to vector<16xi32>
        %parallel_loop3A_295 = arith.andi %parallel_loop3A_275, %parallel_loop3A_294 : vector<16xi32>
        tpu.vector_store_idx %arg13[%parallel_loop3A_292, %parallel_loop3A_295, %parallel_loop3A_288], %parallel_loop3A_289 : memref<8x8x128xf32, #tpu.memory_space<vmem>>[vector<16xi32>, vector<16xi32>, vector<16xi32>], vector<16xf32>,
        %parallel_loop3A_296 = arith.constant 32 : i32
        %parallel_loop3A_297 = vector.broadcast %parallel_loop3A_296 : i32 to vector<16xi32>
        %parallel_loop3A_298 = arith.addi %iota3A, %parallel_loop3A_297 : vector<16xi32>
        %parallel_loop3A_299 = tpu.vector_load_idx %arg9[%parallel_loop3A_298, %parallel_loop3A_275] : memref<128x64xf32, #tpu.memory_space<vmem>>[vector<16xi32>, vector<16xi32>], vector<16xf32>,
        %parallel_loop3A_300 = arith.constant 3 : i32
        %parallel_loop3A_301 = vector.broadcast %parallel_loop3A_300 : i32 to vector<16xi32>
        %parallel_loop3A_302 = arith.shrui %parallel_loop3A_275, %parallel_loop3A_301 : vector<16xi32>
        %parallel_loop3A_303 = arith.constant 7 : i32
        %parallel_loop3A_304 = vector.broadcast %parallel_loop3A_303 : i32 to vector<16xi32>
        %parallel_loop3A_305 = arith.andi %parallel_loop3A_275, %parallel_loop3A_304 : vector<16xi32>
        tpu.vector_store_idx %arg13[%parallel_loop3A_302, %parallel_loop3A_305, %parallel_loop3A_298], %parallel_loop3A_299 : memref<8x8x128xf32, #tpu.memory_space<vmem>>[vector<16xi32>, vector<16xi32>, vector<16xi32>], vector<16xf32>,
        %parallel_loop3A_306 = arith.constant 48 : i32
        %parallel_loop3A_307 = vector.broadcast %parallel_loop3A_306 : i32 to vector<16xi32>
        %parallel_loop3A_308 = arith.addi %iota3A, %parallel_loop3A_307 : vector<16xi32>
        %parallel_loop3A_309 = tpu.vector_load_idx %arg9[%parallel_loop3A_308, %parallel_loop3A_275] : memref<128x64xf32, #tpu.memory_space<vmem>>[vector<16xi32>, vector<16xi32>], vector<16xf32>,
        %parallel_loop3A_310 = arith.constant 3 : i32
        %parallel_loop3A_311 = vector.broadcast %parallel_loop3A_310 : i32 to vector<16xi32>
        %parallel_loop3A_312 = arith.shrui %parallel_loop3A_275, %parallel_loop3A_311 : vector<16xi32>
        %parallel_loop3A_313 = arith.constant 7 : i32
        %parallel_loop3A_314 = vector.broadcast %parallel_loop3A_313 : i32 to vector<16xi32>
        %parallel_loop3A_315 = arith.andi %parallel_loop3A_275, %parallel_loop3A_314 : vector<16xi32>
        tpu.vector_store_idx %arg13[%parallel_loop3A_312, %parallel_loop3A_315, %parallel_loop3A_308], %parallel_loop3A_309 : memref<8x8x128xf32, #tpu.memory_space<vmem>>[vector<16xi32>, vector<16xi32>, vector<16xi32>], vector<16xf32>,
        %parallel_loop3A_316 = arith.constant 64 : i32
        %parallel_loop3A_317 = vector.broadcast %parallel_loop3A_316 : i32 to vector<16xi32>
        %parallel_loop3A_318 = arith.addi %iota3A, %parallel_loop3A_317 : vector<16xi32>
        %parallel_loop3A_319 = tpu.vector_load_idx %arg9[%parallel_loop3A_318, %parallel_loop3A_275] : memref<128x64xf32, #tpu.memory_space<vmem>>[vector<16xi32>, vector<16xi32>], vector<16xf32>,
        %parallel_loop3A_320 = arith.constant 3 : i32
        %parallel_loop3A_321 = vector.broadcast %parallel_loop3A_320 : i32 to vector<16xi32>
        %parallel_loop3A_322 = arith.shrui %parallel_loop3A_275, %parallel_loop3A_321 : vector<16xi32>
        %parallel_loop3A_323 = arith.constant 7 : i32
        %parallel_loop3A_324 = vector.broadcast %parallel_loop3A_323 : i32 to vector<16xi32>
        %parallel_loop3A_325 = arith.andi %parallel_loop3A_275, %parallel_loop3A_324 : vector<16xi32>
        tpu.vector_store_idx %arg13[%parallel_loop3A_322, %parallel_loop3A_325, %parallel_loop3A_318], %parallel_loop3A_319 : memref<8x8x128xf32, #tpu.memory_space<vmem>>[vector<16xi32>, vector<16xi32>, vector<16xi32>], vector<16xf32>,
        %parallel_loop3A_326 = arith.constant 80 : i32
        %parallel_loop3A_327 = vector.broadcast %parallel_loop3A_326 : i32 to vector<16xi32>
        %parallel_loop3A_328 = arith.addi %iota3A, %parallel_loop3A_327 : vector<16xi32>
        %parallel_loop3A_329 = tpu.vector_load_idx %arg9[%parallel_loop3A_328, %parallel_loop3A_275] : memref<128x64xf32, #tpu.memory_space<vmem>>[vector<16xi32>, vector<16xi32>], vector<16xf32>,
        %parallel_loop3A_330 = arith.constant 3 : i32
        %parallel_loop3A_331 = vector.broadcast %parallel_loop3A_330 : i32 to vector<16xi32>
        %parallel_loop3A_332 = arith.shrui %parallel_loop3A_275, %parallel_loop3A_331 : vector<16xi32>
        %parallel_loop3A_333 = arith.constant 7 : i32
        %parallel_loop3A_334 = vector.broadcast %parallel_loop3A_333 : i32 to vector<16xi32>
        %parallel_loop3A_335 = arith.andi %parallel_loop3A_275, %parallel_loop3A_334 : vector<16xi32>
        tpu.vector_store_idx %arg13[%parallel_loop3A_332, %parallel_loop3A_335, %parallel_loop3A_328], %parallel_loop3A_329 : memref<8x8x128xf32, #tpu.memory_space<vmem>>[vector<16xi32>, vector<16xi32>, vector<16xi32>], vector<16xf32>,
        %parallel_loop3A_336 = arith.constant 96 : i32
        %parallel_loop3A_337 = vector.broadcast %parallel_loop3A_336 : i32 to vector<16xi32>
        %parallel_loop3A_338 = arith.addi %iota3A, %parallel_loop3A_337 : vector<16xi32>
        %parallel_loop3A_339 = tpu.vector_load_idx %arg9[%parallel_loop3A_338, %parallel_loop3A_275] : memref<128x64xf32, #tpu.memory_space<vmem>>[vector<16xi32>, vector<16xi32>], vector<16xf32>,
        %parallel_loop3A_340 = arith.constant 3 : i32
        %parallel_loop3A_341 = vector.broadcast %parallel_loop3A_340 : i32 to vector<16xi32>
        %parallel_loop3A_342 = arith.shrui %parallel_loop3A_275, %parallel_loop3A_341 : vector<16xi32>
        %parallel_loop3A_343 = arith.constant 7 : i32
        %parallel_loop3A_344 = vector.broadcast %parallel_loop3A_343 : i32 to vector<16xi32>
        %parallel_loop3A_345 = arith.andi %parallel_loop3A_275, %parallel_loop3A_344 : vector<16xi32>
        tpu.vector_store_idx %arg13[%parallel_loop3A_342, %parallel_loop3A_345, %parallel_loop3A_338], %parallel_loop3A_339 : memref<8x8x128xf32, #tpu.memory_space<vmem>>[vector<16xi32>, vector<16xi32>, vector<16xi32>], vector<16xf32>,
        %parallel_loop3A_346 = arith.constant 112 : i32
        %parallel_loop3A_347 = vector.broadcast %parallel_loop3A_346 : i32 to vector<16xi32>
        %parallel_loop3A_348 = arith.addi %iota3A, %parallel_loop3A_347 : vector<16xi32>
        %parallel_loop3A_349 = tpu.vector_load_idx %arg9[%parallel_loop3A_348, %parallel_loop3A_275] : memref<128x64xf32, #tpu.memory_space<vmem>>[vector<16xi32>, vector<16xi32>], vector<16xf32>,
        %parallel_loop3A_350 = arith.constant 3 : i32
        %parallel_loop3A_351 = vector.broadcast %parallel_loop3A_350 : i32 to vector<16xi32>
        %parallel_loop3A_352 = arith.shrui %parallel_loop3A_275, %parallel_loop3A_351 : vector<16xi32>
        %parallel_loop3A_353 = arith.constant 7 : i32
        %parallel_loop3A_354 = vector.broadcast %parallel_loop3A_353 : i32 to vector<16xi32>
        %parallel_loop3A_355 = arith.andi %parallel_loop3A_275, %parallel_loop3A_354 : vector<16xi32>
        tpu.vector_store_idx %arg13[%parallel_loop3A_352, %parallel_loop3A_355, %parallel_loop3A_348], %parallel_loop3A_349 : memref<8x8x128xf32, #tpu.memory_space<vmem>>[vector<16xi32>, vector<16xi32>, vector<16xi32>], vector<16xf32>,
      } {sc.loop_unroll_factor = 4 : i64, sc.parallel_access}
      %div3A_252 = arith.constant 4 : i32
      %div3A_253 = arith.divsi %add3A_229, %div3A_252 : i32
      %rem3A_254 = arith.constant 4 : i32
      %rem3A_255 = arith.remsi %add3A_229, %rem3A_254 : i32
      %mul3A_256 = arith.constant 4 : i32
      %mul3A_257 = arith.muli %add3A, %mul3A_256 : i32
      %add3A_258 = arith.addi %mul3A_257, %rem3A_255 : i32
      %dma_start3A_259 = arith.constant 0 : i32
      %dma_start3A_260 = arith.constant 0 : i32
      %dma_start3A_261 = arith.constant 0 : i32
      %dma_start3A_262 = tpu.memref_slice %arg4[%div3A_253, %dma_start3A_259, %add3A_258, %dma_start3A_260, %dma_start3A_261] : memref<26x8x128x8x128xf32, #tpu.memory_space<hbm>> -> memref<1x8x1x8x128xf32, #tpu.memory_space<hbm>>
      %dma_start3A_263 = tpu.memref_squeeze %dma_start3A_262 : memref<1x8x1x8x128xf32, #tpu.memory_space<hbm>> -> memref<8x8x128xf32, #tpu.memory_space<hbm>>
      %dma_start3A_264 = arith.constant 0 : i32
      %dma_start3A_265 = arith.constant 0 : i32
      %dma_start3A_266 = arith.constant 0 : i32
      %dma_start3A_267 = tpu.memref_slice %arg4[%div3A_253, %dma_start3A_264, %add3A_258, %dma_start3A_265, %dma_start3A_266] : memref<26x8x128x8x128xf32, #tpu.memory_space<hbm>> -> memref<1x8x1x8x128xf32, #tpu.memory_space<hbm>>
      %dma_start3A_268 = tpu.memref_squeeze %dma_start3A_267 : memref<1x8x1x8x128xf32, #tpu.memory_space<hbm>> -> memref<8x8x128xf32, #tpu.memory_space<hbm>>
      tpu.enqueue_dma source(%arg13 : memref<8x8x128xf32, #tpu.memory_space<vmem>>) target(%dma_start3A_268 : memref<8x8x128xf32, #tpu.memory_space<hbm>>) target_semaphore(%arg15 : memref<!tpu.dma_semaphore, #tpu.memory_space<semaphore_mem>>)
      %scan3A_269 = arith.constant 0 : i32
      scf.yield %scan3A_269 : i32
    }
    %scan3A_51 = arith.constant 26 : i32
    %dma_wait3A_52 = arith.constant 0 : i32
    %dma_wait3A_53 = arith.constant 0 : i32
    %dma_wait3A_54 = arith.constant 0 : i32
    %dma_wait3A_55 = arith.constant 0 : i32
    %dma_wait3A_56 = arith.constant 0 : i32
    %dma_wait3A_57 = tpu.memref_slice %arg4[%dma_wait3A_52, %dma_wait3A_54, %dma_wait3A_53, %dma_wait3A_55, %dma_wait3A_56] : memref<26x8x128x8x128xf32, #tpu.memory_space<hbm>> -> memref<1x8x1x8x128xf32, #tpu.memory_space<hbm>>
    %dma_wait3A_58 = tpu.memref_squeeze %dma_wait3A_57 : memref<1x8x1x8x128xf32, #tpu.memory_space<hbm>> -> memref<8x8x128xf32, #tpu.memory_space<hbm>>
    %dma_wait3A_59 = arith.constant 0 : i32
    %dma_wait3A_60 = arith.constant 0 : i32
    %dma_wait3A_61 = arith.constant 0 : i32
    %dma_wait3A_62 = tpu.memref_slice %arg4[%dma_wait3A_52, %dma_wait3A_59, %dma_wait3A_53, %dma_wait3A_60, %dma_wait3A_61] : memref<26x8x128x8x128xf32, #tpu.memory_space<hbm>> -> memref<1x8x1x8x128xf32, #tpu.memory_space<hbm>>
    %dma_wait3A_63 = tpu.memref_squeeze %dma_wait3A_62 : memref<1x8x1x8x128xf32, #tpu.memory_space<hbm>> -> memref<8x8x128xf32, #tpu.memory_space<hbm>>
    tpu.wait_dma2 semaphore(%arg15 : memref<!tpu.dma_semaphore, #tpu.memory_space<semaphore_mem>>) src(%arg10 : memref<8x8x128xf32, #tpu.memory_space<vmem>>) dst(%dma_wait3A_63 : memref<8x8x128xf32, #tpu.memory_space<hbm>>)
    %dma_wait3A_64 = arith.constant 0 : i32
    %dma_wait3A_65 = arith.constant 0 : i32
    %dma_wait3A_66 = arith.constant 0 : i32
    %dma_wait3A_67 = arith.constant 0 : i32
    %dma_wait3A_68 = arith.constant 0 : i32
    %dma_wait3A_69 = tpu.memref_slice %arg4[%dma_wait3A_64, %dma_wait3A_66, %dma_wait3A_65, %dma_wait3A_67, %dma_wait3A_68] : memref<26x8x128x8x128xf32, #tpu.memory_space<hbm>> -> memref<1x8x1x8x128xf32, #tpu.memory_space<hbm>>
    %dma_wait3A_70 = tpu.memref_squeeze %dma_wait3A_69 : memref<1x8x1x8x128xf32, #tpu.memory_space<hbm>> -> memref<8x8x128xf32, #tpu.memory_space<hbm>>
    %dma_wait3A_71 = arith.constant 0 : i32
    %dma_wait3A_72 = arith.constant 0 : i32
    %dma_wait3A_73 = arith.constant 0 : i32
    %dma_wait3A_74 = tpu.memref_slice %arg4[%dma_wait3A_64, %dma_wait3A_71, %dma_wait3A_65, %dma_wait3A_72, %dma_wait3A_73] : memref<26x8x128x8x128xf32, #tpu.memory_space<hbm>> -> memref<1x8x1x8x128xf32, #tpu.memory_space<hbm>>
    %dma_wait3A_75 = tpu.memref_squeeze %dma_wait3A_74 : memref<1x8x1x8x128xf32, #tpu.memory_space<hbm>> -> memref<8x8x128xf32, #tpu.memory_space<hbm>>
    tpu.wait_dma2 semaphore(%arg15 : memref<!tpu.dma_semaphore, #tpu.memory_space<semaphore_mem>>) src(%arg10 : memref<8x8x128xf32, #tpu.memory_space<vmem>>) dst(%dma_wait3A_75 : memref<8x8x128xf32, #tpu.memory_space<hbm>>)
    %dma_wait3A_76 = arith.constant 0 : i32
    %dma_wait3A_77 = arith.constant 0 : i32
    %dma_wait3A_78 = arith.constant 0 : i32
    %dma_wait3A_79 = arith.constant 0 : i32
    %dma_wait3A_80 = arith.constant 0 : i32
    %dma_wait3A_81 = tpu.memref_slice %arg4[%dma_wait3A_76, %dma_wait3A_78, %dma_wait3A_77, %dma_wait3A_79, %dma_wait3A_80] : memref<26x8x128x8x128xf32, #tpu.memory_space<hbm>> -> memref<1x8x1x8x128xf32, #tpu.memory_space<hbm>>
    %dma_wait3A_82 = tpu.memref_squeeze %dma_wait3A_81 : memref<1x8x1x8x128xf32, #tpu.memory_space<hbm>> -> memref<8x8x128xf32, #tpu.memory_space<hbm>>
    %dma_wait3A_83 = arith.constant 0 : i32
    %dma_wait3A_84 = arith.constant 0 : i32
    %dma_wait3A_85 = arith.constant 0 : i32
    %dma_wait3A_86 = tpu.memref_slice %arg4[%dma_wait3A_76, %dma_wait3A_83, %dma_wait3A_77, %dma_wait3A_84, %dma_wait3A_85] : memref<26x8x128x8x128xf32, #tpu.memory_space<hbm>> -> memref<1x8x1x8x128xf32, #tpu.memory_space<hbm>>
    %dma_wait3A_87 = tpu.memref_squeeze %dma_wait3A_86 : memref<1x8x1x8x128xf32, #tpu.memory_space<hbm>> -> memref<8x8x128xf32, #tpu.memory_space<hbm>>
    tpu.wait_dma2 semaphore(%arg15 : memref<!tpu.dma_semaphore, #tpu.memory_space<semaphore_mem>>) src(%arg10 : memref<8x8x128xf32, #tpu.memory_space<vmem>>) dst(%dma_wait3A_87 : memref<8x8x128xf32, #tpu.memory_space<hbm>>)
    %dma_wait3A_88 = arith.constant 0 : i32
    %dma_wait3A_89 = arith.constant 0 : i32
    %dma_wait3A_90 = arith.constant 0 : i32
    %dma_wait3A_91 = arith.constant 0 : i32
    %dma_wait3A_92 = arith.constant 0 : i32
    %dma_wait3A_93 = tpu.memref_slice %arg4[%dma_wait3A_88, %dma_wait3A_90, %dma_wait3A_89, %dma_wait3A_91, %dma_wait3A_92] : memref<26x8x128x8x128xf32, #tpu.memory_space<hbm>> -> memref<1x8x1x8x128xf32, #tpu.memory_space<hbm>>
    %dma_wait3A_94 = tpu.memref_squeeze %dma_wait3A_93 : memref<1x8x1x8x128xf32, #tpu.memory_space<hbm>> -> memref<8x8x128xf32, #tpu.memory_space<hbm>>
    %dma_wait3A_95 = arith.constant 0 : i32
    %dma_wait3A_96 = arith.constant 0 : i32
    %dma_wait3A_97 = arith.constant 0 : i32
    %dma_wait3A_98 = tpu.memref_slice %arg4[%dma_wait3A_88, %dma_wait3A_95, %dma_wait3A_89, %dma_wait3A_96, %dma_wait3A_97] : memref<26x8x128x8x128xf32, #tpu.memory_space<hbm>> -> memref<1x8x1x8x128xf32, #tpu.memory_space<hbm>>
    %dma_wait3A_99 = tpu.memref_squeeze %dma_wait3A_98 : memref<1x8x1x8x128xf32, #tpu.memory_space<hbm>> -> memref<8x8x128xf32, #tpu.memory_space<hbm>>
    tpu.wait_dma2 semaphore(%arg15 : memref<!tpu.dma_semaphore, #tpu.memory_space<semaphore_mem>>) src(%arg10 : memref<8x8x128xf32, #tpu.memory_space<vmem>>) dst(%dma_wait3A_99 : memref<8x8x128xf32, #tpu.memory_space<hbm>>)
    return
  }
}

</mosaic_0001>

<sc_bundles>
// kernel: kernel.4.cloned.1.call-start
scs
__scs_entry_jumppad:
0x0: {  	(pc) =	sbr.rel $0x88, $3  }
0x1: {  	(tag) =	ssettag $0x0;
	lr =	simm.s32 $0x1  }
0x2: {  	[smem:$0x3F9F] =	sst lr;
	_ =	strace $0xD0000000  }
0x3: {  	_ = 	snop  }
0x4: {  	_ = 	snop  }
0x5: {  	_ = 	snop  }
0x6: {  	_ = 	snop  }
0x7: {  	_ = 	snop  }
__scs_overlays_trampoline_lowered:
0x8: {  	[smem:$0x3FAE] =	sst s0  }
0x9: {  	[smem:$0x3FAF] =	sst s1  }
0xa: {  	[smem:$0x3FB0] =	sst s2  }
0xb: {  	[smem:$0x3FB1] =	sst s3  }
0xc: {  	[smem:$0x3FB2] =	sst s4  }
0xd: {  	[smem:$0x3FB3] =	sst s5  }
0xe: {  	[smem:$0x3FB4] =	sst s6  }
0xf: {  	[smem:$0x3FB5] =	sst s7  }
0x10: {  	[smem:$0x3FB6] =	sst s8  }
0x11: {  	[smem:$0x3FB7] =	sst s9;
	s0 =	simm.s32 @!p0 $0x0  }
0x12: {  	s1 =	sld [smem:$0x3F9D];
	s0 =	simm.s32 @p0 $0x1  }
0x13: {  	[smem:$0x3FB8] =	sst s0;
	s0 =	simm.s32 @!p1 $0x0  }
0x14: {  	s2 =	sld [smem:$0x3F9C];
	s0 =	simm.s32 @p1 $0x1  }
0x15: {  	[smem:$0x3FB9] =	sst s0;
	s0 =	simm.s32 @!p2 $0x0  }
0x16: {  	s3 =	sld [smem:$0x3FDB];
	s0 =	simm.s32 @p2 $0x1  }
0x17: {  	s4 =	simm.s32 $0x1BF5;
	[smem:$0x3FBB] =	sst s0  }
0x18: {  	s0 =	sld [smem:$0x3F9E];
	_ =	swait.ge [sflag:s4], $0x0  }
0x19: {  	s7 =	sld [smem:$0x3F9F]  }
0x1a: {  	s8 =	sadd.s32 $0xFFFFE003, lr  }
0x1b: {  	s9 =	sadd.s32 $0xFFFFFEF7, lr;
	s5 =	simm.s32 $0xFFFFFFFF;
	p2 =	slt.u32 s8, $0xFFFFF086  }
0x1c: {  	p1 =	slt.u32 s9, $0xF7A;
	s5 =	simm.s32 @!p2 $0x0  }
0x1d: {  	s5 =	simm.s32 @p1 $0x1;
	p0 =	seq.s32 s7, s2  }
0x1e: {  	s7 =	smul.u32 @!p0 $0xF7A, s2;
	p2 =	seq.s32 @!p0 s5, $0x0  }
0x1f: {  	s9 =	smul.u32 $0xF7A, s1;
	s8 =	simm.s32 @!p0 $0x1BF5;
	p2 =	por !p2, p0  }
0x20: {  	[sflag:s8] =	ssyncset.s32 @!p0 $0xFFFFF086;
	s6 =	sadd.s32 @!p0 s3, s7;
	s7 =	simm.s32 @!p0 $0x108  }
0x21: {  	s3 =	sadd.s32 s3, s9;
	s6 =	sadd.s32 @!p0 $0x88, s6;
	s7 =	simm.s32 @p2 $0x1082  }
0x22: {  	[simem:s7], [sflag:s8] =	dma.local @!p0 [hbm:s6], $0xF7A  }
0x23: {  	s9 =	sor.u32 $0xD0000000, s2;
	s6 =	simm.s32 $0x108;
	_ =	swait.ge @!p0 [sflag:s8], $0x0  }
0x24: {  	s3 =	sadd.s32 $0x88, s3;
	s6 =	simm.s32 @!p1 $0x1082;
	[sflag:s4] =	ssyncset.s32 $0xFFFFF086  }
0x25: {  	[simem:s6], [sflag:s4] =	dma.local [hbm:s3], $0xF7A  }
0x26: {  	[smem:$0x3F9F] =	sst s1;
	(tag) =	ssettag s2;
	_ =	strace s9  }
0x27: {  	s1 =	sld [smem:$0x3FAF]  }
0x28: {  	s2 =	sld [smem:$0x3FB0]  }
0x29: {  	s4 =	sld [smem:$0x3FB2]  }
0x2a: {  	p0 =	seq.s32 s5, $0x0;
	s5 =	sld [smem:$0x3FB3]  }
0x2b: {  	s6 =	sld [smem:$0x3FB4]  }
0x2c: {  	s7 =	sld [smem:$0x3FB5]  }
0x2d: {  	s3 =	simm.s32 $0x108;
	s8 =	sld [smem:$0x3FB6]  }
0x2e: {  	s3 =	simm.s32 @!p0 $0x1082;
	s9 =	sld [smem:$0x3FB7]  }
0x2f: {  	lr =	sadd.s32 s0, s3;
	s0 =	sld [smem:$0x3FAE]  }
0x30: {  	s3 =	sld [smem:$0x3FB1]  }
0x31: {  	[smem:$0x3FBA] =	sst s10  }
0x32: {  	s10 =	sld [smem:$0x3FB8];
	_ =	sdelay $0x3  }
0x33: {  	p0 =	seq.s32 s10, $0x1;
	s10 =	sld [smem:$0x3FBA];
	_ =	sdelay $0x3  }
0x34: {  	[smem:$0x3FBA] =	sst s10  }
0x35: {  	s10 =	sld [smem:$0x3FB9];
	_ =	sdelay $0x3  }
0x36: {  	p1 =	seq.s32 s10, $0x1;
	s10 =	sld [smem:$0x3FBA];
	_ =	sdelay $0x3  }
0x37: {  	[smem:$0x3FBA] =	sst s10  }
0x38: {  	s10 =	sld [smem:$0x3FBB]  }
0x39: {  	_ = 	snop;
	(pc) =	sbr.ind lr, $3  }
0x3a: {  	_ = 	snop  }
0x3b: {  	_ = 	snop  }
0x3c: {  	p2 =	seq.s32 s10, $0x1;
	s10 =	sld [smem:$0x3FBA]  }
0x3d: {  	_ =	shalt  }
0x3e: {  	_ =	shalt  }
0x3f: {  	_ =	shalt  }
0x40: {  	_ =	shalt  }
0x41: {  	_ =	shalt  }
0x42: {  	_ =	shalt  }
0x43: {  	_ =	shalt  }
0x44: {  	_ =	shalt  }
0x45: {  	_ =	shalt  }
0x46: {  	_ =	shalt  }
0x47: {  	_ =	shalt  }
0x48: {  	_ =	shalt  }
0x49: {  	_ =	shalt  }
0x4a: {  	_ =	shalt  }
0x4b: {  	_ =	shalt  }
0x4c: {  	_ =	shalt  }
0x4d: {  	_ =	shalt  }
0x4e: {  	_ =	shalt  }
0x4f: {  	_ =	shalt  }
0x50: {  	_ =	shalt  }
0x51: {  	_ =	shalt  }
0x52: {  	_ =	shalt  }
0x53: {  	_ =	shalt  }
0x54: {  	_ =	shalt  }
0x55: {  	_ =	shalt  }
0x56: {  	_ =	shalt  }
0x57: {  	_ =	shalt  }
0x58: {  	_ =	shalt  }
0x59: {  	_ =	shalt  }
0x5a: {  	_ =	shalt  }
0x5b: {  	_ =	shalt  }
0x5c: {  	_ =	shalt  }
0x5d: {  	_ =	shalt  }
0x5e: {  	_ =	shalt  }
0x5f: {  	_ =	shalt  }
0x60: {  	_ =	shalt  }
0x61: {  	_ =	shalt  }
0x62: {  	_ =	shalt  }
0x63: {  	_ =	shalt  }
0x64: {  	_ =	shalt  }
0x65: {  	_ =	shalt  }
0x66: {  	_ =	shalt  }
0x67: {  	_ =	shalt  }
0x68: {  	_ =	shalt  }
0x69: {  	_ =	shalt  }
0x6a: {  	_ =	shalt  }
0x6b: {  	_ =	shalt  }
0x6c: {  	_ =	shalt  }
0x6d: {  	_ =	shalt  }
0x6e: {  	_ =	shalt  }
0x6f: {  	_ =	shalt  }
0x70: {  	_ =	shalt  }
0x71: {  	_ =	shalt  }
0x72: {  	_ =	shalt  }
0x73: {  	_ =	shalt  }
0x74: {  	_ =	shalt  }
0x75: {  	_ =	shalt  }
0x76: {  	_ =	shalt  }
0x77: {  	_ =	shalt  }
0x78: {  	_ =	shalt  }
0x79: {  	_ =	shalt  }
0x7a: {  	_ =	shalt  }
0x7b: {  	_ =	shalt  }
0x7c: {  	_ =	shalt  }
0x7d: {  	_ =	shalt  }
0x7e: {  	_ =	shalt  }
0x7f: {  	_ =	shalt  }
0x80: {  	_ =	shalt  }
0x81: {  	_ =	shalt  }
0x82: {  	_ =	shalt  }
0x83: {  	_ =	shalt  }
0x84: {  	_ =	shalt  }
0x85: {  	_ =	shalt  }
0x86: {  	_ =	shalt  }
0x87: {  	_ =	shalt  }
.Lfunc_end0:
.L_simem_size_0:
called_computation_lowered:
.L_overlay_start_0:
0x88: {  	s2 =	sld [smem:$0x3FD9]  }
0x89: {  	s3 =	sld [smem:$0x3FFE];
	_ =	sdelay $0x1  }
0x8a: {  	s1 =	srdreg.scid  }
0x8b: {  	s0 =	sand.u32 $0x1, s1  }
0x8c: {  	s17 =	sshll.u32 s0, $0xA;
	s2 =	sadd.s32 s3, s2  }
0x8d: {  	s2 =	sadd.s32 s2, s17  }
0x8e: {  	[smem:$0x3FC6] =	sst s2  }
0x8f: {  	_ = 	snop  }
0x90: {  	s2 =	sld [smem:$0x3FC8]  }
0x91: {  	s18 =	sld [smem:$0x3FD0];
	(tm) =	ssettm $0x1  }
0x92: {  	s4 =	sld [smem:$0x3FFB];
	_ =	sdelay $0x3  }
0x93: {  	_ =	strace s4  }
0x94: {  	s4 =	sld [smem:$0x3FFC];
	_ =	sdelay $0x3  }
0x95: {  	_ =	strace s4  }
0x96: {  	s4 =	sld [smem:$0x3FFD];
	_ =	sdelay $0x3  }
0x97: {  	_ =	strace s4  }
0x98: {  	_ =	strace $0x8FFFFFFF  }
0x99: {  	s19 =	sld [smem:$0x3FDB];
	_ =	sdelay $0x1  }
0x9a: {  	s5 =	simm.s32 $_scs_section_size  }
0x9b: {  	s6 =	simm.s32 $_size__tile_overlayer_lowered;
	s7 =	simm.s32 $_tile_overlayer_lowered  }
0x9c: {  	s22 =	simm.s32 $0x1BFF;
	s21 =	sshll.u32 s7, $0x1;
	s4 =	sadd.s32 s5, s19  }
0x9d: {  	s8 =	simm.s32 $0x0;
	s20 =	sshll.u32 s6, $0x1;
	s6 =	sadd.s32 s21, s4  }
0x9e: {  	[timem:s8], [sflag:s22] =	dma.local [hbm:s6], s20  }
0x9f: {  	_ =	swait.ge [sflag:s22], s20  }
0xa0: {  	s5 =	ssub.s32 $0x0, s20;
	[sflag:s22] =	ssyncset.done $0x0  }
0xa1: {  	[sflag:s22] =	ssyncadd.s32 s5;
	_ =	sdelay $0x1  }
0xa2: {  	s23 =	simm.s32 $0x1B8B  }
0xa3: {  	_ =	swait.ge [sflag:s23], $0x1  }
0xa4: {  	[sflag:s23] =	ssyncset.done $0x0  }
0xa5: {  	s25 =	simm.s32 $0x1B8E;
	s24 =	sld [smem:$0x3FFE];
	[sflag:s23] =	ssyncadd.s32 $0xFFFFFFFF  }
0xa6: {  	s26 =	simm.s32 $execute0_lowered;
	[smem:$0x3FD2] =	sst s25  }
0xa7: {  	s6 =	sshll.u32 s26, $0x1;
	_ =	strace $0x80000046;
	[dreg:$0x1] =	wrdreg $0xFFFFFFFF  }
0xa8: {  	s28 =	simm.s32 $_size_execute0_lowered;
	s4 =	sadd.s32 s4, s6;
	[dreg:$0x0] =	wrdreg $0x0  }
0xa9: {  	s6 =	sshll.u32 s28, $0x1;
	[dreg:$0x2] =	wrdreg s4  }
0xaa: {  	[dreg:$0x3] =	wrdreg s6  }
0xab: {  	[dreg:$0x4] =	wrdreg $0xC0  }
0xac: {  	_ =	task [dreg:s8], $0x5FFFF  }
0xad: {  	[dreg:$0x1] =	wrdreg $0xFFFFFFFF  }
0xae: {  	[dreg:$0x0] =	wrdreg $0x60  }
0xaf: {  	[dreg:$0x2] =	wrdreg s2  }
0xb0: {  	[dreg:$0x3] =	wrdreg s18  }
0xb1: {  	[dreg:$0x4] =	wrdreg s24  }
0xb2: {  	[dreg:$0x5] =	wrdreg $0x9  }
0xb3: {  	_ =	task.clear_ibuf [dreg:s8], $0x6FFFF;
	_ =	strace $0x90000046  }
0xb4: {  	s29 =	simm.s32 $0x9;
	_ =	strace $0x80000048  }
0xb5: {  	_ =	swait.ge [sflag:s29], $0x1  }
0xb6: {  	[sflag:s29] =	ssyncadd.s32 $0xFFFFFFFF  }
0xb7: {  	_ =	strace $0x90000048  }
0xb8: {  	_ =	sfence  }
0xb9: {  	s30 =	sld [smem:$0x0];
	_ =	sdelay $0x2  }
0xba: {  	s31 =	sshll.u32 s1, $0xD;
	s1 =	sshrl.u32 s1, $0x2  }
0xbb: {  	s3 =	sand.u32 $0x4000, s31;
	s1 =	sadd.s32 s1, s30  }
0xbc: {  	s0 =	sor.u32 s3, s0;
	s1 =	sshll.u32 s1, $0x11  }
0xbd: {  	s0 =	sor.u32 s1, s0  }
0xbe: {  	s0 =	sadd.s32 $0x8F2B, s0  }
0xbf: {  	[sflag:s0] =	ssyncadd.remote.s32 $0x1  }
0xc0: {  	_ =	sfence.sel $0xFFFF  }
0xc1: {  	[dreg:$0x0] =	wrdreg $0xFFFFFFFF;
	(pc) =	sbr.abs _section_cstart, $3  }
0xc2: {  	[dreg:$0x1] =	wrdreg $0xFFFFFFFF  }
0xc3: {  	_ =	task.clear_ibuf [dreg:s8], $0x2FFFF;
	_ =	strace $0x9FFFFFFF  }
0xc4: {  	(tm) =	ssettm $0x7FFFFFFF  }
0xc5: {  	_ =	shalt  }
tec
execute0_lowered:
.L_overlay_start_1:
0x0: {  	(tag) =	ssettag $0x1  }
0x1: {  	s1 =	srdreg.scid;
	s10 =	rddreg [dreg:$0x0]  }
0x2: {  	s0 =	stileid.u32;
	s12 =	rddreg [dreg:$0x2];
	s14 =	simm.s32 $0x400  }
0x3: {  	s15 =	simm.s32 $0x7A1400;
	s16 =	simm.s32 $0x2000;
	s17 =	simm.s32 $0x4000  }
0x4: {  	s18 =	simm.s32 $0x6000;
	s19 =	simm.s32 $0x1;
	s20 =	simm.s32 $0x8000  }
0x5: {  	s21 =	simm.s32 $0x2;
	s22 =	simm.s32 $0xA000;
	s23 =	simm.s32 $0xC000  }
0x6: {  	s24 =	simm.s32 $0xE000;
	s1 =	sand.u32 $0x1, s1;
	s3 =	sshll.u32 s0, $0x1  }
0x7: {  	s8 =	sadd.s32 $0x180, s10;
	p0 =	sgt.u32 s0, $0x1;
	s25 =	sor.u32 s1, s3  }
0x8: {  	s3 =	simm.s32 $0x0;
	s1 =	ssub.s32 $0x2, s1;
	s4 =	smul.u32 $0xF4, s25  }
0x9: {  	s5 =	smin.u32 s25, $0x4;
	[smem:$0x7FF] =	sst s3;
	s7 =	sshrl.u32 s1, $0x1  }
0xa: {  	p1 =	sne.s32 s25, $0x1F;
	s25 =	simm.s32 $0x0;
	_ =	strace $0x80000047  }
0xb: {  	v0 =	vlaneseq.u32;
	s1 =	ssub.s32 s1, s7;
	s4 =	sadd.s32 s5, s4;
	s5 =	sadd.s32 $0xA00, s12  }
.Ltmp0:
0xc: {  	v1 =	vmul.u32 $0x40, v0;
	v2 =	vor.u32 $0x10, v0;
	v4 =	vor.u32 $0x20, v0;
	s6 =	sshll.u32 s4, $0x7;
	s9 =	sadd.s32 $0xF4, s4;
	(pc) =	sbr.rel .LBB2_1-.Ltmp0, $4  }
0xd: {  	v6 =	vor.u32 $0x30, v0;
	v8 =	vor.u32 $0x40, v0;
	v10 =	vor.u32 $0x50, v0;
	s12 =	sadd.s32 $0x7A1A00, s12;
	s6 =	sadd.s32 s10, s6;
	s11 =	sshll.u32 s9, $0x7  }
0xe: {  	v12 =	vor.u32 $0x60, v0;
	v14 =	vor.u32 $0x70, v0;
	v3 =	vor.u32 $0x400, v1;
	s13 =	sshll.u32 s9, $0xA;
	s7 =	sadd.s32 $0x80, s6;
	s11 =	sand.u32 $0x1FFFFF80, s11  }
0xf: {  	v5 =	vor.u32 $0x800, v1;
	v7 =	vor.u32 $0xC00, v1;
	v9 =	vor.u32 $0x1000, v1;
	s9 =	sadd.s32 $0x100, s6;
	s13 =	sand.u32 $0x1FFFFC00, s13;
	s2 =	sadd.s32 s10, s11  }
0x10: {  	v11 =	vor.u32 $0x1400, v1;
	v13 =	vor.u32 $0x1800, v1;
	v15 =	vor.u32 $0x1C00, v1;
	s11 =	sadd.s32 s5, s13;
	s13 =	smax.u32 s1, $0x1;
	[dreg:$0x4] =	wrdreg s2  }
.LBB2_27:
0x11: {  	s0 =	simm.s32 @!p1 $0x0;
	s1 =	simm.s32 @!p1 $0x8000;
	s2 =	rddreg [dreg:$0x1]  }
0x12: {  	[tilespmem:s1], [sflag:$0x1] =	stream.linear.gather @!p1 [hbm4b:s2+s0], $0x1000, $0x38;
	[tilespmem:$0x10000] =	vst v63  }
0x13: {  	s2 =	simm.s32 @!p1 $0x1  }
0x14: {  	_ =	swait.ge @!p1 [sflag:s2], $0x1000  }
0x15: {  	s25 =	sadd.s32 $0x1, s25;
	[sflag:s2] =	ssyncset.done @!p1 $0x0  }
0x16: {  	p2 =	sne.s32 s25, s13;
	[sflag:s2] =	ssyncadd.s32 @!p1 $0xFFFFF000  }
0x17: {  	[hbm4b:s12+s0] =	stream.linear.scatter @!p1 [tilespmem:s1], [sflag:$0x2], $0x1000, $0x38;
	[tilespmem:$0x10000] =	vst v63  }
.Ltmp1:
0x18: {  	_ = 	snop;
	(pc) =	sbr.rel @!p2 .LBB2_28-.Ltmp1, $4  }
0x19: {  	s0 =	simm.s32 @!p1 $0x2  }
0x1a: {  	_ =	swait.ge @!p1 [sflag:s0], $0x1000  }
0x1b: {  	[sflag:s0] =	ssyncset.done @!p1 $0x0  }
0x1c: {  	[sflag:s0] =	ssyncadd.s32 @!p1 $0xFFFFF000  }
.LBB2_1:
0x1d: {  	[tilespmem:s3], [sflag:$0x1] =	stream.strided.gather [hbm4b:s6+s14], $0x2000, s15, s14, $0x38;
	[tilespmem:$0x10000] =	vst v63  }
0x1e: {  	_ = 	snop  }
0x1f: {  	[tilespmem:s16], [sflag:$0x1] =	stream.strided.gather [hbm4b:s7+s14], $0x2000, s15, s14, $0x38;
	[tilespmem:$0x10000] =	vst v63  }
0x20: {  	s26 =	simm.s32 $0x0  }
0x21: {  	[tilespmem:s17], [sflag:$0x1] =	stream.strided.gather [hbm4b:s9+s14], $0x2000, s15, s14, $0x38;
	[tilespmem:$0x10000] =	vst v63  }
.LBB2_2:
0x22: {  	s29 =	sshll.u32 s26, $0x2  }
0x23: {  	s30 =	sadd.s32 s4, s29  }
0x24: {  	s28 =	simm.s32 $0x0;
	s1 =	sshll.u32 s30, $0x7  }
0x25: {  	s2 =	simm.s32 $0x2;
	v16 =	vadd.s32 s28, v0;
	s1 =	sadd.s32 s1, s8  }
0x26: {  	v37 =	vand.u32 $0x3F, v16;
	[tilespmem:s18], [sflag:$0x1] =	stream.strided.gather [hbm4b:s1+s14], $0x2000, s15, s14, $0x38;
	[tilespmem:$0x10000] =	vst v63  }
0x27: {  	v16 =	vadd.s32 s2, v0;
	v36 =	vshll.u32 v37, $0x7;
	_ =	swait.ge [sflag:s19], $0x2000  }
0x28: {  	p2 =	seq.s32 s26, $0x0;
	s10 =	simm.s32 $0x1;
	v30 =	vand.u32 $0x3F, v16;
	v17 =	vor.u32 v0, v36;
	[sflag:s19] =	ssyncset.done $0x0  }
0x29: {  	s31 =	simm.s32 $0x3;
	s28 =	simm.s32 @!p2 $0x2;
	v16 =	vadd.s32 s10, v0;
	v31 =	vshll.u32 v30, $0x7;
	[sflag:s19] =	ssyncadd.s32 $0xFFFFE000  }
0x2a: {  	v18 =	vadd.s32 s31, v0;
	v34 =	vand.u32 $0x3F, v16;
	v16 =	vor.u32 v0, v31;
	_ =	swait.ge @!p2 [sflag:s28], $0x2000  }
0x2b: {  	v32 =	vand.u32 $0x3F, v18;
	v35 =	vshll.u32 v34, $0x7;
	[sflag:s28] =	ssyncset.done @!p2 $0x0  }
0x2c: {  	v33 =	vshll.u32 v32, $0x7;
	v18 =	vor.u32 v0, v35;
	[sflag:s28] =	ssyncadd.s32 @!p2 $0xFFFFE000  }
0x2d: {  	v20 =	vor.u32 v1, v37;
	v19 =	vor.u32 v0, v33;
	v17 =	vld.idx.msk [tilespmem:v17+s3+$0x0], $0xffff  }
0x2e: {  	v21 =	vor.u32 v2, v36  }
0x2f: {  	v22 =	vor.u32 v1, v30;
	v16 =	vld.idx.msk [tilespmem:v16+s3+$0x0], $0xffff  }
0x30: {  	v23 =	vor.u32 v2, v31  }
0x31: {  	v24 =	vor.u32 v1, v34;
	v18 =	vld.idx.msk [tilespmem:v18+s3+$0x0], $0xffff  }
0x32: {  	v19 =	vld.idx.msk [tilespmem:v19+s3+$0x0], $0xffff;
	[tilespmem:v20+s20+$0x0] =	vst.idx.msk $0xffff, v17;
	v17 =	vor.u32 v1, v32;
	v20 =	vor.u32 v2, v35  }
0x33: {  	v25 =	vor.u32 v3, v37;
	v26 =	vor.u32 v2, v33;
	v21 =	vld.idx.msk [tilespmem:v21+s3+$0x0], $0xffff  }
0x34: {  	[tilespmem:v22+s20+$0x0] =	vst.idx.msk $0xffff, v16;
	v16 =	vor.u32 v4, v36  }
0x35: {  	v22 =	vld.idx.msk [tilespmem:v23+s3+$0x0], $0xffff;
	v23 =	vor.u32 v3, v30  }
0x36: {  	[tilespmem:v24+s20+$0x0] =	vst.idx.msk $0xffff, v18;
	v18 =	vor.u32 v4, v31  }
0x37: {  	[tilespmem:v17+s20+$0x0] =	vst.idx.msk $0xffff, v19;
	v17 =	vld.idx.msk [tilespmem:v20+s3+$0x0], $0xffff;
	v19 =	vor.u32 v3, v34  }
0x38: {  	v24 =	vor.u32 v3, v32;
	[tilespmem:v25+s20+$0x0] =	vst.idx.msk $0xffff, v21;
	v20 =	vld.idx.msk [tilespmem:v26+s3+$0x0], $0xffff;
	v21 =	vor.u32 v4, v35  }
0x39: {  	v26 =	vor.u32 v5, v37;
	v25 =	vld.idx.msk [tilespmem:v16+s3+$0x0], $0xffff  }
0x3a: {  	[tilespmem:v23+s20+$0x0] =	vst.idx.msk $0xffff, v22;
	v22 =	vor.u32 v6, v36  }
0x3b: {  	v38 =	vor.u32 v9, v37;
	v27 =	vor.u32 v5, v30;
	v23 =	vor.u32 v4, v33;
	v18 =	vld.idx.msk [tilespmem:v18+s3+$0x0], $0xffff  }
0x3c: {  	v58 =	vor.u32 v7, v32;
	v50 =	vor.u32 v15, v37;
	[tilespmem:v19+s20+$0x0] =	vst.idx.msk $0xffff, v17  }
0x3d: {  	v62 =	vor.u32 v11, v37;
	v21 =	vld.idx.msk [tilespmem:v21+s3+$0x0], $0xffff;
	[tilespmem:v24+s20+$0x0] =	vst.idx.msk $0xffff, v20;
	v20 =	vor.u32 v5, v34  }
0x3e: {  	v29 =	vor.u32 v10, v36;
	v24 =	vor.u32 v6, v35;
	[tilespmem:v26+s20+$0x0] =	vst.idx.msk $0xffff, v25  }
0x3f: {  	s0 =	simm.s32 $0x4;
	v19 =	vor.u32 v6, v31;
	v25 =	vor.u32 v5, v32;
	v26 =	vor.u32 v7, v37;
	v22 =	vld.idx.msk [tilespmem:v22+s3+$0x0], $0xffff  }
0x40: {  	v28 =	vld.idx.msk [tilespmem:v23+s3+$0x0], $0xffff;
	[tilespmem:v27+s20+$0x0] =	vst.idx.msk $0xffff, v18;
	v27 =	vor.u32 v8, v36;
	v18 =	vadd.s32 s0, v0  }
0x41: {  	v40 =	vor.u32 v7, v30;
	v42 =	vor.u32 v6, v33;
	v18 =	vand.u32 $0x3F, v18  }
0x42: {  	v46 =	vor.u32 v9, v30;
	v48 =	vor.u32 v8, v33;
	v23 =	vshll.u32 v18, $0x7;
	[tilespmem:v20+s20+$0x0] =	vst.idx.msk $0xffff, v21  }
0x43: {  	s2 =	simm.s32 $0x5;
	v54 =	vor.u32 v12, v36;
	v39 =	vor.u32 v7, v34;
	v44 =	vor.u32 v0, v23;
	v43 =	vld.idx.msk [tilespmem:v24+s3+$0x0], $0xffff  }
0x44: {  	s10 =	simm.s32 $0x6;
	v41 =	vor.u32 v8, v35;
	v19 =	vld.idx.msk [tilespmem:v19+s3+$0x0], $0xffff;
	v20 =	vadd.s32 s2, v0;
	[tilespmem:v26+s20+$0x0] =	vst.idx.msk $0xffff, v22  }
0x45: {  	s28 =	simm.s32 $0x7;
	v21 =	vor.u32 v8, v31;
	v20 =	vand.u32 $0x3F, v20;
	[tilespmem:v25+s20+$0x0] =	vst.idx.msk $0xffff, v28;
	v22 =	vadd.s32 s10, v0;
	v28 =	vld.idx.msk [tilespmem:v27+s3+$0x0], $0xffff  }
0x46: {  	v24 =	vadd.s32 s28, v0;
	v26 =	vand.u32 $0x3F, v22;
	v27 =	vshll.u32 v20, $0x7  }
0x47: {  	v25 =	vand.u32 $0x3F, v24;
	v63 =	vld.idx.msk [tilespmem:v42+s3+$0x0], $0xffff;
	v24 =	vshll.u32 v26, $0x7;
	v57 =	vor.u32 v0, v27  }
0x48: {  	v47 =	vor.u32 v9, v34;
	v59 =	vld.idx.msk [tilespmem:v44+s3+$0x0], $0xffff;
	v45 =	vor.u32 v0, v24;
	[tilespmem:v39+s20+$0x0] =	vst.idx.msk $0xffff, v43  }
0x49: {  	v52 =	vor.u32 v10, v35;
	v22 =	vshll.u32 v25, $0x7;
	[tilespmem:v40+s20+$0x0] =	vst.idx.msk $0xffff, v19;
	v41 =	vld.idx.msk [tilespmem:v41+s3+$0x0], $0xffff  }
0x4a: {  	v60 =	vor.u32 v1, v18;
	v49 =	vor.u32 v0, v22;
	v40 =	vld.idx.msk [tilespmem:v21+s3+$0x0], $0xffff;
	[tilespmem:v38+s20+$0x0] =	vst.idx.msk $0xffff, v28  }
0x4b: {  	v16 =	vor.u32 v15, v32;
	v17 =	vor.u32 v15, v30;
	v61 =	vor.u32 v2, v23;
	v51 =	vld.idx.msk [tilespmem:v29+s3+$0x0], $0xffff  }
0x4c: {  	v37 =	vor.u32 v13, v37;
	v36 =	vor.u32 v14, v36;
	v19 =	vor.u32 v15, v26;
	v42 =	vld.idx.msk [tilespmem:v57+s3+$0x0], $0xffff  }
0x4d: {  	v53 =	vor.u32 v1, v26;
	v55 =	vor.u32 v2, v27;
	[tilespmem:v58+s20+$0x0] =	vst.idx.msk $0xffff, v63;
	v45 =	vld.idx.msk [tilespmem:v45+s3+$0x0], $0xffff  }
0x4e: {  	v39 =	vor.u32 v1, v20;
	v63 =	vor.u32 v2, v24;
	[tilespmem:v47+s20+$0x0] =	vst.idx.msk $0xffff, v41;
	v41 =	vld.idx.msk [tilespmem:v48+s3+$0x0], $0xffff  }
0x4f: {  	[tilespmem:v60+s20+$0x0] =	vst.idx.msk $0xffff, v59;
	v47 =	vld.idx.msk [tilespmem:v49+s3+$0x0], $0xffff;
	v48 =	vor.u32 v10, v31;
	v49 =	vor.u32 v9, v32  }
0x50: {  	v21 =	vor.u32 v15, v25;
	v57 =	vor.u32 v1, v25;
	[tilespmem:v46+s20+$0x0] =	vst.idx.msk $0xffff, v40;
	v40 =	vld.idx.msk [tilespmem:v61+s3+$0x0], $0xffff  }
0x51: {  	v58 =	vor.u32 v10, v33;
	v60 =	vor.u32 v3, v18;
	v44 =	vld.idx.msk [tilespmem:v52+s3+$0x0], $0xffff;
	[tilespmem:v62+s20+$0x0] =	vst.idx.msk $0xffff, v51  }
0x52: {  	v59 =	vor.u32 v11, v34;
	v61 =	vor.u32 v2, v22;
	[tilespmem:v53+s20+$0x0] =	vst.idx.msk $0xffff, v45;
	v53 =	vld.idx.msk [tilespmem:v54+s3+$0x0], $0xffff  }
0x53: {  	v43 =	vor.u32 v12, v35;
	v62 =	vor.u32 v4, v23;
	[tilespmem:v39+s20+$0x0] =	vst.idx.msk $0xffff, v42;
	v39 =	vld.idx.msk [tilespmem:v63+s3+$0x0], $0xffff  }
0x54: {  	v35 =	vor.u32 v14, v35;
	v63 =	vor.u32 v3, v26;
	v48 =	vld.idx.msk [tilespmem:v48+s3+$0x0], $0xffff;
	[tilespmem:v49+s20+$0x0] =	vst.idx.msk $0xffff, v41  }
0x55: {  	v41 =	vor.u32 v4, v24;
	[tilespmem:v57+s20+$0x0] =	vst.idx.msk $0xffff, v47;
	v57 =	vor.u32 v11, v30;
	v49 =	vld.idx.msk [tilespmem:v55+s3+$0x0], $0xffff  }
0x56: {  	v28 =	vor.u32 v15, v34;
	[tilespmem:v60+s20+$0x0] =	vst.idx.msk $0xffff, v40;
	v47 =	vld.idx.msk [tilespmem:v58+s3+$0x0], $0xffff;
	v58 =	vor.u32 v11, v32  }
0x57: {  	v60 =	vor.u32 v12, v31;
	[tilespmem:v59+s20+$0x0] =	vst.idx.msk $0xffff, v44;
	v59 =	vor.u32 v3, v20;
	v45 =	vld.idx.msk [tilespmem:v61+s3+$0x0], $0xffff  }
0x58: {  	v52 =	vor.u32 v4, v27;
	v61 =	vor.u32 v3, v25;
	v51 =	vld.idx.msk [tilespmem:v62+s3+$0x0], $0xffff;
	[tilespmem:v37+s20+$0x0] =	vst.idx.msk $0xffff, v53  }
0x59: {  	v62 =	vor.u32 v5, v18;
	v42 =	vld.idx.msk [tilespmem:v43+s3+$0x0], $0xffff;
	[tilespmem:v63+s20+$0x0] =	vst.idx.msk $0xffff, v39;
	v63 =	vor.u32 v4, v22  }
0x5a: {  	v43 =	vor.u32 v6, v23;
	v53 =	vor.u32 v13, v34;
	v41 =	vld.idx.msk [tilespmem:v41+s3+$0x0], $0xffff;
	[tilespmem:v57+s20+$0x0] =	vst.idx.msk $0xffff, v48  }
0x5b: {  	v38 =	vor.u32 v5, v26;
	v29 =	vor.u32 v14, v33;
	v57 =	vld.idx.msk [tilespmem:v36+s3+$0x0], $0xffff;
	[tilespmem:v58+s20+$0x0] =	vst.idx.msk $0xffff, v47  }
0x5c: {  	[tilespmem:v59+s20+$0x0] =	vst.idx.msk $0xffff, v49;
	v58 =	vor.u32 v6, v24;
	v59 =	vld.idx.msk [tilespmem:v60+s3+$0x0], $0xffff;
	v60 =	vor.u32 v12, v33  }
0x5d: {  	[tilespmem:v61+s20+$0x0] =	vst.idx.msk $0xffff, v45;
	v61 =	vor.u32 v13, v30;
	v30 =	vor.u32 v13, v32;
	v52 =	vld.idx.msk [tilespmem:v52+s3+$0x0], $0xffff  }
0x5e: {  	[tilespmem:v62+s20+$0x0] =	vst.idx.msk $0xffff, v51;
	v62 =	vor.u32 v5, v20;
	v32 =	vld.idx.msk [tilespmem:v63+s3+$0x0], $0xffff;
	v63 =	vor.u32 v14, v31  }
0x5f: {  	v46 =	vor.u32 v7, v26;
	v33 =	vld.idx.msk [tilespmem:v43+s3+$0x0], $0xffff;
	[tilespmem:v53+s20+$0x0] =	vst.idx.msk $0xffff, v42;
	v31 =	vor.u32 v6, v27  }
0x60: {  	v34 =	vor.u32 v5, v25;
	v37 =	vor.u32 v10, v23;
	v39 =	vld.idx.msk [tilespmem:v35+s3+$0x0], $0xffff;
	[tilespmem:v38+s20+$0x0] =	vst.idx.msk $0xffff, v41  }
0x61: {  	v36 =	vor.u32 v7, v18;
	v45 =	vor.u32 v8, v23;
	[tilespmem:v50+s20+$0x0] =	vst.idx.msk $0xffff, v57;
	v44 =	vld.idx.msk [tilespmem:v58+s3+$0x0], $0xffff  }
0x62: {  	v47 =	vor.u32 v8, v24;
	v42 =	vor.u32 v7, v20;
	[tilespmem:v61+s20+$0x0] =	vst.idx.msk $0xffff, v59;
	v40 =	vld.idx.msk [tilespmem:v60+s3+$0x0], $0xffff  }
0x63: {  	s31 =	simm.s32 $0x8;
	s28 =	sshllo.u32 s26, $0x2;
	v43 =	vor.u32 v8, v27;
	v41 =	vor.u32 v9, v18;
	[tilespmem:v62+s20+$0x0] =	vst.idx.msk $0xffff, v52;
	v38 =	vld.idx.msk [tilespmem:v63+s3+$0x0], $0xffff  }
.LBB2_3:
0x64: {  	v48 =	vadd.s32 s31, v0;
	s0 =	sadd.s32 $0x1, s31;
	v49 =	vld.idx.msk [tilespmem:v31+s3+$0x0], $0xffff;
	v50 =	vor.u32 v6, v22;
	v51 =	vmov v18  }
0x65: {  	s2 =	sadd.s32 $0x3, s31;
	[tilespmem:v34+s20+$0x0] =	vst.idx.msk $0xffff, v32;
	v52 =	vmovc v23;
	v35 =	vmovc v20;
	v31 =	vmov v26;
	v32 =	vmov v25;
	v34 =	vmov v27;
	s10 =	smov.u32 s31;
	s1 =	sadd.s32 $0x4, s31  }
0x66: {  	p3 =	slt.u32 s31, $0x3C;
	v18 =	vand.u32 $0x3F, v48;
	v20 =	vadd.s32 s0, v0;
	s0 =	sadd.s32 $0x2, s10;
	v25 =	vadd.s32 s2, v0;
	[tilespmem:v36+s20+$0x0] =	vst.idx.msk $0xffff, v33;
	v33 =	vmovc v24;
	v36 =	vmovc v22  }
0x67: {  	v23 =	vshll.u32 v18, $0x7;
	v20 =	vand.u32 $0x3F, v20;
	v22 =	vadd.s32 s0, v0;
	v45 =	vld.idx.msk [tilespmem:v45+s3+$0x0], $0xffff;
	[tilespmem:v28+s20+$0x0] =	vst.idx.msk $0xffff, v39;
	v39 =	vmovc v16  }
0x68: {  	v25 =	vand.u32 $0x3F, v25;
	v16 =	vmovc v21;
	v28 =	vor.u32 v0, v23;
	v26 =	vand.u32 $0x3F, v22;
	[tilespmem:v46+s20+$0x0] =	vst.idx.msk $0xffff, v44  }
0x69: {  	v27 =	vshll.u32 v20, $0x7;
	v22 =	vshll.u32 v25, $0x7;
	v24 =	vshll.u32 v26, $0x7;
	v44 =	vld.idx.msk [tilespmem:v47+s3+$0x0], $0xffff;
	[tilespmem:v30+s20+$0x0] =	vst.idx.msk $0xffff, v40  }
0x6a: {  	v40 =	vor.u32 v9, v31;
	v30 =	vor.u32 v0, v24;
	[tilespmem:v17+s20+$0x0] =	vst.idx.msk $0xffff, v38;
	v29 =	vld.idx.msk [tilespmem:v29+s3+$0x0], $0xffff  }
0x6b: {  	v21 =	vor.u32 v15, v25;
	v38 =	vor.u32 v15, v26;
	[tilespmem:v42+s20+$0x0] =	vst.idx.msk $0xffff, v49;
	v42 =	vld.idx.msk [tilespmem:v50+s3+$0x0], $0xffff  }
0x6c: {  	v48 =	vor.u32 v7, v32;
	v46 =	vor.u32 v0, v27;
	v47 =	vor.u32 v9, v35;
	v43 =	vld.idx.msk [tilespmem:v43+s3+$0x0], $0xffff  }
0x6d: {  	v17 =	vmov v19;
	v49 =	vor.u32 v0, v22;
	[tilespmem:v41+s20+$0x0] =	vst.idx.msk $0xffff, v45;
	v41 =	vor.u32 v8, v36  }
0x6e: {  	v50 =	vor.u32 v15, v51;
	v19 =	vmov v38;
	v45 =	vld.idx.msk [tilespmem:v28+s3+$0x0], $0xffff;
	v28 =	vor.u32 v15, v35  }
0x6f: {  	v53 =	vor.u32 v10, v34;
	v38 =	vor.u32 v1, v18;
	v37 =	vld.idx.msk [tilespmem:v37+s3+$0x0], $0xffff;
	[tilespmem:v40+s20+$0x0] =	vst.idx.msk $0xffff, v44  }
0x70: {  	v40 =	vor.u32 v2, v23;
	v44 =	vor.u32 v11, v51;
	v30 =	vld.idx.msk [tilespmem:v30+s3+$0x0], $0xffff;
	[tilespmem:v39+s20+$0x0] =	vst.idx.msk $0xffff, v29  }
0x71: {  	v54 =	vor.u32 v12, v52;
	v39 =	vld.idx.msk [tilespmem:v46+s3+$0x0], $0xffff;
	v46 =	vor.u32 v1, v26;
	[tilespmem:v48+s20+$0x0] =	vst.idx.msk $0xffff, v42  }
0x72: {  	v42 =	vor.u32 v1, v20;
	v48 =	vor.u32 v2, v24;
	[tilespmem:v47+s20+$0x0] =	vst.idx.msk $0xffff, v43;
	v41 =	vld.idx.msk [tilespmem:v41+s3+$0x0], $0xffff  }
0x73: {  	v29 =	vor.u32 v14, v36;
	v47 =	vor.u32 v10, v33;
	v43 =	vld.idx.msk [tilespmem:v49+s3+$0x0], $0xffff;
	v49 =	vor.u32 v9, v32  }
0x74: {  	[tilespmem:v38+s20+$0x0] =	vst.idx.msk $0xffff, v45;
	v38 =	vor.u32 v1, v25;
	v45 =	vld.idx.msk [tilespmem:v53+s3+$0x0], $0xffff;
	v53 =	vor.u32 v10, v36  }
0x75: {  	v55 =	vor.u32 v2, v27;
	v40 =	vld.idx.msk [tilespmem:v40+s3+$0x0], $0xffff;
	[tilespmem:v44+s20+$0x0] =	vst.idx.msk $0xffff, v37;
	v37 =	vor.u32 v11, v35  }
0x76: {  	v44 =	vor.u32 v3, v18;
	[tilespmem:v46+s20+$0x0] =	vst.idx.msk $0xffff, v30;
	v30 =	vor.u32 v2, v22;
	v46 =	vld.idx.msk [tilespmem:v54+s3+$0x0], $0xffff  }
0x77: {  	v54 =	vor.u32 v4, v23;
	[tilespmem:v42+s20+$0x0] =	vst.idx.msk $0xffff, v39;
	v39 =	vld.idx.msk [tilespmem:v48+s3+$0x0], $0xffff;
	v42 =	vor.u32 v13, v51  }
0x78: {  	v48 =	vor.u32 v3, v26;
	v51 =	vor.u32 v12, v34;
	v47 =	vld.idx.msk [tilespmem:v47+s3+$0x0], $0xffff;
	[tilespmem:v49+s20+$0x0] =	vst.idx.msk $0xffff, v41  }
0x79: {  	v41 =	vor.u32 v4, v24;
	[tilespmem:v38+s20+$0x0] =	vst.idx.msk $0xffff, v43;
	v38 =	vor.u32 v11, v31;
	v43 =	vld.idx.msk [tilespmem:v53+s3+$0x0], $0xffff  }
0x7a: {  	v52 =	vor.u32 v14, v52;
	v49 =	vld.idx.msk [tilespmem:v55+s3+$0x0], $0xffff;
	[tilespmem:v37+s20+$0x0] =	vst.idx.msk $0xffff, v45;
	v37 =	vor.u32 v11, v32  }
0x7b: {  	[tilespmem:v44+s20+$0x0] =	vst.idx.msk $0xffff, v40;
	v40 =	vor.u32 v3, v20;
	v30 =	vld.idx.msk [tilespmem:v30+s3+$0x0], $0xffff;
	v44 =	vor.u32 v12, v33  }
0x7c: {  	v53 =	vor.u32 v4, v27;
	v45 =	vld.idx.msk [tilespmem:v54+s3+$0x0], $0xffff;
	v54 =	vor.u32 v3, v25;
	[tilespmem:v42+s20+$0x0] =	vst.idx.msk $0xffff, v46  }
0x7d: {  	v42 =	vor.u32 v5, v18;
	[tilespmem:v48+s20+$0x0] =	vst.idx.msk $0xffff, v39;
	v39 =	vor.u32 v4, v22;
	v46 =	vld.idx.msk [tilespmem:v51+s3+$0x0], $0xffff  }
0x7e: {  	v35 =	vor.u32 v13, v35;
	v48 =	vor.u32 v6, v23;
	v41 =	vld.idx.msk [tilespmem:v41+s3+$0x0], $0xffff;
	[tilespmem:v38+s20+$0x0] =	vst.idx.msk $0xffff, v47  }
0x7f: {  	v51 =	vor.u32 v14, v34;
	v38 =	vor.u32 v5, v26;
	v47 =	vld.idx.msk [tilespmem:v52+s3+$0x0], $0xffff;
	[tilespmem:v37+s20+$0x0] =	vst.idx.msk $0xffff, v43  }
0x80: {  	[tilespmem:v40+s20+$0x0] =	vst.idx.msk $0xffff, v49;
	v40 =	vor.u32 v6, v24;
	v43 =	vld.idx.msk [tilespmem:v44+s3+$0x0], $0xffff;
	v49 =	vor.u32 v12, v36  }
0x81: {  	v52 =	vld.idx.msk [tilespmem:v53+s3+$0x0], $0xffff;
	[tilespmem:v54+s20+$0x0] =	vst.idx.msk $0xffff, v30;
	v53 =	vor.u32 v13, v31;
	v30 =	vor.u32 v13, v32  }
0x82: {  	v55 =	vor.u32 v14, v33;
	v54 =	vor.u32 v5, v20;
	[tilespmem:v42+s20+$0x0] =	vst.idx.msk $0xffff, v45;
	v32 =	vld.idx.msk [tilespmem:v39+s3+$0x0], $0xffff  }
.Ltmp2:
0x83: {  	v34 =	vor.u32 v5, v25;
	v31 =	vor.u32 v6, v27;
	v33 =	vld.idx.msk [tilespmem:v48+s3+$0x0], $0xffff;
	[tilespmem:v35+s20+$0x0] =	vst.idx.msk $0xffff, v46;
	(pc) =	sbr.rel @p3 .LBB2_3-.Ltmp2, $4  }
0x84: {  	v37 =	vor.u32 v10, v23;
	v36 =	vor.u32 v7, v18;
	[tilespmem:v38+s20+$0x0] =	vst.idx.msk $0xffff, v41;
	v39 =	vld.idx.msk [tilespmem:v51+s3+$0x0], $0xffff  }
0x85: {  	v45 =	vor.u32 v8, v23;
	v41 =	vor.u32 v9, v18;
	v44 =	vld.idx.msk [tilespmem:v40+s3+$0x0], $0xffff;
	[tilespmem:v50+s20+$0x0] =	vst.idx.msk $0xffff, v47  }
0x86: {  	v42 =	vor.u32 v7, v20;
	v46 =	vor.u32 v7, v26;
	[tilespmem:v53+s20+$0x0] =	vst.idx.msk $0xffff, v43;
	v40 =	vld.idx.msk [tilespmem:v49+s3+$0x0], $0xffff  }
0x87: {  	s31 =	smov.u32 s1;
	v47 =	vor.u32 v8, v24;
	v43 =	vor.u32 v8, v27;
	[tilespmem:v54+s20+$0x0] =	vst.idx.msk $0xffff, v52;
	v38 =	vld.idx.msk [tilespmem:v55+s3+$0x0], $0xffff  }
0x88: {  	v35 =	vor.u32 v6, v22;
	_ =	sdelay $0x3  }
0x89: {  	v31 =	vld.idx.msk [tilespmem:v31+s3+$0x0], $0xffff;
	[tilespmem:v34+s20+$0x0] =	vst.idx.msk $0xffff, v32  }
0x8a: {  	v52 =	vor.u32 v7, v25;
	v32 =	vld.idx.msk [tilespmem:v35+s3+$0x0], $0xffff  }
0x8b: {  	v53 =	vor.u32 v8, v22  }
0x8c: {  	[tilespmem:v36+s20+$0x0] =	vst.idx.msk $0xffff, v33  }
0x8d: {  	v33 =	vld.idx.msk [tilespmem:v45+s3+$0x0], $0xffff;
	[tilespmem:v46+s20+$0x0] =	vst.idx.msk $0xffff, v44  }
0x8e: {  	v56 =	vor.u32 v9, v26;
	v55 =	vld.idx.msk [tilespmem:v47+s3+$0x0], $0xffff;
	[tilespmem:v42+s20+$0x0] =	vst.idx.msk $0xffff, v31  }
0x8f: {  	v54 =	vor.u32 v9, v20;
	v58 =	vor.u32 v10, v24;
	v31 =	vld.idx.msk [tilespmem:v43+s3+$0x0], $0xffff;
	[tilespmem:v52+s20+$0x0] =	vst.idx.msk $0xffff, v32  }
0x90: {  	v57 =	vor.u32 v10, v27;
	v59 =	vor.u32 v9, v25;
	v32 =	vld.idx.msk [tilespmem:v53+s3+$0x0], $0xffff  }
0x91: {  	v60 =	vor.u32 v10, v22  }
0x92: {  	[tilespmem:v41+s20+$0x0] =	vst.idx.msk $0xffff, v33  }
0x93: {  	v61 =	vor.u32 v11, v18;
	v33 =	vld.idx.msk [tilespmem:v37+s3+$0x0], $0xffff;
	[tilespmem:v56+s20+$0x0] =	vst.idx.msk $0xffff, v55  }
0x94: {  	v62 =	vor.u32 v12, v23;
	v49 =	vor.u32 v11, v26;
	v34 =	vld.idx.msk [tilespmem:v58+s3+$0x0], $0xffff;
	[tilespmem:v54+s20+$0x0] =	vst.idx.msk $0xffff, v31  }
0x95: {  	v63 =	vor.u32 v11, v20;
	v51 =	vor.u32 v12, v24;
	v36 =	vld.idx.msk [tilespmem:v57+s3+$0x0], $0xffff;
	[tilespmem:v59+s20+$0x0] =	vst.idx.msk $0xffff, v32  }
0x96: {  	v48 =	vor.u32 v12, v27;
	v50 =	vor.u32 v11, v25;
	v35 =	vld.idx.msk [tilespmem:v60+s3+$0x0], $0xffff  }
0x97: {  	v52 =	vor.u32 v12, v22  }
0x98: {  	[tilespmem:v61+s20+$0x0] =	vst.idx.msk $0xffff, v33  }
0x99: {  	v53 =	vor.u32 v13, v18;
	v31 =	vld.idx.msk [tilespmem:v62+s3+$0x0], $0xffff;
	[tilespmem:v49+s20+$0x0] =	vst.idx.msk $0xffff, v34  }
0x9a: {  	v54 =	vor.u32 v14, v23;
	v57 =	vor.u32 v13, v26;
	v32 =	vld.idx.msk [tilespmem:v51+s3+$0x0], $0xffff;
	[tilespmem:v63+s20+$0x0] =	vst.idx.msk $0xffff, v36  }
0x9b: {  	v55 =	vor.u32 v13, v20;
	v59 =	vor.u32 v14, v24;
	v36 =	vld.idx.msk [tilespmem:v48+s3+$0x0], $0xffff;
	[tilespmem:v50+s20+$0x0] =	vst.idx.msk $0xffff, v35  }
0x9c: {  	[tilespmem:v28+s20+$0x0] =	vst.idx.msk $0xffff, v39;
	v56 =	vor.u32 v14, v27;
	v58 =	vor.u32 v13, v25;
	v60 =	vld.idx.msk [tilespmem:v52+s3+$0x0], $0xffff  }
0x9d: {  	[tilespmem:v30+s20+$0x0] =	vst.idx.msk $0xffff, v40;
	v61 =	vor.u32 v14, v22  }
0x9e: {  	v29 =	vld.idx.msk [tilespmem:v29+s3+$0x0], $0xffff;
	[tilespmem:v53+s20+$0x0] =	vst.idx.msk $0xffff, v31  }
0x9f: {  	v62 =	vor.u32 v15, v18;
	v23 =	vld.idx.msk [tilespmem:v54+s3+$0x0], $0xffff;
	[tilespmem:v57+s20+$0x0] =	vst.idx.msk $0xffff, v32  }
0xa0: {  	v24 =	vld.idx.msk [tilespmem:v59+s3+$0x0], $0xffff;
	[tilespmem:v55+s20+$0x0] =	vst.idx.msk $0xffff, v36  }
0xa1: {  	v63 =	vor.u32 v15, v20;
	v27 =	vld.idx.msk [tilespmem:v56+s3+$0x0], $0xffff;
	[tilespmem:v58+s20+$0x0] =	vst.idx.msk $0xffff, v60  }
0xa2: {  	[tilespmem:v17+s20+$0x0] =	vst.idx.msk $0xffff, v38;
	v17 =	vld.idx.msk [tilespmem:v61+s3+$0x0], $0xffff  }
0xa3: {  	p3 =	sne.s32 s26, $0x3C;
	[tilespmem:v16+s20+$0x0] =	vst.idx.msk $0xffff, v29  }
.Ltmp3:
0xa4: {  	[tilespmem:v62+s20+$0x0] =	vst.idx.msk $0xffff, v23;
	(pc) =	sbr.rel @p3 .LBB2_6-.Ltmp3, $4  }
0xa5: {  	s0 =	sshll.u32 s30, $0xA;
	[tilespmem:v19+s20+$0x0] =	vst.idx.msk $0xffff, v24  }
0xa6: {  	s29 =	sadd.s32 s29, s4;
	s0 =	sand.u32 $0x1FFFFC00, s0;
	[tilespmem:v63+s20+$0x0] =	vst.idx.msk $0xffff, v27  }
0xa7: {  	s30 =	sadd.s32 $0x1, s29;
	s0 =	sadd.s32 s5, s0;
	[tilespmem:v21+s20+$0x0] =	vst.idx.msk $0xffff, v17  }
0xa8: {  	[hbm4b:s0+s3] =	stream.linear.scatter [tilespmem:s20], [sflag:$0x2], $0x2000, $0x38;
	[tilespmem:$0x10000] =	vst v63  }
.Ltmp4:
0xa9: {  	(pc) =	sbr.rel .LBB2_7-.Ltmp4, $4  }
0xaa: {  	_ = 	snop  }
0xab: {  	_ =	swait.ge [sflag:s19], $0x2000  }
0xac: {  	[sflag:s19] =	ssyncset.done $0x0  }
0xad: {  	[sflag:s19] =	ssyncadd.s32 $0xFFFFE000  }
.LBB2_6:
0xae: {  	s0 =	sshll.u32 s30, $0x7  }
.Ltmp5:
0xaf: {  	s0 =	sadd.s32 s0, s8;
	(pc) =	sbr.rel @p2 .LBB2_8-.Ltmp5, $4  }
0xb0: {  	[tilespmem:s3], [sflag:$0x1] =	stream.strided.gather [hbm4b:s0+s14], $0x2000, s15, s14, $0x38;
	[tilespmem:$0x10000] =	vst v63  }
0xb1: {  	_ =	swait.ge [sflag:s19], $0x2000  }
0xb2: {  	[sflag:s19] =	ssyncset.done $0x0  }
0xb3: {  	[sflag:s19] =	ssyncadd.s32 $0xFFFFE000  }
.LBB2_7:
0xb4: {  	_ =	swait.ge [sflag:s21], $0x2000  }
0xb5: {  	[sflag:s21] =	ssyncset.done $0x0  }
0xb6: {  	[sflag:s21] =	ssyncadd.s32 $0xFFFFE000  }
.LBB2_8:
0xb7: {  	s0 =	simm.s32 $0x0  }
0xb8: {  	v16 =	vadd.s32 s0, v0  }
0xb9: {  	s10 =	simm.s32 $0x2;
	v37 =	vand.u32 $0x3F, v16  }
0xba: {  	v16 =	vadd.s32 s10, v0;
	v36 =	vshll.u32 v37, $0x7  }
0xbb: {  	s31 =	simm.s32 $0x1;
	v31 =	vand.u32 $0x3F, v16;
	v17 =	vor.u32 v0, v36  }
0xbc: {  	s1 =	simm.s32 $0x3;
	v16 =	vadd.s32 s31, v0;
	v30 =	vshll.u32 v31, $0x7  }
0xbd: {  	v18 =	vadd.s32 s1, v0;
	v35 =	vand.u32 $0x3F, v16;
	v16 =	vor.u32 v0, v30  }
0xbe: {  	v32 =	vand.u32 $0x3F, v18;
	v34 =	vshll.u32 v35, $0x7  }
0xbf: {  	v33 =	vshll.u32 v32, $0x7;
	v18 =	vor.u32 v0, v34  }
0xc0: {  	v20 =	vor.u32 v1, v37;
	v19 =	vor.u32 v0, v33;
	v17 =	vld.idx.msk [tilespmem:v17+s16+$0x0], $0xffff  }
0xc1: {  	v21 =	vor.u32 v2, v36  }
0xc2: {  	v22 =	vor.u32 v1, v31;
	v16 =	vld.idx.msk [tilespmem:v16+s16+$0x0], $0xffff  }
0xc3: {  	v23 =	vor.u32 v2, v30  }
0xc4: {  	v24 =	vor.u32 v1, v35;
	v18 =	vld.idx.msk [tilespmem:v18+s16+$0x0], $0xffff  }
0xc5: {  	v19 =	vld.idx.msk [tilespmem:v19+s16+$0x0], $0xffff;
	[tilespmem:v20+s22+$0x0] =	vst.idx.msk $0xffff, v17;
	v17 =	vor.u32 v1, v32;
	v20 =	vor.u32 v2, v34  }
0xc6: {  	v25 =	vor.u32 v3, v37;
	v26 =	vor.u32 v2, v33;
	v21 =	vld.idx.msk [tilespmem:v21+s16+$0x0], $0xffff  }
0xc7: {  	[tilespmem:v22+s22+$0x0] =	vst.idx.msk $0xffff, v16;
	v16 =	vor.u32 v4, v36  }
0xc8: {  	v22 =	vld.idx.msk [tilespmem:v23+s16+$0x0], $0xffff;
	v23 =	vor.u32 v3, v31  }
0xc9: {  	[tilespmem:v24+s22+$0x0] =	vst.idx.msk $0xffff, v18;
	v18 =	vor.u32 v4, v30  }
0xca: {  	[tilespmem:v17+s22+$0x0] =	vst.idx.msk $0xffff, v19;
	v17 =	vld.idx.msk [tilespmem:v20+s16+$0x0], $0xffff;
	v19 =	vor.u32 v3, v35  }
0xcb: {  	v24 =	vor.u32 v3, v32;
	[tilespmem:v25+s22+$0x0] =	vst.idx.msk $0xffff, v21;
	v20 =	vld.idx.msk [tilespmem:v26+s16+$0x0], $0xffff;
	v21 =	vor.u32 v4, v34  }
0xcc: {  	v26 =	vor.u32 v5, v37;
	v25 =	vld.idx.msk [tilespmem:v16+s16+$0x0], $0xffff  }
0xcd: {  	[tilespmem:v23+s22+$0x0] =	vst.idx.msk $0xffff, v22;
	v22 =	vor.u32 v6, v36  }
0xce: {  	v27 =	vor.u32 v5, v31;
	v23 =	vor.u32 v4, v33;
	v18 =	vld.idx.msk [tilespmem:v18+s16+$0x0], $0xffff  }
0xcf: {  	v38 =	vor.u32 v9, v37;
	v58 =	vor.u32 v7, v32;
	[tilespmem:v19+s22+$0x0] =	vst.idx.msk $0xffff, v17  }
0xd0: {  	v19 =	vor.u32 v6, v30;
	v21 =	vld.idx.msk [tilespmem:v21+s16+$0x0], $0xffff;
	[tilespmem:v24+s22+$0x0] =	vst.idx.msk $0xffff, v20;
	v20 =	vor.u32 v5, v35  }
0xd1: {  	v50 =	vor.u32 v15, v37;
	v24 =	vor.u32 v6, v34;
	[tilespmem:v26+s22+$0x0] =	vst.idx.msk $0xffff, v25  }
0xd2: {  	v62 =	vor.u32 v11, v37;
	v29 =	vor.u32 v10, v36;
	v26 =	vor.u32 v7, v37;
	v22 =	vld.idx.msk [tilespmem:v22+s16+$0x0], $0xffff  }
0xd3: {  	v25 =	vor.u32 v5, v32;
	v28 =	vld.idx.msk [tilespmem:v23+s16+$0x0], $0xffff;
	[tilespmem:v27+s22+$0x0] =	vst.idx.msk $0xffff, v18;
	v27 =	vor.u32 v8, v36  }
0xd4: {  	s1 =	simm.s32 $0x4;
	v40 =	vor.u32 v7, v31;
	v42 =	vor.u32 v6, v33;
	v46 =	vor.u32 v9, v31  }
0xd5: {  	v48 =	vor.u32 v8, v33;
	v18 =	vadd.s32 s1, v0;
	v19 =	vld.idx.msk [tilespmem:v19+s16+$0x0], $0xffff;
	[tilespmem:v20+s22+$0x0] =	vst.idx.msk $0xffff, v21  }
0xd6: {  	s2 =	simm.s32 $0x5;
	v39 =	vor.u32 v7, v35;
	v18 =	vand.u32 $0x3F, v18;
	v21 =	vor.u32 v8, v30;
	v43 =	vld.idx.msk [tilespmem:v24+s16+$0x0], $0xffff  }
0xd7: {  	s31 =	simm.s32 $0x6;
	v41 =	vor.u32 v8, v34;
	v23 =	vshll.u32 v18, $0x7;
	v20 =	vadd.s32 s2, v0;
	[tilespmem:v26+s22+$0x0] =	vst.idx.msk $0xffff, v22  }
0xd8: {  	s10 =	simm.s32 $0x7;
	v44 =	vor.u32 v0, v23;
	v20 =	vand.u32 $0x3F, v20;
	[tilespmem:v25+s22+$0x0] =	vst.idx.msk $0xffff, v28;
	v22 =	vadd.s32 s31, v0;
	v28 =	vld.idx.msk [tilespmem:v27+s16+$0x0], $0xffff  }
0xd9: {  	v24 =	vadd.s32 s10, v0;
	v26 =	vand.u32 $0x3F, v22;
	v27 =	vshll.u32 v20, $0x7  }
0xda: {  	v25 =	vand.u32 $0x3F, v24;
	v63 =	vld.idx.msk [tilespmem:v42+s16+$0x0], $0xffff;
	[tilespmem:v40+s22+$0x0] =	vst.idx.msk $0xffff, v19;
	v24 =	vshll.u32 v26, $0x7;
	v57 =	vor.u32 v0, v27  }
0xdb: {  	v54 =	vor.u32 v12, v36;
	v40 =	vld.idx.msk [tilespmem:v21+s16+$0x0], $0xffff;
	v45 =	vor.u32 v0, v24;
	[tilespmem:v39+s22+$0x0] =	vst.idx.msk $0xffff, v43  }
0xdc: {  	v47 =	vor.u32 v9, v35;
	v52 =	vor.u32 v10, v34;
	v22 =	vshll.u32 v25, $0x7;
	v41 =	vld.idx.msk [tilespmem:v41+s16+$0x0], $0xffff  }
0xdd: {  	v60 =	vor.u32 v1, v18;
	v49 =	vor.u32 v0, v22;
	v59 =	vld.idx.msk [tilespmem:v44+s16+$0x0], $0xffff;
	[tilespmem:v38+s22+$0x0] =	vst.idx.msk $0xffff, v28  }
0xde: {  	v16 =	vor.u32 v15, v32;
	v17 =	vor.u32 v15, v31;
	v61 =	vor.u32 v2, v23;
	v51 =	vld.idx.msk [tilespmem:v29+s16+$0x0], $0xffff  }
0xdf: {  	v37 =	vor.u32 v13, v37;
	v36 =	vor.u32 v14, v36;
	v19 =	vor.u32 v15, v26;
	v42 =	vld.idx.msk [tilespmem:v57+s16+$0x0], $0xffff  }
0xe0: {  	v53 =	vor.u32 v1, v26;
	v55 =	vor.u32 v2, v27;
	[tilespmem:v58+s22+$0x0] =	vst.idx.msk $0xffff, v63;
	v45 =	vld.idx.msk [tilespmem:v45+s16+$0x0], $0xffff  }
0xe1: {  	v39 =	vor.u32 v1, v20;
	v63 =	vor.u32 v2, v24;
	[tilespmem:v47+s22+$0x0] =	vst.idx.msk $0xffff, v41;
	v41 =	vld.idx.msk [tilespmem:v48+s16+$0x0], $0xffff  }
0xe2: {  	[tilespmem:v60+s22+$0x0] =	vst.idx.msk $0xffff, v59;
	v47 =	vld.idx.msk [tilespmem:v49+s16+$0x0], $0xffff;
	v48 =	vor.u32 v10, v30;
	v49 =	vor.u32 v9, v32  }
0xe3: {  	v21 =	vor.u32 v15, v25;
	v57 =	vor.u32 v1, v25;
	[tilespmem:v46+s22+$0x0] =	vst.idx.msk $0xffff, v40;
	v40 =	vld.idx.msk [tilespmem:v61+s16+$0x0], $0xffff  }
0xe4: {  	v58 =	vor.u32 v10, v33;
	v60 =	vor.u32 v3, v18;
	v44 =	vld.idx.msk [tilespmem:v52+s16+$0x0], $0xffff;
	[tilespmem:v62+s22+$0x0] =	vst.idx.msk $0xffff, v51  }
0xe5: {  	v59 =	vor.u32 v11, v35;
	v61 =	vor.u32 v2, v22;
	[tilespmem:v53+s22+$0x0] =	vst.idx.msk $0xffff, v45;
	v53 =	vld.idx.msk [tilespmem:v54+s16+$0x0], $0xffff  }
0xe6: {  	v43 =	vor.u32 v12, v34;
	v62 =	vor.u32 v4, v23;
	[tilespmem:v39+s22+$0x0] =	vst.idx.msk $0xffff, v42;
	v39 =	vld.idx.msk [tilespmem:v63+s16+$0x0], $0xffff  }
0xe7: {  	v28 =	vor.u32 v15, v35;
	v63 =	vor.u32 v3, v26;
	v48 =	vld.idx.msk [tilespmem:v48+s16+$0x0], $0xffff;
	[tilespmem:v49+s22+$0x0] =	vst.idx.msk $0xffff, v41  }
0xe8: {  	v41 =	vor.u32 v4, v24;
	[tilespmem:v57+s22+$0x0] =	vst.idx.msk $0xffff, v47;
	v57 =	vor.u32 v11, v31;
	v49 =	vld.idx.msk [tilespmem:v55+s16+$0x0], $0xffff  }
0xe9: {  	v38 =	vor.u32 v5, v26;
	[tilespmem:v60+s22+$0x0] =	vst.idx.msk $0xffff, v40;
	v47 =	vld.idx.msk [tilespmem:v58+s16+$0x0], $0xffff;
	v58 =	vor.u32 v11, v32  }
0xea: {  	v60 =	vor.u32 v12, v30;
	[tilespmem:v59+s22+$0x0] =	vst.idx.msk $0xffff, v44;
	v59 =	vor.u32 v3, v20;
	v45 =	vld.idx.msk [tilespmem:v61+s16+$0x0], $0xffff  }
0xeb: {  	v52 =	vor.u32 v4, v27;
	v61 =	vor.u32 v3, v25;
	v51 =	vld.idx.msk [tilespmem:v62+s16+$0x0], $0xffff;
	[tilespmem:v37+s22+$0x0] =	vst.idx.msk $0xffff, v53  }
0xec: {  	v62 =	vor.u32 v5, v18;
	v42 =	vld.idx.msk [tilespmem:v43+s16+$0x0], $0xffff;
	[tilespmem:v63+s22+$0x0] =	vst.idx.msk $0xffff, v39;
	v63 =	vor.u32 v4, v22  }
0xed: {  	v35 =	vor.u32 v13, v35;
	v43 =	vor.u32 v6, v23;
	v41 =	vld.idx.msk [tilespmem:v41+s16+$0x0], $0xffff;
	[tilespmem:v57+s22+$0x0] =	vst.idx.msk $0xffff, v48  }
0xee: {  	v29 =	vor.u32 v14, v33;
	v48 =	vld.idx.msk [tilespmem:v36+s16+$0x0], $0xffff;
	v57 =	vor.u32 v14, v34;
	[tilespmem:v58+s22+$0x0] =	vst.idx.msk $0xffff, v47  }
0xef: {  	[tilespmem:v59+s22+$0x0] =	vst.idx.msk $0xffff, v49;
	v58 =	vor.u32 v6, v24;
	v59 =	vld.idx.msk [tilespmem:v60+s16+$0x0], $0xffff;
	v60 =	vor.u32 v12, v33  }
0xf0: {  	[tilespmem:v61+s22+$0x0] =	vst.idx.msk $0xffff, v45;
	v61 =	vor.u32 v13, v31;
	v31 =	vor.u32 v13, v32;
	v52 =	vld.idx.msk [tilespmem:v52+s16+$0x0], $0xffff  }
0xf1: {  	[tilespmem:v62+s22+$0x0] =	vst.idx.msk $0xffff, v51;
	v62 =	vor.u32 v5, v20;
	v32 =	vld.idx.msk [tilespmem:v63+s16+$0x0], $0xffff;
	v63 =	vor.u32 v14, v30  }
0xf2: {  	v46 =	vor.u32 v7, v26;
	[tilespmem:v35+s22+$0x0] =	vst.idx.msk $0xffff, v42;
	v33 =	vld.idx.msk [tilespmem:v43+s16+$0x0], $0xffff;
	v30 =	vor.u32 v6, v27  }
0xf3: {  	v37 =	vor.u32 v10, v23;
	v34 =	vor.u32 v5, v25;
	[tilespmem:v38+s22+$0x0] =	vst.idx.msk $0xffff, v41;
	v39 =	vld.idx.msk [tilespmem:v57+s16+$0x0], $0xffff  }
0xf4: {  	v36 =	vor.u32 v7, v18;
	v45 =	vor.u32 v8, v23;
	[tilespmem:v50+s22+$0x0] =	vst.idx.msk $0xffff, v48;
	v44 =	vld.idx.msk [tilespmem:v58+s16+$0x0], $0xffff  }
0xf5: {  	v47 =	vor.u32 v8, v24;
	v42 =	vor.u32 v7, v20;
	[tilespmem:v61+s22+$0x0] =	vst.idx.msk $0xffff, v59;
	v40 =	vld.idx.msk [tilespmem:v60+s16+$0x0], $0xffff  }
0xf6: {  	s1 =	simm.s32 $0x8;
	v43 =	vor.u32 v8, v27;
	v41 =	vor.u32 v9, v18;
	[tilespmem:v62+s22+$0x0] =	vst.idx.msk $0xffff, v52;
	v38 =	vld.idx.msk [tilespmem:v63+s16+$0x0], $0xffff  }
.LBB2_9:
0xf7: {  	v48 =	vadd.s32 s1, v0;
	s0 =	sadd.s32 $0x1, s1;
	v49 =	vld.idx.msk [tilespmem:v30+s16+$0x0], $0xffff;
	v50 =	vor.u32 v6, v22;
	v51 =	vmov v18  }
0xf8: {  	s2 =	sadd.s32 $0x3, s1;
	[tilespmem:v34+s22+$0x0] =	vst.idx.msk $0xffff, v32;
	v52 =	vmovc v23;
	v35 =	vmovc v20;
	v30 =	vmov v26;
	v32 =	vmov v25;
	v34 =	vmov v27;
	s10 =	smov.u32 s1;
	s31 =	sadd.s32 $0x4, s1  }
0xf9: {  	p4 =	slt.u32 s1, $0x3C;
	v18 =	vand.u32 $0x3F, v48;
	v20 =	vadd.s32 s0, v0;
	s0 =	sadd.s32 $0x2, s10;
	v25 =	vadd.s32 s2, v0;
	[tilespmem:v36+s22+$0x0] =	vst.idx.msk $0xffff, v33;
	v33 =	vmovc v24;
	v36 =	vmovc v22  }
0xfa: {  	v23 =	vshll.u32 v18, $0x7;
	v20 =	vand.u32 $0x3F, v20;
	v22 =	vadd.s32 s0, v0;
	v45 =	vld.idx.msk [tilespmem:v45+s16+$0x0], $0xffff;
	[tilespmem:v28+s22+$0x0] =	vst.idx.msk $0xffff, v39;
	v39 =	vmovc v16  }
0xfb: {  	v25 =	vand.u32 $0x3F, v25;
	v16 =	vmovc v21;
	v28 =	vor.u32 v0, v23;
	v26 =	vand.u32 $0x3F, v22;
	[tilespmem:v46+s22+$0x0] =	vst.idx.msk $0xffff, v44  }
0xfc: {  	v27 =	vshll.u32 v20, $0x7;
	v22 =	vshll.u32 v25, $0x7;
	v24 =	vshll.u32 v26, $0x7;
	v44 =	vld.idx.msk [tilespmem:v47+s16+$0x0], $0xffff;
	[tilespmem:v31+s22+$0x0] =	vst.idx.msk $0xffff, v40  }
0xfd: {  	v40 =	vor.u32 v9, v30;
	v31 =	vor.u32 v0, v24;
	[tilespmem:v17+s22+$0x0] =	vst.idx.msk $0xffff, v38;
	v29 =	vld.idx.msk [tilespmem:v29+s16+$0x0], $0xffff  }
0xfe: {  	v21 =	vor.u32 v15, v25;
	v38 =	vor.u32 v15, v26;
	[tilespmem:v42+s22+$0x0] =	vst.idx.msk $0xffff, v49;
	v42 =	vld.idx.msk [tilespmem:v50+s16+$0x0], $0xffff  }
0xff: {  	v48 =	vor.u32 v7, v32;
	v46 =	vor.u32 v0, v27;
	v47 =	vor.u32 v9, v35;
	v43 =	vld.idx.msk [tilespmem:v43+s16+$0x0], $0xffff  }
0x100: {  	v17 =	vmov v19;
	v49 =	vor.u32 v0, v22;
	[tilespmem:v41+s22+$0x0] =	vst.idx.msk $0xffff, v45;
	v41 =	vor.u32 v8, v36  }
0x101: {  	v50 =	vor.u32 v15, v51;
	v19 =	vmov v38;
	v45 =	vld.idx.msk [tilespmem:v28+s16+$0x0], $0xffff;
	v28 =	vor.u32 v15, v35  }
0x102: {  	v53 =	vor.u32 v10, v34;
	v38 =	vor.u32 v1, v18;
	v37 =	vld.idx.msk [tilespmem:v37+s16+$0x0], $0xffff;
	[tilespmem:v40+s22+$0x0] =	vst.idx.msk $0xffff, v44  }
0x103: {  	v40 =	vor.u32 v2, v23;
	v44 =	vor.u32 v11, v51;
	v31 =	vld.idx.msk [tilespmem:v31+s16+$0x0], $0xffff;
	[tilespmem:v39+s22+$0x0] =	vst.idx.msk $0xffff, v29  }
0x104: {  	v54 =	vor.u32 v12, v52;
	v39 =	vld.idx.msk [tilespmem:v46+s16+$0x0], $0xffff;
	v46 =	vor.u32 v1, v26;
	[tilespmem:v48+s22+$0x0] =	vst.idx.msk $0xffff, v42  }
0x105: {  	v42 =	vor.u32 v1, v20;
	v48 =	vor.u32 v2, v24;
	[tilespmem:v47+s22+$0x0] =	vst.idx.msk $0xffff, v43;
	v41 =	vld.idx.msk [tilespmem:v41+s16+$0x0], $0xffff  }
0x106: {  	v29 =	vor.u32 v14, v36;
	v47 =	vor.u32 v10, v33;
	v43 =	vld.idx.msk [tilespmem:v49+s16+$0x0], $0xffff;
	v49 =	vor.u32 v9, v32  }
0x107: {  	[tilespmem:v38+s22+$0x0] =	vst.idx.msk $0xffff, v45;
	v38 =	vor.u32 v1, v25;
	v45 =	vld.idx.msk [tilespmem:v53+s16+$0x0], $0xffff;
	v53 =	vor.u32 v10, v36  }
0x108: {  	v55 =	vor.u32 v2, v27;
	v40 =	vld.idx.msk [tilespmem:v40+s16+$0x0], $0xffff;
	[tilespmem:v44+s22+$0x0] =	vst.idx.msk $0xffff, v37;
	v37 =	vor.u32 v11, v35  }
0x109: {  	v44 =	vor.u32 v3, v18;
	[tilespmem:v46+s22+$0x0] =	vst.idx.msk $0xffff, v31;
	v31 =	vor.u32 v2, v22;
	v46 =	vld.idx.msk [tilespmem:v54+s16+$0x0], $0xffff  }
0x10a: {  	v54 =	vor.u32 v4, v23;
	[tilespmem:v42+s22+$0x0] =	vst.idx.msk $0xffff, v39;
	v39 =	vld.idx.msk [tilespmem:v48+s16+$0x0], $0xffff;
	v42 =	vor.u32 v13, v51  }
0x10b: {  	v48 =	vor.u32 v3, v26;
	v51 =	vor.u32 v12, v34;
	v47 =	vld.idx.msk [tilespmem:v47+s16+$0x0], $0xffff;
	[tilespmem:v49+s22+$0x0] =	vst.idx.msk $0xffff, v41  }
0x10c: {  	v41 =	vor.u32 v4, v24;
	[tilespmem:v38+s22+$0x0] =	vst.idx.msk $0xffff, v43;
	v38 =	vor.u32 v11, v30;
	v43 =	vld.idx.msk [tilespmem:v53+s16+$0x0], $0xffff  }
0x10d: {  	v52 =	vor.u32 v14, v52;
	v49 =	vld.idx.msk [tilespmem:v55+s16+$0x0], $0xffff;
	[tilespmem:v37+s22+$0x0] =	vst.idx.msk $0xffff, v45;
	v37 =	vor.u32 v11, v32  }
0x10e: {  	[tilespmem:v44+s22+$0x0] =	vst.idx.msk $0xffff, v40;
	v40 =	vor.u32 v3, v20;
	v31 =	vld.idx.msk [tilespmem:v31+s16+$0x0], $0xffff;
	v44 =	vor.u32 v12, v33  }
0x10f: {  	v53 =	vor.u32 v4, v27;
	v45 =	vld.idx.msk [tilespmem:v54+s16+$0x0], $0xffff;
	v54 =	vor.u32 v3, v25;
	[tilespmem:v42+s22+$0x0] =	vst.idx.msk $0xffff, v46  }
0x110: {  	v42 =	vor.u32 v5, v18;
	[tilespmem:v48+s22+$0x0] =	vst.idx.msk $0xffff, v39;
	v39 =	vor.u32 v4, v22;
	v46 =	vld.idx.msk [tilespmem:v51+s16+$0x0], $0xffff  }
0x111: {  	v35 =	vor.u32 v13, v35;
	v48 =	vor.u32 v6, v23;
	v41 =	vld.idx.msk [tilespmem:v41+s16+$0x0], $0xffff;
	[tilespmem:v38+s22+$0x0] =	vst.idx.msk $0xffff, v47  }
0x112: {  	v51 =	vor.u32 v14, v34;
	v38 =	vor.u32 v5, v26;
	v47 =	vld.idx.msk [tilespmem:v52+s16+$0x0], $0xffff;
	[tilespmem:v37+s22+$0x0] =	vst.idx.msk $0xffff, v43  }
0x113: {  	[tilespmem:v40+s22+$0x0] =	vst.idx.msk $0xffff, v49;
	v40 =	vor.u32 v6, v24;
	v43 =	vld.idx.msk [tilespmem:v44+s16+$0x0], $0xffff;
	v49 =	vor.u32 v12, v36  }
0x114: {  	v52 =	vld.idx.msk [tilespmem:v53+s16+$0x0], $0xffff;
	[tilespmem:v54+s22+$0x0] =	vst.idx.msk $0xffff, v31;
	v53 =	vor.u32 v13, v30;
	v31 =	vor.u32 v13, v32  }
0x115: {  	v55 =	vor.u32 v14, v33;
	v54 =	vor.u32 v5, v20;
	[tilespmem:v42+s22+$0x0] =	vst.idx.msk $0xffff, v45;
	v32 =	vld.idx.msk [tilespmem:v39+s16+$0x0], $0xffff  }
.Ltmp6:
0x116: {  	v34 =	vor.u32 v5, v25;
	v30 =	vor.u32 v6, v27;
	v33 =	vld.idx.msk [tilespmem:v48+s16+$0x0], $0xffff;
	[tilespmem:v35+s22+$0x0] =	vst.idx.msk $0xffff, v46;
	(pc) =	sbr.rel @p4 .LBB2_9-.Ltmp6, $4  }
0x117: {  	v37 =	vor.u32 v10, v23;
	v36 =	vor.u32 v7, v18;
	[tilespmem:v38+s22+$0x0] =	vst.idx.msk $0xffff, v41;
	v39 =	vld.idx.msk [tilespmem:v51+s16+$0x0], $0xffff  }
0x118: {  	v45 =	vor.u32 v8, v23;
	v41 =	vor.u32 v9, v18;
	v44 =	vld.idx.msk [tilespmem:v40+s16+$0x0], $0xffff;
	[tilespmem:v50+s22+$0x0] =	vst.idx.msk $0xffff, v47  }
0x119: {  	v42 =	vor.u32 v7, v20;
	v46 =	vor.u32 v7, v26;
	[tilespmem:v53+s22+$0x0] =	vst.idx.msk $0xffff, v43;
	v40 =	vld.idx.msk [tilespmem:v49+s16+$0x0], $0xffff  }
0x11a: {  	s1 =	smov.u32 s31;
	v47 =	vor.u32 v8, v24;
	v43 =	vor.u32 v8, v27;
	[tilespmem:v54+s22+$0x0] =	vst.idx.msk $0xffff, v52;
	v38 =	vld.idx.msk [tilespmem:v55+s16+$0x0], $0xffff  }
0x11b: {  	v35 =	vor.u32 v6, v22;
	_ =	sdelay $0x3  }
0x11c: {  	v30 =	vld.idx.msk [tilespmem:v30+s16+$0x0], $0xffff;
	[tilespmem:v34+s22+$0x0] =	vst.idx.msk $0xffff, v32  }
0x11d: {  	v52 =	vor.u32 v7, v25;
	v32 =	vld.idx.msk [tilespmem:v35+s16+$0x0], $0xffff  }
0x11e: {  	v53 =	vor.u32 v8, v22  }
0x11f: {  	[tilespmem:v36+s22+$0x0] =	vst.idx.msk $0xffff, v33  }
0x120: {  	v33 =	vld.idx.msk [tilespmem:v45+s16+$0x0], $0xffff;
	[tilespmem:v46+s22+$0x0] =	vst.idx.msk $0xffff, v44  }
0x121: {  	v56 =	vor.u32 v9, v26;
	v55 =	vld.idx.msk [tilespmem:v47+s16+$0x0], $0xffff;
	[tilespmem:v42+s22+$0x0] =	vst.idx.msk $0xffff, v30  }
0x122: {  	v54 =	vor.u32 v9, v20;
	v58 =	vor.u32 v10, v24;
	v30 =	vld.idx.msk [tilespmem:v43+s16+$0x0], $0xffff;
	[tilespmem:v52+s22+$0x0] =	vst.idx.msk $0xffff, v32  }
0x123: {  	v57 =	vor.u32 v10, v27;
	v59 =	vor.u32 v9, v25;
	v32 =	vld.idx.msk [tilespmem:v53+s16+$0x0], $0xffff  }
0x124: {  	v60 =	vor.u32 v10, v22  }
0x125: {  	[tilespmem:v41+s22+$0x0] =	vst.idx.msk $0xffff, v33  }
0x126: {  	v61 =	vor.u32 v11, v18;
	v33 =	vld.idx.msk [tilespmem:v37+s16+$0x0], $0xffff;
	[tilespmem:v56+s22+$0x0] =	vst.idx.msk $0xffff, v55  }
0x127: {  	v62 =	vor.u32 v12, v23;
	v49 =	vor.u32 v11, v26;
	v34 =	vld.idx.msk [tilespmem:v58+s16+$0x0], $0xffff;
	[tilespmem:v54+s22+$0x0] =	vst.idx.msk $0xffff, v30  }
0x128: {  	v63 =	vor.u32 v11, v20;
	v51 =	vor.u32 v12, v24;
	v36 =	vld.idx.msk [tilespmem:v57+s16+$0x0], $0xffff;
	[tilespmem:v59+s22+$0x0] =	vst.idx.msk $0xffff, v32  }
0x129: {  	v48 =	vor.u32 v12, v27;
	v50 =	vor.u32 v11, v25;
	v35 =	vld.idx.msk [tilespmem:v60+s16+$0x0], $0xffff  }
0x12a: {  	v52 =	vor.u32 v12, v22  }
0x12b: {  	[tilespmem:v61+s22+$0x0] =	vst.idx.msk $0xffff, v33  }
0x12c: {  	v53 =	vor.u32 v13, v18;
	v30 =	vld.idx.msk [tilespmem:v62+s16+$0x0], $0xffff;
	[tilespmem:v49+s22+$0x0] =	vst.idx.msk $0xffff, v34  }
0x12d: {  	v54 =	vor.u32 v14, v23;
	v57 =	vor.u32 v13, v26;
	v32 =	vld.idx.msk [tilespmem:v51+s16+$0x0], $0xffff;
	[tilespmem:v63+s22+$0x0] =	vst.idx.msk $0xffff, v36  }
0x12e: {  	v55 =	vor.u32 v13, v20;
	v59 =	vor.u32 v14, v24;
	v36 =	vld.idx.msk [tilespmem:v48+s16+$0x0], $0xffff;
	[tilespmem:v50+s22+$0x0] =	vst.idx.msk $0xffff, v35  }
0x12f: {  	[tilespmem:v28+s22+$0x0] =	vst.idx.msk $0xffff, v39;
	v56 =	vor.u32 v14, v27;
	v58 =	vor.u32 v13, v25;
	v60 =	vld.idx.msk [tilespmem:v52+s16+$0x0], $0xffff  }
0x130: {  	[tilespmem:v31+s22+$0x0] =	vst.idx.msk $0xffff, v40;
	v61 =	vor.u32 v14, v22  }
0x131: {  	v29 =	vld.idx.msk [tilespmem:v29+s16+$0x0], $0xffff;
	[tilespmem:v53+s22+$0x0] =	vst.idx.msk $0xffff, v30  }
0x132: {  	v62 =	vor.u32 v15, v18;
	v23 =	vld.idx.msk [tilespmem:v54+s16+$0x0], $0xffff;
	[tilespmem:v57+s22+$0x0] =	vst.idx.msk $0xffff, v32  }
0x133: {  	v24 =	vld.idx.msk [tilespmem:v59+s16+$0x0], $0xffff;
	[tilespmem:v55+s22+$0x0] =	vst.idx.msk $0xffff, v36  }
0x134: {  	v63 =	vor.u32 v15, v20;
	v27 =	vld.idx.msk [tilespmem:v56+s16+$0x0], $0xffff;
	[tilespmem:v58+s22+$0x0] =	vst.idx.msk $0xffff, v60  }
0x135: {  	[tilespmem:v17+s22+$0x0] =	vst.idx.msk $0xffff, v38;
	v17 =	vld.idx.msk [tilespmem:v61+s16+$0x0], $0xffff  }
0x136: {  	[tilespmem:v16+s22+$0x0] =	vst.idx.msk $0xffff, v29  }
.Ltmp7:
0x137: {  	[tilespmem:v62+s22+$0x0] =	vst.idx.msk $0xffff, v23;
	(pc) =	sbr.rel @p3 .LBB2_12-.Ltmp7, $4  }
0x138: {  	s0 =	sshll.u32 s30, $0xA;
	[tilespmem:v19+s22+$0x0] =	vst.idx.msk $0xffff, v24  }
0x139: {  	s0 =	sand.u32 $0x1FFFFC00, s0;
	[tilespmem:v63+s22+$0x0] =	vst.idx.msk $0xffff, v27  }
0x13a: {  	s29 =	sadd.s32 $0x2, s29;
	s0 =	sadd.s32 s5, s0;
	[tilespmem:v21+s22+$0x0] =	vst.idx.msk $0xffff, v17  }
0x13b: {  	[hbm4b:s0+s3] =	stream.linear.scatter [tilespmem:s22], [sflag:$0x2], $0x2000, $0x38;
	[tilespmem:$0x10000] =	vst v63  }
.Ltmp8:
0x13c: {  	(pc) =	sbr.rel .LBB2_13-.Ltmp8, $4  }
0x13d: {  	_ = 	snop  }
0x13e: {  	_ =	swait.ge [sflag:s19], $0x2000  }
0x13f: {  	[sflag:s19] =	ssyncset.done $0x0  }
0x140: {  	[sflag:s19] =	ssyncadd.s32 $0xFFFFE000  }
.LBB2_12:
0x141: {  	s0 =	sshll.u32 s29, $0x7  }
.Ltmp9:
0x142: {  	s0 =	sadd.s32 s0, s8;
	(pc) =	sbr.rel @p2 .LBB2_14-.Ltmp9, $4  }
0x143: {  	[tilespmem:s16], [sflag:$0x1] =	stream.strided.gather [hbm4b:s0+s14], $0x2000, s15, s14, $0x38;
	[tilespmem:$0x10000] =	vst v63  }
0x144: {  	_ =	swait.ge [sflag:s19], $0x2000  }
0x145: {  	[sflag:s19] =	ssyncset.done $0x0  }
0x146: {  	[sflag:s19] =	ssyncadd.s32 $0xFFFFE000  }
.LBB2_13:
0x147: {  	_ =	swait.ge [sflag:s21], $0x2000  }
0x148: {  	[sflag:s21] =	ssyncset.done $0x0  }
0x149: {  	[sflag:s21] =	ssyncadd.s32 $0xFFFFE000  }
.LBB2_14:
0x14a: {  	s0 =	simm.s32 $0x0  }
0x14b: {  	v16 =	vadd.s32 s0, v0  }
0x14c: {  	s30 =	simm.s32 $0x2;
	v37 =	vand.u32 $0x3F, v16  }
0x14d: {  	v16 =	vadd.s32 s30, v0;
	v36 =	vshll.u32 v37, $0x7  }
0x14e: {  	s31 =	simm.s32 $0x1;
	v31 =	vand.u32 $0x3F, v16;
	v17 =	vor.u32 v0, v36  }
0x14f: {  	s1 =	simm.s32 $0x3;
	v16 =	vadd.s32 s31, v0;
	v30 =	vshll.u32 v31, $0x7  }
0x150: {  	v18 =	vadd.s32 s1, v0;
	v35 =	vand.u32 $0x3F, v16;
	v16 =	vor.u32 v0, v30  }
0x151: {  	v32 =	vand.u32 $0x3F, v18;
	v34 =	vshll.u32 v35, $0x7  }
0x152: {  	v33 =	vshll.u32 v32, $0x7;
	v18 =	vor.u32 v0, v34  }
0x153: {  	v20 =	vor.u32 v1, v37;
	v19 =	vor.u32 v0, v33;
	v17 =	vld.idx.msk [tilespmem:v17+s17+$0x0], $0xffff  }
0x154: {  	v21 =	vor.u32 v2, v36  }
0x155: {  	v22 =	vor.u32 v1, v31;
	v16 =	vld.idx.msk [tilespmem:v16+s17+$0x0], $0xffff  }
0x156: {  	v23 =	vor.u32 v2, v30  }
0x157: {  	v24 =	vor.u32 v1, v35;
	v18 =	vld.idx.msk [tilespmem:v18+s17+$0x0], $0xffff  }
0x158: {  	v19 =	vld.idx.msk [tilespmem:v19+s17+$0x0], $0xffff;
	[tilespmem:v20+s23+$0x0] =	vst.idx.msk $0xffff, v17;
	v17 =	vor.u32 v1, v32;
	v20 =	vor.u32 v2, v34  }
0x159: {  	v25 =	vor.u32 v3, v37;
	v26 =	vor.u32 v2, v33;
	v21 =	vld.idx.msk [tilespmem:v21+s17+$0x0], $0xffff  }
0x15a: {  	[tilespmem:v22+s23+$0x0] =	vst.idx.msk $0xffff, v16;
	v16 =	vor.u32 v4, v36  }
0x15b: {  	v22 =	vld.idx.msk [tilespmem:v23+s17+$0x0], $0xffff;
	v23 =	vor.u32 v3, v31  }
0x15c: {  	[tilespmem:v24+s23+$0x0] =	vst.idx.msk $0xffff, v18;
	v18 =	vor.u32 v4, v30  }
0x15d: {  	[tilespmem:v17+s23+$0x0] =	vst.idx.msk $0xffff, v19;
	v17 =	vld.idx.msk [tilespmem:v20+s17+$0x0], $0xffff;
	v19 =	vor.u32 v3, v35  }
0x15e: {  	v24 =	vor.u32 v3, v32;
	[tilespmem:v25+s23+$0x0] =	vst.idx.msk $0xffff, v21;
	v20 =	vld.idx.msk [tilespmem:v26+s17+$0x0], $0xffff;
	v21 =	vor.u32 v4, v34  }
0x15f: {  	v26 =	vor.u32 v5, v37;
	v25 =	vld.idx.msk [tilespmem:v16+s17+$0x0], $0xffff  }
0x160: {  	[tilespmem:v23+s23+$0x0] =	vst.idx.msk $0xffff, v22;
	v22 =	vor.u32 v6, v36  }
0x161: {  	v27 =	vor.u32 v5, v31;
	v23 =	vor.u32 v4, v33;
	v18 =	vld.idx.msk [tilespmem:v18+s17+$0x0], $0xffff  }
0x162: {  	v38 =	vor.u32 v9, v37;
	v58 =	vor.u32 v7, v32;
	[tilespmem:v19+s23+$0x0] =	vst.idx.msk $0xffff, v17  }
0x163: {  	v19 =	vor.u32 v6, v30;
	v21 =	vld.idx.msk [tilespmem:v21+s17+$0x0], $0xffff;
	[tilespmem:v24+s23+$0x0] =	vst.idx.msk $0xffff, v20;
	v20 =	vor.u32 v5, v35  }
0x164: {  	v50 =	vor.u32 v15, v37;
	v24 =	vor.u32 v6, v34;
	[tilespmem:v26+s23+$0x0] =	vst.idx.msk $0xffff, v25  }
0x165: {  	v62 =	vor.u32 v11, v37;
	v29 =	vor.u32 v10, v36;
	v26 =	vor.u32 v7, v37;
	v22 =	vld.idx.msk [tilespmem:v22+s17+$0x0], $0xffff  }
0x166: {  	v25 =	vor.u32 v5, v32;
	v28 =	vld.idx.msk [tilespmem:v23+s17+$0x0], $0xffff;
	[tilespmem:v27+s23+$0x0] =	vst.idx.msk $0xffff, v18;
	v27 =	vor.u32 v8, v36  }
0x167: {  	s2 =	simm.s32 $0x4;
	v40 =	vor.u32 v7, v31;
	v42 =	vor.u32 v6, v33;
	v46 =	vor.u32 v9, v31  }
0x168: {  	v48 =	vor.u32 v8, v33;
	v18 =	vadd.s32 s2, v0;
	v19 =	vld.idx.msk [tilespmem:v19+s17+$0x0], $0xffff;
	[tilespmem:v20+s23+$0x0] =	vst.idx.msk $0xffff, v21  }
0x169: {  	s10 =	simm.s32 $0x5;
	v39 =	vor.u32 v7, v35;
	v18 =	vand.u32 $0x3F, v18;
	v21 =	vor.u32 v8, v30;
	v43 =	vld.idx.msk [tilespmem:v24+s17+$0x0], $0xffff  }
0x16a: {  	s31 =	simm.s32 $0x6;
	v41 =	vor.u32 v8, v34;
	v23 =	vshll.u32 v18, $0x7;
	v20 =	vadd.s32 s10, v0;
	[tilespmem:v26+s23+$0x0] =	vst.idx.msk $0xffff, v22  }
0x16b: {  	s30 =	simm.s32 $0x7;
	v44 =	vor.u32 v0, v23;
	v20 =	vand.u32 $0x3F, v20;
	[tilespmem:v25+s23+$0x0] =	vst.idx.msk $0xffff, v28;
	v22 =	vadd.s32 s31, v0;
	v28 =	vld.idx.msk [tilespmem:v27+s17+$0x0], $0xffff  }
0x16c: {  	v24 =	vadd.s32 s30, v0;
	v26 =	vand.u32 $0x3F, v22;
	v27 =	vshll.u32 v20, $0x7  }
0x16d: {  	v25 =	vand.u32 $0x3F, v24;
	v63 =	vld.idx.msk [tilespmem:v42+s17+$0x0], $0xffff;
	[tilespmem:v40+s23+$0x0] =	vst.idx.msk $0xffff, v19;
	v24 =	vshll.u32 v26, $0x7;
	v57 =	vor.u32 v0, v27  }
0x16e: {  	v54 =	vor.u32 v12, v36;
	v40 =	vld.idx.msk [tilespmem:v21+s17+$0x0], $0xffff;
	v45 =	vor.u32 v0, v24;
	[tilespmem:v39+s23+$0x0] =	vst.idx.msk $0xffff, v43  }
0x16f: {  	v47 =	vor.u32 v9, v35;
	v52 =	vor.u32 v10, v34;
	v22 =	vshll.u32 v25, $0x7;
	v41 =	vld.idx.msk [tilespmem:v41+s17+$0x0], $0xffff  }
0x170: {  	v60 =	vor.u32 v1, v18;
	v49 =	vor.u32 v0, v22;
	v59 =	vld.idx.msk [tilespmem:v44+s17+$0x0], $0xffff;
	[tilespmem:v38+s23+$0x0] =	vst.idx.msk $0xffff, v28  }
0x171: {  	v16 =	vor.u32 v15, v32;
	v17 =	vor.u32 v15, v31;
	v61 =	vor.u32 v2, v23;
	v51 =	vld.idx.msk [tilespmem:v29+s17+$0x0], $0xffff  }
0x172: {  	v37 =	vor.u32 v13, v37;
	v36 =	vor.u32 v14, v36;
	v19 =	vor.u32 v15, v26;
	v42 =	vld.idx.msk [tilespmem:v57+s17+$0x0], $0xffff  }
0x173: {  	v53 =	vor.u32 v1, v26;
	v55 =	vor.u32 v2, v27;
	[tilespmem:v58+s23+$0x0] =	vst.idx.msk $0xffff, v63;
	v45 =	vld.idx.msk [tilespmem:v45+s17+$0x0], $0xffff  }
0x174: {  	v39 =	vor.u32 v1, v20;
	v63 =	vor.u32 v2, v24;
	[tilespmem:v47+s23+$0x0] =	vst.idx.msk $0xffff, v41;
	v41 =	vld.idx.msk [tilespmem:v48+s17+$0x0], $0xffff  }
0x175: {  	[tilespmem:v60+s23+$0x0] =	vst.idx.msk $0xffff, v59;
	v47 =	vld.idx.msk [tilespmem:v49+s17+$0x0], $0xffff;
	v48 =	vor.u32 v10, v30;
	v49 =	vor.u32 v9, v32  }
0x176: {  	v21 =	vor.u32 v15, v25;
	v57 =	vor.u32 v1, v25;
	[tilespmem:v46+s23+$0x0] =	vst.idx.msk $0xffff, v40;
	v40 =	vld.idx.msk [tilespmem:v61+s17+$0x0], $0xffff  }
0x177: {  	v58 =	vor.u32 v10, v33;
	v60 =	vor.u32 v3, v18;
	v44 =	vld.idx.msk [tilespmem:v52+s17+$0x0], $0xffff;
	[tilespmem:v62+s23+$0x0] =	vst.idx.msk $0xffff, v51  }
0x178: {  	v59 =	vor.u32 v11, v35;
	v61 =	vor.u32 v2, v22;
	[tilespmem:v53+s23+$0x0] =	vst.idx.msk $0xffff, v45;
	v53 =	vld.idx.msk [tilespmem:v54+s17+$0x0], $0xffff  }
0x179: {  	v43 =	vor.u32 v12, v34;
	v62 =	vor.u32 v4, v23;
	[tilespmem:v39+s23+$0x0] =	vst.idx.msk $0xffff, v42;
	v39 =	vld.idx.msk [tilespmem:v63+s17+$0x0], $0xffff  }
0x17a: {  	v28 =	vor.u32 v15, v35;
	v63 =	vor.u32 v3, v26;
	v48 =	vld.idx.msk [tilespmem:v48+s17+$0x0], $0xffff;
	[tilespmem:v49+s23+$0x0] =	vst.idx.msk $0xffff, v41  }
0x17b: {  	v41 =	vor.u32 v4, v24;
	[tilespmem:v57+s23+$0x0] =	vst.idx.msk $0xffff, v47;
	v57 =	vor.u32 v11, v31;
	v49 =	vld.idx.msk [tilespmem:v55+s17+$0x0], $0xffff  }
0x17c: {  	v38 =	vor.u32 v5, v26;
	[tilespmem:v60+s23+$0x0] =	vst.idx.msk $0xffff, v40;
	v47 =	vld.idx.msk [tilespmem:v58+s17+$0x0], $0xffff;
	v58 =	vor.u32 v11, v32  }
0x17d: {  	v60 =	vor.u32 v12, v30;
	[tilespmem:v59+s23+$0x0] =	vst.idx.msk $0xffff, v44;
	v59 =	vor.u32 v3, v20;
	v45 =	vld.idx.msk [tilespmem:v61+s17+$0x0], $0xffff  }
0x17e: {  	v52 =	vor.u32 v4, v27;
	v61 =	vor.u32 v3, v25;
	v51 =	vld.idx.msk [tilespmem:v62+s17+$0x0], $0xffff;
	[tilespmem:v37+s23+$0x0] =	vst.idx.msk $0xffff, v53  }
0x17f: {  	v62 =	vor.u32 v5, v18;
	v42 =	vld.idx.msk [tilespmem:v43+s17+$0x0], $0xffff;
	[tilespmem:v63+s23+$0x0] =	vst.idx.msk $0xffff, v39;
	v63 =	vor.u32 v4, v22  }
0x180: {  	v35 =	vor.u32 v13, v35;
	v43 =	vor.u32 v6, v23;
	v41 =	vld.idx.msk [tilespmem:v41+s17+$0x0], $0xffff;
	[tilespmem:v57+s23+$0x0] =	vst.idx.msk $0xffff, v48  }
0x181: {  	v29 =	vor.u32 v14, v33;
	v48 =	vld.idx.msk [tilespmem:v36+s17+$0x0], $0xffff;
	v57 =	vor.u32 v14, v34;
	[tilespmem:v58+s23+$0x0] =	vst.idx.msk $0xffff, v47  }
0x182: {  	[tilespmem:v59+s23+$0x0] =	vst.idx.msk $0xffff, v49;
	v58 =	vor.u32 v6, v24;
	v59 =	vld.idx.msk [tilespmem:v60+s17+$0x0], $0xffff;
	v60 =	vor.u32 v12, v33  }
0x183: {  	[tilespmem:v61+s23+$0x0] =	vst.idx.msk $0xffff, v45;
	v61 =	vor.u32 v13, v31;
	v31 =	vor.u32 v13, v32;
	v52 =	vld.idx.msk [tilespmem:v52+s17+$0x0], $0xffff  }
0x184: {  	[tilespmem:v62+s23+$0x0] =	vst.idx.msk $0xffff, v51;
	v62 =	vor.u32 v5, v20;
	v32 =	vld.idx.msk [tilespmem:v63+s17+$0x0], $0xffff;
	v63 =	vor.u32 v14, v30  }
0x185: {  	v46 =	vor.u32 v7, v26;
	[tilespmem:v35+s23+$0x0] =	vst.idx.msk $0xffff, v42;
	v33 =	vld.idx.msk [tilespmem:v43+s17+$0x0], $0xffff;
	v30 =	vor.u32 v6, v27  }
0x186: {  	v37 =	vor.u32 v10, v23;
	v34 =	vor.u32 v5, v25;
	[tilespmem:v38+s23+$0x0] =	vst.idx.msk $0xffff, v41;
	v39 =	vld.idx.msk [tilespmem:v57+s17+$0x0], $0xffff  }
0x187: {  	v36 =	vor.u32 v7, v18;
	v45 =	vor.u32 v8, v23;
	[tilespmem:v50+s23+$0x0] =	vst.idx.msk $0xffff, v48;
	v44 =	vld.idx.msk [tilespmem:v58+s17+$0x0], $0xffff  }
0x188: {  	v47 =	vor.u32 v8, v24;
	v42 =	vor.u32 v7, v20;
	[tilespmem:v61+s23+$0x0] =	vst.idx.msk $0xffff, v59;
	v40 =	vld.idx.msk [tilespmem:v60+s17+$0x0], $0xffff  }
0x189: {  	s1 =	simm.s32 $0x8;
	v43 =	vor.u32 v8, v27;
	v41 =	vor.u32 v9, v18;
	[tilespmem:v62+s23+$0x0] =	vst.idx.msk $0xffff, v52;
	v38 =	vld.idx.msk [tilespmem:v63+s17+$0x0], $0xffff  }
.LBB2_15:
0x18a: {  	v48 =	vadd.s32 s1, v0;
	s0 =	sadd.s32 $0x1, s1;
	v49 =	vld.idx.msk [tilespmem:v30+s17+$0x0], $0xffff;
	v50 =	vor.u32 v6, v22;
	v51 =	vmov v18  }
0x18b: {  	s2 =	sadd.s32 $0x3, s1;
	[tilespmem:v34+s23+$0x0] =	vst.idx.msk $0xffff, v32;
	v52 =	vmovc v23;
	v35 =	vmovc v20;
	v30 =	vmov v26;
	v32 =	vmov v25;
	v34 =	vmov v27;
	s10 =	smov.u32 s1;
	s30 =	sadd.s32 $0x4, s1  }
0x18c: {  	p4 =	slt.u32 s1, $0x3C;
	v18 =	vand.u32 $0x3F, v48;
	v20 =	vadd.s32 s0, v0;
	s0 =	sadd.s32 $0x2, s10;
	v25 =	vadd.s32 s2, v0;
	[tilespmem:v36+s23+$0x0] =	vst.idx.msk $0xffff, v33;
	v33 =	vmovc v24;
	v36 =	vmovc v22  }
0x18d: {  	v23 =	vshll.u32 v18, $0x7;
	v20 =	vand.u32 $0x3F, v20;
	v22 =	vadd.s32 s0, v0;
	v45 =	vld.idx.msk [tilespmem:v45+s17+$0x0], $0xffff;
	[tilespmem:v28+s23+$0x0] =	vst.idx.msk $0xffff, v39;
	v39 =	vmovc v16  }
0x18e: {  	v25 =	vand.u32 $0x3F, v25;
	v16 =	vmovc v21;
	v28 =	vor.u32 v0, v23;
	v26 =	vand.u32 $0x3F, v22;
	[tilespmem:v46+s23+$0x0] =	vst.idx.msk $0xffff, v44  }
0x18f: {  	v27 =	vshll.u32 v20, $0x7;
	v22 =	vshll.u32 v25, $0x7;
	v24 =	vshll.u32 v26, $0x7;
	v44 =	vld.idx.msk [tilespmem:v47+s17+$0x0], $0xffff;
	[tilespmem:v31+s23+$0x0] =	vst.idx.msk $0xffff, v40  }
0x190: {  	v40 =	vor.u32 v9, v30;
	v31 =	vor.u32 v0, v24;
	[tilespmem:v17+s23+$0x0] =	vst.idx.msk $0xffff, v38;
	v29 =	vld.idx.msk [tilespmem:v29+s17+$0x0], $0xffff  }
0x191: {  	v21 =	vor.u32 v15, v25;
	v38 =	vor.u32 v15, v26;
	[tilespmem:v42+s23+$0x0] =	vst.idx.msk $0xffff, v49;
	v42 =	vld.idx.msk [tilespmem:v50+s17+$0x0], $0xffff  }
0x192: {  	v48 =	vor.u32 v7, v32;
	v46 =	vor.u32 v0, v27;
	v47 =	vor.u32 v9, v35;
	v43 =	vld.idx.msk [tilespmem:v43+s17+$0x0], $0xffff  }
0x193: {  	v17 =	vmov v19;
	v49 =	vor.u32 v0, v22;
	[tilespmem:v41+s23+$0x0] =	vst.idx.msk $0xffff, v45;
	v41 =	vor.u32 v8, v36  }
0x194: {  	v50 =	vor.u32 v15, v51;
	v19 =	vmov v38;
	v45 =	vld.idx.msk [tilespmem:v28+s17+$0x0], $0xffff;
	v28 =	vor.u32 v15, v35  }
0x195: {  	v53 =	vor.u32 v10, v34;
	v38 =	vor.u32 v1, v18;
	v37 =	vld.idx.msk [tilespmem:v37+s17+$0x0], $0xffff;
	[tilespmem:v40+s23+$0x0] =	vst.idx.msk $0xffff, v44  }
0x196: {  	v40 =	vor.u32 v2, v23;
	v44 =	vor.u32 v11, v51;
	v31 =	vld.idx.msk [tilespmem:v31+s17+$0x0], $0xffff;
	[tilespmem:v39+s23+$0x0] =	vst.idx.msk $0xffff, v29  }
0x197: {  	v54 =	vor.u32 v12, v52;
	v39 =	vld.idx.msk [tilespmem:v46+s17+$0x0], $0xffff;
	v46 =	vor.u32 v1, v26;
	[tilespmem:v48+s23+$0x0] =	vst.idx.msk $0xffff, v42  }
0x198: {  	v42 =	vor.u32 v1, v20;
	v48 =	vor.u32 v2, v24;
	[tilespmem:v47+s23+$0x0] =	vst.idx.msk $0xffff, v43;
	v41 =	vld.idx.msk [tilespmem:v41+s17+$0x0], $0xffff  }
0x199: {  	v29 =	vor.u32 v14, v36;
	v47 =	vor.u32 v10, v33;
	v43 =	vld.idx.msk [tilespmem:v49+s17+$0x0], $0xffff;
	v49 =	vor.u32 v9, v32  }
0x19a: {  	[tilespmem:v38+s23+$0x0] =	vst.idx.msk $0xffff, v45;
	v38 =	vor.u32 v1, v25;
	v45 =	vld.idx.msk [tilespmem:v53+s17+$0x0], $0xffff;
	v53 =	vor.u32 v10, v36  }
0x19b: {  	v55 =	vor.u32 v2, v27;
	v40 =	vld.idx.msk [tilespmem:v40+s17+$0x0], $0xffff;
	[tilespmem:v44+s23+$0x0] =	vst.idx.msk $0xffff, v37;
	v37 =	vor.u32 v11, v35  }
0x19c: {  	v44 =	vor.u32 v3, v18;
	[tilespmem:v46+s23+$0x0] =	vst.idx.msk $0xffff, v31;
	v31 =	vor.u32 v2, v22;
	v46 =	vld.idx.msk [tilespmem:v54+s17+$0x0], $0xffff  }
0x19d: {  	v54 =	vor.u32 v4, v23;
	[tilespmem:v42+s23+$0x0] =	vst.idx.msk $0xffff, v39;
	v39 =	vld.idx.msk [tilespmem:v48+s17+$0x0], $0xffff;
	v42 =	vor.u32 v13, v51  }
0x19e: {  	v48 =	vor.u32 v3, v26;
	v51 =	vor.u32 v12, v34;
	v47 =	vld.idx.msk [tilespmem:v47+s17+$0x0], $0xffff;
	[tilespmem:v49+s23+$0x0] =	vst.idx.msk $0xffff, v41  }
0x19f: {  	v41 =	vor.u32 v4, v24;
	[tilespmem:v38+s23+$0x0] =	vst.idx.msk $0xffff, v43;
	v38 =	vor.u32 v11, v30;
	v43 =	vld.idx.msk [tilespmem:v53+s17+$0x0], $0xffff  }
0x1a0: {  	v52 =	vor.u32 v14, v52;
	v49 =	vld.idx.msk [tilespmem:v55+s17+$0x0], $0xffff;
	[tilespmem:v37+s23+$0x0] =	vst.idx.msk $0xffff, v45;
	v37 =	vor.u32 v11, v32  }
0x1a1: {  	[tilespmem:v44+s23+$0x0] =	vst.idx.msk $0xffff, v40;
	v40 =	vor.u32 v3, v20;
	v31 =	vld.idx.msk [tilespmem:v31+s17+$0x0], $0xffff;
	v44 =	vor.u32 v12, v33  }
0x1a2: {  	v53 =	vor.u32 v4, v27;
	v45 =	vld.idx.msk [tilespmem:v54+s17+$0x0], $0xffff;
	v54 =	vor.u32 v3, v25;
	[tilespmem:v42+s23+$0x0] =	vst.idx.msk $0xffff, v46  }
0x1a3: {  	v42 =	vor.u32 v5, v18;
	[tilespmem:v48+s23+$0x0] =	vst.idx.msk $0xffff, v39;
	v39 =	vor.u32 v4, v22;
	v46 =	vld.idx.msk [tilespmem:v51+s17+$0x0], $0xffff  }
0x1a4: {  	v35 =	vor.u32 v13, v35;
	v48 =	vor.u32 v6, v23;
	v41 =	vld.idx.msk [tilespmem:v41+s17+$0x0], $0xffff;
	[tilespmem:v38+s23+$0x0] =	vst.idx.msk $0xffff, v47  }
0x1a5: {  	v51 =	vor.u32 v14, v34;
	v38 =	vor.u32 v5, v26;
	v47 =	vld.idx.msk [tilespmem:v52+s17+$0x0], $0xffff;
	[tilespmem:v37+s23+$0x0] =	vst.idx.msk $0xffff, v43  }
0x1a6: {  	[tilespmem:v40+s23+$0x0] =	vst.idx.msk $0xffff, v49;
	v40 =	vor.u32 v6, v24;
	v43 =	vld.idx.msk [tilespmem:v44+s17+$0x0], $0xffff;
	v49 =	vor.u32 v12, v36  }
0x1a7: {  	v52 =	vld.idx.msk [tilespmem:v53+s17+$0x0], $0xffff;
	[tilespmem:v54+s23+$0x0] =	vst.idx.msk $0xffff, v31;
	v53 =	vor.u32 v13, v30;
	v31 =	vor.u32 v13, v32  }
0x1a8: {  	v55 =	vor.u32 v14, v33;
	v54 =	vor.u32 v5, v20;
	[tilespmem:v42+s23+$0x0] =	vst.idx.msk $0xffff, v45;
	v32 =	vld.idx.msk [tilespmem:v39+s17+$0x0], $0xffff  }
.Ltmp10:
0x1a9: {  	v34 =	vor.u32 v5, v25;
	v30 =	vor.u32 v6, v27;
	v33 =	vld.idx.msk [tilespmem:v48+s17+$0x0], $0xffff;
	[tilespmem:v35+s23+$0x0] =	vst.idx.msk $0xffff, v46;
	(pc) =	sbr.rel @p4 .LBB2_15-.Ltmp10, $4  }
0x1aa: {  	v37 =	vor.u32 v10, v23;
	v36 =	vor.u32 v7, v18;
	[tilespmem:v38+s23+$0x0] =	vst.idx.msk $0xffff, v41;
	v39 =	vld.idx.msk [tilespmem:v51+s17+$0x0], $0xffff  }
0x1ab: {  	v45 =	vor.u32 v8, v23;
	v41 =	vor.u32 v9, v18;
	v44 =	vld.idx.msk [tilespmem:v40+s17+$0x0], $0xffff;
	[tilespmem:v50+s23+$0x0] =	vst.idx.msk $0xffff, v47  }
0x1ac: {  	v42 =	vor.u32 v7, v20;
	v46 =	vor.u32 v7, v26;
	[tilespmem:v53+s23+$0x0] =	vst.idx.msk $0xffff, v43;
	v40 =	vld.idx.msk [tilespmem:v49+s17+$0x0], $0xffff  }
0x1ad: {  	s1 =	smov.u32 s30;
	v47 =	vor.u32 v8, v24;
	v43 =	vor.u32 v8, v27;
	[tilespmem:v54+s23+$0x0] =	vst.idx.msk $0xffff, v52;
	v38 =	vld.idx.msk [tilespmem:v55+s17+$0x0], $0xffff  }
0x1ae: {  	v35 =	vor.u32 v6, v22;
	_ =	sdelay $0x3  }
0x1af: {  	v30 =	vld.idx.msk [tilespmem:v30+s17+$0x0], $0xffff;
	[tilespmem:v34+s23+$0x0] =	vst.idx.msk $0xffff, v32  }
0x1b0: {  	v52 =	vor.u32 v7, v25;
	v32 =	vld.idx.msk [tilespmem:v35+s17+$0x0], $0xffff  }
0x1b1: {  	v53 =	vor.u32 v8, v22  }
0x1b2: {  	[tilespmem:v36+s23+$0x0] =	vst.idx.msk $0xffff, v33  }
0x1b3: {  	v33 =	vld.idx.msk [tilespmem:v45+s17+$0x0], $0xffff;
	[tilespmem:v46+s23+$0x0] =	vst.idx.msk $0xffff, v44  }
0x1b4: {  	v56 =	vor.u32 v9, v26;
	v55 =	vld.idx.msk [tilespmem:v47+s17+$0x0], $0xffff;
	[tilespmem:v42+s23+$0x0] =	vst.idx.msk $0xffff, v30  }
0x1b5: {  	v54 =	vor.u32 v9, v20;
	v58 =	vor.u32 v10, v24;
	v30 =	vld.idx.msk [tilespmem:v43+s17+$0x0], $0xffff;
	[tilespmem:v52+s23+$0x0] =	vst.idx.msk $0xffff, v32  }
0x1b6: {  	v57 =	vor.u32 v10, v27;
	v59 =	vor.u32 v9, v25;
	v32 =	vld.idx.msk [tilespmem:v53+s17+$0x0], $0xffff  }
0x1b7: {  	v60 =	vor.u32 v10, v22  }
0x1b8: {  	[tilespmem:v41+s23+$0x0] =	vst.idx.msk $0xffff, v33  }
0x1b9: {  	v61 =	vor.u32 v11, v18;
	v33 =	vld.idx.msk [tilespmem:v37+s17+$0x0], $0xffff;
	[tilespmem:v56+s23+$0x0] =	vst.idx.msk $0xffff, v55  }
0x1ba: {  	v62 =	vor.u32 v12, v23;
	v49 =	vor.u32 v11, v26;
	v34 =	vld.idx.msk [tilespmem:v58+s17+$0x0], $0xffff;
	[tilespmem:v54+s23+$0x0] =	vst.idx.msk $0xffff, v30  }
0x1bb: {  	v63 =	vor.u32 v11, v20;
	v51 =	vor.u32 v12, v24;
	v36 =	vld.idx.msk [tilespmem:v57+s17+$0x0], $0xffff;
	[tilespmem:v59+s23+$0x0] =	vst.idx.msk $0xffff, v32  }
0x1bc: {  	v48 =	vor.u32 v12, v27;
	v50 =	vor.u32 v11, v25;
	v35 =	vld.idx.msk [tilespmem:v60+s17+$0x0], $0xffff  }
0x1bd: {  	v52 =	vor.u32 v12, v22  }
0x1be: {  	[tilespmem:v61+s23+$0x0] =	vst.idx.msk $0xffff, v33  }
0x1bf: {  	v53 =	vor.u32 v13, v18;
	v30 =	vld.idx.msk [tilespmem:v62+s17+$0x0], $0xffff;
	[tilespmem:v49+s23+$0x0] =	vst.idx.msk $0xffff, v34  }
0x1c0: {  	v54 =	vor.u32 v14, v23;
	v57 =	vor.u32 v13, v26;
	v32 =	vld.idx.msk [tilespmem:v51+s17+$0x0], $0xffff;
	[tilespmem:v63+s23+$0x0] =	vst.idx.msk $0xffff, v36  }
0x1c1: {  	v55 =	vor.u32 v13, v20;
	v59 =	vor.u32 v14, v24;
	v36 =	vld.idx.msk [tilespmem:v48+s17+$0x0], $0xffff;
	[tilespmem:v50+s23+$0x0] =	vst.idx.msk $0xffff, v35  }
0x1c2: {  	[tilespmem:v28+s23+$0x0] =	vst.idx.msk $0xffff, v39;
	v56 =	vor.u32 v14, v27;
	v58 =	vor.u32 v13, v25;
	v60 =	vld.idx.msk [tilespmem:v52+s17+$0x0], $0xffff  }
0x1c3: {  	[tilespmem:v31+s23+$0x0] =	vst.idx.msk $0xffff, v40;
	v61 =	vor.u32 v14, v22  }
0x1c4: {  	v29 =	vld.idx.msk [tilespmem:v29+s17+$0x0], $0xffff;
	[tilespmem:v53+s23+$0x0] =	vst.idx.msk $0xffff, v30  }
0x1c5: {  	v62 =	vor.u32 v15, v18;
	v23 =	vld.idx.msk [tilespmem:v54+s17+$0x0], $0xffff;
	[tilespmem:v57+s23+$0x0] =	vst.idx.msk $0xffff, v32  }
0x1c6: {  	v24 =	vld.idx.msk [tilespmem:v59+s17+$0x0], $0xffff;
	[tilespmem:v55+s23+$0x0] =	vst.idx.msk $0xffff, v36  }
0x1c7: {  	v63 =	vor.u32 v15, v20;
	v27 =	vld.idx.msk [tilespmem:v56+s17+$0x0], $0xffff;
	[tilespmem:v58+s23+$0x0] =	vst.idx.msk $0xffff, v60  }
0x1c8: {  	[tilespmem:v17+s23+$0x0] =	vst.idx.msk $0xffff, v38;
	v17 =	vld.idx.msk [tilespmem:v61+s17+$0x0], $0xffff  }
0x1c9: {  	[tilespmem:v16+s23+$0x0] =	vst.idx.msk $0xffff, v29  }
.Ltmp11:
0x1ca: {  	[tilespmem:v62+s23+$0x0] =	vst.idx.msk $0xffff, v23;
	(pc) =	sbr.rel @p3 .LBB2_18-.Ltmp11, $4  }
0x1cb: {  	s0 =	sshll.u32 s29, $0xA;
	[tilespmem:v19+s23+$0x0] =	vst.idx.msk $0xffff, v24  }
0x1cc: {  	s0 =	sand.u32 $0x1FFFFC00, s0;
	[tilespmem:v63+s23+$0x0] =	vst.idx.msk $0xffff, v27  }
0x1cd: {  	s28 =	sadd.s32 s4, s28;
	s0 =	sadd.s32 s5, s0;
	[tilespmem:v21+s23+$0x0] =	vst.idx.msk $0xffff, v17  }
0x1ce: {  	[hbm4b:s0+s3] =	stream.linear.scatter [tilespmem:s23], [sflag:$0x2], $0x2000, $0x38;
	[tilespmem:$0x10000] =	vst v63  }
.Ltmp12:
0x1cf: {  	(pc) =	sbr.rel .LBB2_19-.Ltmp12, $4  }
0x1d0: {  	_ = 	snop  }
0x1d1: {  	_ =	swait.ge [sflag:s19], $0x2000  }
0x1d2: {  	[sflag:s19] =	ssyncset.done $0x0  }
0x1d3: {  	[sflag:s19] =	ssyncadd.s32 $0xFFFFE000  }
.LBB2_18:
0x1d4: {  	s0 =	sshll.u32 s28, $0x7  }
.Ltmp13:
0x1d5: {  	s0 =	sadd.s32 s0, s8;
	(pc) =	sbr.rel @p2 .LBB2_20-.Ltmp13, $4  }
0x1d6: {  	[tilespmem:s17], [sflag:$0x1] =	stream.strided.gather [hbm4b:s0+s14], $0x2000, s15, s14, $0x38;
	[tilespmem:$0x10000] =	vst v63  }
0x1d7: {  	_ =	swait.ge [sflag:s19], $0x2000  }
0x1d8: {  	[sflag:s19] =	ssyncset.done $0x0  }
0x1d9: {  	[sflag:s19] =	ssyncadd.s32 $0xFFFFE000  }
.LBB2_19:
0x1da: {  	_ =	swait.ge [sflag:s21], $0x2000  }
0x1db: {  	[sflag:s21] =	ssyncset.done $0x0  }
0x1dc: {  	[sflag:s21] =	ssyncadd.s32 $0xFFFFE000  }
.LBB2_20:
0x1dd: {  	s0 =	simm.s32 $0x0  }
0x1de: {  	v16 =	vadd.s32 s0, v0  }
0x1df: {  	s1 =	simm.s32 $0x2;
	v37 =	vand.u32 $0x3F, v16  }
0x1e0: {  	v16 =	vadd.s32 s1, v0;
	v36 =	vshll.u32 v37, $0x7  }
0x1e1: {  	s2 =	simm.s32 $0x1;
	v31 =	vand.u32 $0x3F, v16;
	v17 =	vor.u32 v0, v36  }
0x1e2: {  	s1 =	simm.s32 $0x3;
	v16 =	vadd.s32 s2, v0;
	v30 =	vshll.u32 v31, $0x7  }
0x1e3: {  	v18 =	vadd.s32 s1, v0;
	v35 =	vand.u32 $0x3F, v16;
	v16 =	vor.u32 v0, v30  }
0x1e4: {  	v32 =	vand.u32 $0x3F, v18;
	v34 =	vshll.u32 v35, $0x7  }
0x1e5: {  	v33 =	vshll.u32 v32, $0x7;
	v18 =	vor.u32 v0, v34  }
0x1e6: {  	v20 =	vor.u32 v1, v37;
	v19 =	vor.u32 v0, v33;
	v17 =	vld.idx.msk [tilespmem:v17+s18+$0x0], $0xffff  }
0x1e7: {  	v21 =	vor.u32 v2, v36  }
0x1e8: {  	v22 =	vor.u32 v1, v31;
	v16 =	vld.idx.msk [tilespmem:v16+s18+$0x0], $0xffff  }
0x1e9: {  	v23 =	vor.u32 v2, v30  }
0x1ea: {  	v24 =	vor.u32 v1, v35;
	v18 =	vld.idx.msk [tilespmem:v18+s18+$0x0], $0xffff  }
0x1eb: {  	v19 =	vld.idx.msk [tilespmem:v19+s18+$0x0], $0xffff;
	[tilespmem:v20+s24+$0x0] =	vst.idx.msk $0xffff, v17;
	v17 =	vor.u32 v1, v32;
	v20 =	vor.u32 v2, v34  }
0x1ec: {  	v25 =	vor.u32 v3, v37;
	v26 =	vor.u32 v2, v33;
	v21 =	vld.idx.msk [tilespmem:v21+s18+$0x0], $0xffff  }
0x1ed: {  	[tilespmem:v22+s24+$0x0] =	vst.idx.msk $0xffff, v16;
	v16 =	vor.u32 v4, v36  }
0x1ee: {  	v22 =	vld.idx.msk [tilespmem:v23+s18+$0x0], $0xffff;
	v23 =	vor.u32 v3, v31  }
0x1ef: {  	[tilespmem:v24+s24+$0x0] =	vst.idx.msk $0xffff, v18;
	v18 =	vor.u32 v4, v30  }
0x1f0: {  	[tilespmem:v17+s24+$0x0] =	vst.idx.msk $0xffff, v19;
	v17 =	vld.idx.msk [tilespmem:v20+s18+$0x0], $0xffff;
	v19 =	vor.u32 v3, v35  }
0x1f1: {  	v24 =	vor.u32 v3, v32;
	[tilespmem:v25+s24+$0x0] =	vst.idx.msk $0xffff, v21;
	v20 =	vld.idx.msk [tilespmem:v26+s18+$0x0], $0xffff;
	v21 =	vor.u32 v4, v34  }
0x1f2: {  	v26 =	vor.u32 v5, v37;
	v25 =	vld.idx.msk [tilespmem:v16+s18+$0x0], $0xffff  }
0x1f3: {  	[tilespmem:v23+s24+$0x0] =	vst.idx.msk $0xffff, v22;
	v22 =	vor.u32 v6, v36  }
0x1f4: {  	v27 =	vor.u32 v5, v31;
	v23 =	vor.u32 v4, v33;
	v18 =	vld.idx.msk [tilespmem:v18+s18+$0x0], $0xffff  }
0x1f5: {  	v38 =	vor.u32 v9, v37;
	v50 =	vor.u32 v15, v37;
	[tilespmem:v19+s24+$0x0] =	vst.idx.msk $0xffff, v17  }
0x1f6: {  	v19 =	vor.u32 v6, v30;
	v21 =	vld.idx.msk [tilespmem:v21+s18+$0x0], $0xffff;
	[tilespmem:v24+s24+$0x0] =	vst.idx.msk $0xffff, v20;
	v20 =	vor.u32 v5, v35  }
0x1f7: {  	v62 =	vor.u32 v11, v37;
	v24 =	vor.u32 v6, v34;
	[tilespmem:v26+s24+$0x0] =	vst.idx.msk $0xffff, v25  }
0x1f8: {  	v29 =	vor.u32 v10, v36;
	v40 =	vor.u32 v7, v31;
	v26 =	vor.u32 v7, v37;
	v22 =	vld.idx.msk [tilespmem:v22+s18+$0x0], $0xffff  }
0x1f9: {  	v25 =	vor.u32 v5, v32;
	v28 =	vld.idx.msk [tilespmem:v23+s18+$0x0], $0xffff;
	[tilespmem:v27+s24+$0x0] =	vst.idx.msk $0xffff, v18;
	v27 =	vor.u32 v8, v36  }
0x1fa: {  	s10 =	simm.s32 $0x4;
	v46 =	vor.u32 v9, v31;
	v54 =	vor.u32 v12, v36;
	v39 =	vor.u32 v7, v35  }
0x1fb: {  	v42 =	vor.u32 v6, v33;
	v18 =	vadd.s32 s10, v0;
	v19 =	vld.idx.msk [tilespmem:v19+s18+$0x0], $0xffff;
	[tilespmem:v20+s24+$0x0] =	vst.idx.msk $0xffff, v21  }
0x1fc: {  	s29 =	simm.s32 $0x5;
	v58 =	vor.u32 v7, v32;
	v18 =	vand.u32 $0x3F, v18;
	v21 =	vor.u32 v8, v30;
	v43 =	vld.idx.msk [tilespmem:v24+s18+$0x0], $0xffff  }
0x1fd: {  	s31 =	simm.s32 $0x6;
	v41 =	vor.u32 v8, v34;
	v23 =	vshll.u32 v18, $0x7;
	v20 =	vadd.s32 s29, v0;
	[tilespmem:v26+s24+$0x0] =	vst.idx.msk $0xffff, v22  }
0x1fe: {  	s30 =	simm.s32 $0x7;
	v44 =	vor.u32 v0, v23;
	v20 =	vand.u32 $0x3F, v20;
	[tilespmem:v25+s24+$0x0] =	vst.idx.msk $0xffff, v28;
	v22 =	vadd.s32 s31, v0;
	v28 =	vld.idx.msk [tilespmem:v27+s18+$0x0], $0xffff  }
0x1ff: {  	v24 =	vadd.s32 s30, v0;
	v26 =	vand.u32 $0x3F, v22;
	v27 =	vshll.u32 v20, $0x7  }
0x200: {  	v25 =	vand.u32 $0x3F, v24;
	v63 =	vld.idx.msk [tilespmem:v42+s18+$0x0], $0xffff;
	[tilespmem:v40+s24+$0x0] =	vst.idx.msk $0xffff, v19;
	v24 =	vshll.u32 v26, $0x7;
	v57 =	vor.u32 v0, v27  }
0x201: {  	v47 =	vor.u32 v9, v35;
	v40 =	vld.idx.msk [tilespmem:v21+s18+$0x0], $0xffff;
	v45 =	vor.u32 v0, v24;
	[tilespmem:v39+s24+$0x0] =	vst.idx.msk $0xffff, v43  }
0x202: {  	v48 =	vor.u32 v8, v33;
	v52 =	vor.u32 v10, v34;
	v22 =	vshll.u32 v25, $0x7;
	v41 =	vld.idx.msk [tilespmem:v41+s18+$0x0], $0xffff  }
0x203: {  	v60 =	vor.u32 v1, v18;
	v49 =	vor.u32 v0, v22;
	v59 =	vld.idx.msk [tilespmem:v44+s18+$0x0], $0xffff;
	[tilespmem:v38+s24+$0x0] =	vst.idx.msk $0xffff, v28  }
0x204: {  	v16 =	vor.u32 v15, v32;
	v17 =	vor.u32 v15, v31;
	v61 =	vor.u32 v2, v23;
	v51 =	vld.idx.msk [tilespmem:v29+s18+$0x0], $0xffff  }
0x205: {  	v37 =	vor.u32 v13, v37;
	v36 =	vor.u32 v14, v36;
	v19 =	vor.u32 v15, v26;
	v42 =	vld.idx.msk [tilespmem:v57+s18+$0x0], $0xffff  }
0x206: {  	v53 =	vor.u32 v1, v26;
	v55 =	vor.u32 v2, v27;
	[tilespmem:v58+s24+$0x0] =	vst.idx.msk $0xffff, v63;
	v45 =	vld.idx.msk [tilespmem:v45+s18+$0x0], $0xffff  }
0x207: {  	v39 =	vor.u32 v1, v20;
	v63 =	vor.u32 v2, v24;
	[tilespmem:v47+s24+$0x0] =	vst.idx.msk $0xffff, v41;
	v41 =	vld.idx.msk [tilespmem:v48+s18+$0x0], $0xffff  }
0x208: {  	[tilespmem:v60+s24+$0x0] =	vst.idx.msk $0xffff, v59;
	v47 =	vld.idx.msk [tilespmem:v49+s18+$0x0], $0xffff;
	v48 =	vor.u32 v10, v30;
	v49 =	vor.u32 v9, v32  }
0x209: {  	v21 =	vor.u32 v15, v25;
	v57 =	vor.u32 v1, v25;
	[tilespmem:v46+s24+$0x0] =	vst.idx.msk $0xffff, v40;
	v40 =	vld.idx.msk [tilespmem:v61+s18+$0x0], $0xffff  }
0x20a: {  	v58 =	vor.u32 v10, v33;
	v60 =	vor.u32 v3, v18;
	v44 =	vld.idx.msk [tilespmem:v52+s18+$0x0], $0xffff;
	[tilespmem:v62+s24+$0x0] =	vst.idx.msk $0xffff, v51  }
0x20b: {  	v59 =	vor.u32 v11, v35;
	v61 =	vor.u32 v2, v22;
	[tilespmem:v53+s24+$0x0] =	vst.idx.msk $0xffff, v45;
	v53 =	vld.idx.msk [tilespmem:v54+s18+$0x0], $0xffff  }
0x20c: {  	v43 =	vor.u32 v12, v34;
	v62 =	vor.u32 v4, v23;
	[tilespmem:v39+s24+$0x0] =	vst.idx.msk $0xffff, v42;
	v39 =	vld.idx.msk [tilespmem:v63+s18+$0x0], $0xffff  }
0x20d: {  	v28 =	vor.u32 v15, v35;
	v63 =	vor.u32 v3, v26;
	v48 =	vld.idx.msk [tilespmem:v48+s18+$0x0], $0xffff;
	[tilespmem:v49+s24+$0x0] =	vst.idx.msk $0xffff, v41  }
0x20e: {  	v41 =	vor.u32 v4, v24;
	[tilespmem:v57+s24+$0x0] =	vst.idx.msk $0xffff, v47;
	v57 =	vor.u32 v11, v31;
	v49 =	vld.idx.msk [tilespmem:v55+s18+$0x0], $0xffff  }
0x20f: {  	v38 =	vor.u32 v5, v26;
	[tilespmem:v60+s24+$0x0] =	vst.idx.msk $0xffff, v40;
	v47 =	vld.idx.msk [tilespmem:v58+s18+$0x0], $0xffff;
	v58 =	vor.u32 v11, v32  }
0x210: {  	v60 =	vor.u32 v12, v30;
	[tilespmem:v59+s24+$0x0] =	vst.idx.msk $0xffff, v44;
	v59 =	vor.u32 v3, v20;
	v45 =	vld.idx.msk [tilespmem:v61+s18+$0x0], $0xffff  }
0x211: {  	v52 =	vor.u32 v4, v27;
	v61 =	vor.u32 v3, v25;
	v51 =	vld.idx.msk [tilespmem:v62+s18+$0x0], $0xffff;
	[tilespmem:v37+s24+$0x0] =	vst.idx.msk $0xffff, v53  }
0x212: {  	v62 =	vor.u32 v5, v18;
	v42 =	vld.idx.msk [tilespmem:v43+s18+$0x0], $0xffff;
	[tilespmem:v63+s24+$0x0] =	vst.idx.msk $0xffff, v39;
	v63 =	vor.u32 v4, v22  }
0x213: {  	v35 =	vor.u32 v13, v35;
	v43 =	vor.u32 v6, v23;
	v41 =	vld.idx.msk [tilespmem:v41+s18+$0x0], $0xffff;
	[tilespmem:v57+s24+$0x0] =	vst.idx.msk $0xffff, v48  }
0x214: {  	v29 =	vor.u32 v14, v33;
	v48 =	vld.idx.msk [tilespmem:v36+s18+$0x0], $0xffff;
	v57 =	vor.u32 v14, v34;
	[tilespmem:v58+s24+$0x0] =	vst.idx.msk $0xffff, v47  }
0x215: {  	[tilespmem:v59+s24+$0x0] =	vst.idx.msk $0xffff, v49;
	v58 =	vor.u32 v6, v24;
	v59 =	vld.idx.msk [tilespmem:v60+s18+$0x0], $0xffff;
	v60 =	vor.u32 v12, v33  }
0x216: {  	[tilespmem:v61+s24+$0x0] =	vst.idx.msk $0xffff, v45;
	v61 =	vor.u32 v13, v31;
	v31 =	vor.u32 v13, v32;
	v52 =	vld.idx.msk [tilespmem:v52+s18+$0x0], $0xffff  }
0x217: {  	[tilespmem:v62+s24+$0x0] =	vst.idx.msk $0xffff, v51;
	v62 =	vor.u32 v5, v20;
	v32 =	vld.idx.msk [tilespmem:v63+s18+$0x0], $0xffff;
	v63 =	vor.u32 v14, v30  }
0x218: {  	v46 =	vor.u32 v7, v26;
	[tilespmem:v35+s24+$0x0] =	vst.idx.msk $0xffff, v42;
	v33 =	vld.idx.msk [tilespmem:v43+s18+$0x0], $0xffff;
	v30 =	vor.u32 v6, v27  }
0x219: {  	v37 =	vor.u32 v10, v23;
	v34 =	vor.u32 v5, v25;
	[tilespmem:v38+s24+$0x0] =	vst.idx.msk $0xffff, v41;
	v39 =	vld.idx.msk [tilespmem:v57+s18+$0x0], $0xffff  }
0x21a: {  	v36 =	vor.u32 v7, v18;
	v45 =	vor.u32 v8, v23;
	[tilespmem:v50+s24+$0x0] =	vst.idx.msk $0xffff, v48;
	v44 =	vld.idx.msk [tilespmem:v58+s18+$0x0], $0xffff  }
0x21b: {  	v47 =	vor.u32 v8, v24;
	v42 =	vor.u32 v7, v20;
	[tilespmem:v61+s24+$0x0] =	vst.idx.msk $0xffff, v59;
	v40 =	vld.idx.msk [tilespmem:v60+s18+$0x0], $0xffff  }
0x21c: {  	s1 =	simm.s32 $0x8;
	v43 =	vor.u32 v8, v27;
	v41 =	vor.u32 v9, v18;
	[tilespmem:v62+s24+$0x0] =	vst.idx.msk $0xffff, v52;
	v38 =	vld.idx.msk [tilespmem:v63+s18+$0x0], $0xffff  }
.LBB2_21:
0x21d: {  	v48 =	vadd.s32 s1, v0;
	s0 =	sadd.s32 $0x1, s1;
	v49 =	vld.idx.msk [tilespmem:v30+s18+$0x0], $0xffff;
	v50 =	vor.u32 v6, v22;
	v51 =	vmov v18  }
0x21e: {  	s2 =	sadd.s32 $0x3, s1;
	[tilespmem:v34+s24+$0x0] =	vst.idx.msk $0xffff, v32;
	v52 =	vmovc v23;
	v35 =	vmovc v20;
	v30 =	vmov v26;
	v32 =	vmov v25;
	v34 =	vmov v27;
	s10 =	smov.u32 s1;
	s29 =	sadd.s32 $0x4, s1  }
0x21f: {  	p2 =	slt.u32 s1, $0x3C;
	v18 =	vand.u32 $0x3F, v48;
	v20 =	vadd.s32 s0, v0;
	s0 =	sadd.s32 $0x2, s10;
	v25 =	vadd.s32 s2, v0;
	[tilespmem:v36+s24+$0x0] =	vst.idx.msk $0xffff, v33;
	v33 =	vmovc v24;
	v36 =	vmovc v22  }
0x220: {  	v23 =	vshll.u32 v18, $0x7;
	v20 =	vand.u32 $0x3F, v20;
	v22 =	vadd.s32 s0, v0;
	v45 =	vld.idx.msk [tilespmem:v45+s18+$0x0], $0xffff;
	[tilespmem:v28+s24+$0x0] =	vst.idx.msk $0xffff, v39;
	v39 =	vmovc v16  }
0x221: {  	v25 =	vand.u32 $0x3F, v25;
	v16 =	vmovc v21;
	v28 =	vor.u32 v0, v23;
	v26 =	vand.u32 $0x3F, v22;
	[tilespmem:v46+s24+$0x0] =	vst.idx.msk $0xffff, v44  }
0x222: {  	v27 =	vshll.u32 v20, $0x7;
	v22 =	vshll.u32 v25, $0x7;
	v24 =	vshll.u32 v26, $0x7;
	v44 =	vld.idx.msk [tilespmem:v47+s18+$0x0], $0xffff;
	[tilespmem:v31+s24+$0x0] =	vst.idx.msk $0xffff, v40  }
0x223: {  	v40 =	vor.u32 v9, v30;
	v31 =	vor.u32 v0, v24;
	[tilespmem:v17+s24+$0x0] =	vst.idx.msk $0xffff, v38;
	v29 =	vld.idx.msk [tilespmem:v29+s18+$0x0], $0xffff  }
0x224: {  	v21 =	vor.u32 v15, v25;
	v38 =	vor.u32 v15, v26;
	[tilespmem:v42+s24+$0x0] =	vst.idx.msk $0xffff, v49;
	v42 =	vld.idx.msk [tilespmem:v50+s18+$0x0], $0xffff  }
0x225: {  	v48 =	vor.u32 v7, v32;
	v46 =	vor.u32 v0, v27;
	v47 =	vor.u32 v9, v35;
	v43 =	vld.idx.msk [tilespmem:v43+s18+$0x0], $0xffff  }
0x226: {  	v17 =	vmov v19;
	v49 =	vor.u32 v0, v22;
	[tilespmem:v41+s24+$0x0] =	vst.idx.msk $0xffff, v45;
	v41 =	vor.u32 v8, v36  }
0x227: {  	v50 =	vor.u32 v15, v51;
	v19 =	vmov v38;
	v45 =	vld.idx.msk [tilespmem:v28+s18+$0x0], $0xffff;
	v28 =	vor.u32 v15, v35  }
0x228: {  	v53 =	vor.u32 v10, v34;
	v38 =	vor.u32 v1, v18;
	v37 =	vld.idx.msk [tilespmem:v37+s18+$0x0], $0xffff;
	[tilespmem:v40+s24+$0x0] =	vst.idx.msk $0xffff, v44  }
0x229: {  	v40 =	vor.u32 v2, v23;
	v44 =	vor.u32 v11, v51;
	v31 =	vld.idx.msk [tilespmem:v31+s18+$0x0], $0xffff;
	[tilespmem:v39+s24+$0x0] =	vst.idx.msk $0xffff, v29  }
0x22a: {  	v54 =	vor.u32 v12, v52;
	v39 =	vld.idx.msk [tilespmem:v46+s18+$0x0], $0xffff;
	v46 =	vor.u32 v1, v26;
	[tilespmem:v48+s24+$0x0] =	vst.idx.msk $0xffff, v42  }
0x22b: {  	v42 =	vor.u32 v1, v20;
	v48 =	vor.u32 v2, v24;
	[tilespmem:v47+s24+$0x0] =	vst.idx.msk $0xffff, v43;
	v41 =	vld.idx.msk [tilespmem:v41+s18+$0x0], $0xffff  }
0x22c: {  	v29 =	vor.u32 v14, v36;
	v47 =	vor.u32 v10, v33;
	v43 =	vld.idx.msk [tilespmem:v49+s18+$0x0], $0xffff;
	v49 =	vor.u32 v9, v32  }
0x22d: {  	[tilespmem:v38+s24+$0x0] =	vst.idx.msk $0xffff, v45;
	v38 =	vor.u32 v1, v25;
	v45 =	vld.idx.msk [tilespmem:v53+s18+$0x0], $0xffff;
	v53 =	vor.u32 v10, v36  }
0x22e: {  	v55 =	vor.u32 v2, v27;
	v40 =	vld.idx.msk [tilespmem:v40+s18+$0x0], $0xffff;
	[tilespmem:v44+s24+$0x0] =	vst.idx.msk $0xffff, v37;
	v37 =	vor.u32 v11, v35  }
0x22f: {  	v44 =	vor.u32 v3, v18;
	[tilespmem:v46+s24+$0x0] =	vst.idx.msk $0xffff, v31;
	v31 =	vor.u32 v2, v22;
	v46 =	vld.idx.msk [tilespmem:v54+s18+$0x0], $0xffff  }
0x230: {  	v54 =	vor.u32 v4, v23;
	[tilespmem:v42+s24+$0x0] =	vst.idx.msk $0xffff, v39;
	v39 =	vld.idx.msk [tilespmem:v48+s18+$0x0], $0xffff;
	v42 =	vor.u32 v13, v51  }
0x231: {  	v48 =	vor.u32 v3, v26;
	v51 =	vor.u32 v12, v34;
	v47 =	vld.idx.msk [tilespmem:v47+s18+$0x0], $0xffff;
	[tilespmem:v49+s24+$0x0] =	vst.idx.msk $0xffff, v41  }
0x232: {  	v41 =	vor.u32 v4, v24;
	[tilespmem:v38+s24+$0x0] =	vst.idx.msk $0xffff, v43;
	v38 =	vor.u32 v11, v30;
	v43 =	vld.idx.msk [tilespmem:v53+s18+$0x0], $0xffff  }
0x233: {  	v52 =	vor.u32 v14, v52;
	v49 =	vld.idx.msk [tilespmem:v55+s18+$0x0], $0xffff;
	[tilespmem:v37+s24+$0x0] =	vst.idx.msk $0xffff, v45;
	v37 =	vor.u32 v11, v32  }
0x234: {  	[tilespmem:v44+s24+$0x0] =	vst.idx.msk $0xffff, v40;
	v40 =	vor.u32 v3, v20;
	v31 =	vld.idx.msk [tilespmem:v31+s18+$0x0], $0xffff;
	v44 =	vor.u32 v12, v33  }
0x235: {  	v53 =	vor.u32 v4, v27;
	v45 =	vld.idx.msk [tilespmem:v54+s18+$0x0], $0xffff;
	v54 =	vor.u32 v3, v25;
	[tilespmem:v42+s24+$0x0] =	vst.idx.msk $0xffff, v46  }
0x236: {  	v42 =	vor.u32 v5, v18;
	[tilespmem:v48+s24+$0x0] =	vst.idx.msk $0xffff, v39;
	v39 =	vor.u32 v4, v22;
	v46 =	vld.idx.msk [tilespmem:v51+s18+$0x0], $0xffff  }
0x237: {  	v35 =	vor.u32 v13, v35;
	v48 =	vor.u32 v6, v23;
	v41 =	vld.idx.msk [tilespmem:v41+s18+$0x0], $0xffff;
	[tilespmem:v38+s24+$0x0] =	vst.idx.msk $0xffff, v47  }
0x238: {  	v51 =	vor.u32 v14, v34;
	v38 =	vor.u32 v5, v26;
	v47 =	vld.idx.msk [tilespmem:v52+s18+$0x0], $0xffff;
	[tilespmem:v37+s24+$0x0] =	vst.idx.msk $0xffff, v43  }
0x239: {  	[tilespmem:v40+s24+$0x0] =	vst.idx.msk $0xffff, v49;
	v40 =	vor.u32 v6, v24;
	v43 =	vld.idx.msk [tilespmem:v44+s18+$0x0], $0xffff;
	v49 =	vor.u32 v12, v36  }
0x23a: {  	v52 =	vld.idx.msk [tilespmem:v53+s18+$0x0], $0xffff;
	[tilespmem:v54+s24+$0x0] =	vst.idx.msk $0xffff, v31;
	v53 =	vor.u32 v13, v30;
	v31 =	vor.u32 v13, v32  }
0x23b: {  	v55 =	vor.u32 v14, v33;
	v54 =	vor.u32 v5, v20;
	[tilespmem:v42+s24+$0x0] =	vst.idx.msk $0xffff, v45;
	v32 =	vld.idx.msk [tilespmem:v39+s18+$0x0], $0xffff  }
.Ltmp14:
0x23c: {  	v34 =	vor.u32 v5, v25;
	v30 =	vor.u32 v6, v27;
	v33 =	vld.idx.msk [tilespmem:v48+s18+$0x0], $0xffff;
	[tilespmem:v35+s24+$0x0] =	vst.idx.msk $0xffff, v46;
	(pc) =	sbr.rel @p2 .LBB2_21-.Ltmp14, $4  }
0x23d: {  	v37 =	vor.u32 v10, v23;
	v36 =	vor.u32 v7, v18;
	[tilespmem:v38+s24+$0x0] =	vst.idx.msk $0xffff, v41;
	v39 =	vld.idx.msk [tilespmem:v51+s18+$0x0], $0xffff  }
0x23e: {  	v45 =	vor.u32 v8, v23;
	v41 =	vor.u32 v9, v18;
	v44 =	vld.idx.msk [tilespmem:v40+s18+$0x0], $0xffff;
	[tilespmem:v50+s24+$0x0] =	vst.idx.msk $0xffff, v47  }
0x23f: {  	v42 =	vor.u32 v7, v20;
	v46 =	vor.u32 v7, v26;
	[tilespmem:v53+s24+$0x0] =	vst.idx.msk $0xffff, v43;
	v40 =	vld.idx.msk [tilespmem:v49+s18+$0x0], $0xffff  }
0x240: {  	s1 =	smov.u32 s29;
	v47 =	vor.u32 v8, v24;
	v43 =	vor.u32 v8, v27;
	[tilespmem:v54+s24+$0x0] =	vst.idx.msk $0xffff, v52;
	v38 =	vld.idx.msk [tilespmem:v55+s18+$0x0], $0xffff  }
0x241: {  	v35 =	vor.u32 v6, v22;
	_ =	sdelay $0x3  }
0x242: {  	v30 =	vld.idx.msk [tilespmem:v30+s18+$0x0], $0xffff;
	[tilespmem:v34+s24+$0x0] =	vst.idx.msk $0xffff, v32  }
0x243: {  	v52 =	vor.u32 v7, v25;
	v32 =	vld.idx.msk [tilespmem:v35+s18+$0x0], $0xffff  }
0x244: {  	v53 =	vor.u32 v8, v22  }
0x245: {  	[tilespmem:v36+s24+$0x0] =	vst.idx.msk $0xffff, v33  }
0x246: {  	v33 =	vld.idx.msk [tilespmem:v45+s18+$0x0], $0xffff;
	[tilespmem:v46+s24+$0x0] =	vst.idx.msk $0xffff, v44  }
0x247: {  	v56 =	vor.u32 v9, v26;
	v55 =	vld.idx.msk [tilespmem:v47+s18+$0x0], $0xffff;
	[tilespmem:v42+s24+$0x0] =	vst.idx.msk $0xffff, v30  }
0x248: {  	v54 =	vor.u32 v9, v20;
	v58 =	vor.u32 v10, v24;
	v30 =	vld.idx.msk [tilespmem:v43+s18+$0x0], $0xffff;
	[tilespmem:v52+s24+$0x0] =	vst.idx.msk $0xffff, v32  }
0x249: {  	v57 =	vor.u32 v10, v27;
	v59 =	vor.u32 v9, v25;
	v32 =	vld.idx.msk [tilespmem:v53+s18+$0x0], $0xffff  }
0x24a: {  	v60 =	vor.u32 v10, v22  }
0x24b: {  	[tilespmem:v41+s24+$0x0] =	vst.idx.msk $0xffff, v33  }
0x24c: {  	v61 =	vor.u32 v11, v18;
	v33 =	vld.idx.msk [tilespmem:v37+s18+$0x0], $0xffff;
	[tilespmem:v56+s24+$0x0] =	vst.idx.msk $0xffff, v55  }
0x24d: {  	v62 =	vor.u32 v12, v23;
	v49 =	vor.u32 v11, v26;
	v34 =	vld.idx.msk [tilespmem:v58+s18+$0x0], $0xffff;
	[tilespmem:v54+s24+$0x0] =	vst.idx.msk $0xffff, v30  }
0x24e: {  	v63 =	vor.u32 v11, v20;
	v51 =	vor.u32 v12, v24;
	v36 =	vld.idx.msk [tilespmem:v57+s18+$0x0], $0xffff;
	[tilespmem:v59+s24+$0x0] =	vst.idx.msk $0xffff, v32  }
0x24f: {  	v48 =	vor.u32 v12, v27;
	v50 =	vor.u32 v11, v25;
	v35 =	vld.idx.msk [tilespmem:v60+s18+$0x0], $0xffff  }
0x250: {  	v52 =	vor.u32 v12, v22  }
0x251: {  	[tilespmem:v61+s24+$0x0] =	vst.idx.msk $0xffff, v33  }
0x252: {  	v53 =	vor.u32 v13, v18;
	v30 =	vld.idx.msk [tilespmem:v62+s18+$0x0], $0xffff;
	[tilespmem:v49+s24+$0x0] =	vst.idx.msk $0xffff, v34  }
0x253: {  	v54 =	vor.u32 v14, v23;
	v57 =	vor.u32 v13, v26;
	v32 =	vld.idx.msk [tilespmem:v51+s18+$0x0], $0xffff;
	[tilespmem:v63+s24+$0x0] =	vst.idx.msk $0xffff, v36  }
0x254: {  	v55 =	vor.u32 v13, v20;
	v59 =	vor.u32 v14, v24;
	v36 =	vld.idx.msk [tilespmem:v48+s18+$0x0], $0xffff;
	[tilespmem:v50+s24+$0x0] =	vst.idx.msk $0xffff, v35  }
0x255: {  	[tilespmem:v28+s24+$0x0] =	vst.idx.msk $0xffff, v39;
	v56 =	vor.u32 v14, v27;
	v58 =	vor.u32 v13, v25;
	v60 =	vld.idx.msk [tilespmem:v52+s18+$0x0], $0xffff  }
0x256: {  	[tilespmem:v31+s24+$0x0] =	vst.idx.msk $0xffff, v40;
	v61 =	vor.u32 v14, v22  }
0x257: {  	v29 =	vld.idx.msk [tilespmem:v29+s18+$0x0], $0xffff;
	[tilespmem:v53+s24+$0x0] =	vst.idx.msk $0xffff, v30  }
0x258: {  	v62 =	vor.u32 v15, v18;
	v23 =	vld.idx.msk [tilespmem:v54+s18+$0x0], $0xffff;
	[tilespmem:v57+s24+$0x0] =	vst.idx.msk $0xffff, v32  }
0x259: {  	v24 =	vld.idx.msk [tilespmem:v59+s18+$0x0], $0xffff;
	[tilespmem:v55+s24+$0x0] =	vst.idx.msk $0xffff, v36  }
0x25a: {  	v63 =	vor.u32 v15, v20;
	v27 =	vld.idx.msk [tilespmem:v56+s18+$0x0], $0xffff;
	[tilespmem:v58+s24+$0x0] =	vst.idx.msk $0xffff, v60  }
0x25b: {  	s26 =	sadd.s32 $0x1, s26;
	[tilespmem:v17+s24+$0x0] =	vst.idx.msk $0xffff, v38;
	v17 =	vld.idx.msk [tilespmem:v61+s18+$0x0], $0xffff  }
0x25c: {  	p2 =	sne.s32 s26, $0x3D;
	[tilespmem:v16+s24+$0x0] =	vst.idx.msk $0xffff, v29  }
.Ltmp15:
0x25d: {  	[tilespmem:v62+s24+$0x0] =	vst.idx.msk $0xffff, v23;
	(pc) =	sbr.rel @p2 .LBB2_2-.Ltmp15, $4  }
0x25e: {  	s0 =	sshll.u32 s28, $0xA;
	[tilespmem:v19+s24+$0x0] =	vst.idx.msk $0xffff, v24  }
0x25f: {  	s0 =	sand.u32 $0x1FFFFC00, s0;
	[tilespmem:v63+s24+$0x0] =	vst.idx.msk $0xffff, v27  }
0x260: {  	s0 =	sadd.s32 s5, s0;
	[tilespmem:v21+s24+$0x0] =	vst.idx.msk $0xffff, v17  }
0x261: {  	[hbm4b:s0+s3] =	stream.linear.scatter [tilespmem:s24], [sflag:$0x2], $0x2000, $0x38;
	[tilespmem:$0x10000] =	vst v63  }
0x262: {  	_ =	swait.ge [sflag:s21], $0x2000  }
0x263: {  	[sflag:s21] =	ssyncset.done $0x0  }
0x264: {  	[sflag:s21] =	ssyncadd.s32 $0xFFFFE000  }
0x265: {  	_ =	swait.ge [sflag:s21], $0x2000  }
0x266: {  	[sflag:s21] =	ssyncset.done $0x0  }
0x267: {  	[sflag:s21] =	ssyncadd.s32 $0xFFFFE000  }
0x268: {  	_ =	swait.ge [sflag:s21], $0x2000  }
.Ltmp16:
0x269: {  	[sflag:s21] =	ssyncset.done $0x0;
	(pc) =	sbr.rel @p0 .LBB2_27-.Ltmp16, $4  }
0x26a: {  	[sflag:s21] =	ssyncadd.s32 $0xFFFFE000  }
0x26b: {  	_ =	swait.ge [sflag:s21], $0x2000  }
0x26c: {  	[sflag:s21] =	ssyncset.done $0x0  }
0x26d: {  	[sflag:s21] =	ssyncadd.s32 $0xFFFFE000  }
0x26e: {  	s0 =	simm.s32 $0x0  }
0x26f: {  	v16 =	vadd.s32 s0, v0  }
0x270: {  	s1 =	simm.s32 $0x2;
	v37 =	vand.u32 $0x3F, v16  }
0x271: {  	v16 =	vadd.s32 s1, v0;
	v36 =	vshll.u32 v37, $0x7  }
0x272: {  	s2 =	rddreg [dreg:$0x4];
	s10 =	simm.s32 $0x1;
	s26 =	simm.s32 $0x3;
	v31 =	vand.u32 $0x3F, v16;
	v17 =	vor.u32 v0, v36  }
0x273: {  	[tilespmem:s0], [sflag:$0x1] =	stream.strided.gather [hbm4b:s2+s14], $0x2000, s15, s14, $0x38;
	v16 =	vadd.s32 s10, v0;
	v30 =	vshll.u32 v31, $0x7;
	[tilespmem:$0x10000] =	vst v63  }
0x274: {  	v18 =	vadd.s32 s26, v0;
	_ =	swait.ge [sflag:s19], $0x2000;
	v34 =	vand.u32 $0x3F, v16;
	v16 =	vor.u32 v0, v30  }
0x275: {  	v32 =	vand.u32 $0x3F, v18;
	[sflag:s19] =	ssyncset.done $0x0;
	v35 =	vshll.u32 v34, $0x7  }
0x276: {  	v33 =	vshll.u32 v32, $0x7;
	[sflag:s19] =	ssyncadd.s32 $0xFFFFE000;
	v18 =	vor.u32 v0, v35  }
0x277: {  	v20 =	vor.u32 v1, v37;
	v19 =	vor.u32 v0, v33;
	v17 =	vld.idx.msk [tilespmem:v17+s3+$0x0], $0xffff  }
0x278: {  	v21 =	vor.u32 v2, v36  }
0x279: {  	v22 =	vor.u32 v1, v31;
	v16 =	vld.idx.msk [tilespmem:v16+s3+$0x0], $0xffff  }
0x27a: {  	v23 =	vor.u32 v2, v30  }
0x27b: {  	v24 =	vor.u32 v1, v34;
	v18 =	vld.idx.msk [tilespmem:v18+s3+$0x0], $0xffff  }
0x27c: {  	v19 =	vld.idx.msk [tilespmem:v19+s3+$0x0], $0xffff;
	[tilespmem:v20+s20+$0x0] =	vst.idx.msk $0xffff, v17;
	v17 =	vor.u32 v1, v32;
	v20 =	vor.u32 v2, v35  }
0x27d: {  	v25 =	vor.u32 v3, v37;
	v26 =	vor.u32 v2, v33;
	v21 =	vld.idx.msk [tilespmem:v21+s3+$0x0], $0xffff  }
0x27e: {  	[tilespmem:v22+s20+$0x0] =	vst.idx.msk $0xffff, v16;
	v16 =	vor.u32 v4, v36  }
0x27f: {  	v22 =	vld.idx.msk [tilespmem:v23+s3+$0x0], $0xffff;
	v23 =	vor.u32 v3, v31  }
0x280: {  	[tilespmem:v24+s20+$0x0] =	vst.idx.msk $0xffff, v18;
	v18 =	vor.u32 v4, v30  }
0x281: {  	[tilespmem:v17+s20+$0x0] =	vst.idx.msk $0xffff, v19;
	v17 =	vld.idx.msk [tilespmem:v20+s3+$0x0], $0xffff;
	v19 =	vor.u32 v3, v34  }
0x282: {  	v24 =	vor.u32 v3, v32;
	[tilespmem:v25+s20+$0x0] =	vst.idx.msk $0xffff, v21;
	v20 =	vld.idx.msk [tilespmem:v26+s3+$0x0], $0xffff;
	v21 =	vor.u32 v4, v35  }
0x283: {  	v26 =	vor.u32 v5, v37;
	v25 =	vld.idx.msk [tilespmem:v16+s3+$0x0], $0xffff  }
0x284: {  	[tilespmem:v23+s20+$0x0] =	vst.idx.msk $0xffff, v22;
	v22 =	vor.u32 v6, v36  }
0x285: {  	v27 =	vor.u32 v5, v31;
	v23 =	vor.u32 v4, v33;
	v18 =	vld.idx.msk [tilespmem:v18+s3+$0x0], $0xffff  }
0x286: {  	v38 =	vor.u32 v9, v37;
	v58 =	vor.u32 v7, v32;
	[tilespmem:v19+s20+$0x0] =	vst.idx.msk $0xffff, v17  }
0x287: {  	v19 =	vor.u32 v6, v30;
	v21 =	vld.idx.msk [tilespmem:v21+s3+$0x0], $0xffff;
	[tilespmem:v24+s20+$0x0] =	vst.idx.msk $0xffff, v20;
	v20 =	vor.u32 v5, v34  }
0x288: {  	v50 =	vor.u32 v15, v37;
	v24 =	vor.u32 v6, v35;
	[tilespmem:v26+s20+$0x0] =	vst.idx.msk $0xffff, v25  }
0x289: {  	v62 =	vor.u32 v11, v37;
	v29 =	vor.u32 v10, v36;
	v26 =	vor.u32 v7, v37;
	v22 =	vld.idx.msk [tilespmem:v22+s3+$0x0], $0xffff  }
0x28a: {  	v25 =	vor.u32 v5, v32;
	v28 =	vld.idx.msk [tilespmem:v23+s3+$0x0], $0xffff;
	[tilespmem:v27+s20+$0x0] =	vst.idx.msk $0xffff, v18;
	v27 =	vor.u32 v8, v36  }
0x28b: {  	s28 =	simm.s32 $0x4;
	v40 =	vor.u32 v7, v31;
	v42 =	vor.u32 v6, v33;
	v46 =	vor.u32 v9, v31  }
0x28c: {  	v48 =	vor.u32 v8, v33;
	v18 =	vadd.s32 s28, v0;
	v19 =	vld.idx.msk [tilespmem:v19+s3+$0x0], $0xffff;
	[tilespmem:v20+s20+$0x0] =	vst.idx.msk $0xffff, v21  }
0x28d: {  	s29 =	simm.s32 $0x5;
	v39 =	vor.u32 v7, v34;
	v18 =	vand.u32 $0x3F, v18;
	v21 =	vor.u32 v8, v30;
	v43 =	vld.idx.msk [tilespmem:v24+s3+$0x0], $0xffff  }
0x28e: {  	s31 =	simm.s32 $0x6;
	v41 =	vor.u32 v8, v35;
	v23 =	vshll.u32 v18, $0x7;
	v20 =	vadd.s32 s29, v0;
	[tilespmem:v26+s20+$0x0] =	vst.idx.msk $0xffff, v22  }
0x28f: {  	s30 =	simm.s32 $0x7;
	v44 =	vor.u32 v0, v23;
	v20 =	vand.u32 $0x3F, v20;
	[tilespmem:v25+s20+$0x0] =	vst.idx.msk $0xffff, v28;
	v22 =	vadd.s32 s31, v0;
	v28 =	vld.idx.msk [tilespmem:v27+s3+$0x0], $0xffff  }
0x290: {  	v24 =	vadd.s32 s30, v0;
	v26 =	vand.u32 $0x3F, v22;
	v27 =	vshll.u32 v20, $0x7  }
0x291: {  	v25 =	vand.u32 $0x3F, v24;
	v63 =	vld.idx.msk [tilespmem:v42+s3+$0x0], $0xffff;
	[tilespmem:v40+s20+$0x0] =	vst.idx.msk $0xffff, v19;
	v24 =	vshll.u32 v26, $0x7;
	v57 =	vor.u32 v0, v27  }
0x292: {  	v54 =	vor.u32 v12, v36;
	v40 =	vld.idx.msk [tilespmem:v21+s3+$0x0], $0xffff;
	v45 =	vor.u32 v0, v24;
	[tilespmem:v39+s20+$0x0] =	vst.idx.msk $0xffff, v43  }
0x293: {  	v47 =	vor.u32 v9, v34;
	v52 =	vor.u32 v10, v35;
	v22 =	vshll.u32 v25, $0x7;
	v41 =	vld.idx.msk [tilespmem:v41+s3+$0x0], $0xffff  }
0x294: {  	v60 =	vor.u32 v1, v18;
	v49 =	vor.u32 v0, v22;
	v59 =	vld.idx.msk [tilespmem:v44+s3+$0x0], $0xffff;
	[tilespmem:v38+s20+$0x0] =	vst.idx.msk $0xffff, v28  }
0x295: {  	v16 =	vor.u32 v15, v32;
	v17 =	vor.u32 v15, v31;
	v61 =	vor.u32 v2, v23;
	v51 =	vld.idx.msk [tilespmem:v29+s3+$0x0], $0xffff  }
0x296: {  	v37 =	vor.u32 v13, v37;
	v36 =	vor.u32 v14, v36;
	v19 =	vor.u32 v15, v26;
	v42 =	vld.idx.msk [tilespmem:v57+s3+$0x0], $0xffff  }
0x297: {  	v53 =	vor.u32 v1, v26;
	v55 =	vor.u32 v2, v27;
	[tilespmem:v58+s20+$0x0] =	vst.idx.msk $0xffff, v63;
	v45 =	vld.idx.msk [tilespmem:v45+s3+$0x0], $0xffff  }
0x298: {  	v39 =	vor.u32 v1, v20;
	v63 =	vor.u32 v2, v24;
	[tilespmem:v47+s20+$0x0] =	vst.idx.msk $0xffff, v41;
	v41 =	vld.idx.msk [tilespmem:v48+s3+$0x0], $0xffff  }
0x299: {  	[tilespmem:v60+s20+$0x0] =	vst.idx.msk $0xffff, v59;
	v47 =	vld.idx.msk [tilespmem:v49+s3+$0x0], $0xffff;
	v48 =	vor.u32 v10, v30;
	v49 =	vor.u32 v9, v32  }
0x29a: {  	v21 =	vor.u32 v15, v25;
	v57 =	vor.u32 v1, v25;
	[tilespmem:v46+s20+$0x0] =	vst.idx.msk $0xffff, v40;
	v40 =	vld.idx.msk [tilespmem:v61+s3+$0x0], $0xffff  }
0x29b: {  	v58 =	vor.u32 v10, v33;
	v60 =	vor.u32 v3, v18;
	v44 =	vld.idx.msk [tilespmem:v52+s3+$0x0], $0xffff;
	[tilespmem:v62+s20+$0x0] =	vst.idx.msk $0xffff, v51  }
0x29c: {  	v59 =	vor.u32 v11, v34;
	v61 =	vor.u32 v2, v22;
	[tilespmem:v53+s20+$0x0] =	vst.idx.msk $0xffff, v45;
	v53 =	vld.idx.msk [tilespmem:v54+s3+$0x0], $0xffff  }
0x29d: {  	v43 =	vor.u32 v12, v35;
	v62 =	vor.u32 v4, v23;
	[tilespmem:v39+s20+$0x0] =	vst.idx.msk $0xffff, v42;
	v39 =	vld.idx.msk [tilespmem:v63+s3+$0x0], $0xffff  }
0x29e: {  	v35 =	vor.u32 v14, v35;
	v63 =	vor.u32 v3, v26;
	v48 =	vld.idx.msk [tilespmem:v48+s3+$0x0], $0xffff;
	[tilespmem:v49+s20+$0x0] =	vst.idx.msk $0xffff, v41  }
0x29f: {  	v41 =	vor.u32 v4, v24;
	[tilespmem:v57+s20+$0x0] =	vst.idx.msk $0xffff, v47;
	v57 =	vor.u32 v11, v31;
	v49 =	vld.idx.msk [tilespmem:v55+s3+$0x0], $0xffff  }
0x2a0: {  	v28 =	vor.u32 v15, v34;
	[tilespmem:v60+s20+$0x0] =	vst.idx.msk $0xffff, v40;
	v47 =	vld.idx.msk [tilespmem:v58+s3+$0x0], $0xffff;
	v58 =	vor.u32 v11, v32  }
0x2a1: {  	v60 =	vor.u32 v12, v30;
	[tilespmem:v59+s20+$0x0] =	vst.idx.msk $0xffff, v44;
	v59 =	vor.u32 v3, v20;
	v45 =	vld.idx.msk [tilespmem:v61+s3+$0x0], $0xffff  }
0x2a2: {  	v52 =	vor.u32 v4, v27;
	v61 =	vor.u32 v3, v25;
	v51 =	vld.idx.msk [tilespmem:v62+s3+$0x0], $0xffff;
	[tilespmem:v37+s20+$0x0] =	vst.idx.msk $0xffff, v53  }
0x2a3: {  	v62 =	vor.u32 v5, v18;
	v42 =	vld.idx.msk [tilespmem:v43+s3+$0x0], $0xffff;
	[tilespmem:v63+s20+$0x0] =	vst.idx.msk $0xffff, v39;
	v63 =	vor.u32 v4, v22  }
0x2a4: {  	v43 =	vor.u32 v6, v23;
	v53 =	vor.u32 v13, v34;
	v41 =	vld.idx.msk [tilespmem:v41+s3+$0x0], $0xffff;
	[tilespmem:v57+s20+$0x0] =	vst.idx.msk $0xffff, v48  }
0x2a5: {  	v38 =	vor.u32 v5, v26;
	v29 =	vor.u32 v14, v33;
	v57 =	vld.idx.msk [tilespmem:v36+s3+$0x0], $0xffff;
	[tilespmem:v58+s20+$0x0] =	vst.idx.msk $0xffff, v47  }
0x2a6: {  	[tilespmem:v59+s20+$0x0] =	vst.idx.msk $0xffff, v49;
	v58 =	vor.u32 v6, v24;
	v59 =	vld.idx.msk [tilespmem:v60+s3+$0x0], $0xffff;
	v60 =	vor.u32 v12, v33  }
0x2a7: {  	[tilespmem:v61+s20+$0x0] =	vst.idx.msk $0xffff, v45;
	v61 =	vor.u32 v13, v31;
	v31 =	vor.u32 v13, v32;
	v52 =	vld.idx.msk [tilespmem:v52+s3+$0x0], $0xffff  }
0x2a8: {  	[tilespmem:v62+s20+$0x0] =	vst.idx.msk $0xffff, v51;
	v62 =	vor.u32 v5, v20;
	v32 =	vld.idx.msk [tilespmem:v63+s3+$0x0], $0xffff;
	v63 =	vor.u32 v14, v30  }
0x2a9: {  	v46 =	vor.u32 v7, v26;
	v33 =	vld.idx.msk [tilespmem:v43+s3+$0x0], $0xffff;
	[tilespmem:v53+s20+$0x0] =	vst.idx.msk $0xffff, v42;
	v30 =	vor.u32 v6, v27  }
0x2aa: {  	v34 =	vor.u32 v5, v25;
	v37 =	vor.u32 v10, v23;
	v39 =	vld.idx.msk [tilespmem:v35+s3+$0x0], $0xffff;
	[tilespmem:v38+s20+$0x0] =	vst.idx.msk $0xffff, v41  }
0x2ab: {  	v36 =	vor.u32 v7, v18;
	v45 =	vor.u32 v8, v23;
	[tilespmem:v50+s20+$0x0] =	vst.idx.msk $0xffff, v57;
	v44 =	vld.idx.msk [tilespmem:v58+s3+$0x0], $0xffff  }
0x2ac: {  	v47 =	vor.u32 v8, v24;
	v42 =	vor.u32 v7, v20;
	[tilespmem:v61+s20+$0x0] =	vst.idx.msk $0xffff, v59;
	v40 =	vld.idx.msk [tilespmem:v60+s3+$0x0], $0xffff  }
0x2ad: {  	s1 =	simm.s32 $0x8;
	v43 =	vor.u32 v8, v27;
	v41 =	vor.u32 v9, v18;
	[tilespmem:v62+s20+$0x0] =	vst.idx.msk $0xffff, v52;
	v38 =	vld.idx.msk [tilespmem:v63+s3+$0x0], $0xffff  }
.LBB2_25:
0x2ae: {  	v48 =	vadd.s32 s1, v0;
	s0 =	sadd.s32 $0x1, s1;
	v49 =	vld.idx.msk [tilespmem:v30+s3+$0x0], $0xffff;
	v50 =	vor.u32 v6, v22;
	v51 =	vmov v18  }
0x2af: {  	s2 =	sadd.s32 $0x3, s1;
	[tilespmem:v34+s20+$0x0] =	vst.idx.msk $0xffff, v32;
	v52 =	vmovc v23;
	v35 =	vmovc v20;
	v30 =	vmov v26;
	v32 =	vmov v25;
	v34 =	vmov v27;
	s10 =	smov.u32 s1;
	s26 =	sadd.s32 $0x4, s1  }
0x2b0: {  	p2 =	slt.u32 s1, $0x3C;
	v18 =	vand.u32 $0x3F, v48;
	v20 =	vadd.s32 s0, v0;
	s0 =	sadd.s32 $0x2, s10;
	v25 =	vadd.s32 s2, v0;
	[tilespmem:v36+s20+$0x0] =	vst.idx.msk $0xffff, v33;
	v33 =	vmovc v24;
	v36 =	vmovc v22  }
0x2b1: {  	v23 =	vshll.u32 v18, $0x7;
	v20 =	vand.u32 $0x3F, v20;
	v22 =	vadd.s32 s0, v0;
	v45 =	vld.idx.msk [tilespmem:v45+s3+$0x0], $0xffff;
	[tilespmem:v28+s20+$0x0] =	vst.idx.msk $0xffff, v39;
	v39 =	vmovc v16  }
0x2b2: {  	v25 =	vand.u32 $0x3F, v25;
	v16 =	vmovc v21;
	v28 =	vor.u32 v0, v23;
	v26 =	vand.u32 $0x3F, v22;
	[tilespmem:v46+s20+$0x0] =	vst.idx.msk $0xffff, v44  }
0x2b3: {  	v27 =	vshll.u32 v20, $0x7;
	v22 =	vshll.u32 v25, $0x7;
	v24 =	vshll.u32 v26, $0x7;
	v44 =	vld.idx.msk [tilespmem:v47+s3+$0x0], $0xffff;
	[tilespmem:v31+s20+$0x0] =	vst.idx.msk $0xffff, v40  }
0x2b4: {  	v40 =	vor.u32 v9, v30;
	v31 =	vor.u32 v0, v24;
	[tilespmem:v17+s20+$0x0] =	vst.idx.msk $0xffff, v38;
	v29 =	vld.idx.msk [tilespmem:v29+s3+$0x0], $0xffff  }
0x2b5: {  	v21 =	vor.u32 v15, v25;
	v38 =	vor.u32 v15, v26;
	[tilespmem:v42+s20+$0x0] =	vst.idx.msk $0xffff, v49;
	v42 =	vld.idx.msk [tilespmem:v50+s3+$0x0], $0xffff  }
0x2b6: {  	v48 =	vor.u32 v7, v32;
	v46 =	vor.u32 v0, v27;
	v47 =	vor.u32 v9, v35;
	v43 =	vld.idx.msk [tilespmem:v43+s3+$0x0], $0xffff  }
0x2b7: {  	v17 =	vmov v19;
	v49 =	vor.u32 v0, v22;
	[tilespmem:v41+s20+$0x0] =	vst.idx.msk $0xffff, v45;
	v41 =	vor.u32 v8, v36  }
0x2b8: {  	v50 =	vor.u32 v15, v51;
	v19 =	vmov v38;
	v45 =	vld.idx.msk [tilespmem:v28+s3+$0x0], $0xffff;
	v28 =	vor.u32 v15, v35  }
0x2b9: {  	v53 =	vor.u32 v10, v34;
	v38 =	vor.u32 v1, v18;
	v37 =	vld.idx.msk [tilespmem:v37+s3+$0x0], $0xffff;
	[tilespmem:v40+s20+$0x0] =	vst.idx.msk $0xffff, v44  }
0x2ba: {  	v40 =	vor.u32 v2, v23;
	v44 =	vor.u32 v11, v51;
	v31 =	vld.idx.msk [tilespmem:v31+s3+$0x0], $0xffff;
	[tilespmem:v39+s20+$0x0] =	vst.idx.msk $0xffff, v29  }
0x2bb: {  	v54 =	vor.u32 v12, v52;
	v39 =	vld.idx.msk [tilespmem:v46+s3+$0x0], $0xffff;
	v46 =	vor.u32 v1, v26;
	[tilespmem:v48+s20+$0x0] =	vst.idx.msk $0xffff, v42  }
0x2bc: {  	v42 =	vor.u32 v1, v20;
	v48 =	vor.u32 v2, v24;
	[tilespmem:v47+s20+$0x0] =	vst.idx.msk $0xffff, v43;
	v41 =	vld.idx.msk [tilespmem:v41+s3+$0x0], $0xffff  }
0x2bd: {  	v29 =	vor.u32 v14, v36;
	v47 =	vor.u32 v10, v33;
	v43 =	vld.idx.msk [tilespmem:v49+s3+$0x0], $0xffff;
	v49 =	vor.u32 v9, v32  }
0x2be: {  	[tilespmem:v38+s20+$0x0] =	vst.idx.msk $0xffff, v45;
	v38 =	vor.u32 v1, v25;
	v45 =	vld.idx.msk [tilespmem:v53+s3+$0x0], $0xffff;
	v53 =	vor.u32 v10, v36  }
0x2bf: {  	v55 =	vor.u32 v2, v27;
	v40 =	vld.idx.msk [tilespmem:v40+s3+$0x0], $0xffff;
	[tilespmem:v44+s20+$0x0] =	vst.idx.msk $0xffff, v37;
	v37 =	vor.u32 v11, v35  }
0x2c0: {  	v44 =	vor.u32 v3, v18;
	[tilespmem:v46+s20+$0x0] =	vst.idx.msk $0xffff, v31;
	v31 =	vor.u32 v2, v22;
	v46 =	vld.idx.msk [tilespmem:v54+s3+$0x0], $0xffff  }
0x2c1: {  	v54 =	vor.u32 v4, v23;
	[tilespmem:v42+s20+$0x0] =	vst.idx.msk $0xffff, v39;
	v39 =	vld.idx.msk [tilespmem:v48+s3+$0x0], $0xffff;
	v42 =	vor.u32 v13, v51  }
0x2c2: {  	v48 =	vor.u32 v3, v26;
	v51 =	vor.u32 v12, v34;
	v47 =	vld.idx.msk [tilespmem:v47+s3+$0x0], $0xffff;
	[tilespmem:v49+s20+$0x0] =	vst.idx.msk $0xffff, v41  }
0x2c3: {  	v41 =	vor.u32 v4, v24;
	[tilespmem:v38+s20+$0x0] =	vst.idx.msk $0xffff, v43;
	v38 =	vor.u32 v11, v30;
	v43 =	vld.idx.msk [tilespmem:v53+s3+$0x0], $0xffff  }
0x2c4: {  	v52 =	vor.u32 v14, v52;
	v49 =	vld.idx.msk [tilespmem:v55+s3+$0x0], $0xffff;
	[tilespmem:v37+s20+$0x0] =	vst.idx.msk $0xffff, v45;
	v37 =	vor.u32 v11, v32  }
0x2c5: {  	[tilespmem:v44+s20+$0x0] =	vst.idx.msk $0xffff, v40;
	v40 =	vor.u32 v3, v20;
	v31 =	vld.idx.msk [tilespmem:v31+s3+$0x0], $0xffff;
	v44 =	vor.u32 v12, v33  }
0x2c6: {  	v53 =	vor.u32 v4, v27;
	v45 =	vld.idx.msk [tilespmem:v54+s3+$0x0], $0xffff;
	v54 =	vor.u32 v3, v25;
	[tilespmem:v42+s20+$0x0] =	vst.idx.msk $0xffff, v46  }
0x2c7: {  	v42 =	vor.u32 v5, v18;
	[tilespmem:v48+s20+$0x0] =	vst.idx.msk $0xffff, v39;
	v39 =	vor.u32 v4, v22;
	v46 =	vld.idx.msk [tilespmem:v51+s3+$0x0], $0xffff  }
0x2c8: {  	v35 =	vor.u32 v13, v35;
	v48 =	vor.u32 v6, v23;
	v41 =	vld.idx.msk [tilespmem:v41+s3+$0x0], $0xffff;
	[tilespmem:v38+s20+$0x0] =	vst.idx.msk $0xffff, v47  }
0x2c9: {  	v51 =	vor.u32 v14, v34;
	v38 =	vor.u32 v5, v26;
	v47 =	vld.idx.msk [tilespmem:v52+s3+$0x0], $0xffff;
	[tilespmem:v37+s20+$0x0] =	vst.idx.msk $0xffff, v43  }
0x2ca: {  	[tilespmem:v40+s20+$0x0] =	vst.idx.msk $0xffff, v49;
	v40 =	vor.u32 v6, v24;
	v43 =	vld.idx.msk [tilespmem:v44+s3+$0x0], $0xffff;
	v49 =	vor.u32 v12, v36  }
0x2cb: {  	v52 =	vld.idx.msk [tilespmem:v53+s3+$0x0], $0xffff;
	[tilespmem:v54+s20+$0x0] =	vst.idx.msk $0xffff, v31;
	v53 =	vor.u32 v13, v30;
	v31 =	vor.u32 v13, v32  }
0x2cc: {  	v55 =	vor.u32 v14, v33;
	v54 =	vor.u32 v5, v20;
	[tilespmem:v42+s20+$0x0] =	vst.idx.msk $0xffff, v45;
	v32 =	vld.idx.msk [tilespmem:v39+s3+$0x0], $0xffff  }
.Ltmp17:
0x2cd: {  	v34 =	vor.u32 v5, v25;
	v30 =	vor.u32 v6, v27;
	v33 =	vld.idx.msk [tilespmem:v48+s3+$0x0], $0xffff;
	[tilespmem:v35+s20+$0x0] =	vst.idx.msk $0xffff, v46;
	(pc) =	sbr.rel @p2 .LBB2_25-.Ltmp17, $4  }
0x2ce: {  	v37 =	vor.u32 v10, v23;
	v36 =	vor.u32 v7, v18;
	[tilespmem:v38+s20+$0x0] =	vst.idx.msk $0xffff, v41;
	v39 =	vld.idx.msk [tilespmem:v51+s3+$0x0], $0xffff  }
0x2cf: {  	v45 =	vor.u32 v8, v23;
	v41 =	vor.u32 v9, v18;
	v44 =	vld.idx.msk [tilespmem:v40+s3+$0x0], $0xffff;
	[tilespmem:v50+s20+$0x0] =	vst.idx.msk $0xffff, v47  }
0x2d0: {  	v42 =	vor.u32 v7, v20;
	v46 =	vor.u32 v7, v26;
	[tilespmem:v53+s20+$0x0] =	vst.idx.msk $0xffff, v43;
	v40 =	vld.idx.msk [tilespmem:v49+s3+$0x0], $0xffff  }
0x2d1: {  	s1 =	smov.u32 s26;
	v47 =	vor.u32 v8, v24;
	v43 =	vor.u32 v8, v27;
	[tilespmem:v54+s20+$0x0] =	vst.idx.msk $0xffff, v52;
	v38 =	vld.idx.msk [tilespmem:v55+s3+$0x0], $0xffff  }
0x2d2: {  	v35 =	vor.u32 v6, v22;
	_ =	sdelay $0x3  }
0x2d3: {  	v30 =	vld.idx.msk [tilespmem:v30+s3+$0x0], $0xffff;
	[tilespmem:v34+s20+$0x0] =	vst.idx.msk $0xffff, v32  }
0x2d4: {  	v52 =	vor.u32 v7, v25;
	v32 =	vld.idx.msk [tilespmem:v35+s3+$0x0], $0xffff  }
0x2d5: {  	v53 =	vor.u32 v8, v22  }
0x2d6: {  	[tilespmem:v36+s20+$0x0] =	vst.idx.msk $0xffff, v33  }
0x2d7: {  	v33 =	vld.idx.msk [tilespmem:v45+s3+$0x0], $0xffff;
	[tilespmem:v46+s20+$0x0] =	vst.idx.msk $0xffff, v44  }
0x2d8: {  	v56 =	vor.u32 v9, v26;
	v55 =	vld.idx.msk [tilespmem:v47+s3+$0x0], $0xffff;
	[tilespmem:v42+s20+$0x0] =	vst.idx.msk $0xffff, v30  }
0x2d9: {  	v54 =	vor.u32 v9, v20;
	v58 =	vor.u32 v10, v24;
	v30 =	vld.idx.msk [tilespmem:v43+s3+$0x0], $0xffff;
	[tilespmem:v52+s20+$0x0] =	vst.idx.msk $0xffff, v32  }
0x2da: {  	v57 =	vor.u32 v10, v27;
	v59 =	vor.u32 v9, v25;
	v32 =	vld.idx.msk [tilespmem:v53+s3+$0x0], $0xffff  }
0x2db: {  	v60 =	vor.u32 v10, v22  }
0x2dc: {  	[tilespmem:v41+s20+$0x0] =	vst.idx.msk $0xffff, v33  }
0x2dd: {  	v61 =	vor.u32 v11, v18;
	v33 =	vld.idx.msk [tilespmem:v37+s3+$0x0], $0xffff;
	[tilespmem:v56+s20+$0x0] =	vst.idx.msk $0xffff, v55  }
0x2de: {  	v62 =	vor.u32 v12, v23;
	v49 =	vor.u32 v11, v26;
	v34 =	vld.idx.msk [tilespmem:v58+s3+$0x0], $0xffff;
	[tilespmem:v54+s20+$0x0] =	vst.idx.msk $0xffff, v30  }
0x2df: {  	v63 =	vor.u32 v11, v20;
	v51 =	vor.u32 v12, v24;
	v36 =	vld.idx.msk [tilespmem:v57+s3+$0x0], $0xffff;
	[tilespmem:v59+s20+$0x0] =	vst.idx.msk $0xffff, v32  }
0x2e0: {  	v48 =	vor.u32 v12, v27;
	v50 =	vor.u32 v11, v25;
	v35 =	vld.idx.msk [tilespmem:v60+s3+$0x0], $0xffff  }
0x2e1: {  	v52 =	vor.u32 v12, v22  }
0x2e2: {  	[tilespmem:v61+s20+$0x0] =	vst.idx.msk $0xffff, v33  }
0x2e3: {  	v53 =	vor.u32 v13, v18;
	v30 =	vld.idx.msk [tilespmem:v62+s3+$0x0], $0xffff;
	[tilespmem:v49+s20+$0x0] =	vst.idx.msk $0xffff, v34  }
0x2e4: {  	v54 =	vor.u32 v14, v23;
	v57 =	vor.u32 v13, v26;
	v32 =	vld.idx.msk [tilespmem:v51+s3+$0x0], $0xffff;
	[tilespmem:v63+s20+$0x0] =	vst.idx.msk $0xffff, v36  }
0x2e5: {  	v55 =	vor.u32 v13, v20;
	v59 =	vor.u32 v14, v24;
	v36 =	vld.idx.msk [tilespmem:v48+s3+$0x0], $0xffff;
	[tilespmem:v50+s20+$0x0] =	vst.idx.msk $0xffff, v35  }
0x2e6: {  	[tilespmem:v28+s20+$0x0] =	vst.idx.msk $0xffff, v39;
	v56 =	vor.u32 v14, v27;
	v58 =	vor.u32 v13, v25;
	v60 =	vld.idx.msk [tilespmem:v52+s3+$0x0], $0xffff  }
0x2e7: {  	[tilespmem:v31+s20+$0x0] =	vst.idx.msk $0xffff, v40;
	v61 =	vor.u32 v14, v22  }
0x2e8: {  	v29 =	vld.idx.msk [tilespmem:v29+s3+$0x0], $0xffff;
	[tilespmem:v53+s20+$0x0] =	vst.idx.msk $0xffff, v30  }
0x2e9: {  	v62 =	vor.u32 v15, v18;
	v23 =	vld.idx.msk [tilespmem:v54+s3+$0x0], $0xffff;
	[tilespmem:v57+s20+$0x0] =	vst.idx.msk $0xffff, v32  }
0x2ea: {  	v24 =	vld.idx.msk [tilespmem:v59+s3+$0x0], $0xffff;
	[tilespmem:v55+s20+$0x0] =	vst.idx.msk $0xffff, v36  }
0x2eb: {  	v63 =	vor.u32 v15, v20;
	v27 =	vld.idx.msk [tilespmem:v56+s3+$0x0], $0xffff;
	[tilespmem:v58+s20+$0x0] =	vst.idx.msk $0xffff, v60  }
0x2ec: {  	[tilespmem:v17+s20+$0x0] =	vst.idx.msk $0xffff, v38;
	v17 =	vld.idx.msk [tilespmem:v61+s3+$0x0], $0xffff  }
0x2ed: {  	[tilespmem:v16+s20+$0x0] =	vst.idx.msk $0xffff, v29  }
0x2ee: {  	[tilespmem:v62+s20+$0x0] =	vst.idx.msk $0xffff, v23  }
0x2ef: {  	[tilespmem:v19+s20+$0x0] =	vst.idx.msk $0xffff, v24  }
0x2f0: {  	[tilespmem:v63+s20+$0x0] =	vst.idx.msk $0xffff, v27  }
.Ltmp18:
0x2f1: {  	[tilespmem:v21+s20+$0x0] =	vst.idx.msk $0xffff, v17;
	(pc) =	sbr.rel .LBB2_27-.Ltmp18, $4  }
0x2f2: {  	[hbm4b:s11+s3] =	stream.linear.scatter [tilespmem:s20], [sflag:$0x2], $0x2000, $0x38;
	[tilespmem:$0x10000] =	vst v63  }
0x2f3: {  	_ =	swait.ge [sflag:s21], $0x2000  }
0x2f4: {  	[sflag:s21] =	ssyncset.done $0x0  }
0x2f5: {  	[sflag:s21] =	ssyncadd.s32 $0xFFFFE000  }
.LBB2_28:
0x2f6: {  	_ =	sfence.sel $0x180000  }
0x2f7: {  	[bflag:$0x0] =	sbarrier.arrive $0xFFFF  }
0x2f8: {  	_ =	strace $0x90000047  }
0x2f9: {  	s0 =	stileid.u32;
	[bflag:$0x2] =	sbarrier.arrive $0xFFFF  }
0x2fa: {  	p0 =	sne.s32 s0, $0x0;
	s0 =	rddreg [dreg:$0x3]  }
0x2fb: {  	s0 =	sadd.s32 @!p0 $0x100000, s0  }
0x2fc: {  	[sflag:s0] =	ssyncadd.tile.s32 @!p0 $0x1;
	_ =	shalt  }
.Lfunc_end2:
_tile_overlayer_lowered:
.L_overlay_start_2:
0x2fd: {  	(tag) =	ssettag $0x2  }
0x2fe: {  	s0 =	rddreg [dreg:$0x0];
	s2 =	stileid.u32  }
0x2ff: {  	s1 =	rddreg [dreg:$0x1];
	p0 =	sne.s32 s2, $0x0  }
0x300: {  	s3 =	rddreg [dreg:$0x2];
	[bflag:$0x3] =	sbarrier.arrive $0xFFFF;
	s2 =	simm.s32 @!p0 $0x1C03  }
0x301: {  	[timem:s3], [sflag:s2] =	dma.local @!p0 [hbm:s0], s1  }
0x302: {  	s0 =	simm.s32 @!p0 $0x3  }
0x303: {  	_ =	swait.ge @!p0 [sflag:s0], s1  }
0x304: {  	s1 =	ssub.s32 @!p0 $0x0, s1;
	[sflag:s0] =	ssyncset.done @!p0 $0x0  }
0x305: {  	[sflag:s0] =	ssyncadd.s32 @!p0 s1  }
0x306: {  	[bflag:$0x3] =	sbarrier.arrive $0xFFFF  }
0x307: {  	_ =	shalt  }

// kernel: kernel.7.cloned.1.call-start
scs
__scs_entry_jumppad:
0x0: {  	(pc) =	sbr.rel $0x88, $3  }
0x1: {  	(tag) =	ssettag $0x0;
	lr =	simm.s32 $0x1  }
0x2: {  	[smem:$0x3F9F] =	sst lr;
	_ =	strace $0xD0000000  }
0x3: {  	_ = 	snop  }
0x4: {  	_ = 	snop  }
0x5: {  	_ = 	snop  }
0x6: {  	_ = 	snop  }
0x7: {  	_ = 	snop  }
__scs_overlays_trampoline_lowered:
0x8: {  	[smem:$0x3FAE] =	sst s0  }
0x9: {  	[smem:$0x3FAF] =	sst s1  }
0xa: {  	[smem:$0x3FB0] =	sst s2  }
0xb: {  	[smem:$0x3FB1] =	sst s3  }
0xc: {  	[smem:$0x3FB2] =	sst s4  }
0xd: {  	[smem:$0x3FB3] =	sst s5  }
0xe: {  	[smem:$0x3FB4] =	sst s6  }
0xf: {  	[smem:$0x3FB5] =	sst s7  }
0x10: {  	[smem:$0x3FB6] =	sst s8  }
0x11: {  	[smem:$0x3FB7] =	sst s9;
	s0 =	simm.s32 @!p0 $0x0  }
0x12: {  	s1 =	sld [smem:$0x3F9D];
	s0 =	simm.s32 @p0 $0x1  }
0x13: {  	[smem:$0x3FB8] =	sst s0;
	s0 =	simm.s32 @!p1 $0x0  }
0x14: {  	s2 =	sld [smem:$0x3F9C];
	s0 =	simm.s32 @p1 $0x1  }
0x15: {  	[smem:$0x3FB9] =	sst s0;
	s0 =	simm.s32 @!p2 $0x0  }
0x16: {  	s3 =	sld [smem:$0x3FDB];
	s0 =	simm.s32 @p2 $0x1  }
0x17: {  	s4 =	simm.s32 $0x1BF5;
	[smem:$0x3FBB] =	sst s0  }
0x18: {  	s0 =	sld [smem:$0x3F9E];
	_ =	swait.ge [sflag:s4], $0x0  }
0x19: {  	s7 =	sld [smem:$0x3F9F]  }
0x1a: {  	s8 =	sadd.s32 $0xFFFFE003, lr  }
0x1b: {  	s9 =	sadd.s32 $0xFFFFFEF7, lr;
	s5 =	simm.s32 $0xFFFFFFFF;
	p2 =	slt.u32 s8, $0xFFFFF086  }
0x1c: {  	p1 =	slt.u32 s9, $0xF7A;
	s5 =	simm.s32 @!p2 $0x0  }
0x1d: {  	s5 =	simm.s32 @p1 $0x1;
	p0 =	seq.s32 s7, s2  }
0x1e: {  	s7 =	smul.u32 @!p0 $0xF7A, s2;
	p2 =	seq.s32 @!p0 s5, $0x0  }
0x1f: {  	s9 =	smul.u32 $0xF7A, s1;
	s8 =	simm.s32 @!p0 $0x1BF5;
	p2 =	por !p2, p0  }
0x20: {  	[sflag:s8] =	ssyncset.s32 @!p0 $0xFFFFF086;
	s6 =	sadd.s32 @!p0 s3, s7;
	s7 =	simm.s32 @!p0 $0x108  }
0x21: {  	s3 =	sadd.s32 s3, s9;
	s6 =	sadd.s32 @!p0 $0x88, s6;
	s7 =	simm.s32 @p2 $0x1082  }
0x22: {  	[simem:s7], [sflag:s8] =	dma.local @!p0 [hbm:s6], $0xF7A  }
0x23: {  	s9 =	sor.u32 $0xD0000000, s2;
	s6 =	simm.s32 $0x108;
	_ =	swait.ge @!p0 [sflag:s8], $0x0  }
0x24: {  	s3 =	sadd.s32 $0x88, s3;
	s6 =	simm.s32 @!p1 $0x1082;
	[sflag:s4] =	ssyncset.s32 $0xFFFFF086  }
0x25: {  	[simem:s6], [sflag:s4] =	dma.local [hbm:s3], $0xF7A  }
0x26: {  	[smem:$0x3F9F] =	sst s1;
	(tag) =	ssettag s2;
	_ =	strace s9  }
0x27: {  	s1 =	sld [smem:$0x3FAF]  }
0x28: {  	s2 =	sld [smem:$0x3FB0]  }
0x29: {  	s4 =	sld [smem:$0x3FB2]  }
0x2a: {  	p0 =	seq.s32 s5, $0x0;
	s5 =	sld [smem:$0x3FB3]  }
0x2b: {  	s6 =	sld [smem:$0x3FB4]  }
0x2c: {  	s7 =	sld [smem:$0x3FB5]  }
0x2d: {  	s3 =	simm.s32 $0x108;
	s8 =	sld [smem:$0x3FB6]  }
0x2e: {  	s3 =	simm.s32 @!p0 $0x1082;
	s9 =	sld [smem:$0x3FB7]  }
0x2f: {  	lr =	sadd.s32 s0, s3;
	s0 =	sld [smem:$0x3FAE]  }
0x30: {  	s3 =	sld [smem:$0x3FB1]  }
0x31: {  	[smem:$0x3FBA] =	sst s10  }
0x32: {  	s10 =	sld [smem:$0x3FB8];
	_ =	sdelay $0x3  }
0x33: {  	p0 =	seq.s32 s10, $0x1;
	s10 =	sld [smem:$0x3FBA];
	_ =	sdelay $0x3  }
0x34: {  	[smem:$0x3FBA] =	sst s10  }
0x35: {  	s10 =	sld [smem:$0x3FB9];
	_ =	sdelay $0x3  }
0x36: {  	p1 =	seq.s32 s10, $0x1;
	s10 =	sld [smem:$0x3FBA];
	_ =	sdelay $0x3  }
0x37: {  	[smem:$0x3FBA] =	sst s10  }
0x38: {  	s10 =	sld [smem:$0x3FBB]  }
0x39: {  	_ = 	snop;
	(pc) =	sbr.ind lr, $3  }
0x3a: {  	_ = 	snop  }
0x3b: {  	_ = 	snop  }
0x3c: {  	p2 =	seq.s32 s10, $0x1;
	s10 =	sld [smem:$0x3FBA]  }
0x3d: {  	_ =	shalt  }
0x3e: {  	_ =	shalt  }
0x3f: {  	_ =	shalt  }
0x40: {  	_ =	shalt  }
0x41: {  	_ =	shalt  }
0x42: {  	_ =	shalt  }
0x43: {  	_ =	shalt  }
0x44: {  	_ =	shalt  }
0x45: {  	_ =	shalt  }
0x46: {  	_ =	shalt  }
0x47: {  	_ =	shalt  }
0x48: {  	_ =	shalt  }
0x49: {  	_ =	shalt  }
0x4a: {  	_ =	shalt  }
0x4b: {  	_ =	shalt  }
0x4c: {  	_ =	shalt  }
0x4d: {  	_ =	shalt  }
0x4e: {  	_ =	shalt  }
0x4f: {  	_ =	shalt  }
0x50: {  	_ =	shalt  }
0x51: {  	_ =	shalt  }
0x52: {  	_ =	shalt  }
0x53: {  	_ =	shalt  }
0x54: {  	_ =	shalt  }
0x55: {  	_ =	shalt  }
0x56: {  	_ =	shalt  }
0x57: {  	_ =	shalt  }
0x58: {  	_ =	shalt  }
0x59: {  	_ =	shalt  }
0x5a: {  	_ =	shalt  }
0x5b: {  	_ =	shalt  }
0x5c: {  	_ =	shalt  }
0x5d: {  	_ =	shalt  }
0x5e: {  	_ =	shalt  }
0x5f: {  	_ =	shalt  }
0x60: {  	_ =	shalt  }
0x61: {  	_ =	shalt  }
0x62: {  	_ =	shalt  }
0x63: {  	_ =	shalt  }
0x64: {  	_ =	shalt  }
0x65: {  	_ =	shalt  }
0x66: {  	_ =	shalt  }
0x67: {  	_ =	shalt  }
0x68: {  	_ =	shalt  }
0x69: {  	_ =	shalt  }
0x6a: {  	_ =	shalt  }
0x6b: {  	_ =	shalt  }
0x6c: {  	_ =	shalt  }
0x6d: {  	_ =	shalt  }
0x6e: {  	_ =	shalt  }
0x6f: {  	_ =	shalt  }
0x70: {  	_ =	shalt  }
0x71: {  	_ =	shalt  }
0x72: {  	_ =	shalt  }
0x73: {  	_ =	shalt  }
0x74: {  	_ =	shalt  }
0x75: {  	_ =	shalt  }
0x76: {  	_ =	shalt  }
0x77: {  	_ =	shalt  }
0x78: {  	_ =	shalt  }
0x79: {  	_ =	shalt  }
0x7a: {  	_ =	shalt  }
0x7b: {  	_ =	shalt  }
0x7c: {  	_ =	shalt  }
0x7d: {  	_ =	shalt  }
0x7e: {  	_ =	shalt  }
0x7f: {  	_ =	shalt  }
0x80: {  	_ =	shalt  }
0x81: {  	_ =	shalt  }
0x82: {  	_ =	shalt  }
0x83: {  	_ =	shalt  }
0x84: {  	_ =	shalt  }
0x85: {  	_ =	shalt  }
0x86: {  	_ =	shalt  }
0x87: {  	_ =	shalt  }
.Lfunc_end0:
.L_simem_size_0:
called_computation.1_lowered:
.L_overlay_start_0:
0x88: {  	s2 =	sld [smem:$0x3FD9]  }
0x89: {  	s3 =	sld [smem:$0x3FFE];
	_ =	sdelay $0x1  }
0x8a: {  	s1 =	srdreg.scid  }
0x8b: {  	s0 =	sand.u32 $0x1, s1  }
0x8c: {  	s17 =	sshll.u32 s0, $0xA;
	s2 =	sadd.s32 s3, s2  }
0x8d: {  	s2 =	sadd.s32 s2, s17  }
0x8e: {  	[smem:$0x3FC6] =	sst s2  }
0x8f: {  	_ = 	snop  }
0x90: {  	s2 =	sld [smem:$0x3FD0];
	(tm) =	ssettm $0x1  }
0x91: {  	s18 =	sld [smem:$0x3FFB];
	_ =	sdelay $0x3  }
0x92: {  	_ =	strace s18  }
0x93: {  	s3 =	sld [smem:$0x3FFC];
	_ =	sdelay $0x3  }
0x94: {  	_ =	strace s3  }
0x95: {  	s3 =	sld [smem:$0x3FFD];
	_ =	sdelay $0x3  }
0x96: {  	_ =	strace s3  }
0x97: {  	_ =	strace $0x8FFFFFFF  }
0x98: {  	s19 =	sld [smem:$0x3FDB];
	_ =	sdelay $0x1  }
0x99: {  	s4 =	simm.s32 $_scs_section_size  }
0x9a: {  	s5 =	simm.s32 $_size__tile_overlayer_lowered;
	s6 =	simm.s32 $_tile_overlayer_lowered  }
0x9b: {  	s22 =	simm.s32 $0x1BFF;
	s21 =	sshll.u32 s6, $0x1;
	s3 =	sadd.s32 s4, s19  }
0x9c: {  	s7 =	simm.s32 $0x0;
	s20 =	sshll.u32 s5, $0x1;
	s5 =	sadd.s32 s21, s3  }
0x9d: {  	[timem:s7], [sflag:s22] =	dma.local [hbm:s5], s20  }
0x9e: {  	_ =	swait.ge [sflag:s22], s20  }
0x9f: {  	s4 =	ssub.s32 $0x0, s20;
	[sflag:s22] =	ssyncset.done $0x0  }
0xa0: {  	[sflag:s22] =	ssyncadd.s32 s4;
	_ =	sdelay $0x1  }
0xa1: {  	s23 =	simm.s32 $0x1B8B  }
0xa2: {  	_ =	swait.ge [sflag:s23], $0x1  }
0xa3: {  	[sflag:s23] =	ssyncset.done $0x0  }
0xa4: {  	s25 =	simm.s32 $0x1B8E;
	s24 =	sld [smem:$0x3FFE];
	[sflag:s23] =	ssyncadd.s32 $0xFFFFFFFF  }
0xa5: {  	s26 =	simm.s32 $execute0_lowered;
	[smem:$0x3FD2] =	sst s25  }
0xa6: {  	s5 =	sshll.u32 s26, $0x1;
	_ =	strace $0x80000049;
	[dreg:$0x1] =	wrdreg $0xFFFFFFFF  }
0xa7: {  	s28 =	simm.s32 $_size_execute0_lowered;
	s3 =	sadd.s32 s3, s5;
	[dreg:$0x0] =	wrdreg $0x0  }
0xa8: {  	s5 =	sshll.u32 s28, $0x1;
	[dreg:$0x2] =	wrdreg s3  }
0xa9: {  	[dreg:$0x3] =	wrdreg s5  }
0xaa: {  	[dreg:$0x4] =	wrdreg $0xC0  }
0xab: {  	_ =	task [dreg:s7], $0x5FFFF  }
0xac: {  	[dreg:$0x1] =	wrdreg $0xFFFFFFFF  }
0xad: {  	[dreg:$0x0] =	wrdreg $0x60  }
0xae: {  	[dreg:$0x2] =	wrdreg s24  }
0xaf: {  	[dreg:$0x3] =	wrdreg s2  }
0xb0: {  	[dreg:$0x4] =	wrdreg $0x9  }
0xb1: {  	_ =	task.clear_ibuf [dreg:s7], $0x5FFFF;
	_ =	strace $0x90000049  }
0xb2: {  	s29 =	simm.s32 $0x9;
	_ =	strace $0x8000004B  }
0xb3: {  	_ =	swait.ge [sflag:s29], $0x1  }
0xb4: {  	[sflag:s29] =	ssyncadd.s32 $0xFFFFFFFF  }
0xb5: {  	_ =	strace $0x9000004B  }
0xb6: {  	_ =	sfence  }
0xb7: {  	s30 =	sld [smem:$0x0];
	_ =	sdelay $0x2  }
0xb8: {  	s31 =	sshll.u32 s1, $0xD;
	s1 =	sshrl.u32 s1, $0x2  }
0xb9: {  	s3 =	sand.u32 $0x4000, s31;
	s1 =	sadd.s32 s1, s30  }
0xba: {  	s0 =	sor.u32 s3, s0;
	s1 =	sshll.u32 s1, $0x11  }
0xbb: {  	s0 =	sor.u32 s1, s0  }
0xbc: {  	s0 =	sadd.s32 $0x8F2B, s0  }
0xbd: {  	[sflag:s0] =	ssyncadd.remote.s32 $0x1  }
0xbe: {  	_ =	sfence.sel $0xFFFF  }
0xbf: {  	[dreg:$0x0] =	wrdreg $0xFFFFFFFF;
	(pc) =	sbr.abs _section_cstart, $3  }
0xc0: {  	[dreg:$0x1] =	wrdreg $0xFFFFFFFF  }
0xc1: {  	_ =	task.clear_ibuf [dreg:s7], $0x2FFFF;
	_ =	strace $0x9FFFFFFF  }
0xc2: {  	(tm) =	ssettm $0x7FFFFFFF  }
0xc3: {  	_ =	shalt  }
tec
execute0_lowered:
.L_overlay_start_1:
0x0: {  	(tag) =	ssettag $0x1  }
0x1: {  	s0 =	rddreg [dreg:$0x0]  }
0x2: {  	s4 =	rddreg [dreg:$0x1];
	s3 =	srdreg.scid  }
0x3: {  	s1 =	stileid.u32;
	s2 =	simm.s32 $0x0;
	s12 =	simm.s32 $0x3  }
0x4: {  	s13 =	simm.s32 $0x80;
	s14 =	simm.s32 $0x3400;
	s15 =	simm.s32 $0x5400  }
0x5: {  	s16 =	simm.s32 $0x100;
	s17 =	simm.s32 $0x7400;
	s18 =	simm.s32 $0x9400  }
0x6: {  	s19 =	simm.s32 $0x1;
	s20 =	simm.s32 $0xB400;
	s21 =	simm.s32 $0x400  }
0x7: {  	s22 =	simm.s32 $0x20000;
	s23 =	simm.s32 $0x2;
	s24 =	simm.s32 $0xD400  }
0x8: {  	s25 =	simm.s32 $0xF400;
	s26 =	simm.s32 $0x11400;
	s28 =	simm.s32 $0x0  }
0x9: {  	v0 =	vlaneseq.u32;
	s3 =	sand.u32 $0x1, s3;
	s5 =	sshll.u32 s1, $0x1;
	[smem:$0x7FF] =	sst s2  }
0xa: {  	v1 =	vmul.u32 $0x40, v0;
	v3 =	vor.u32 $0x10, v0;
	v5 =	vor.u32 $0x20, v0;
	s5 =	sor.u32 s3, s5;
	_ =	strace $0x8000004A;
	s7 =	ssub.s32 $0x2, s3  }
0xb: {  	v7 =	vor.u32 $0x30, v0;
	v9 =	vor.u32 $0x40, v0;
	v11 =	vor.u32 $0x50, v0;
	s3 =	sadd.s32 $0xA00, s0;
	s6 =	sshll.u32 s5, $0x6;
	s5 =	sshll.u32 s5, $0x9  }
0xc: {  	v13 =	vor.u32 $0x60, v0;
	v15 =	vor.u32 $0x70, v0;
	s31 =	sshrl.u32 s7, $0x1;
	v2 =	vor.u32 $0x400, v1;
	s6 =	sadd.s32 s6, s0;
	s4 =	sadd.s32 s4, s5  }
0xd: {  	v4 =	vor.u32 $0x800, v1;
	v6 =	vor.u32 $0xC00, v1;
	v8 =	vor.u32 $0x1000, v1;
	s0 =	ssub.s32 s7, s31;
	s5 =	sadd.s32 $0x7A1C00, s6;
	s6 =	sadd.s32 $0x80, s4  }
0xe: {  	v10 =	vor.u32 $0x1400, v1;
	v12 =	vor.u32 $0x1800, v1;
	v14 =	vor.u32 $0x1C00, v1;
	s7 =	sadd.s32 $0x100, s4;
	s8 =	sadd.s32 $0x180, s4;
	s9 =	smax.u32 s0, $0x1  }
.LBB2_1:
0xf: {  	s0 =	simm.s32 $0x200;
	s1 =	simm.s32 $0x4000  }
0x10: {  	[tilespmem:s2], [sflag:$0x3] =	stream.strided.gather [hbm4b:s5+s0], $0x3400, s1, s0, $0x38;
	[tilespmem:$0x13400] =	vst v63  }
0x11: {  	_ =	swait.ge [sflag:s12], $0x3400  }
0x12: {  	[sflag:s12] =	ssyncset.done $0x0  }
0x13: {  	[sflag:s12] =	ssyncadd.s32 $0xFFFFCC00  }
0x14: {  	[tilespmem:s14], [sflag:$0x1] =	stream.indirect.gather [hbm4b:s3+s13], $0x40, s2, s13, $0xb8;
	[tilespmem:$0x13400] =	vst v63  }
0x15: {  	_ = 	snop  }
0x16: {  	[tilespmem:s15], [sflag:$0x1] =	stream.indirect.gather [hbm4b:s3+s13], $0x40, s13, s13, $0xb8;
	[tilespmem:$0x13400] =	vst v63  }
0x17: {  	s29 =	simm.s32 $0x0  }
0x18: {  	[tilespmem:s17], [sflag:$0x1] =	stream.indirect.gather [hbm4b:s3+s13], $0x40, s16, s13, $0xb8;
	[tilespmem:$0x13400] =	vst v63  }
.LBB2_2:
0x19: {  	s0 =	sshll.u32 s29, $0x9  }
0x1a: {  	s31 =	sand.u32 $0x3FFFFE00, s0  }
0x1b: {  	s1 =	simm.s32 $0x0;
	s10 =	simm.s32 $0x3;
	s0 =	sor.u32 $0x180, s31  }
0x1c: {  	v16 =	vadd.s32 s1, v0;
	[tilespmem:s18], [sflag:$0x1] =	stream.indirect.gather [hbm4b:s3+s13], $0x40, s0, s13, $0xb8;
	[tilespmem:$0x13400] =	vst v63  }
0x1d: {  	s11 =	simm.s32 $0x2;
	v17 =	vadd.s32 s10, v0;
	v31 =	vand.u32 $0x3F, v16;
	_ =	swait.ge [sflag:s19], $0x2000  }
0x1e: {  	p0 =	seq.s32 s29, $0x0;
	s1 =	simm.s32 $0x1;
	v19 =	vadd.s32 s11, v0;
	v33 =	vand.u32 $0x3F, v17;
	v18 =	vor.u32 v1, v31;
	[sflag:s19] =	ssyncset.done $0x0  }
0x1f: {  	s30 =	simm.s32 @!p0 $0x2;
	v22 =	vadd.s32 s1, v0;
	v36 =	vand.u32 $0x3F, v19;
	v21 =	vor.u32 v1, v33;
	[sflag:s19] =	ssyncadd.s32 $0xFFFFE000  }
0x20: {  	v32 =	vand.u32 $0x3F, v22;
	v23 =	vor.u32 v1, v36;
	_ =	swait.ge @!p0 [sflag:s30], $0x2000  }
0x21: {  	v16 =	vshll.u32 v16, $0x7;
	v17 =	vshll.u32 v17, $0x7;
	v24 =	vor.u32 v1, v32;
	[sflag:s30] =	ssyncset.done @!p0 $0x0  }
0x22: {  	v20 =	vand.u32 $0x1F80, v16;
	v37 =	vand.u32 $0x1F80, v17;
	[sflag:s30] =	ssyncadd.s32 @!p0 $0xFFFFE000  }
0x23: {  	v25 =	vor.u32 v2, v31;
	v16 =	vor.u32 v0, v20;
	v17 =	vld.idx.msk [tilespmem:v18+s14+$0x0], $0xffff;
	v18 =	vshll.u32 v19, $0x7  }
0x24: {  	v22 =	vshll.u32 v22, $0x7;
	v19 =	vor.u32 v0, v37;
	v21 =	vld.idx.msk [tilespmem:v21+s14+$0x0], $0xffff;
	v35 =	vand.u32 $0x1F80, v18  }
0x25: {  	v34 =	vand.u32 $0x1F80, v22;
	v23 =	vld.idx.msk [tilespmem:v23+s14+$0x0], $0xffff;
	v18 =	vor.u32 v2, v33;
	v22 =	vor.u32 v0, v35  }
0x26: {  	v26 =	vor.u32 v2, v36;
	v27 =	vor.u32 v0, v34;
	v24 =	vld.idx.msk [tilespmem:v24+s14+$0x0], $0xffff  }
0x27: {  	v28 =	vor.u32 v2, v32  }
0x28: {  	[tilespmem:v16+s20+$0x0] =	vst.idx.msk $0xffff, v17  }
0x29: {  	[tilespmem:v19+s20+$0x0] =	vst.idx.msk $0xffff, v21;
	v17 =	vor.u32 v3, v20;
	v16 =	vld.idx.msk [tilespmem:v25+s14+$0x0], $0xffff  }
0x2a: {  	v19 =	vor.u32 v4, v31;
	v21 =	vor.u32 v3, v37;
	v18 =	vld.idx.msk [tilespmem:v18+s14+$0x0], $0xffff;
	[tilespmem:v22+s20+$0x0] =	vst.idx.msk $0xffff, v23  }
0x2b: {  	[tilespmem:v27+s20+$0x0] =	vst.idx.msk $0xffff, v24;
	v24 =	vor.u32 v3, v35;
	v22 =	vor.u32 v4, v33;
	v23 =	vld.idx.msk [tilespmem:v26+s14+$0x0], $0xffff  }
0x2c: {  	v25 =	vld.idx.msk [tilespmem:v28+s14+$0x0], $0xffff;
	v28 =	vor.u32 v4, v36  }
0x2d: {  	v26 =	vor.u32 v3, v34  }
0x2e: {  	s10 =	simm.s32 $0x5;
	[tilespmem:v17+s20+$0x0] =	vst.idx.msk $0xffff, v16;
	v16 =	vor.u32 v4, v32  }
0x2f: {  	v44 =	vadd.s32 s10, v0;
	[tilespmem:v21+s20+$0x0] =	vst.idx.msk $0xffff, v18;
	v18 =	vor.u32 v5, v20;
	v17 =	vld.idx.msk [tilespmem:v19+s14+$0x0], $0xffff  }
0x30: {  	v21 =	vor.u32 v6, v31;
	v19 =	vld.idx.msk [tilespmem:v22+s14+$0x0], $0xffff;
	v22 =	vor.u32 v5, v37;
	[tilespmem:v24+s20+$0x0] =	vst.idx.msk $0xffff, v23  }
0x31: {  	s11 =	simm.s32 $0x4;
	v29 =	vor.u32 v6, v33;
	v38 =	vor.u32 v10, v31;
	v24 =	vor.u32 v5, v35;
	v23 =	vld.idx.msk [tilespmem:v28+s14+$0x0], $0xffff  }
0x32: {  	v45 =	vadd.s32 s11, v0;
	v39 =	vor.u32 v10, v36;
	[tilespmem:v26+s20+$0x0] =	vst.idx.msk $0xffff, v25;
	v26 =	vor.u32 v6, v36  }
0x33: {  	s10 =	simm.s32 $0x6;
	v42 =	vor.u32 v8, v36;
	v50 =	vor.u32 v10, v33;
	v25 =	vor.u32 v5, v34;
	v16 =	vld.idx.msk [tilespmem:v16+s14+$0x0], $0xffff  }
0x34: {  	v47 =	vadd.s32 s10, v0;
	v61 =	vor.u32 v12, v33;
	[tilespmem:v18+s20+$0x0] =	vst.idx.msk $0xffff, v17;
	v17 =	vor.u32 v6, v32  }
0x35: {  	v30 =	vor.u32 v7, v37;
	[tilespmem:v22+s20+$0x0] =	vst.idx.msk $0xffff, v19;
	v19 =	vor.u32 v7, v20;
	v18 =	vld.idx.msk [tilespmem:v21+s14+$0x0], $0xffff  }
0x36: {  	v41 =	vor.u32 v8, v32;
	v21 =	vld.idx.msk [tilespmem:v29+s14+$0x0], $0xffff;
	v29 =	vor.u32 v8, v31;
	[tilespmem:v24+s20+$0x0] =	vst.idx.msk $0xffff, v23  }
0x37: {  	v46 =	vor.u32 v9, v20;
	v23 =	vor.u32 v8, v33;
	v24 =	vld.idx.msk [tilespmem:v26+s14+$0x0], $0xffff;
	v26 =	vor.u32 v7, v35  }
0x38: {  	v60 =	vor.u32 v11, v37;
	v56 =	vor.u32 v12, v32;
	[tilespmem:v25+s20+$0x0] =	vst.idx.msk $0xffff, v16;
	v16 =	vand.u32 $0x3F, v45  }
0x39: {  	v40 =	vor.u32 v9, v34;
	v43 =	vor.u32 v7, v34;
	v17 =	vld.idx.msk [tilespmem:v17+s14+$0x0], $0xffff;
	v49 =	vor.u32 v1, v16  }
0x3a: {  	v57 =	vor.u32 v9, v35;
	v22 =	vand.u32 $0x3F, v44;
	v25 =	vor.u32 v9, v37;
	[tilespmem:v19+s20+$0x0] =	vst.idx.msk $0xffff, v18  }
0x3b: {  	s11 =	simm.s32 $0x7;
	[tilespmem:v30+s20+$0x0] =	vst.idx.msk $0xffff, v21;
	v21 =	vor.u32 v1, v22;
	v18 =	vand.u32 $0x3F, v47;
	v29 =	vld.idx.msk [tilespmem:v29+s14+$0x0], $0xffff  }
0x3c: {  	v58 =	vshll.u32 v47, $0x7;
	v19 =	vadd.s32 s11, v0;
	v48 =	vld.idx.msk [tilespmem:v23+s14+$0x0], $0xffff;
	v51 =	vor.u32 v1, v18;
	[tilespmem:v26+s20+$0x0] =	vst.idx.msk $0xffff, v24  }
0x3d: {  	v27 =	vor.u32 v15, v37;
	v28 =	vor.u32 v10, v32;
	v23 =	vand.u32 $0x3F, v19;
	v42 =	vld.idx.msk [tilespmem:v42+s14+$0x0], $0xffff  }
0x3e: {  	v24 =	vshll.u32 v19, $0x7;
	v19 =	vshll.u32 v44, $0x7;
	v26 =	vor.u32 v1, v23;
	[tilespmem:v43+s20+$0x0] =	vst.idx.msk $0xffff, v17;
	v62 =	vld.idx.msk [tilespmem:v49+s14+$0x0], $0xffff  }
0x3f: {  	v32 =	vor.u32 v14, v32;
	v19 =	vand.u32 $0x1F80, v19;
	v17 =	vshll.u32 v45, $0x7;
	v41 =	vld.idx.msk [tilespmem:v41+s14+$0x0], $0xffff  }
0x40: {  	v55 =	vor.u32 v2, v22;
	v53 =	vor.u32 v0, v19;
	v17 =	vand.u32 $0x1F80, v17;
	v45 =	vld.idx.msk [tilespmem:v21+s14+$0x0], $0xffff  }
0x41: {  	v21 =	vand.u32 $0x1F80, v58;
	v59 =	vor.u32 v0, v17;
	[tilespmem:v25+s20+$0x0] =	vst.idx.msk $0xffff, v48;
	v51 =	vld.idx.msk [tilespmem:v51+s14+$0x0], $0xffff  }
0x42: {  	v24 =	vand.u32 $0x1F80, v24;
	[tilespmem:v46+s20+$0x0] =	vst.idx.msk $0xffff, v29;
	v47 =	vor.u32 v0, v21;
	v50 =	vld.idx.msk [tilespmem:v50+s14+$0x0], $0xffff  }
0x43: {  	v49 =	vor.u32 v2, v16;
	v48 =	vor.u32 v0, v24;
	v54 =	vld.idx.msk [tilespmem:v26+s14+$0x0], $0xffff;
	[tilespmem:v57+s20+$0x0] =	vst.idx.msk $0xffff, v42  }
0x44: {  	v52 =	vor.u32 v2, v18;
	v30 =	vor.u32 v6, v23;
	v44 =	vld.idx.msk [tilespmem:v38+s14+$0x0], $0xffff;
	[tilespmem:v40+s20+$0x0] =	vst.idx.msk $0xffff, v41  }
0x45: {  	v63 =	vor.u32 v2, v23;
	v58 =	vor.u32 v4, v23;
	v39 =	vld.idx.msk [tilespmem:v39+s14+$0x0], $0xffff;
	[tilespmem:v53+s20+$0x0] =	vst.idx.msk $0xffff, v45  }
0x46: {  	v25 =	vor.u32 v15, v24;
	v41 =	vld.idx.msk [tilespmem:v28+s14+$0x0], $0xffff;
	[tilespmem:v59+s20+$0x0] =	vst.idx.msk $0xffff, v62;
	v62 =	vor.u32 v11, v34  }
0x47: {  	v29 =	vor.u32 v14, v31;
	v45 =	vor.u32 v11, v20;
	v38 =	vld.idx.msk [tilespmem:v55+s14+$0x0], $0xffff;
	[tilespmem:v47+s20+$0x0] =	vst.idx.msk $0xffff, v51  }
0x48: {  	v53 =	vor.u32 v11, v35;
	v49 =	vld.idx.msk [tilespmem:v49+s14+$0x0], $0xffff;
	[tilespmem:v48+s20+$0x0] =	vst.idx.msk $0xffff, v54;
	v48 =	vor.u32 v12, v31  }
0x49: {  	v43 =	vor.u32 v5, v17;
	v55 =	vor.u32 v3, v17;
	v54 =	vor.u32 v12, v36;
	v52 =	vld.idx.msk [tilespmem:v52+s14+$0x0], $0xffff  }
0x4a: {  	v40 =	vor.u32 v4, v16;
	[tilespmem:v60+s20+$0x0] =	vst.idx.msk $0xffff, v50;
	v50 =	vor.u32 v3, v24;
	v57 =	vld.idx.msk [tilespmem:v63+s14+$0x0], $0xffff  }
0x4b: {  	v59 =	vor.u32 v13, v37;
	v31 =	vor.u32 v14, v36;
	v51 =	vld.idx.msk [tilespmem:v61+s14+$0x0], $0xffff;
	[tilespmem:v62+s20+$0x0] =	vst.idx.msk $0xffff, v41  }
0x4c: {  	v60 =	vor.u32 v3, v21;
	v63 =	vor.u32 v14, v33;
	[tilespmem:v45+s20+$0x0] =	vst.idx.msk $0xffff, v44;
	v36 =	vld.idx.msk [tilespmem:v56+s14+$0x0], $0xffff  }
0x4d: {  	v47 =	vor.u32 v3, v19;
	v45 =	vor.u32 v4, v18;
	[tilespmem:v53+s20+$0x0] =	vst.idx.msk $0xffff, v39;
	v33 =	vld.idx.msk [tilespmem:v48+s14+$0x0], $0xffff  }
0x4e: {  	v41 =	vor.u32 v13, v34;
	[tilespmem:v55+s20+$0x0] =	vst.idx.msk $0xffff, v49;
	v48 =	vor.u32 v4, v22;
	v37 =	vld.idx.msk [tilespmem:v54+s14+$0x0], $0xffff  }
0x4f: {  	v26 =	vor.u32 v15, v20;
	v42 =	vld.idx.msk [tilespmem:v40+s14+$0x0], $0xffff;
	[tilespmem:v50+s20+$0x0] =	vst.idx.msk $0xffff, v57;
	v40 =	vor.u32 v13, v35  }
0x50: {  	v28 =	vor.u32 v15, v35;
	v44 =	vor.u32 v6, v16;
	[tilespmem:v59+s20+$0x0] =	vst.idx.msk $0xffff, v51;
	v46 =	vld.idx.msk [tilespmem:v58+s14+$0x0], $0xffff  }
0x51: {  	s30 =	simm.s32 $0x8;
	v34 =	vor.u32 v15, v34;
	[tilespmem:v60+s20+$0x0] =	vst.idx.msk $0xffff, v52;
	v49 =	vor.u32 v5, v24;
	v39 =	vld.idx.msk [tilespmem:v63+s14+$0x0], $0xffff  }
.LBB2_3:
0x52: {  	p1 =	slt.u32 s30, $0x3C;
	v35 =	vor.u32 v10, v16;
	[tilespmem:v47+s20+$0x0] =	vst.idx.msk $0xffff, v38;
	v38 =	vld.idx.msk [tilespmem:v45+s14+$0x0], $0xffff;
	v20 =	vor.u32 v13, v20;
	s0 =	smov.u32 s30;
	s30 =	sadd.s32 $0x4, s30  }
0x53: {  	v47 =	vor.u32 v10, v22;
	v45 =	vld.idx.msk [tilespmem:v48+s14+$0x0], $0xffff;
	v48 =	vor.u32 v5, v21;
	[tilespmem:v41+s20+$0x0] =	vst.idx.msk $0xffff, v36  }
0x54: {  	v36 =	vor.u32 v5, v19;
	v41 =	vor.u32 v6, v18;
	v50 =	vld.idx.msk [tilespmem:v32+s14+$0x0], $0xffff;
	[tilespmem:v40+s20+$0x0] =	vst.idx.msk $0xffff, v37  }
0x55: {  	v37 =	vor.u32 v6, v22;
	v40 =	vor.u32 v10, v18;
	[tilespmem:v43+s20+$0x0] =	vst.idx.msk $0xffff, v42;
	v31 =	vld.idx.msk [tilespmem:v31+s14+$0x0], $0xffff  }
0x56: {  	v43 =	vor.u32 v9, v19;
	v42 =	vld.idx.msk [tilespmem:v44+s14+$0x0], $0xffff;
	[tilespmem:v49+s20+$0x0] =	vst.idx.msk $0xffff, v46;
	v44 =	vor.u32 v10, v23  }
0x57: {  	v46 =	vor.u32 v7, v17;
	v49 =	vor.u32 v8, v22;
	v30 =	vld.idx.msk [tilespmem:v30+s14+$0x0], $0xffff;
	[tilespmem:v27+s20+$0x0] =	vst.idx.msk $0xffff, v39  }
0x58: {  	v32 =	vmov v22;
	v27 =	vor.u32 v8, v16;
	[tilespmem:v48+s20+$0x0] =	vst.idx.msk $0xffff, v38;
	v38 =	vor.u32 v7, v24  }
0x59: {  	v39 =	vor.u32 v8, v23;
	[tilespmem:v36+s20+$0x0] =	vst.idx.msk $0xffff, v45;
	v36 =	vld.idx.msk [tilespmem:v41+s14+$0x0], $0xffff;
	v41 =	vor.u32 v9, v24  }
0x5a: {  	v48 =	vor.u32 v8, v18;
	v45 =	vor.u32 v7, v21;
	v37 =	vld.idx.msk [tilespmem:v37+s14+$0x0], $0xffff;
	[tilespmem:v34+s20+$0x0] =	vst.idx.msk $0xffff, v50  }
0x5b: {  	v51 =	vor.u32 v7, v19;
	s1 =	sadd.s32 $0x1, s0;
	s10 =	sadd.s32 $0x2, s0;
	v34 =	vadd.s32 s0, v0;
	s0 =	sadd.s32 $0x3, s0;
	v50 =	vor.u32 v9, v17;
	[tilespmem:v20+s20+$0x0] =	vst.idx.msk $0xffff, v33  }
0x5c: {  	v20 =	vadd.s32 s1, v0;
	v33 =	vadd.s32 s10, v0;
	v52 =	vadd.s32 s0, v0;
	[tilespmem:v46+s20+$0x0] =	vst.idx.msk $0xffff, v42;
	v42 =	vmovc v18;
	v46 =	vmovc v16  }
0x5d: {  	v55 =	vmovc v23;
	v22 =	vand.u32 $0x3F, v20;
	v18 =	vand.u32 $0x3F, v33;
	v53 =	vshll.u32 v52, $0x7;
	v54 =	vld.idx.msk [tilespmem:v27+s14+$0x0], $0xffff;
	[tilespmem:v38+s20+$0x0] =	vst.idx.msk $0xffff, v30  }
0x5e: {  	v57 =	vmovc v19;
	v16 =	vand.u32 $0x3F, v34;
	v38 =	vor.u32 v1, v22;
	v56 =	vor.u32 v1, v18;
	v39 =	vld.idx.msk [tilespmem:v39+s14+$0x0], $0xffff  }
0x5f: {  	v19 =	vshll.u32 v20, $0x7;
	v23 =	vand.u32 $0x3F, v52;
	v58 =	vor.u32 v1, v16;
	[tilespmem:v45+s20+$0x0] =	vst.idx.msk $0xffff, v36;
	v29 =	vld.idx.msk [tilespmem:v29+s14+$0x0], $0xffff  }
0x60: {  	v19 =	vand.u32 $0x1F80, v19;
	v36 =	vor.u32 v1, v23;
	[tilespmem:v51+s20+$0x0] =	vst.idx.msk $0xffff, v37;
	v37 =	vmovc v24;
	v24 =	vand.u32 $0x1F80, v53  }
0x61: {  	v30 =	vor.u32 v6, v23;
	v20 =	vmov v17;
	v45 =	vshll.u32 v34, $0x7;
	v34 =	vld.idx.msk [tilespmem:v48+s14+$0x0], $0xffff;
	[tilespmem:v28+s20+$0x0] =	vst.idx.msk $0xffff, v31  }
0x62: {  	v27 =	vmovc v25;
	v17 =	vand.u32 $0x1F80, v45;
	v28 =	vshll.u32 v33, $0x7;
	v33 =	vor.u32 v9, v21;
	v31 =	vld.idx.msk [tilespmem:v49+s14+$0x0], $0xffff;
	v49 =	vmovc v21  }
0x63: {  	v45 =	vor.u32 v0, v17;
	v21 =	vand.u32 $0x1F80, v28;
	v38 =	vld.idx.msk [tilespmem:v38+s14+$0x0], $0xffff;
	[tilespmem:v50+s20+$0x0] =	vst.idx.msk $0xffff, v54  }
0x64: {  	v51 =	vor.u32 v0, v24;
	v50 =	vor.u32 v0, v21;
	v48 =	vld.idx.msk [tilespmem:v58+s14+$0x0], $0xffff;
	[tilespmem:v41+s20+$0x0] =	vst.idx.msk $0xffff, v39  }
0x65: {  	v39 =	vor.u32 v2, v16;
	v41 =	vor.u32 v2, v18;
	v44 =	vld.idx.msk [tilespmem:v44+s14+$0x0], $0xffff;
	[tilespmem:v26+s20+$0x0] =	vst.idx.msk $0xffff, v29  }
0x66: {  	v52 =	vor.u32 v0, v19;
	v25 =	vor.u32 v15, v24;
	v36 =	vld.idx.msk [tilespmem:v36+s14+$0x0], $0xffff  }
0x67: {  	v53 =	vor.u32 v2, v22;
	v29 =	vor.u32 v14, v46;
	v54 =	vld.idx.msk [tilespmem:v56+s14+$0x0], $0xffff;
	[tilespmem:v33+s20+$0x0] =	vst.idx.msk $0xffff, v34  }
0x68: {  	v33 =	vor.u32 v2, v23;
	[tilespmem:v43+s20+$0x0] =	vst.idx.msk $0xffff, v31;
	v34 =	vld.idx.msk [tilespmem:v40+s14+$0x0], $0xffff;
	v40 =	vor.u32 v11, v37  }
0x69: {  	v28 =	vor.u32 v15, v49;
	v26 =	vor.u32 v15, v20;
	v43 =	vld.idx.msk [tilespmem:v47+s14+$0x0], $0xffff;
	v47 =	vor.u32 v12, v55  }
0x6a: {  	[tilespmem:v45+s20+$0x0] =	vst.idx.msk $0xffff, v48;
	v35 =	vld.idx.msk [tilespmem:v35+s14+$0x0], $0xffff;
	v45 =	vor.u32 v11, v57;
	v48 =	vor.u32 v12, v32  }
0x6b: {  	v56 =	vor.u32 v11, v49;
	v39 =	vld.idx.msk [tilespmem:v39+s14+$0x0], $0xffff;
	[tilespmem:v52+s20+$0x0] =	vst.idx.msk $0xffff, v38;
	v52 =	vor.u32 v11, v20  }
0x6c: {  	v46 =	vor.u32 v12, v46;
	v38 =	vld.idx.msk [tilespmem:v53+s14+$0x0], $0xffff;
	[tilespmem:v51+s20+$0x0] =	vst.idx.msk $0xffff, v36;
	v51 =	vor.u32 v12, v42  }
0x6d: {  	v31 =	vor.u32 v14, v42;
	v53 =	vor.u32 v3, v17;
	v58 =	vld.idx.msk [tilespmem:v33+s14+$0x0], $0xffff;
	[tilespmem:v40+s20+$0x0] =	vst.idx.msk $0xffff, v44  }
0x6e: {  	v40 =	vor.u32 v4, v16;
	v44 =	vor.u32 v3, v24;
	[tilespmem:v50+s20+$0x0] =	vst.idx.msk $0xffff, v54;
	v50 =	vld.idx.msk [tilespmem:v47+s14+$0x0], $0xffff  }
0x6f: {  	v59 =	vor.u32 v4, v23;
	v60 =	vor.u32 v13, v37;
	v54 =	vld.idx.msk [tilespmem:v41+s14+$0x0], $0xffff;
	[tilespmem:v45+s20+$0x0] =	vst.idx.msk $0xffff, v43  }
0x70: {  	v61 =	vor.u32 v3, v21;
	[tilespmem:v52+s20+$0x0] =	vst.idx.msk $0xffff, v35;
	v36 =	vld.idx.msk [tilespmem:v48+s14+$0x0], $0xffff;
	v35 =	vor.u32 v14, v55  }
.Ltmp0:
0x71: {  	v47 =	vor.u32 v3, v19;
	v45 =	vor.u32 v4, v18;
	v33 =	vld.idx.msk [tilespmem:v46+s14+$0x0], $0xffff;
	[tilespmem:v56+s20+$0x0] =	vst.idx.msk $0xffff, v34;
	(pc) =	sbr.rel @p1 .LBB2_3-.Ltmp0, $4  }
0x72: {  	v41 =	vor.u32 v13, v57;
	v48 =	vor.u32 v4, v22;
	[tilespmem:v53+s20+$0x0] =	vst.idx.msk $0xffff, v39;
	v37 =	vld.idx.msk [tilespmem:v51+s14+$0x0], $0xffff  }
0x73: {  	v32 =	vor.u32 v14, v32;
	v42 =	vld.idx.msk [tilespmem:v40+s14+$0x0], $0xffff;
	[tilespmem:v44+s20+$0x0] =	vst.idx.msk $0xffff, v58;
	v40 =	vor.u32 v13, v49  }
0x74: {  	v43 =	vor.u32 v5, v17;
	v34 =	vor.u32 v15, v57;
	v46 =	vld.idx.msk [tilespmem:v59+s14+$0x0], $0xffff;
	[tilespmem:v60+s20+$0x0] =	vst.idx.msk $0xffff, v50  }
0x75: {  	v44 =	vor.u32 v6, v16;
	v49 =	vor.u32 v5, v24;
	[tilespmem:v61+s20+$0x0] =	vst.idx.msk $0xffff, v54;
	v39 =	vld.idx.msk [tilespmem:v35+s14+$0x0], $0xffff  }
0x76: {  	_ =	sdelay $0x3  }
0x77: {  	[tilespmem:v47+s20+$0x0] =	vst.idx.msk $0xffff, v38;
	v45 =	vld.idx.msk [tilespmem:v45+s14+$0x0], $0xffff;
	v63 =	vor.u32 v5, v21  }
0x78: {  	v62 =	vor.u32 v5, v19;
	v50 =	vor.u32 v6, v18;
	v35 =	vld.idx.msk [tilespmem:v48+s14+$0x0], $0xffff  }
0x79: {  	v52 =	vor.u32 v6, v22  }
0x7a: {  	[tilespmem:v49+s20+$0x0] =	vst.idx.msk $0xffff, v46  }
0x7b: {  	v53 =	vor.u32 v7, v24;
	[tilespmem:v43+s20+$0x0] =	vst.idx.msk $0xffff, v42;
	v30 =	vld.idx.msk [tilespmem:v30+s14+$0x0], $0xffff  }
0x7c: {  	v54 =	vor.u32 v8, v23;
	v59 =	vor.u32 v7, v17;
	v44 =	vld.idx.msk [tilespmem:v44+s14+$0x0], $0xffff;
	[tilespmem:v63+s20+$0x0] =	vst.idx.msk $0xffff, v45  }
0x7d: {  	v58 =	vor.u32 v7, v21;
	v61 =	vor.u32 v8, v16;
	[tilespmem:v62+s20+$0x0] =	vst.idx.msk $0xffff, v35;
	v57 =	vld.idx.msk [tilespmem:v50+s14+$0x0], $0xffff  }
0x7e: {  	v55 =	vor.u32 v7, v19;
	v60 =	vor.u32 v8, v18;
	v38 =	vld.idx.msk [tilespmem:v52+s14+$0x0], $0xffff  }
0x7f: {  	v56 =	vor.u32 v8, v22  }
0x80: {  	[tilespmem:v53+s20+$0x0] =	vst.idx.msk $0xffff, v30  }
0x81: {  	v62 =	vor.u32 v9, v24;
	[tilespmem:v59+s20+$0x0] =	vst.idx.msk $0xffff, v44;
	v35 =	vld.idx.msk [tilespmem:v54+s14+$0x0], $0xffff  }
0x82: {  	v52 =	vor.u32 v10, v23;
	[tilespmem:v58+s20+$0x0] =	vst.idx.msk $0xffff, v57;
	v57 =	vor.u32 v9, v17;
	v58 =	vld.idx.msk [tilespmem:v61+s14+$0x0], $0xffff  }
0x83: {  	v59 =	vor.u32 v10, v16;
	[tilespmem:v55+s20+$0x0] =	vst.idx.msk $0xffff, v38;
	v54 =	vld.idx.msk [tilespmem:v60+s14+$0x0], $0xffff;
	v55 =	vor.u32 v9, v21  }
0x84: {  	v63 =	vor.u32 v9, v19;
	v42 =	vld.idx.msk [tilespmem:v56+s14+$0x0], $0xffff;
	v56 =	vor.u32 v10, v18  }
0x85: {  	[tilespmem:v41+s20+$0x0] =	vst.idx.msk $0xffff, v36;
	v53 =	vor.u32 v10, v22  }
0x86: {  	[tilespmem:v62+s20+$0x0] =	vst.idx.msk $0xffff, v35  }
0x87: {  	v60 =	vor.u32 v11, v24;
	v30 =	vld.idx.msk [tilespmem:v52+s14+$0x0], $0xffff;
	[tilespmem:v57+s20+$0x0] =	vst.idx.msk $0xffff, v58  }
0x88: {  	v50 =	vor.u32 v11, v17;
	v61 =	vor.u32 v12, v23;
	[tilespmem:v55+s20+$0x0] =	vst.idx.msk $0xffff, v54;
	v36 =	vld.idx.msk [tilespmem:v59+s14+$0x0], $0xffff  }
0x89: {  	v49 =	vor.u32 v11, v21;
	v52 =	vor.u32 v12, v16;
	[tilespmem:v63+s20+$0x0] =	vst.idx.msk $0xffff, v42;
	v63 =	vld.idx.msk [tilespmem:v56+s14+$0x0], $0xffff  }
0x8a: {  	v51 =	vor.u32 v12, v18;
	[tilespmem:v40+s20+$0x0] =	vst.idx.msk $0xffff, v37;
	v62 =	vor.u32 v11, v19;
	v38 =	vld.idx.msk [tilespmem:v53+s14+$0x0], $0xffff  }
0x8b: {  	v20 =	vor.u32 v13, v20;
	v48 =	vor.u32 v12, v22;
	[tilespmem:v27+s20+$0x0] =	vst.idx.msk $0xffff, v39  }
0x8c: {  	v32 =	vld.idx.msk [tilespmem:v32+s14+$0x0], $0xffff;
	[tilespmem:v60+s20+$0x0] =	vst.idx.msk $0xffff, v30  }
0x8d: {  	v53 =	vor.u32 v13, v24;
	v30 =	vld.idx.msk [tilespmem:v61+s14+$0x0], $0xffff;
	[tilespmem:v50+s20+$0x0] =	vst.idx.msk $0xffff, v36  }
0x8e: {  	v55 =	vor.u32 v14, v23;
	v61 =	vor.u32 v13, v17;
	[tilespmem:v49+s20+$0x0] =	vst.idx.msk $0xffff, v63;
	v27 =	vld.idx.msk [tilespmem:v52+s14+$0x0], $0xffff  }
0x8f: {  	v16 =	vor.u32 v14, v16;
	v59 =	vor.u32 v13, v21;
	[tilespmem:v62+s20+$0x0] =	vst.idx.msk $0xffff, v38;
	v57 =	vld.idx.msk [tilespmem:v51+s14+$0x0], $0xffff  }
0x90: {  	[tilespmem:v20+s20+$0x0] =	vst.idx.msk $0xffff, v33;
	v56 =	vor.u32 v13, v19;
	v60 =	vor.u32 v14, v18;
	v54 =	vld.idx.msk [tilespmem:v48+s14+$0x0], $0xffff  }
0x91: {  	v31 =	vld.idx.msk [tilespmem:v31+s14+$0x0], $0xffff;
	[tilespmem:v34+s20+$0x0] =	vst.idx.msk $0xffff, v32;
	v58 =	vor.u32 v14, v22  }
0x92: {  	v20 =	vld.idx.msk [tilespmem:v29+s14+$0x0], $0xffff;
	[tilespmem:v53+s20+$0x0] =	vst.idx.msk $0xffff, v30  }
0x93: {  	v23 =	vld.idx.msk [tilespmem:v55+s14+$0x0], $0xffff;
	[tilespmem:v61+s20+$0x0] =	vst.idx.msk $0xffff, v27  }
0x94: {  	v17 =	vor.u32 v15, v17;
	[tilespmem:v59+s20+$0x0] =	vst.idx.msk $0xffff, v57;
	v16 =	vld.idx.msk [tilespmem:v16+s14+$0x0], $0xffff  }
0x95: {  	v63 =	vor.u32 v15, v21;
	[tilespmem:v56+s20+$0x0] =	vst.idx.msk $0xffff, v54;
	v18 =	vld.idx.msk [tilespmem:v60+s14+$0x0], $0xffff  }
0x96: {  	[tilespmem:v28+s20+$0x0] =	vst.idx.msk $0xffff, v31;
	v62 =	vor.u32 v15, v19;
	v22 =	vld.idx.msk [tilespmem:v58+s14+$0x0], $0xffff  }
0x97: {  	p1 =	sne.s32 s29, $0x19;
	[tilespmem:v26+s20+$0x0] =	vst.idx.msk $0xffff, v20  }
.Ltmp1:
0x98: {  	[tilespmem:v25+s20+$0x0] =	vst.idx.msk $0xffff, v23;
	(pc) =	sbr.rel @p1 .LBB2_6-.Ltmp1, $4  }
0x99: {  	[tilespmem:v17+s20+$0x0] =	vst.idx.msk $0xffff, v16  }
0x9a: {  	s30 =	sshll.u32 s29, $0x11;
	[tilespmem:v63+s20+$0x0] =	vst.idx.msk $0xffff, v18  }
0x9b: {  	s0 =	sadd.s32 s30, s4;
	[tilespmem:v62+s20+$0x0] =	vst.idx.msk $0xffff, v22  }
0x9c: {  	[hbm4b:s0+s21] =	stream.strided.scatter [tilespmem:s20], [sflag:$0x2], $0x2000, s22, s21, $0x38;
	[tilespmem:$0x13400] =	vst v63  }
.Ltmp2:
0x9d: {  	(pc) =	sbr.rel .LBB2_7-.Ltmp2, $4  }
0x9e: {  	_ = 	snop  }
0x9f: {  	_ =	swait.ge [sflag:s19], $0x2000  }
0xa0: {  	[sflag:s19] =	ssyncset.done $0x0  }
0xa1: {  	[sflag:s19] =	ssyncadd.s32 $0xFFFFE000  }
.LBB2_6:
.Ltmp3:
0xa2: {  	s0 =	sadd.s32 $0x200, s31;
	(pc) =	sbr.rel @p0 .LBB2_8-.Ltmp3, $4  }
0xa3: {  	[tilespmem:s14], [sflag:$0x1] =	stream.indirect.gather [hbm4b:s3+s13], $0x40, s0, s13, $0xb8;
	[tilespmem:$0x13400] =	vst v63  }
0xa4: {  	_ =	swait.ge [sflag:s19], $0x2000  }
0xa5: {  	[sflag:s19] =	ssyncset.done $0x0  }
0xa6: {  	[sflag:s19] =	ssyncadd.s32 $0xFFFFE000  }
.LBB2_7:
0xa7: {  	_ =	swait.ge [sflag:s23], $0x2000  }
0xa8: {  	[sflag:s23] =	ssyncset.done $0x0  }
0xa9: {  	[sflag:s23] =	ssyncadd.s32 $0xFFFFE000  }
.LBB2_8:
0xaa: {  	s0 =	simm.s32 $0x0  }
0xab: {  	s10 =	simm.s32 $0x3;
	v16 =	vadd.s32 s0, v0  }
0xac: {  	s11 =	simm.s32 $0x2;
	v17 =	vadd.s32 s10, v0;
	v31 =	vand.u32 $0x3F, v16  }
0xad: {  	s1 =	simm.s32 $0x1;
	v19 =	vadd.s32 s11, v0;
	v32 =	vand.u32 $0x3F, v17;
	v18 =	vor.u32 v1, v31  }
0xae: {  	v22 =	vadd.s32 s1, v0;
	v37 =	vand.u32 $0x3F, v19;
	v21 =	vor.u32 v1, v32  }
0xaf: {  	v33 =	vand.u32 $0x3F, v22;
	v23 =	vor.u32 v1, v37  }
0xb0: {  	v16 =	vshll.u32 v16, $0x7;
	v24 =	vor.u32 v1, v33  }
0xb1: {  	v17 =	vshll.u32 v17, $0x7;
	v22 =	vshll.u32 v22, $0x7;
	v20 =	vand.u32 $0x1F80, v16  }
0xb2: {  	v36 =	vand.u32 $0x1F80, v17;
	v16 =	vor.u32 v0, v20;
	v17 =	vld.idx.msk [tilespmem:v18+s15+$0x0], $0xffff;
	v18 =	vshll.u32 v19, $0x7  }
0xb3: {  	v25 =	vor.u32 v2, v31;
	v19 =	vor.u32 v0, v36;
	v21 =	vld.idx.msk [tilespmem:v21+s15+$0x0], $0xffff;
	v35 =	vand.u32 $0x1F80, v18  }
0xb4: {  	v34 =	vand.u32 $0x1F80, v22;
	v23 =	vld.idx.msk [tilespmem:v23+s15+$0x0], $0xffff;
	v18 =	vor.u32 v2, v32;
	v22 =	vor.u32 v0, v35  }
0xb5: {  	v26 =	vor.u32 v2, v37;
	v27 =	vor.u32 v0, v34;
	v24 =	vld.idx.msk [tilespmem:v24+s15+$0x0], $0xffff  }
0xb6: {  	v28 =	vor.u32 v2, v33  }
0xb7: {  	[tilespmem:v16+s24+$0x0] =	vst.idx.msk $0xffff, v17  }
0xb8: {  	[tilespmem:v19+s24+$0x0] =	vst.idx.msk $0xffff, v21;
	v17 =	vor.u32 v3, v20;
	v16 =	vld.idx.msk [tilespmem:v25+s15+$0x0], $0xffff  }
0xb9: {  	v19 =	vor.u32 v4, v31;
	v21 =	vor.u32 v3, v36;
	v18 =	vld.idx.msk [tilespmem:v18+s15+$0x0], $0xffff;
	[tilespmem:v22+s24+$0x0] =	vst.idx.msk $0xffff, v23  }
0xba: {  	[tilespmem:v27+s24+$0x0] =	vst.idx.msk $0xffff, v24;
	v24 =	vor.u32 v3, v35;
	v22 =	vor.u32 v4, v32;
	v23 =	vld.idx.msk [tilespmem:v26+s15+$0x0], $0xffff  }
0xbb: {  	v25 =	vld.idx.msk [tilespmem:v28+s15+$0x0], $0xffff;
	v28 =	vor.u32 v4, v37  }
0xbc: {  	v26 =	vor.u32 v3, v34  }
0xbd: {  	s10 =	simm.s32 $0x5;
	[tilespmem:v17+s24+$0x0] =	vst.idx.msk $0xffff, v16;
	v16 =	vor.u32 v4, v33  }
0xbe: {  	v44 =	vadd.s32 s10, v0;
	[tilespmem:v21+s24+$0x0] =	vst.idx.msk $0xffff, v18;
	v18 =	vor.u32 v5, v20;
	v17 =	vld.idx.msk [tilespmem:v19+s15+$0x0], $0xffff  }
0xbf: {  	v21 =	vor.u32 v6, v31;
	v19 =	vld.idx.msk [tilespmem:v22+s15+$0x0], $0xffff;
	v22 =	vor.u32 v5, v36;
	[tilespmem:v24+s24+$0x0] =	vst.idx.msk $0xffff, v23  }
0xc0: {  	s11 =	simm.s32 $0x4;
	v29 =	vor.u32 v6, v32;
	v38 =	vor.u32 v10, v31;
	v24 =	vor.u32 v5, v35;
	v23 =	vld.idx.msk [tilespmem:v28+s15+$0x0], $0xffff  }
0xc1: {  	v45 =	vadd.s32 s11, v0;
	v39 =	vor.u32 v10, v37;
	[tilespmem:v26+s24+$0x0] =	vst.idx.msk $0xffff, v25;
	v26 =	vor.u32 v6, v37  }
0xc2: {  	s10 =	simm.s32 $0x6;
	v41 =	vor.u32 v8, v33;
	v42 =	vor.u32 v8, v37;
	v25 =	vor.u32 v5, v34;
	v16 =	vld.idx.msk [tilespmem:v16+s15+$0x0], $0xffff  }
0xc3: {  	v47 =	vadd.s32 s10, v0;
	v50 =	vor.u32 v10, v32;
	[tilespmem:v18+s24+$0x0] =	vst.idx.msk $0xffff, v17;
	v17 =	vor.u32 v6, v33  }
0xc4: {  	v61 =	vor.u32 v12, v32;
	[tilespmem:v22+s24+$0x0] =	vst.idx.msk $0xffff, v19;
	v19 =	vor.u32 v7, v20;
	v18 =	vld.idx.msk [tilespmem:v21+s15+$0x0], $0xffff  }
0xc5: {  	v30 =	vor.u32 v7, v36;
	v21 =	vld.idx.msk [tilespmem:v29+s15+$0x0], $0xffff;
	v29 =	vor.u32 v8, v31;
	[tilespmem:v24+s24+$0x0] =	vst.idx.msk $0xffff, v23  }
0xc6: {  	v56 =	vor.u32 v12, v33;
	v23 =	vor.u32 v8, v32;
	v24 =	vld.idx.msk [tilespmem:v26+s15+$0x0], $0xffff;
	v26 =	vor.u32 v7, v35  }
0xc7: {  	v40 =	vor.u32 v9, v34;
	v43 =	vor.u32 v7, v34;
	[tilespmem:v25+s24+$0x0] =	vst.idx.msk $0xffff, v16;
	v16 =	vand.u32 $0x3F, v45  }
0xc8: {  	v46 =	vor.u32 v9, v20;
	v60 =	vor.u32 v11, v36;
	v17 =	vld.idx.msk [tilespmem:v17+s15+$0x0], $0xffff;
	v49 =	vor.u32 v1, v16  }
0xc9: {  	v57 =	vor.u32 v9, v35;
	v22 =	vand.u32 $0x3F, v44;
	v25 =	vor.u32 v9, v36;
	[tilespmem:v19+s24+$0x0] =	vst.idx.msk $0xffff, v18  }
0xca: {  	s11 =	simm.s32 $0x7;
	[tilespmem:v30+s24+$0x0] =	vst.idx.msk $0xffff, v21;
	v21 =	vor.u32 v1, v22;
	v18 =	vand.u32 $0x3F, v47;
	v29 =	vld.idx.msk [tilespmem:v29+s15+$0x0], $0xffff  }
0xcb: {  	v58 =	vshll.u32 v47, $0x7;
	v19 =	vadd.s32 s11, v0;
	v48 =	vld.idx.msk [tilespmem:v23+s15+$0x0], $0xffff;
	v51 =	vor.u32 v1, v18;
	[tilespmem:v26+s24+$0x0] =	vst.idx.msk $0xffff, v24  }
0xcc: {  	v27 =	vor.u32 v15, v36;
	v28 =	vor.u32 v10, v33;
	v23 =	vand.u32 $0x3F, v19;
	v42 =	vld.idx.msk [tilespmem:v42+s15+$0x0], $0xffff  }
0xcd: {  	v24 =	vshll.u32 v19, $0x7;
	v19 =	vshll.u32 v44, $0x7;
	v26 =	vor.u32 v1, v23;
	[tilespmem:v43+s24+$0x0] =	vst.idx.msk $0xffff, v17;
	v62 =	vld.idx.msk [tilespmem:v49+s15+$0x0], $0xffff  }
0xce: {  	v33 =	vor.u32 v14, v33;
	v19 =	vand.u32 $0x1F80, v19;
	v17 =	vshll.u32 v45, $0x7;
	v41 =	vld.idx.msk [tilespmem:v41+s15+$0x0], $0xffff  }
0xcf: {  	v55 =	vor.u32 v2, v22;
	v53 =	vor.u32 v0, v19;
	v17 =	vand.u32 $0x1F80, v17;
	v45 =	vld.idx.msk [tilespmem:v21+s15+$0x0], $0xffff  }
0xd0: {  	v21 =	vand.u32 $0x1F80, v58;
	v59 =	vor.u32 v0, v17;
	[tilespmem:v25+s24+$0x0] =	vst.idx.msk $0xffff, v48;
	v51 =	vld.idx.msk [tilespmem:v51+s15+$0x0], $0xffff  }
0xd1: {  	v24 =	vand.u32 $0x1F80, v24;
	[tilespmem:v46+s24+$0x0] =	vst.idx.msk $0xffff, v29;
	v47 =	vor.u32 v0, v21;
	v50 =	vld.idx.msk [tilespmem:v50+s15+$0x0], $0xffff  }
0xd2: {  	v49 =	vor.u32 v2, v16;
	v48 =	vor.u32 v0, v24;
	v54 =	vld.idx.msk [tilespmem:v26+s15+$0x0], $0xffff;
	[tilespmem:v57+s24+$0x0] =	vst.idx.msk $0xffff, v42  }
0xd3: {  	v52 =	vor.u32 v2, v18;
	v30 =	vor.u32 v6, v23;
	v44 =	vld.idx.msk [tilespmem:v38+s15+$0x0], $0xffff;
	[tilespmem:v40+s24+$0x0] =	vst.idx.msk $0xffff, v41  }
0xd4: {  	v63 =	vor.u32 v2, v23;
	v58 =	vor.u32 v4, v23;
	v39 =	vld.idx.msk [tilespmem:v39+s15+$0x0], $0xffff;
	[tilespmem:v53+s24+$0x0] =	vst.idx.msk $0xffff, v45  }
0xd5: {  	v25 =	vor.u32 v15, v24;
	v41 =	vld.idx.msk [tilespmem:v28+s15+$0x0], $0xffff;
	[tilespmem:v59+s24+$0x0] =	vst.idx.msk $0xffff, v62;
	v62 =	vor.u32 v11, v34  }
0xd6: {  	v29 =	vor.u32 v14, v31;
	v45 =	vor.u32 v11, v20;
	v38 =	vld.idx.msk [tilespmem:v55+s15+$0x0], $0xffff;
	[tilespmem:v47+s24+$0x0] =	vst.idx.msk $0xffff, v51  }
0xd7: {  	v53 =	vor.u32 v11, v35;
	v49 =	vld.idx.msk [tilespmem:v49+s15+$0x0], $0xffff;
	[tilespmem:v48+s24+$0x0] =	vst.idx.msk $0xffff, v54;
	v48 =	vor.u32 v12, v31  }
0xd8: {  	v43 =	vor.u32 v5, v17;
	v55 =	vor.u32 v3, v17;
	v54 =	vor.u32 v12, v37;
	v52 =	vld.idx.msk [tilespmem:v52+s15+$0x0], $0xffff  }
0xd9: {  	v40 =	vor.u32 v4, v16;
	[tilespmem:v60+s24+$0x0] =	vst.idx.msk $0xffff, v50;
	v50 =	vor.u32 v3, v24;
	v57 =	vld.idx.msk [tilespmem:v63+s15+$0x0], $0xffff  }
0xda: {  	v59 =	vor.u32 v13, v36;
	v47 =	vor.u32 v3, v19;
	v51 =	vld.idx.msk [tilespmem:v61+s15+$0x0], $0xffff;
	[tilespmem:v62+s24+$0x0] =	vst.idx.msk $0xffff, v41  }
0xdb: {  	v60 =	vor.u32 v3, v21;
	v63 =	vor.u32 v14, v32;
	[tilespmem:v45+s24+$0x0] =	vst.idx.msk $0xffff, v44;
	v36 =	vld.idx.msk [tilespmem:v56+s15+$0x0], $0xffff  }
0xdc: {  	v31 =	vor.u32 v14, v37;
	v45 =	vor.u32 v4, v18;
	[tilespmem:v53+s24+$0x0] =	vst.idx.msk $0xffff, v39;
	v32 =	vld.idx.msk [tilespmem:v48+s15+$0x0], $0xffff  }
0xdd: {  	v41 =	vor.u32 v13, v34;
	[tilespmem:v55+s24+$0x0] =	vst.idx.msk $0xffff, v49;
	v48 =	vor.u32 v4, v22;
	v37 =	vld.idx.msk [tilespmem:v54+s15+$0x0], $0xffff  }
0xde: {  	v26 =	vor.u32 v15, v20;
	v42 =	vld.idx.msk [tilespmem:v40+s15+$0x0], $0xffff;
	[tilespmem:v50+s24+$0x0] =	vst.idx.msk $0xffff, v57;
	v40 =	vor.u32 v13, v35  }
0xdf: {  	v28 =	vor.u32 v15, v35;
	v44 =	vor.u32 v6, v16;
	[tilespmem:v59+s24+$0x0] =	vst.idx.msk $0xffff, v51;
	v46 =	vld.idx.msk [tilespmem:v58+s15+$0x0], $0xffff  }
0xe0: {  	s0 =	simm.s32 $0x8;
	v34 =	vor.u32 v15, v34;
	[tilespmem:v60+s24+$0x0] =	vst.idx.msk $0xffff, v52;
	v49 =	vor.u32 v5, v24;
	v39 =	vld.idx.msk [tilespmem:v63+s15+$0x0], $0xffff  }
.LBB2_9:
0xe1: {  	p2 =	slt.u32 s0, $0x3C;
	v35 =	vor.u32 v10, v16;
	[tilespmem:v47+s24+$0x0] =	vst.idx.msk $0xffff, v38;
	v38 =	vld.idx.msk [tilespmem:v45+s15+$0x0], $0xffff;
	v20 =	vor.u32 v13, v20;
	s1 =	smov.u32 s0;
	s0 =	sadd.s32 $0x4, s0  }
0xe2: {  	v47 =	vor.u32 v10, v22;
	v45 =	vld.idx.msk [tilespmem:v48+s15+$0x0], $0xffff;
	v48 =	vor.u32 v5, v21;
	[tilespmem:v41+s24+$0x0] =	vst.idx.msk $0xffff, v36  }
0xe3: {  	v36 =	vor.u32 v5, v19;
	v41 =	vor.u32 v6, v18;
	v50 =	vld.idx.msk [tilespmem:v33+s15+$0x0], $0xffff;
	[tilespmem:v40+s24+$0x0] =	vst.idx.msk $0xffff, v37  }
0xe4: {  	v37 =	vor.u32 v6, v22;
	v40 =	vor.u32 v10, v18;
	[tilespmem:v43+s24+$0x0] =	vst.idx.msk $0xffff, v42;
	v31 =	vld.idx.msk [tilespmem:v31+s15+$0x0], $0xffff  }
0xe5: {  	v43 =	vor.u32 v9, v19;
	v42 =	vld.idx.msk [tilespmem:v44+s15+$0x0], $0xffff;
	[tilespmem:v49+s24+$0x0] =	vst.idx.msk $0xffff, v46;
	v44 =	vor.u32 v10, v23  }
0xe6: {  	v46 =	vor.u32 v7, v17;
	v49 =	vor.u32 v8, v22;
	v30 =	vld.idx.msk [tilespmem:v30+s15+$0x0], $0xffff;
	[tilespmem:v27+s24+$0x0] =	vst.idx.msk $0xffff, v39  }
0xe7: {  	v33 =	vmov v22;
	v27 =	vor.u32 v8, v16;
	[tilespmem:v48+s24+$0x0] =	vst.idx.msk $0xffff, v38;
	v38 =	vor.u32 v7, v24  }
0xe8: {  	v39 =	vor.u32 v8, v23;
	[tilespmem:v36+s24+$0x0] =	vst.idx.msk $0xffff, v45;
	v36 =	vld.idx.msk [tilespmem:v41+s15+$0x0], $0xffff;
	v41 =	vor.u32 v9, v24  }
0xe9: {  	v48 =	vor.u32 v8, v18;
	v45 =	vor.u32 v7, v21;
	v37 =	vld.idx.msk [tilespmem:v37+s15+$0x0], $0xffff;
	[tilespmem:v34+s24+$0x0] =	vst.idx.msk $0xffff, v50  }
0xea: {  	v51 =	vor.u32 v7, v19;
	s10 =	sadd.s32 $0x1, s1;
	s11 =	sadd.s32 $0x2, s1;
	v34 =	vadd.s32 s1, v0;
	s1 =	sadd.s32 $0x3, s1;
	v50 =	vor.u32 v9, v17;
	[tilespmem:v20+s24+$0x0] =	vst.idx.msk $0xffff, v32  }
0xeb: {  	v20 =	vadd.s32 s10, v0;
	v32 =	vadd.s32 s11, v0;
	v52 =	vadd.s32 s1, v0;
	[tilespmem:v46+s24+$0x0] =	vst.idx.msk $0xffff, v42;
	v42 =	vmovc v18;
	v46 =	vmovc v16  }
0xec: {  	v55 =	vmovc v23;
	v22 =	vand.u32 $0x3F, v20;
	v18 =	vand.u32 $0x3F, v32;
	v53 =	vshll.u32 v52, $0x7;
	v54 =	vld.idx.msk [tilespmem:v27+s15+$0x0], $0xffff;
	[tilespmem:v38+s24+$0x0] =	vst.idx.msk $0xffff, v30  }
0xed: {  	v57 =	vmovc v19;
	v16 =	vand.u32 $0x3F, v34;
	v38 =	vor.u32 v1, v22;
	v56 =	vor.u32 v1, v18;
	v39 =	vld.idx.msk [tilespmem:v39+s15+$0x0], $0xffff  }
0xee: {  	v19 =	vshll.u32 v20, $0x7;
	v23 =	vand.u32 $0x3F, v52;
	v58 =	vor.u32 v1, v16;
	[tilespmem:v45+s24+$0x0] =	vst.idx.msk $0xffff, v36;
	v29 =	vld.idx.msk [tilespmem:v29+s15+$0x0], $0xffff  }
0xef: {  	v19 =	vand.u32 $0x1F80, v19;
	v36 =	vor.u32 v1, v23;
	[tilespmem:v51+s24+$0x0] =	vst.idx.msk $0xffff, v37;
	v37 =	vmovc v24;
	v24 =	vand.u32 $0x1F80, v53  }
0xf0: {  	v30 =	vor.u32 v6, v23;
	v20 =	vmov v17;
	v45 =	vshll.u32 v34, $0x7;
	v34 =	vld.idx.msk [tilespmem:v48+s15+$0x0], $0xffff;
	[tilespmem:v28+s24+$0x0] =	vst.idx.msk $0xffff, v31  }
0xf1: {  	v27 =	vmovc v25;
	v17 =	vand.u32 $0x1F80, v45;
	v28 =	vshll.u32 v32, $0x7;
	v32 =	vor.u32 v9, v21;
	v31 =	vld.idx.msk [tilespmem:v49+s15+$0x0], $0xffff;
	v49 =	vmovc v21  }
0xf2: {  	v45 =	vor.u32 v0, v17;
	v21 =	vand.u32 $0x1F80, v28;
	v38 =	vld.idx.msk [tilespmem:v38+s15+$0x0], $0xffff;
	[tilespmem:v50+s24+$0x0] =	vst.idx.msk $0xffff, v54  }
0xf3: {  	v51 =	vor.u32 v0, v24;
	v50 =	vor.u32 v0, v21;
	v48 =	vld.idx.msk [tilespmem:v58+s15+$0x0], $0xffff;
	[tilespmem:v41+s24+$0x0] =	vst.idx.msk $0xffff, v39  }
0xf4: {  	v39 =	vor.u32 v2, v16;
	v41 =	vor.u32 v2, v18;
	v44 =	vld.idx.msk [tilespmem:v44+s15+$0x0], $0xffff;
	[tilespmem:v26+s24+$0x0] =	vst.idx.msk $0xffff, v29  }
0xf5: {  	v52 =	vor.u32 v0, v19;
	v25 =	vor.u32 v15, v24;
	v36 =	vld.idx.msk [tilespmem:v36+s15+$0x0], $0xffff  }
0xf6: {  	v53 =	vor.u32 v2, v22;
	v29 =	vor.u32 v14, v46;
	v54 =	vld.idx.msk [tilespmem:v56+s15+$0x0], $0xffff;
	[tilespmem:v32+s24+$0x0] =	vst.idx.msk $0xffff, v34  }
0xf7: {  	v32 =	vor.u32 v2, v23;
	[tilespmem:v43+s24+$0x0] =	vst.idx.msk $0xffff, v31;
	v34 =	vld.idx.msk [tilespmem:v40+s15+$0x0], $0xffff;
	v40 =	vor.u32 v11, v37  }
0xf8: {  	v28 =	vor.u32 v15, v49;
	v26 =	vor.u32 v15, v20;
	v43 =	vld.idx.msk [tilespmem:v47+s15+$0x0], $0xffff;
	v47 =	vor.u32 v12, v55  }
0xf9: {  	[tilespmem:v45+s24+$0x0] =	vst.idx.msk $0xffff, v48;
	v35 =	vld.idx.msk [tilespmem:v35+s15+$0x0], $0xffff;
	v45 =	vor.u32 v11, v57;
	v48 =	vor.u32 v12, v33  }
0xfa: {  	v56 =	vor.u32 v11, v49;
	v39 =	vld.idx.msk [tilespmem:v39+s15+$0x0], $0xffff;
	[tilespmem:v52+s24+$0x0] =	vst.idx.msk $0xffff, v38;
	v52 =	vor.u32 v11, v20  }
0xfb: {  	v46 =	vor.u32 v12, v46;
	v38 =	vld.idx.msk [tilespmem:v53+s15+$0x0], $0xffff;
	[tilespmem:v51+s24+$0x0] =	vst.idx.msk $0xffff, v36;
	v51 =	vor.u32 v12, v42  }
0xfc: {  	v31 =	vor.u32 v14, v42;
	v53 =	vor.u32 v3, v17;
	v58 =	vld.idx.msk [tilespmem:v32+s15+$0x0], $0xffff;
	[tilespmem:v40+s24+$0x0] =	vst.idx.msk $0xffff, v44  }
0xfd: {  	v40 =	vor.u32 v4, v16;
	v44 =	vor.u32 v3, v24;
	[tilespmem:v50+s24+$0x0] =	vst.idx.msk $0xffff, v54;
	v50 =	vld.idx.msk [tilespmem:v47+s15+$0x0], $0xffff  }
0xfe: {  	v59 =	vor.u32 v4, v23;
	v60 =	vor.u32 v13, v37;
	v54 =	vld.idx.msk [tilespmem:v41+s15+$0x0], $0xffff;
	[tilespmem:v45+s24+$0x0] =	vst.idx.msk $0xffff, v43  }
0xff: {  	v61 =	vor.u32 v3, v21;
	[tilespmem:v52+s24+$0x0] =	vst.idx.msk $0xffff, v35;
	v36 =	vld.idx.msk [tilespmem:v48+s15+$0x0], $0xffff;
	v35 =	vor.u32 v14, v55  }
.Ltmp4:
0x100: {  	v47 =	vor.u32 v3, v19;
	v45 =	vor.u32 v4, v18;
	v32 =	vld.idx.msk [tilespmem:v46+s15+$0x0], $0xffff;
	[tilespmem:v56+s24+$0x0] =	vst.idx.msk $0xffff, v34;
	(pc) =	sbr.rel @p2 .LBB2_9-.Ltmp4, $4  }
0x101: {  	v41 =	vor.u32 v13, v57;
	v48 =	vor.u32 v4, v22;
	[tilespmem:v53+s24+$0x0] =	vst.idx.msk $0xffff, v39;
	v37 =	vld.idx.msk [tilespmem:v51+s15+$0x0], $0xffff  }
0x102: {  	v33 =	vor.u32 v14, v33;
	v42 =	vld.idx.msk [tilespmem:v40+s15+$0x0], $0xffff;
	[tilespmem:v44+s24+$0x0] =	vst.idx.msk $0xffff, v58;
	v40 =	vor.u32 v13, v49  }
0x103: {  	v43 =	vor.u32 v5, v17;
	v34 =	vor.u32 v15, v57;
	v46 =	vld.idx.msk [tilespmem:v59+s15+$0x0], $0xffff;
	[tilespmem:v60+s24+$0x0] =	vst.idx.msk $0xffff, v50  }
0x104: {  	v44 =	vor.u32 v6, v16;
	v49 =	vor.u32 v5, v24;
	[tilespmem:v61+s24+$0x0] =	vst.idx.msk $0xffff, v54;
	v39 =	vld.idx.msk [tilespmem:v35+s15+$0x0], $0xffff  }
0x105: {  	_ =	sdelay $0x3  }
0x106: {  	[tilespmem:v47+s24+$0x0] =	vst.idx.msk $0xffff, v38;
	v45 =	vld.idx.msk [tilespmem:v45+s15+$0x0], $0xffff;
	v63 =	vor.u32 v5, v21  }
0x107: {  	v62 =	vor.u32 v5, v19;
	v50 =	vor.u32 v6, v18;
	v35 =	vld.idx.msk [tilespmem:v48+s15+$0x0], $0xffff  }
0x108: {  	v52 =	vor.u32 v6, v22  }
0x109: {  	[tilespmem:v49+s24+$0x0] =	vst.idx.msk $0xffff, v46  }
0x10a: {  	v53 =	vor.u32 v7, v24;
	[tilespmem:v43+s24+$0x0] =	vst.idx.msk $0xffff, v42;
	v30 =	vld.idx.msk [tilespmem:v30+s15+$0x0], $0xffff  }
0x10b: {  	v54 =	vor.u32 v8, v23;
	v59 =	vor.u32 v7, v17;
	v44 =	vld.idx.msk [tilespmem:v44+s15+$0x0], $0xffff;
	[tilespmem:v63+s24+$0x0] =	vst.idx.msk $0xffff, v45  }
0x10c: {  	v58 =	vor.u32 v7, v21;
	v61 =	vor.u32 v8, v16;
	[tilespmem:v62+s24+$0x0] =	vst.idx.msk $0xffff, v35;
	v57 =	vld.idx.msk [tilespmem:v50+s15+$0x0], $0xffff  }
0x10d: {  	v55 =	vor.u32 v7, v19;
	v60 =	vor.u32 v8, v18;
	v38 =	vld.idx.msk [tilespmem:v52+s15+$0x0], $0xffff  }
0x10e: {  	v56 =	vor.u32 v8, v22  }
0x10f: {  	[tilespmem:v53+s24+$0x0] =	vst.idx.msk $0xffff, v30  }
0x110: {  	v62 =	vor.u32 v9, v24;
	[tilespmem:v59+s24+$0x0] =	vst.idx.msk $0xffff, v44;
	v35 =	vld.idx.msk [tilespmem:v54+s15+$0x0], $0xffff  }
0x111: {  	v52 =	vor.u32 v10, v23;
	[tilespmem:v58+s24+$0x0] =	vst.idx.msk $0xffff, v57;
	v57 =	vor.u32 v9, v17;
	v58 =	vld.idx.msk [tilespmem:v61+s15+$0x0], $0xffff  }
0x112: {  	v59 =	vor.u32 v10, v16;
	[tilespmem:v55+s24+$0x0] =	vst.idx.msk $0xffff, v38;
	v54 =	vld.idx.msk [tilespmem:v60+s15+$0x0], $0xffff;
	v55 =	vor.u32 v9, v21  }
0x113: {  	v63 =	vor.u32 v9, v19;
	v42 =	vld.idx.msk [tilespmem:v56+s15+$0x0], $0xffff;
	v56 =	vor.u32 v10, v18  }
0x114: {  	[tilespmem:v41+s24+$0x0] =	vst.idx.msk $0xffff, v36;
	v53 =	vor.u32 v10, v22  }
0x115: {  	[tilespmem:v62+s24+$0x0] =	vst.idx.msk $0xffff, v35  }
0x116: {  	v60 =	vor.u32 v11, v24;
	v30 =	vld.idx.msk [tilespmem:v52+s15+$0x0], $0xffff;
	[tilespmem:v57+s24+$0x0] =	vst.idx.msk $0xffff, v58  }
0x117: {  	v50 =	vor.u32 v11, v17;
	v61 =	vor.u32 v12, v23;
	[tilespmem:v55+s24+$0x0] =	vst.idx.msk $0xffff, v54;
	v36 =	vld.idx.msk [tilespmem:v59+s15+$0x0], $0xffff  }
0x118: {  	v49 =	vor.u32 v11, v21;
	v52 =	vor.u32 v12, v16;
	[tilespmem:v63+s24+$0x0] =	vst.idx.msk $0xffff, v42;
	v63 =	vld.idx.msk [tilespmem:v56+s15+$0x0], $0xffff  }
0x119: {  	v51 =	vor.u32 v12, v18;
	[tilespmem:v40+s24+$0x0] =	vst.idx.msk $0xffff, v37;
	v62 =	vor.u32 v11, v19;
	v38 =	vld.idx.msk [tilespmem:v53+s15+$0x0], $0xffff  }
0x11a: {  	v20 =	vor.u32 v13, v20;
	v48 =	vor.u32 v12, v22;
	[tilespmem:v27+s24+$0x0] =	vst.idx.msk $0xffff, v39  }
0x11b: {  	v33 =	vld.idx.msk [tilespmem:v33+s15+$0x0], $0xffff;
	[tilespmem:v60+s24+$0x0] =	vst.idx.msk $0xffff, v30  }
0x11c: {  	v53 =	vor.u32 v13, v24;
	v30 =	vld.idx.msk [tilespmem:v61+s15+$0x0], $0xffff;
	[tilespmem:v50+s24+$0x0] =	vst.idx.msk $0xffff, v36  }
0x11d: {  	v55 =	vor.u32 v14, v23;
	v61 =	vor.u32 v13, v17;
	[tilespmem:v49+s24+$0x0] =	vst.idx.msk $0xffff, v63;
	v27 =	vld.idx.msk [tilespmem:v52+s15+$0x0], $0xffff  }
0x11e: {  	v16 =	vor.u32 v14, v16;
	v59 =	vor.u32 v13, v21;
	[tilespmem:v62+s24+$0x0] =	vst.idx.msk $0xffff, v38;
	v57 =	vld.idx.msk [tilespmem:v51+s15+$0x0], $0xffff  }
0x11f: {  	[tilespmem:v20+s24+$0x0] =	vst.idx.msk $0xffff, v32;
	v56 =	vor.u32 v13, v19;
	v60 =	vor.u32 v14, v18;
	v54 =	vld.idx.msk [tilespmem:v48+s15+$0x0], $0xffff  }
0x120: {  	v31 =	vld.idx.msk [tilespmem:v31+s15+$0x0], $0xffff;
	[tilespmem:v34+s24+$0x0] =	vst.idx.msk $0xffff, v33;
	v58 =	vor.u32 v14, v22  }
0x121: {  	v20 =	vld.idx.msk [tilespmem:v29+s15+$0x0], $0xffff;
	[tilespmem:v53+s24+$0x0] =	vst.idx.msk $0xffff, v30  }
0x122: {  	v23 =	vld.idx.msk [tilespmem:v55+s15+$0x0], $0xffff;
	[tilespmem:v61+s24+$0x0] =	vst.idx.msk $0xffff, v27  }
0x123: {  	v17 =	vor.u32 v15, v17;
	[tilespmem:v59+s24+$0x0] =	vst.idx.msk $0xffff, v57;
	v16 =	vld.idx.msk [tilespmem:v16+s15+$0x0], $0xffff  }
0x124: {  	v63 =	vor.u32 v15, v21;
	[tilespmem:v56+s24+$0x0] =	vst.idx.msk $0xffff, v54;
	v18 =	vld.idx.msk [tilespmem:v60+s15+$0x0], $0xffff  }
0x125: {  	[tilespmem:v28+s24+$0x0] =	vst.idx.msk $0xffff, v31;
	v62 =	vor.u32 v15, v19;
	v22 =	vld.idx.msk [tilespmem:v58+s15+$0x0], $0xffff  }
0x126: {  	[tilespmem:v26+s24+$0x0] =	vst.idx.msk $0xffff, v20  }
.Ltmp5:
0x127: {  	[tilespmem:v25+s24+$0x0] =	vst.idx.msk $0xffff, v23;
	(pc) =	sbr.rel @p1 .LBB2_12-.Ltmp5, $4  }
0x128: {  	[tilespmem:v17+s24+$0x0] =	vst.idx.msk $0xffff, v16  }
0x129: {  	[tilespmem:v63+s24+$0x0] =	vst.idx.msk $0xffff, v18  }
0x12a: {  	s0 =	sadd.s32 s30, s6;
	[tilespmem:v62+s24+$0x0] =	vst.idx.msk $0xffff, v22  }
0x12b: {  	[hbm4b:s0+s21] =	stream.strided.scatter [tilespmem:s24], [sflag:$0x2], $0x2000, s22, s21, $0x38;
	[tilespmem:$0x13400] =	vst v63  }
.Ltmp6:
0x12c: {  	(pc) =	sbr.rel .LBB2_13-.Ltmp6, $4  }
0x12d: {  	_ = 	snop  }
0x12e: {  	_ =	swait.ge [sflag:s19], $0x2000  }
0x12f: {  	[sflag:s19] =	ssyncset.done $0x0  }
0x130: {  	[sflag:s19] =	ssyncadd.s32 $0xFFFFE000  }
.LBB2_12:
.Ltmp7:
0x131: {  	s0 =	sadd.s32 $0x280, s31;
	(pc) =	sbr.rel @p0 .LBB2_14-.Ltmp7, $4  }
0x132: {  	[tilespmem:s15], [sflag:$0x1] =	stream.indirect.gather [hbm4b:s3+s13], $0x40, s0, s13, $0xb8;
	[tilespmem:$0x13400] =	vst v63  }
0x133: {  	_ =	swait.ge [sflag:s19], $0x2000  }
0x134: {  	[sflag:s19] =	ssyncset.done $0x0  }
0x135: {  	[sflag:s19] =	ssyncadd.s32 $0xFFFFE000  }
.LBB2_13:
0x136: {  	_ =	swait.ge [sflag:s23], $0x2000  }
0x137: {  	[sflag:s23] =	ssyncset.done $0x0  }
0x138: {  	[sflag:s23] =	ssyncadd.s32 $0xFFFFE000  }
.LBB2_14:
0x139: {  	s0 =	simm.s32 $0x0  }
0x13a: {  	s10 =	simm.s32 $0x3;
	v16 =	vadd.s32 s0, v0  }
0x13b: {  	s11 =	simm.s32 $0x2;
	v17 =	vadd.s32 s10, v0;
	v31 =	vand.u32 $0x3F, v16  }
0x13c: {  	s1 =	simm.s32 $0x1;
	v19 =	vadd.s32 s11, v0;
	v32 =	vand.u32 $0x3F, v17;
	v18 =	vor.u32 v1, v31  }
0x13d: {  	v22 =	vadd.s32 s1, v0;
	v37 =	vand.u32 $0x3F, v19;
	v21 =	vor.u32 v1, v32  }
0x13e: {  	v33 =	vand.u32 $0x3F, v22;
	v23 =	vor.u32 v1, v37  }
0x13f: {  	v16 =	vshll.u32 v16, $0x7;
	v24 =	vor.u32 v1, v33  }
0x140: {  	v17 =	vshll.u32 v17, $0x7;
	v22 =	vshll.u32 v22, $0x7;
	v20 =	vand.u32 $0x1F80, v16  }
0x141: {  	v36 =	vand.u32 $0x1F80, v17;
	v16 =	vor.u32 v0, v20;
	v17 =	vld.idx.msk [tilespmem:v18+s17+$0x0], $0xffff;
	v18 =	vshll.u32 v19, $0x7  }
0x142: {  	v25 =	vor.u32 v2, v31;
	v19 =	vor.u32 v0, v36;
	v21 =	vld.idx.msk [tilespmem:v21+s17+$0x0], $0xffff;
	v35 =	vand.u32 $0x1F80, v18  }
0x143: {  	v34 =	vand.u32 $0x1F80, v22;
	v23 =	vld.idx.msk [tilespmem:v23+s17+$0x0], $0xffff;
	v18 =	vor.u32 v2, v32;
	v22 =	vor.u32 v0, v35  }
0x144: {  	v26 =	vor.u32 v2, v37;
	v27 =	vor.u32 v0, v34;
	v24 =	vld.idx.msk [tilespmem:v24+s17+$0x0], $0xffff  }
0x145: {  	v28 =	vor.u32 v2, v33  }
0x146: {  	[tilespmem:v16+s25+$0x0] =	vst.idx.msk $0xffff, v17  }
0x147: {  	[tilespmem:v19+s25+$0x0] =	vst.idx.msk $0xffff, v21;
	v17 =	vor.u32 v3, v20;
	v16 =	vld.idx.msk [tilespmem:v25+s17+$0x0], $0xffff  }
0x148: {  	v19 =	vor.u32 v4, v31;
	v21 =	vor.u32 v3, v36;
	v18 =	vld.idx.msk [tilespmem:v18+s17+$0x0], $0xffff;
	[tilespmem:v22+s25+$0x0] =	vst.idx.msk $0xffff, v23  }
0x149: {  	[tilespmem:v27+s25+$0x0] =	vst.idx.msk $0xffff, v24;
	v24 =	vor.u32 v3, v35;
	v22 =	vor.u32 v4, v32;
	v23 =	vld.idx.msk [tilespmem:v26+s17+$0x0], $0xffff  }
0x14a: {  	v25 =	vld.idx.msk [tilespmem:v28+s17+$0x0], $0xffff;
	v28 =	vor.u32 v4, v37  }
0x14b: {  	v26 =	vor.u32 v3, v34  }
0x14c: {  	s10 =	simm.s32 $0x5;
	[tilespmem:v17+s25+$0x0] =	vst.idx.msk $0xffff, v16;
	v16 =	vor.u32 v4, v33  }
0x14d: {  	v44 =	vadd.s32 s10, v0;
	[tilespmem:v21+s25+$0x0] =	vst.idx.msk $0xffff, v18;
	v18 =	vor.u32 v5, v20;
	v17 =	vld.idx.msk [tilespmem:v19+s17+$0x0], $0xffff  }
0x14e: {  	v21 =	vor.u32 v6, v31;
	v19 =	vld.idx.msk [tilespmem:v22+s17+$0x0], $0xffff;
	v22 =	vor.u32 v5, v36;
	[tilespmem:v24+s25+$0x0] =	vst.idx.msk $0xffff, v23  }
0x14f: {  	s11 =	simm.s32 $0x4;
	v29 =	vor.u32 v6, v32;
	v38 =	vor.u32 v10, v31;
	v24 =	vor.u32 v5, v35;
	v23 =	vld.idx.msk [tilespmem:v28+s17+$0x0], $0xffff  }
0x150: {  	v45 =	vadd.s32 s11, v0;
	v39 =	vor.u32 v10, v37;
	[tilespmem:v26+s25+$0x0] =	vst.idx.msk $0xffff, v25;
	v26 =	vor.u32 v6, v37  }
0x151: {  	s10 =	simm.s32 $0x6;
	v41 =	vor.u32 v8, v33;
	v42 =	vor.u32 v8, v37;
	v25 =	vor.u32 v5, v34;
	v16 =	vld.idx.msk [tilespmem:v16+s17+$0x0], $0xffff  }
0x152: {  	v47 =	vadd.s32 s10, v0;
	v50 =	vor.u32 v10, v32;
	[tilespmem:v18+s25+$0x0] =	vst.idx.msk $0xffff, v17;
	v17 =	vor.u32 v6, v33  }
0x153: {  	v61 =	vor.u32 v12, v32;
	[tilespmem:v22+s25+$0x0] =	vst.idx.msk $0xffff, v19;
	v19 =	vor.u32 v7, v20;
	v18 =	vld.idx.msk [tilespmem:v21+s17+$0x0], $0xffff  }
0x154: {  	v30 =	vor.u32 v7, v36;
	v21 =	vld.idx.msk [tilespmem:v29+s17+$0x0], $0xffff;
	v29 =	vor.u32 v8, v31;
	[tilespmem:v24+s25+$0x0] =	vst.idx.msk $0xffff, v23  }
0x155: {  	v56 =	vor.u32 v12, v33;
	v23 =	vor.u32 v8, v32;
	v24 =	vld.idx.msk [tilespmem:v26+s17+$0x0], $0xffff;
	v26 =	vor.u32 v7, v35  }
0x156: {  	v40 =	vor.u32 v9, v34;
	v43 =	vor.u32 v7, v34;
	[tilespmem:v25+s25+$0x0] =	vst.idx.msk $0xffff, v16;
	v16 =	vand.u32 $0x3F, v45  }
0x157: {  	v46 =	vor.u32 v9, v20;
	v60 =	vor.u32 v11, v36;
	v17 =	vld.idx.msk [tilespmem:v17+s17+$0x0], $0xffff;
	v49 =	vor.u32 v1, v16  }
0x158: {  	v57 =	vor.u32 v9, v35;
	v22 =	vand.u32 $0x3F, v44;
	v25 =	vor.u32 v9, v36;
	[tilespmem:v19+s25+$0x0] =	vst.idx.msk $0xffff, v18  }
0x159: {  	s11 =	simm.s32 $0x7;
	[tilespmem:v30+s25+$0x0] =	vst.idx.msk $0xffff, v21;
	v21 =	vor.u32 v1, v22;
	v18 =	vand.u32 $0x3F, v47;
	v29 =	vld.idx.msk [tilespmem:v29+s17+$0x0], $0xffff  }
0x15a: {  	v58 =	vshll.u32 v47, $0x7;
	v19 =	vadd.s32 s11, v0;
	v48 =	vld.idx.msk [tilespmem:v23+s17+$0x0], $0xffff;
	v51 =	vor.u32 v1, v18;
	[tilespmem:v26+s25+$0x0] =	vst.idx.msk $0xffff, v24  }
0x15b: {  	v27 =	vor.u32 v15, v36;
	v28 =	vor.u32 v10, v33;
	v23 =	vand.u32 $0x3F, v19;
	v42 =	vld.idx.msk [tilespmem:v42+s17+$0x0], $0xffff  }
0x15c: {  	v24 =	vshll.u32 v19, $0x7;
	v19 =	vshll.u32 v44, $0x7;
	v26 =	vor.u32 v1, v23;
	[tilespmem:v43+s25+$0x0] =	vst.idx.msk $0xffff, v17;
	v62 =	vld.idx.msk [tilespmem:v49+s17+$0x0], $0xffff  }
0x15d: {  	v33 =	vor.u32 v14, v33;
	v19 =	vand.u32 $0x1F80, v19;
	v17 =	vshll.u32 v45, $0x7;
	v41 =	vld.idx.msk [tilespmem:v41+s17+$0x0], $0xffff  }
0x15e: {  	v55 =	vor.u32 v2, v22;
	v53 =	vor.u32 v0, v19;
	v17 =	vand.u32 $0x1F80, v17;
	v45 =	vld.idx.msk [tilespmem:v21+s17+$0x0], $0xffff  }
0x15f: {  	v21 =	vand.u32 $0x1F80, v58;
	v59 =	vor.u32 v0, v17;
	[tilespmem:v25+s25+$0x0] =	vst.idx.msk $0xffff, v48;
	v51 =	vld.idx.msk [tilespmem:v51+s17+$0x0], $0xffff  }
0x160: {  	v24 =	vand.u32 $0x1F80, v24;
	[tilespmem:v46+s25+$0x0] =	vst.idx.msk $0xffff, v29;
	v47 =	vor.u32 v0, v21;
	v50 =	vld.idx.msk [tilespmem:v50+s17+$0x0], $0xffff  }
0x161: {  	v49 =	vor.u32 v2, v16;
	v48 =	vor.u32 v0, v24;
	v54 =	vld.idx.msk [tilespmem:v26+s17+$0x0], $0xffff;
	[tilespmem:v57+s25+$0x0] =	vst.idx.msk $0xffff, v42  }
0x162: {  	v52 =	vor.u32 v2, v18;
	v30 =	vor.u32 v6, v23;
	v44 =	vld.idx.msk [tilespmem:v38+s17+$0x0], $0xffff;
	[tilespmem:v40+s25+$0x0] =	vst.idx.msk $0xffff, v41  }
0x163: {  	v63 =	vor.u32 v2, v23;
	v58 =	vor.u32 v4, v23;
	v39 =	vld.idx.msk [tilespmem:v39+s17+$0x0], $0xffff;
	[tilespmem:v53+s25+$0x0] =	vst.idx.msk $0xffff, v45  }
0x164: {  	v25 =	vor.u32 v15, v24;
	v41 =	vld.idx.msk [tilespmem:v28+s17+$0x0], $0xffff;
	[tilespmem:v59+s25+$0x0] =	vst.idx.msk $0xffff, v62;
	v62 =	vor.u32 v11, v34  }
0x165: {  	v29 =	vor.u32 v14, v31;
	v45 =	vor.u32 v11, v20;
	v38 =	vld.idx.msk [tilespmem:v55+s17+$0x0], $0xffff;
	[tilespmem:v47+s25+$0x0] =	vst.idx.msk $0xffff, v51  }
0x166: {  	v53 =	vor.u32 v11, v35;
	v49 =	vld.idx.msk [tilespmem:v49+s17+$0x0], $0xffff;
	[tilespmem:v48+s25+$0x0] =	vst.idx.msk $0xffff, v54;
	v48 =	vor.u32 v12, v31  }
0x167: {  	v43 =	vor.u32 v5, v17;
	v55 =	vor.u32 v3, v17;
	v54 =	vor.u32 v12, v37;
	v52 =	vld.idx.msk [tilespmem:v52+s17+$0x0], $0xffff  }
0x168: {  	v40 =	vor.u32 v4, v16;
	[tilespmem:v60+s25+$0x0] =	vst.idx.msk $0xffff, v50;
	v50 =	vor.u32 v3, v24;
	v57 =	vld.idx.msk [tilespmem:v63+s17+$0x0], $0xffff  }
0x169: {  	v59 =	vor.u32 v13, v36;
	v47 =	vor.u32 v3, v19;
	v51 =	vld.idx.msk [tilespmem:v61+s17+$0x0], $0xffff;
	[tilespmem:v62+s25+$0x0] =	vst.idx.msk $0xffff, v41  }
0x16a: {  	v60 =	vor.u32 v3, v21;
	v63 =	vor.u32 v14, v32;
	[tilespmem:v45+s25+$0x0] =	vst.idx.msk $0xffff, v44;
	v36 =	vld.idx.msk [tilespmem:v56+s17+$0x0], $0xffff  }
0x16b: {  	v31 =	vor.u32 v14, v37;
	v45 =	vor.u32 v4, v18;
	[tilespmem:v53+s25+$0x0] =	vst.idx.msk $0xffff, v39;
	v32 =	vld.idx.msk [tilespmem:v48+s17+$0x0], $0xffff  }
0x16c: {  	v41 =	vor.u32 v13, v34;
	[tilespmem:v55+s25+$0x0] =	vst.idx.msk $0xffff, v49;
	v48 =	vor.u32 v4, v22;
	v37 =	vld.idx.msk [tilespmem:v54+s17+$0x0], $0xffff  }
0x16d: {  	v26 =	vor.u32 v15, v20;
	v42 =	vld.idx.msk [tilespmem:v40+s17+$0x0], $0xffff;
	[tilespmem:v50+s25+$0x0] =	vst.idx.msk $0xffff, v57;
	v40 =	vor.u32 v13, v35  }
0x16e: {  	v28 =	vor.u32 v15, v35;
	v44 =	vor.u32 v6, v16;
	[tilespmem:v59+s25+$0x0] =	vst.idx.msk $0xffff, v51;
	v46 =	vld.idx.msk [tilespmem:v58+s17+$0x0], $0xffff  }
0x16f: {  	s0 =	simm.s32 $0x8;
	v34 =	vor.u32 v15, v34;
	[tilespmem:v60+s25+$0x0] =	vst.idx.msk $0xffff, v52;
	v49 =	vor.u32 v5, v24;
	v39 =	vld.idx.msk [tilespmem:v63+s17+$0x0], $0xffff  }
.LBB2_15:
0x170: {  	p2 =	slt.u32 s0, $0x3C;
	v35 =	vor.u32 v10, v16;
	[tilespmem:v47+s25+$0x0] =	vst.idx.msk $0xffff, v38;
	v38 =	vld.idx.msk [tilespmem:v45+s17+$0x0], $0xffff;
	v20 =	vor.u32 v13, v20;
	s1 =	smov.u32 s0;
	s0 =	sadd.s32 $0x4, s0  }
0x171: {  	v47 =	vor.u32 v10, v22;
	v45 =	vld.idx.msk [tilespmem:v48+s17+$0x0], $0xffff;
	v48 =	vor.u32 v5, v21;
	[tilespmem:v41+s25+$0x0] =	vst.idx.msk $0xffff, v36  }
0x172: {  	v36 =	vor.u32 v5, v19;
	v41 =	vor.u32 v6, v18;
	v50 =	vld.idx.msk [tilespmem:v33+s17+$0x0], $0xffff;
	[tilespmem:v40+s25+$0x0] =	vst.idx.msk $0xffff, v37  }
0x173: {  	v37 =	vor.u32 v6, v22;
	v40 =	vor.u32 v10, v18;
	[tilespmem:v43+s25+$0x0] =	vst.idx.msk $0xffff, v42;
	v31 =	vld.idx.msk [tilespmem:v31+s17+$0x0], $0xffff  }
0x174: {  	v43 =	vor.u32 v9, v19;
	v42 =	vld.idx.msk [tilespmem:v44+s17+$0x0], $0xffff;
	[tilespmem:v49+s25+$0x0] =	vst.idx.msk $0xffff, v46;
	v44 =	vor.u32 v10, v23  }
0x175: {  	v46 =	vor.u32 v7, v17;
	v49 =	vor.u32 v8, v22;
	v30 =	vld.idx.msk [tilespmem:v30+s17+$0x0], $0xffff;
	[tilespmem:v27+s25+$0x0] =	vst.idx.msk $0xffff, v39  }
0x176: {  	v33 =	vmov v22;
	v27 =	vor.u32 v8, v16;
	[tilespmem:v48+s25+$0x0] =	vst.idx.msk $0xffff, v38;
	v38 =	vor.u32 v7, v24  }
0x177: {  	v39 =	vor.u32 v8, v23;
	[tilespmem:v36+s25+$0x0] =	vst.idx.msk $0xffff, v45;
	v36 =	vld.idx.msk [tilespmem:v41+s17+$0x0], $0xffff;
	v41 =	vor.u32 v9, v24  }
0x178: {  	v48 =	vor.u32 v8, v18;
	v45 =	vor.u32 v7, v21;
	v37 =	vld.idx.msk [tilespmem:v37+s17+$0x0], $0xffff;
	[tilespmem:v34+s25+$0x0] =	vst.idx.msk $0xffff, v50  }
0x179: {  	v51 =	vor.u32 v7, v19;
	s10 =	sadd.s32 $0x1, s1;
	s11 =	sadd.s32 $0x2, s1;
	v34 =	vadd.s32 s1, v0;
	s1 =	sadd.s32 $0x3, s1;
	v50 =	vor.u32 v9, v17;
	[tilespmem:v20+s25+$0x0] =	vst.idx.msk $0xffff, v32  }
0x17a: {  	v20 =	vadd.s32 s10, v0;
	v32 =	vadd.s32 s11, v0;
	v52 =	vadd.s32 s1, v0;
	[tilespmem:v46+s25+$0x0] =	vst.idx.msk $0xffff, v42;
	v42 =	vmovc v18;
	v46 =	vmovc v16  }
0x17b: {  	v55 =	vmovc v23;
	v22 =	vand.u32 $0x3F, v20;
	v18 =	vand.u32 $0x3F, v32;
	v53 =	vshll.u32 v52, $0x7;
	v54 =	vld.idx.msk [tilespmem:v27+s17+$0x0], $0xffff;
	[tilespmem:v38+s25+$0x0] =	vst.idx.msk $0xffff, v30  }
0x17c: {  	v57 =	vmovc v19;
	v16 =	vand.u32 $0x3F, v34;
	v38 =	vor.u32 v1, v22;
	v56 =	vor.u32 v1, v18;
	v39 =	vld.idx.msk [tilespmem:v39+s17+$0x0], $0xffff  }
0x17d: {  	v19 =	vshll.u32 v20, $0x7;
	v23 =	vand.u32 $0x3F, v52;
	v58 =	vor.u32 v1, v16;
	[tilespmem:v45+s25+$0x0] =	vst.idx.msk $0xffff, v36;
	v29 =	vld.idx.msk [tilespmem:v29+s17+$0x0], $0xffff  }
0x17e: {  	v19 =	vand.u32 $0x1F80, v19;
	v36 =	vor.u32 v1, v23;
	[tilespmem:v51+s25+$0x0] =	vst.idx.msk $0xffff, v37;
	v37 =	vmovc v24;
	v24 =	vand.u32 $0x1F80, v53  }
0x17f: {  	v30 =	vor.u32 v6, v23;
	v20 =	vmov v17;
	v45 =	vshll.u32 v34, $0x7;
	v34 =	vld.idx.msk [tilespmem:v48+s17+$0x0], $0xffff;
	[tilespmem:v28+s25+$0x0] =	vst.idx.msk $0xffff, v31  }
0x180: {  	v27 =	vmovc v25;
	v17 =	vand.u32 $0x1F80, v45;
	v28 =	vshll.u32 v32, $0x7;
	v32 =	vor.u32 v9, v21;
	v31 =	vld.idx.msk [tilespmem:v49+s17+$0x0], $0xffff;
	v49 =	vmovc v21  }
0x181: {  	v45 =	vor.u32 v0, v17;
	v21 =	vand.u32 $0x1F80, v28;
	v38 =	vld.idx.msk [tilespmem:v38+s17+$0x0], $0xffff;
	[tilespmem:v50+s25+$0x0] =	vst.idx.msk $0xffff, v54  }
0x182: {  	v51 =	vor.u32 v0, v24;
	v50 =	vor.u32 v0, v21;
	v48 =	vld.idx.msk [tilespmem:v58+s17+$0x0], $0xffff;
	[tilespmem:v41+s25+$0x0] =	vst.idx.msk $0xffff, v39  }
0x183: {  	v39 =	vor.u32 v2, v16;
	v41 =	vor.u32 v2, v18;
	v44 =	vld.idx.msk [tilespmem:v44+s17+$0x0], $0xffff;
	[tilespmem:v26+s25+$0x0] =	vst.idx.msk $0xffff, v29  }
0x184: {  	v52 =	vor.u32 v0, v19;
	v25 =	vor.u32 v15, v24;
	v36 =	vld.idx.msk [tilespmem:v36+s17+$0x0], $0xffff  }
0x185: {  	v53 =	vor.u32 v2, v22;
	v29 =	vor.u32 v14, v46;
	v54 =	vld.idx.msk [tilespmem:v56+s17+$0x0], $0xffff;
	[tilespmem:v32+s25+$0x0] =	vst.idx.msk $0xffff, v34  }
0x186: {  	v32 =	vor.u32 v2, v23;
	[tilespmem:v43+s25+$0x0] =	vst.idx.msk $0xffff, v31;
	v34 =	vld.idx.msk [tilespmem:v40+s17+$0x0], $0xffff;
	v40 =	vor.u32 v11, v37  }
0x187: {  	v28 =	vor.u32 v15, v49;
	v26 =	vor.u32 v15, v20;
	v43 =	vld.idx.msk [tilespmem:v47+s17+$0x0], $0xffff;
	v47 =	vor.u32 v12, v55  }
0x188: {  	[tilespmem:v45+s25+$0x0] =	vst.idx.msk $0xffff, v48;
	v35 =	vld.idx.msk [tilespmem:v35+s17+$0x0], $0xffff;
	v45 =	vor.u32 v11, v57;
	v48 =	vor.u32 v12, v33  }
0x189: {  	v56 =	vor.u32 v11, v49;
	v39 =	vld.idx.msk [tilespmem:v39+s17+$0x0], $0xffff;
	[tilespmem:v52+s25+$0x0] =	vst.idx.msk $0xffff, v38;
	v52 =	vor.u32 v11, v20  }
0x18a: {  	v46 =	vor.u32 v12, v46;
	v38 =	vld.idx.msk [tilespmem:v53+s17+$0x0], $0xffff;
	[tilespmem:v51+s25+$0x0] =	vst.idx.msk $0xffff, v36;
	v51 =	vor.u32 v12, v42  }
0x18b: {  	v31 =	vor.u32 v14, v42;
	v53 =	vor.u32 v3, v17;
	v58 =	vld.idx.msk [tilespmem:v32+s17+$0x0], $0xffff;
	[tilespmem:v40+s25+$0x0] =	vst.idx.msk $0xffff, v44  }
0x18c: {  	v40 =	vor.u32 v4, v16;
	v44 =	vor.u32 v3, v24;
	[tilespmem:v50+s25+$0x0] =	vst.idx.msk $0xffff, v54;
	v50 =	vld.idx.msk [tilespmem:v47+s17+$0x0], $0xffff  }
0x18d: {  	v59 =	vor.u32 v4, v23;
	v60 =	vor.u32 v13, v37;
	v54 =	vld.idx.msk [tilespmem:v41+s17+$0x0], $0xffff;
	[tilespmem:v45+s25+$0x0] =	vst.idx.msk $0xffff, v43  }
0x18e: {  	v61 =	vor.u32 v3, v21;
	[tilespmem:v52+s25+$0x0] =	vst.idx.msk $0xffff, v35;
	v36 =	vld.idx.msk [tilespmem:v48+s17+$0x0], $0xffff;
	v35 =	vor.u32 v14, v55  }
.Ltmp8:
0x18f: {  	v47 =	vor.u32 v3, v19;
	v45 =	vor.u32 v4, v18;
	v32 =	vld.idx.msk [tilespmem:v46+s17+$0x0], $0xffff;
	[tilespmem:v56+s25+$0x0] =	vst.idx.msk $0xffff, v34;
	(pc) =	sbr.rel @p2 .LBB2_15-.Ltmp8, $4  }
0x190: {  	v41 =	vor.u32 v13, v57;
	v48 =	vor.u32 v4, v22;
	[tilespmem:v53+s25+$0x0] =	vst.idx.msk $0xffff, v39;
	v37 =	vld.idx.msk [tilespmem:v51+s17+$0x0], $0xffff  }
0x191: {  	v33 =	vor.u32 v14, v33;
	v42 =	vld.idx.msk [tilespmem:v40+s17+$0x0], $0xffff;
	[tilespmem:v44+s25+$0x0] =	vst.idx.msk $0xffff, v58;
	v40 =	vor.u32 v13, v49  }
0x192: {  	v43 =	vor.u32 v5, v17;
	v34 =	vor.u32 v15, v57;
	v46 =	vld.idx.msk [tilespmem:v59+s17+$0x0], $0xffff;
	[tilespmem:v60+s25+$0x0] =	vst.idx.msk $0xffff, v50  }
0x193: {  	v44 =	vor.u32 v6, v16;
	v49 =	vor.u32 v5, v24;
	[tilespmem:v61+s25+$0x0] =	vst.idx.msk $0xffff, v54;
	v39 =	vld.idx.msk [tilespmem:v35+s17+$0x0], $0xffff  }
0x194: {  	_ =	sdelay $0x3  }
0x195: {  	[tilespmem:v47+s25+$0x0] =	vst.idx.msk $0xffff, v38;
	v45 =	vld.idx.msk [tilespmem:v45+s17+$0x0], $0xffff;
	v63 =	vor.u32 v5, v21  }
0x196: {  	v62 =	vor.u32 v5, v19;
	v50 =	vor.u32 v6, v18;
	v35 =	vld.idx.msk [tilespmem:v48+s17+$0x0], $0xffff  }
0x197: {  	v52 =	vor.u32 v6, v22  }
0x198: {  	[tilespmem:v49+s25+$0x0] =	vst.idx.msk $0xffff, v46  }
0x199: {  	v53 =	vor.u32 v7, v24;
	[tilespmem:v43+s25+$0x0] =	vst.idx.msk $0xffff, v42;
	v30 =	vld.idx.msk [tilespmem:v30+s17+$0x0], $0xffff  }
0x19a: {  	v54 =	vor.u32 v8, v23;
	v59 =	vor.u32 v7, v17;
	v44 =	vld.idx.msk [tilespmem:v44+s17+$0x0], $0xffff;
	[tilespmem:v63+s25+$0x0] =	vst.idx.msk $0xffff, v45  }
0x19b: {  	v58 =	vor.u32 v7, v21;
	v61 =	vor.u32 v8, v16;
	[tilespmem:v62+s25+$0x0] =	vst.idx.msk $0xffff, v35;
	v57 =	vld.idx.msk [tilespmem:v50+s17+$0x0], $0xffff  }
0x19c: {  	v55 =	vor.u32 v7, v19;
	v60 =	vor.u32 v8, v18;
	v38 =	vld.idx.msk [tilespmem:v52+s17+$0x0], $0xffff  }
0x19d: {  	v56 =	vor.u32 v8, v22  }
0x19e: {  	[tilespmem:v53+s25+$0x0] =	vst.idx.msk $0xffff, v30  }
0x19f: {  	v62 =	vor.u32 v9, v24;
	[tilespmem:v59+s25+$0x0] =	vst.idx.msk $0xffff, v44;
	v35 =	vld.idx.msk [tilespmem:v54+s17+$0x0], $0xffff  }
0x1a0: {  	v52 =	vor.u32 v10, v23;
	[tilespmem:v58+s25+$0x0] =	vst.idx.msk $0xffff, v57;
	v57 =	vor.u32 v9, v17;
	v58 =	vld.idx.msk [tilespmem:v61+s17+$0x0], $0xffff  }
0x1a1: {  	v59 =	vor.u32 v10, v16;
	[tilespmem:v55+s25+$0x0] =	vst.idx.msk $0xffff, v38;
	v54 =	vld.idx.msk [tilespmem:v60+s17+$0x0], $0xffff;
	v55 =	vor.u32 v9, v21  }
0x1a2: {  	v63 =	vor.u32 v9, v19;
	v42 =	vld.idx.msk [tilespmem:v56+s17+$0x0], $0xffff;
	v56 =	vor.u32 v10, v18  }
0x1a3: {  	[tilespmem:v41+s25+$0x0] =	vst.idx.msk $0xffff, v36;
	v53 =	vor.u32 v10, v22  }
0x1a4: {  	[tilespmem:v62+s25+$0x0] =	vst.idx.msk $0xffff, v35  }
0x1a5: {  	v60 =	vor.u32 v11, v24;
	v30 =	vld.idx.msk [tilespmem:v52+s17+$0x0], $0xffff;
	[tilespmem:v57+s25+$0x0] =	vst.idx.msk $0xffff, v58  }
0x1a6: {  	v50 =	vor.u32 v11, v17;
	v61 =	vor.u32 v12, v23;
	[tilespmem:v55+s25+$0x0] =	vst.idx.msk $0xffff, v54;
	v36 =	vld.idx.msk [tilespmem:v59+s17+$0x0], $0xffff  }
0x1a7: {  	v49 =	vor.u32 v11, v21;
	v52 =	vor.u32 v12, v16;
	[tilespmem:v63+s25+$0x0] =	vst.idx.msk $0xffff, v42;
	v63 =	vld.idx.msk [tilespmem:v56+s17+$0x0], $0xffff  }
0x1a8: {  	v51 =	vor.u32 v12, v18;
	[tilespmem:v40+s25+$0x0] =	vst.idx.msk $0xffff, v37;
	v62 =	vor.u32 v11, v19;
	v38 =	vld.idx.msk [tilespmem:v53+s17+$0x0], $0xffff  }
0x1a9: {  	v20 =	vor.u32 v13, v20;
	v48 =	vor.u32 v12, v22;
	[tilespmem:v27+s25+$0x0] =	vst.idx.msk $0xffff, v39  }
0x1aa: {  	v33 =	vld.idx.msk [tilespmem:v33+s17+$0x0], $0xffff;
	[tilespmem:v60+s25+$0x0] =	vst.idx.msk $0xffff, v30  }
0x1ab: {  	v53 =	vor.u32 v13, v24;
	v30 =	vld.idx.msk [tilespmem:v61+s17+$0x0], $0xffff;
	[tilespmem:v50+s25+$0x0] =	vst.idx.msk $0xffff, v36  }
0x1ac: {  	v55 =	vor.u32 v14, v23;
	v61 =	vor.u32 v13, v17;
	[tilespmem:v49+s25+$0x0] =	vst.idx.msk $0xffff, v63;
	v27 =	vld.idx.msk [tilespmem:v52+s17+$0x0], $0xffff  }
0x1ad: {  	v16 =	vor.u32 v14, v16;
	v59 =	vor.u32 v13, v21;
	[tilespmem:v62+s25+$0x0] =	vst.idx.msk $0xffff, v38;
	v57 =	vld.idx.msk [tilespmem:v51+s17+$0x0], $0xffff  }
0x1ae: {  	[tilespmem:v20+s25+$0x0] =	vst.idx.msk $0xffff, v32;
	v56 =	vor.u32 v13, v19;
	v60 =	vor.u32 v14, v18;
	v54 =	vld.idx.msk [tilespmem:v48+s17+$0x0], $0xffff  }
0x1af: {  	v31 =	vld.idx.msk [tilespmem:v31+s17+$0x0], $0xffff;
	[tilespmem:v34+s25+$0x0] =	vst.idx.msk $0xffff, v33;
	v58 =	vor.u32 v14, v22  }
0x1b0: {  	v20 =	vld.idx.msk [tilespmem:v29+s17+$0x0], $0xffff;
	[tilespmem:v53+s25+$0x0] =	vst.idx.msk $0xffff, v30  }
0x1b1: {  	v23 =	vld.idx.msk [tilespmem:v55+s17+$0x0], $0xffff;
	[tilespmem:v61+s25+$0x0] =	vst.idx.msk $0xffff, v27  }
0x1b2: {  	v17 =	vor.u32 v15, v17;
	[tilespmem:v59+s25+$0x0] =	vst.idx.msk $0xffff, v57;
	v16 =	vld.idx.msk [tilespmem:v16+s17+$0x0], $0xffff  }
0x1b3: {  	v63 =	vor.u32 v15, v21;
	[tilespmem:v56+s25+$0x0] =	vst.idx.msk $0xffff, v54;
	v18 =	vld.idx.msk [tilespmem:v60+s17+$0x0], $0xffff  }
0x1b4: {  	[tilespmem:v28+s25+$0x0] =	vst.idx.msk $0xffff, v31;
	v62 =	vor.u32 v15, v19;
	v22 =	vld.idx.msk [tilespmem:v58+s17+$0x0], $0xffff  }
0x1b5: {  	[tilespmem:v26+s25+$0x0] =	vst.idx.msk $0xffff, v20  }
.Ltmp9:
0x1b6: {  	[tilespmem:v25+s25+$0x0] =	vst.idx.msk $0xffff, v23;
	(pc) =	sbr.rel @p1 .LBB2_18-.Ltmp9, $4  }
0x1b7: {  	[tilespmem:v17+s25+$0x0] =	vst.idx.msk $0xffff, v16  }
0x1b8: {  	[tilespmem:v63+s25+$0x0] =	vst.idx.msk $0xffff, v18  }
0x1b9: {  	s0 =	sadd.s32 s30, s7;
	[tilespmem:v62+s25+$0x0] =	vst.idx.msk $0xffff, v22  }
0x1ba: {  	[hbm4b:s0+s21] =	stream.strided.scatter [tilespmem:s25], [sflag:$0x2], $0x2000, s22, s21, $0x38;
	[tilespmem:$0x13400] =	vst v63  }
.Ltmp10:
0x1bb: {  	(pc) =	sbr.rel .LBB2_19-.Ltmp10, $4  }
0x1bc: {  	_ = 	snop  }
0x1bd: {  	_ =	swait.ge [sflag:s19], $0x2000  }
0x1be: {  	[sflag:s19] =	ssyncset.done $0x0  }
0x1bf: {  	[sflag:s19] =	ssyncadd.s32 $0xFFFFE000  }
.LBB2_18:
.Ltmp11:
0x1c0: {  	s0 =	sadd.s32 $0x300, s31;
	(pc) =	sbr.rel @p0 .LBB2_20-.Ltmp11, $4  }
0x1c1: {  	[tilespmem:s17], [sflag:$0x1] =	stream.indirect.gather [hbm4b:s3+s13], $0x40, s0, s13, $0xb8;
	[tilespmem:$0x13400] =	vst v63  }
0x1c2: {  	_ =	swait.ge [sflag:s19], $0x2000  }
0x1c3: {  	[sflag:s19] =	ssyncset.done $0x0  }
0x1c4: {  	[sflag:s19] =	ssyncadd.s32 $0xFFFFE000  }
.LBB2_19:
0x1c5: {  	_ =	swait.ge [sflag:s23], $0x2000  }
0x1c6: {  	[sflag:s23] =	ssyncset.done $0x0  }
0x1c7: {  	[sflag:s23] =	ssyncadd.s32 $0xFFFFE000  }
.LBB2_20:
0x1c8: {  	s0 =	simm.s32 $0x0  }
0x1c9: {  	s11 =	simm.s32 $0x3;
	v16 =	vadd.s32 s0, v0  }
0x1ca: {  	s31 =	simm.s32 $0x2;
	v17 =	vadd.s32 s11, v0;
	v31 =	vand.u32 $0x3F, v16  }
0x1cb: {  	s1 =	simm.s32 $0x1;
	v19 =	vadd.s32 s31, v0;
	v32 =	vand.u32 $0x3F, v17;
	v18 =	vor.u32 v1, v31  }
0x1cc: {  	v22 =	vadd.s32 s1, v0;
	v37 =	vand.u32 $0x3F, v19;
	v21 =	vor.u32 v1, v32  }
0x1cd: {  	v33 =	vand.u32 $0x3F, v22;
	v23 =	vor.u32 v1, v37  }
0x1ce: {  	v16 =	vshll.u32 v16, $0x7;
	v24 =	vor.u32 v1, v33  }
0x1cf: {  	v17 =	vshll.u32 v17, $0x7;
	v22 =	vshll.u32 v22, $0x7;
	v20 =	vand.u32 $0x1F80, v16  }
0x1d0: {  	v36 =	vand.u32 $0x1F80, v17;
	v16 =	vor.u32 v0, v20;
	v17 =	vld.idx.msk [tilespmem:v18+s18+$0x0], $0xffff;
	v18 =	vshll.u32 v19, $0x7  }
0x1d1: {  	v25 =	vor.u32 v2, v31;
	v19 =	vor.u32 v0, v36;
	v21 =	vld.idx.msk [tilespmem:v21+s18+$0x0], $0xffff;
	v35 =	vand.u32 $0x1F80, v18  }
0x1d2: {  	v34 =	vand.u32 $0x1F80, v22;
	v23 =	vld.idx.msk [tilespmem:v23+s18+$0x0], $0xffff;
	v18 =	vor.u32 v2, v32;
	v22 =	vor.u32 v0, v35  }
0x1d3: {  	v26 =	vor.u32 v2, v37;
	v27 =	vor.u32 v0, v34;
	v24 =	vld.idx.msk [tilespmem:v24+s18+$0x0], $0xffff  }
0x1d4: {  	v28 =	vor.u32 v2, v33  }
0x1d5: {  	[tilespmem:v16+s26+$0x0] =	vst.idx.msk $0xffff, v17  }
0x1d6: {  	[tilespmem:v19+s26+$0x0] =	vst.idx.msk $0xffff, v21;
	v17 =	vor.u32 v3, v20;
	v16 =	vld.idx.msk [tilespmem:v25+s18+$0x0], $0xffff  }
0x1d7: {  	v19 =	vor.u32 v4, v31;
	v21 =	vor.u32 v3, v36;
	v18 =	vld.idx.msk [tilespmem:v18+s18+$0x0], $0xffff;
	[tilespmem:v22+s26+$0x0] =	vst.idx.msk $0xffff, v23  }
0x1d8: {  	[tilespmem:v27+s26+$0x0] =	vst.idx.msk $0xffff, v24;
	v24 =	vor.u32 v3, v35;
	v22 =	vor.u32 v4, v32;
	v23 =	vld.idx.msk [tilespmem:v26+s18+$0x0], $0xffff  }
0x1d9: {  	v25 =	vld.idx.msk [tilespmem:v28+s18+$0x0], $0xffff;
	v28 =	vor.u32 v4, v37  }
0x1da: {  	v26 =	vor.u32 v3, v34  }
0x1db: {  	s10 =	simm.s32 $0x4;
	[tilespmem:v17+s26+$0x0] =	vst.idx.msk $0xffff, v16;
	v16 =	vor.u32 v4, v33  }
0x1dc: {  	v45 =	vadd.s32 s10, v0;
	[tilespmem:v21+s26+$0x0] =	vst.idx.msk $0xffff, v18;
	v18 =	vor.u32 v5, v20;
	v17 =	vld.idx.msk [tilespmem:v19+s18+$0x0], $0xffff  }
0x1dd: {  	v21 =	vor.u32 v6, v31;
	v19 =	vld.idx.msk [tilespmem:v22+s18+$0x0], $0xffff;
	v22 =	vor.u32 v5, v36;
	[tilespmem:v24+s26+$0x0] =	vst.idx.msk $0xffff, v23  }
0x1de: {  	s1 =	simm.s32 $0x5;
	v29 =	vor.u32 v6, v32;
	v38 =	vor.u32 v10, v31;
	v24 =	vor.u32 v5, v35;
	v23 =	vld.idx.msk [tilespmem:v28+s18+$0x0], $0xffff  }
0x1df: {  	v44 =	vadd.s32 s1, v0;
	v39 =	vor.u32 v10, v37;
	[tilespmem:v26+s26+$0x0] =	vst.idx.msk $0xffff, v25;
	v26 =	vor.u32 v6, v37  }
0x1e0: {  	s11 =	simm.s32 $0x6;
	v41 =	vor.u32 v8, v33;
	v42 =	vor.u32 v8, v37;
	v25 =	vor.u32 v5, v34;
	v16 =	vld.idx.msk [tilespmem:v16+s18+$0x0], $0xffff  }
0x1e1: {  	v47 =	vadd.s32 s11, v0;
	v50 =	vor.u32 v10, v32;
	[tilespmem:v18+s26+$0x0] =	vst.idx.msk $0xffff, v17;
	v17 =	vor.u32 v6, v33  }
0x1e2: {  	v61 =	vor.u32 v12, v32;
	[tilespmem:v22+s26+$0x0] =	vst.idx.msk $0xffff, v19;
	v19 =	vor.u32 v7, v20;
	v18 =	vld.idx.msk [tilespmem:v21+s18+$0x0], $0xffff  }
0x1e3: {  	v30 =	vor.u32 v7, v36;
	v21 =	vld.idx.msk [tilespmem:v29+s18+$0x0], $0xffff;
	v29 =	vor.u32 v8, v31;
	[tilespmem:v24+s26+$0x0] =	vst.idx.msk $0xffff, v23  }
0x1e4: {  	v56 =	vor.u32 v12, v33;
	v23 =	vor.u32 v8, v32;
	v24 =	vld.idx.msk [tilespmem:v26+s18+$0x0], $0xffff;
	v26 =	vor.u32 v7, v35  }
0x1e5: {  	v40 =	vor.u32 v9, v34;
	v43 =	vor.u32 v7, v34;
	[tilespmem:v25+s26+$0x0] =	vst.idx.msk $0xffff, v16;
	v16 =	vand.u32 $0x3F, v45  }
0x1e6: {  	v46 =	vor.u32 v9, v20;
	v60 =	vor.u32 v11, v36;
	v17 =	vld.idx.msk [tilespmem:v17+s18+$0x0], $0xffff;
	v49 =	vor.u32 v1, v16  }
0x1e7: {  	v57 =	vor.u32 v9, v35;
	v22 =	vand.u32 $0x3F, v44;
	v25 =	vor.u32 v9, v36;
	[tilespmem:v19+s26+$0x0] =	vst.idx.msk $0xffff, v18  }
0x1e8: {  	s31 =	simm.s32 $0x7;
	[tilespmem:v30+s26+$0x0] =	vst.idx.msk $0xffff, v21;
	v21 =	vor.u32 v1, v22;
	v18 =	vand.u32 $0x3F, v47;
	v29 =	vld.idx.msk [tilespmem:v29+s18+$0x0], $0xffff  }
0x1e9: {  	v58 =	vshll.u32 v47, $0x7;
	v19 =	vadd.s32 s31, v0;
	v48 =	vld.idx.msk [tilespmem:v23+s18+$0x0], $0xffff;
	v51 =	vor.u32 v1, v18;
	[tilespmem:v26+s26+$0x0] =	vst.idx.msk $0xffff, v24  }
0x1ea: {  	v27 =	vor.u32 v15, v36;
	v28 =	vor.u32 v10, v33;
	v23 =	vand.u32 $0x3F, v19;
	v42 =	vld.idx.msk [tilespmem:v42+s18+$0x0], $0xffff  }
0x1eb: {  	v24 =	vshll.u32 v19, $0x7;
	v19 =	vshll.u32 v44, $0x7;
	v26 =	vor.u32 v1, v23;
	[tilespmem:v43+s26+$0x0] =	vst.idx.msk $0xffff, v17;
	v62 =	vld.idx.msk [tilespmem:v49+s18+$0x0], $0xffff  }
0x1ec: {  	v33 =	vor.u32 v14, v33;
	v19 =	vand.u32 $0x1F80, v19;
	v17 =	vshll.u32 v45, $0x7;
	v41 =	vld.idx.msk [tilespmem:v41+s18+$0x0], $0xffff  }
0x1ed: {  	v55 =	vor.u32 v2, v22;
	v53 =	vor.u32 v0, v19;
	v17 =	vand.u32 $0x1F80, v17;
	v45 =	vld.idx.msk [tilespmem:v21+s18+$0x0], $0xffff  }
0x1ee: {  	v21 =	vand.u32 $0x1F80, v58;
	v59 =	vor.u32 v0, v17;
	[tilespmem:v25+s26+$0x0] =	vst.idx.msk $0xffff, v48;
	v51 =	vld.idx.msk [tilespmem:v51+s18+$0x0], $0xffff  }
0x1ef: {  	v24 =	vand.u32 $0x1F80, v24;
	[tilespmem:v46+s26+$0x0] =	vst.idx.msk $0xffff, v29;
	v47 =	vor.u32 v0, v21;
	v50 =	vld.idx.msk [tilespmem:v50+s18+$0x0], $0xffff  }
0x1f0: {  	v49 =	vor.u32 v2, v16;
	v48 =	vor.u32 v0, v24;
	v54 =	vld.idx.msk [tilespmem:v26+s18+$0x0], $0xffff;
	[tilespmem:v57+s26+$0x0] =	vst.idx.msk $0xffff, v42  }
0x1f1: {  	v52 =	vor.u32 v2, v18;
	v30 =	vor.u32 v6, v23;
	v44 =	vld.idx.msk [tilespmem:v38+s18+$0x0], $0xffff;
	[tilespmem:v40+s26+$0x0] =	vst.idx.msk $0xffff, v41  }
0x1f2: {  	v63 =	vor.u32 v2, v23;
	v58 =	vor.u32 v4, v23;
	v39 =	vld.idx.msk [tilespmem:v39+s18+$0x0], $0xffff;
	[tilespmem:v53+s26+$0x0] =	vst.idx.msk $0xffff, v45  }
0x1f3: {  	v25 =	vor.u32 v15, v24;
	v41 =	vld.idx.msk [tilespmem:v28+s18+$0x0], $0xffff;
	[tilespmem:v59+s26+$0x0] =	vst.idx.msk $0xffff, v62;
	v62 =	vor.u32 v11, v34  }
0x1f4: {  	v29 =	vor.u32 v14, v31;
	v45 =	vor.u32 v11, v20;
	v38 =	vld.idx.msk [tilespmem:v55+s18+$0x0], $0xffff;
	[tilespmem:v47+s26+$0x0] =	vst.idx.msk $0xffff, v51  }
0x1f5: {  	v53 =	vor.u32 v11, v35;
	v49 =	vld.idx.msk [tilespmem:v49+s18+$0x0], $0xffff;
	[tilespmem:v48+s26+$0x0] =	vst.idx.msk $0xffff, v54;
	v48 =	vor.u32 v12, v31  }
0x1f6: {  	v43 =	vor.u32 v5, v17;
	v55 =	vor.u32 v3, v17;
	v54 =	vor.u32 v12, v37;
	v52 =	vld.idx.msk [tilespmem:v52+s18+$0x0], $0xffff  }
0x1f7: {  	v40 =	vor.u32 v4, v16;
	[tilespmem:v60+s26+$0x0] =	vst.idx.msk $0xffff, v50;
	v50 =	vor.u32 v3, v24;
	v57 =	vld.idx.msk [tilespmem:v63+s18+$0x0], $0xffff  }
0x1f8: {  	v59 =	vor.u32 v13, v36;
	v47 =	vor.u32 v3, v19;
	v51 =	vld.idx.msk [tilespmem:v61+s18+$0x0], $0xffff;
	[tilespmem:v62+s26+$0x0] =	vst.idx.msk $0xffff, v41  }
0x1f9: {  	v60 =	vor.u32 v3, v21;
	v63 =	vor.u32 v14, v32;
	[tilespmem:v45+s26+$0x0] =	vst.idx.msk $0xffff, v44;
	v36 =	vld.idx.msk [tilespmem:v56+s18+$0x0], $0xffff  }
0x1fa: {  	v31 =	vor.u32 v14, v37;
	v45 =	vor.u32 v4, v18;
	[tilespmem:v53+s26+$0x0] =	vst.idx.msk $0xffff, v39;
	v32 =	vld.idx.msk [tilespmem:v48+s18+$0x0], $0xffff  }
0x1fb: {  	v41 =	vor.u32 v13, v34;
	[tilespmem:v55+s26+$0x0] =	vst.idx.msk $0xffff, v49;
	v48 =	vor.u32 v4, v22;
	v37 =	vld.idx.msk [tilespmem:v54+s18+$0x0], $0xffff  }
0x1fc: {  	v26 =	vor.u32 v15, v20;
	v42 =	vld.idx.msk [tilespmem:v40+s18+$0x0], $0xffff;
	[tilespmem:v50+s26+$0x0] =	vst.idx.msk $0xffff, v57;
	v40 =	vor.u32 v13, v35  }
0x1fd: {  	v28 =	vor.u32 v15, v35;
	v44 =	vor.u32 v6, v16;
	[tilespmem:v59+s26+$0x0] =	vst.idx.msk $0xffff, v51;
	v46 =	vld.idx.msk [tilespmem:v58+s18+$0x0], $0xffff  }
0x1fe: {  	s0 =	simm.s32 $0x8;
	v34 =	vor.u32 v15, v34;
	[tilespmem:v60+s26+$0x0] =	vst.idx.msk $0xffff, v52;
	v49 =	vor.u32 v5, v24;
	v39 =	vld.idx.msk [tilespmem:v63+s18+$0x0], $0xffff  }
.LBB2_21:
0x1ff: {  	p0 =	slt.u32 s0, $0x3C;
	v35 =	vor.u32 v10, v16;
	[tilespmem:v47+s26+$0x0] =	vst.idx.msk $0xffff, v38;
	v38 =	vld.idx.msk [tilespmem:v45+s18+$0x0], $0xffff;
	v20 =	vor.u32 v13, v20;
	s1 =	smov.u32 s0;
	s0 =	sadd.s32 $0x4, s0  }
0x200: {  	v47 =	vor.u32 v10, v22;
	v45 =	vld.idx.msk [tilespmem:v48+s18+$0x0], $0xffff;
	v48 =	vor.u32 v5, v21;
	[tilespmem:v41+s26+$0x0] =	vst.idx.msk $0xffff, v36  }
0x201: {  	v36 =	vor.u32 v5, v19;
	v41 =	vor.u32 v6, v18;
	v50 =	vld.idx.msk [tilespmem:v33+s18+$0x0], $0xffff;
	[tilespmem:v40+s26+$0x0] =	vst.idx.msk $0xffff, v37  }
0x202: {  	v37 =	vor.u32 v6, v22;
	v40 =	vor.u32 v10, v18;
	[tilespmem:v43+s26+$0x0] =	vst.idx.msk $0xffff, v42;
	v31 =	vld.idx.msk [tilespmem:v31+s18+$0x0], $0xffff  }
0x203: {  	v43 =	vor.u32 v9, v19;
	v42 =	vld.idx.msk [tilespmem:v44+s18+$0x0], $0xffff;
	[tilespmem:v49+s26+$0x0] =	vst.idx.msk $0xffff, v46;
	v44 =	vor.u32 v10, v23  }
0x204: {  	v46 =	vor.u32 v7, v17;
	v49 =	vor.u32 v8, v22;
	v30 =	vld.idx.msk [tilespmem:v30+s18+$0x0], $0xffff;
	[tilespmem:v27+s26+$0x0] =	vst.idx.msk $0xffff, v39  }
0x205: {  	v33 =	vmov v22;
	v27 =	vor.u32 v8, v16;
	[tilespmem:v48+s26+$0x0] =	vst.idx.msk $0xffff, v38;
	v38 =	vor.u32 v7, v24  }
0x206: {  	v39 =	vor.u32 v8, v23;
	[tilespmem:v36+s26+$0x0] =	vst.idx.msk $0xffff, v45;
	v36 =	vld.idx.msk [tilespmem:v41+s18+$0x0], $0xffff;
	v41 =	vor.u32 v9, v24  }
0x207: {  	v48 =	vor.u32 v8, v18;
	v45 =	vor.u32 v7, v21;
	v37 =	vld.idx.msk [tilespmem:v37+s18+$0x0], $0xffff;
	[tilespmem:v34+s26+$0x0] =	vst.idx.msk $0xffff, v50  }
0x208: {  	v51 =	vor.u32 v7, v19;
	s10 =	sadd.s32 $0x1, s1;
	s11 =	sadd.s32 $0x2, s1;
	v34 =	vadd.s32 s1, v0;
	s1 =	sadd.s32 $0x3, s1;
	v50 =	vor.u32 v9, v17;
	[tilespmem:v20+s26+$0x0] =	vst.idx.msk $0xffff, v32  }
0x209: {  	v20 =	vadd.s32 s10, v0;
	v32 =	vadd.s32 s11, v0;
	v52 =	vadd.s32 s1, v0;
	[tilespmem:v46+s26+$0x0] =	vst.idx.msk $0xffff, v42;
	v42 =	vmovc v18;
	v46 =	vmovc v16  }
0x20a: {  	v55 =	vmovc v23;
	v22 =	vand.u32 $0x3F, v20;
	v18 =	vand.u32 $0x3F, v32;
	v53 =	vshll.u32 v52, $0x7;
	v54 =	vld.idx.msk [tilespmem:v27+s18+$0x0], $0xffff;
	[tilespmem:v38+s26+$0x0] =	vst.idx.msk $0xffff, v30  }
0x20b: {  	v57 =	vmovc v19;
	v16 =	vand.u32 $0x3F, v34;
	v38 =	vor.u32 v1, v22;
	v56 =	vor.u32 v1, v18;
	v39 =	vld.idx.msk [tilespmem:v39+s18+$0x0], $0xffff  }
0x20c: {  	v19 =	vshll.u32 v20, $0x7;
	v23 =	vand.u32 $0x3F, v52;
	v58 =	vor.u32 v1, v16;
	[tilespmem:v45+s26+$0x0] =	vst.idx.msk $0xffff, v36;
	v29 =	vld.idx.msk [tilespmem:v29+s18+$0x0], $0xffff  }
0x20d: {  	v19 =	vand.u32 $0x1F80, v19;
	v36 =	vor.u32 v1, v23;
	[tilespmem:v51+s26+$0x0] =	vst.idx.msk $0xffff, v37;
	v37 =	vmovc v24;
	v24 =	vand.u32 $0x1F80, v53  }
0x20e: {  	v30 =	vor.u32 v6, v23;
	v20 =	vmov v17;
	v45 =	vshll.u32 v34, $0x7;
	v34 =	vld.idx.msk [tilespmem:v48+s18+$0x0], $0xffff;
	[tilespmem:v28+s26+$0x0] =	vst.idx.msk $0xffff, v31  }
0x20f: {  	v27 =	vmovc v25;
	v17 =	vand.u32 $0x1F80, v45;
	v28 =	vshll.u32 v32, $0x7;
	v32 =	vor.u32 v9, v21;
	v31 =	vld.idx.msk [tilespmem:v49+s18+$0x0], $0xffff;
	v49 =	vmovc v21  }
0x210: {  	v45 =	vor.u32 v0, v17;
	v21 =	vand.u32 $0x1F80, v28;
	v38 =	vld.idx.msk [tilespmem:v38+s18+$0x0], $0xffff;
	[tilespmem:v50+s26+$0x0] =	vst.idx.msk $0xffff, v54  }
0x211: {  	v51 =	vor.u32 v0, v24;
	v50 =	vor.u32 v0, v21;
	v48 =	vld.idx.msk [tilespmem:v58+s18+$0x0], $0xffff;
	[tilespmem:v41+s26+$0x0] =	vst.idx.msk $0xffff, v39  }
0x212: {  	v39 =	vor.u32 v2, v16;
	v41 =	vor.u32 v2, v18;
	v44 =	vld.idx.msk [tilespmem:v44+s18+$0x0], $0xffff;
	[tilespmem:v26+s26+$0x0] =	vst.idx.msk $0xffff, v29  }
0x213: {  	v52 =	vor.u32 v0, v19;
	v25 =	vor.u32 v15, v24;
	v36 =	vld.idx.msk [tilespmem:v36+s18+$0x0], $0xffff  }
0x214: {  	v53 =	vor.u32 v2, v22;
	v29 =	vor.u32 v14, v46;
	v54 =	vld.idx.msk [tilespmem:v56+s18+$0x0], $0xffff;
	[tilespmem:v32+s26+$0x0] =	vst.idx.msk $0xffff, v34  }
0x215: {  	v32 =	vor.u32 v2, v23;
	[tilespmem:v43+s26+$0x0] =	vst.idx.msk $0xffff, v31;
	v34 =	vld.idx.msk [tilespmem:v40+s18+$0x0], $0xffff;
	v40 =	vor.u32 v11, v37  }
0x216: {  	v28 =	vor.u32 v15, v49;
	v26 =	vor.u32 v15, v20;
	v43 =	vld.idx.msk [tilespmem:v47+s18+$0x0], $0xffff;
	v47 =	vor.u32 v12, v55  }
0x217: {  	[tilespmem:v45+s26+$0x0] =	vst.idx.msk $0xffff, v48;
	v35 =	vld.idx.msk [tilespmem:v35+s18+$0x0], $0xffff;
	v45 =	vor.u32 v11, v57;
	v48 =	vor.u32 v12, v33  }
0x218: {  	v56 =	vor.u32 v11, v49;
	v39 =	vld.idx.msk [tilespmem:v39+s18+$0x0], $0xffff;
	[tilespmem:v52+s26+$0x0] =	vst.idx.msk $0xffff, v38;
	v52 =	vor.u32 v11, v20  }
0x219: {  	v46 =	vor.u32 v12, v46;
	v38 =	vld.idx.msk [tilespmem:v53+s18+$0x0], $0xffff;
	[tilespmem:v51+s26+$0x0] =	vst.idx.msk $0xffff, v36;
	v51 =	vor.u32 v12, v42  }
0x21a: {  	v31 =	vor.u32 v14, v42;
	v53 =	vor.u32 v3, v17;
	v58 =	vld.idx.msk [tilespmem:v32+s18+$0x0], $0xffff;
	[tilespmem:v40+s26+$0x0] =	vst.idx.msk $0xffff, v44  }
0x21b: {  	v40 =	vor.u32 v4, v16;
	v44 =	vor.u32 v3, v24;
	[tilespmem:v50+s26+$0x0] =	vst.idx.msk $0xffff, v54;
	v50 =	vld.idx.msk [tilespmem:v47+s18+$0x0], $0xffff  }
0x21c: {  	v59 =	vor.u32 v4, v23;
	v60 =	vor.u32 v13, v37;
	v54 =	vld.idx.msk [tilespmem:v41+s18+$0x0], $0xffff;
	[tilespmem:v45+s26+$0x0] =	vst.idx.msk $0xffff, v43  }
0x21d: {  	v61 =	vor.u32 v3, v21;
	[tilespmem:v52+s26+$0x0] =	vst.idx.msk $0xffff, v35;
	v36 =	vld.idx.msk [tilespmem:v48+s18+$0x0], $0xffff;
	v35 =	vor.u32 v14, v55  }
.Ltmp12:
0x21e: {  	v47 =	vor.u32 v3, v19;
	v45 =	vor.u32 v4, v18;
	v32 =	vld.idx.msk [tilespmem:v46+s18+$0x0], $0xffff;
	[tilespmem:v56+s26+$0x0] =	vst.idx.msk $0xffff, v34;
	(pc) =	sbr.rel @p0 .LBB2_21-.Ltmp12, $4  }
0x21f: {  	v41 =	vor.u32 v13, v57;
	v48 =	vor.u32 v4, v22;
	[tilespmem:v53+s26+$0x0] =	vst.idx.msk $0xffff, v39;
	v37 =	vld.idx.msk [tilespmem:v51+s18+$0x0], $0xffff  }
0x220: {  	v33 =	vor.u32 v14, v33;
	v42 =	vld.idx.msk [tilespmem:v40+s18+$0x0], $0xffff;
	[tilespmem:v44+s26+$0x0] =	vst.idx.msk $0xffff, v58;
	v40 =	vor.u32 v13, v49  }
0x221: {  	v43 =	vor.u32 v5, v17;
	v34 =	vor.u32 v15, v57;
	v46 =	vld.idx.msk [tilespmem:v59+s18+$0x0], $0xffff;
	[tilespmem:v60+s26+$0x0] =	vst.idx.msk $0xffff, v50  }
0x222: {  	v44 =	vor.u32 v6, v16;
	v49 =	vor.u32 v5, v24;
	[tilespmem:v61+s26+$0x0] =	vst.idx.msk $0xffff, v54;
	v39 =	vld.idx.msk [tilespmem:v35+s18+$0x0], $0xffff  }
0x223: {  	_ =	sdelay $0x3  }
0x224: {  	[tilespmem:v47+s26+$0x0] =	vst.idx.msk $0xffff, v38;
	v45 =	vld.idx.msk [tilespmem:v45+s18+$0x0], $0xffff;
	v63 =	vor.u32 v5, v21  }
0x225: {  	v62 =	vor.u32 v5, v19;
	v50 =	vor.u32 v6, v18;
	v35 =	vld.idx.msk [tilespmem:v48+s18+$0x0], $0xffff  }
0x226: {  	v52 =	vor.u32 v6, v22  }
0x227: {  	[tilespmem:v49+s26+$0x0] =	vst.idx.msk $0xffff, v46  }
0x228: {  	v53 =	vor.u32 v7, v24;
	[tilespmem:v43+s26+$0x0] =	vst.idx.msk $0xffff, v42;
	v30 =	vld.idx.msk [tilespmem:v30+s18+$0x0], $0xffff  }
0x229: {  	v54 =	vor.u32 v8, v23;
	v59 =	vor.u32 v7, v17;
	v44 =	vld.idx.msk [tilespmem:v44+s18+$0x0], $0xffff;
	[tilespmem:v63+s26+$0x0] =	vst.idx.msk $0xffff, v45  }
0x22a: {  	v58 =	vor.u32 v7, v21;
	v61 =	vor.u32 v8, v16;
	[tilespmem:v62+s26+$0x0] =	vst.idx.msk $0xffff, v35;
	v57 =	vld.idx.msk [tilespmem:v50+s18+$0x0], $0xffff  }
0x22b: {  	v55 =	vor.u32 v7, v19;
	v60 =	vor.u32 v8, v18;
	v38 =	vld.idx.msk [tilespmem:v52+s18+$0x0], $0xffff  }
0x22c: {  	v56 =	vor.u32 v8, v22  }
0x22d: {  	[tilespmem:v53+s26+$0x0] =	vst.idx.msk $0xffff, v30  }
0x22e: {  	v62 =	vor.u32 v9, v24;
	[tilespmem:v59+s26+$0x0] =	vst.idx.msk $0xffff, v44;
	v35 =	vld.idx.msk [tilespmem:v54+s18+$0x0], $0xffff  }
0x22f: {  	v52 =	vor.u32 v10, v23;
	[tilespmem:v58+s26+$0x0] =	vst.idx.msk $0xffff, v57;
	v57 =	vor.u32 v9, v17;
	v58 =	vld.idx.msk [tilespmem:v61+s18+$0x0], $0xffff  }
0x230: {  	v59 =	vor.u32 v10, v16;
	[tilespmem:v55+s26+$0x0] =	vst.idx.msk $0xffff, v38;
	v54 =	vld.idx.msk [tilespmem:v60+s18+$0x0], $0xffff;
	v55 =	vor.u32 v9, v21  }
0x231: {  	v63 =	vor.u32 v9, v19;
	v42 =	vld.idx.msk [tilespmem:v56+s18+$0x0], $0xffff;
	v56 =	vor.u32 v10, v18  }
0x232: {  	[tilespmem:v41+s26+$0x0] =	vst.idx.msk $0xffff, v36;
	v53 =	vor.u32 v10, v22  }
0x233: {  	[tilespmem:v62+s26+$0x0] =	vst.idx.msk $0xffff, v35  }
0x234: {  	v60 =	vor.u32 v11, v24;
	v30 =	vld.idx.msk [tilespmem:v52+s18+$0x0], $0xffff;
	[tilespmem:v57+s26+$0x0] =	vst.idx.msk $0xffff, v58  }
0x235: {  	v50 =	vor.u32 v11, v17;
	v61 =	vor.u32 v12, v23;
	[tilespmem:v55+s26+$0x0] =	vst.idx.msk $0xffff, v54;
	v36 =	vld.idx.msk [tilespmem:v59+s18+$0x0], $0xffff  }
0x236: {  	v49 =	vor.u32 v11, v21;
	v52 =	vor.u32 v12, v16;
	[tilespmem:v63+s26+$0x0] =	vst.idx.msk $0xffff, v42;
	v63 =	vld.idx.msk [tilespmem:v56+s18+$0x0], $0xffff  }
0x237: {  	v51 =	vor.u32 v12, v18;
	[tilespmem:v40+s26+$0x0] =	vst.idx.msk $0xffff, v37;
	v62 =	vor.u32 v11, v19;
	v38 =	vld.idx.msk [tilespmem:v53+s18+$0x0], $0xffff  }
0x238: {  	v20 =	vor.u32 v13, v20;
	v48 =	vor.u32 v12, v22;
	[tilespmem:v27+s26+$0x0] =	vst.idx.msk $0xffff, v39  }
0x239: {  	v33 =	vld.idx.msk [tilespmem:v33+s18+$0x0], $0xffff;
	[tilespmem:v60+s26+$0x0] =	vst.idx.msk $0xffff, v30  }
0x23a: {  	v53 =	vor.u32 v13, v24;
	v30 =	vld.idx.msk [tilespmem:v61+s18+$0x0], $0xffff;
	[tilespmem:v50+s26+$0x0] =	vst.idx.msk $0xffff, v36  }
0x23b: {  	v55 =	vor.u32 v14, v23;
	v61 =	vor.u32 v13, v17;
	[tilespmem:v49+s26+$0x0] =	vst.idx.msk $0xffff, v63;
	v27 =	vld.idx.msk [tilespmem:v52+s18+$0x0], $0xffff  }
0x23c: {  	v16 =	vor.u32 v14, v16;
	v59 =	vor.u32 v13, v21;
	[tilespmem:v62+s26+$0x0] =	vst.idx.msk $0xffff, v38;
	v57 =	vld.idx.msk [tilespmem:v51+s18+$0x0], $0xffff  }
0x23d: {  	[tilespmem:v20+s26+$0x0] =	vst.idx.msk $0xffff, v32;
	v56 =	vor.u32 v13, v19;
	v60 =	vor.u32 v14, v18;
	v54 =	vld.idx.msk [tilespmem:v48+s18+$0x0], $0xffff  }
0x23e: {  	v31 =	vld.idx.msk [tilespmem:v31+s18+$0x0], $0xffff;
	[tilespmem:v34+s26+$0x0] =	vst.idx.msk $0xffff, v33;
	v58 =	vor.u32 v14, v22  }
0x23f: {  	v20 =	vld.idx.msk [tilespmem:v29+s18+$0x0], $0xffff;
	[tilespmem:v53+s26+$0x0] =	vst.idx.msk $0xffff, v30  }
0x240: {  	v23 =	vld.idx.msk [tilespmem:v55+s18+$0x0], $0xffff;
	[tilespmem:v61+s26+$0x0] =	vst.idx.msk $0xffff, v27  }
0x241: {  	v17 =	vor.u32 v15, v17;
	[tilespmem:v59+s26+$0x0] =	vst.idx.msk $0xffff, v57;
	v16 =	vld.idx.msk [tilespmem:v16+s18+$0x0], $0xffff  }
0x242: {  	v63 =	vor.u32 v15, v21;
	[tilespmem:v56+s26+$0x0] =	vst.idx.msk $0xffff, v54;
	v18 =	vld.idx.msk [tilespmem:v60+s18+$0x0], $0xffff  }
0x243: {  	s29 =	sadd.s32 $0x1, s29;
	[tilespmem:v28+s26+$0x0] =	vst.idx.msk $0xffff, v31;
	v62 =	vor.u32 v15, v19;
	v22 =	vld.idx.msk [tilespmem:v58+s18+$0x0], $0xffff  }
0x244: {  	p0 =	sne.s32 s29, $0x1A;
	[tilespmem:v26+s26+$0x0] =	vst.idx.msk $0xffff, v20  }
.Ltmp13:
0x245: {  	[tilespmem:v25+s26+$0x0] =	vst.idx.msk $0xffff, v23;
	(pc) =	sbr.rel @p0 .LBB2_2-.Ltmp13, $4  }
0x246: {  	[tilespmem:v17+s26+$0x0] =	vst.idx.msk $0xffff, v16  }
0x247: {  	[tilespmem:v63+s26+$0x0] =	vst.idx.msk $0xffff, v18  }
0x248: {  	s0 =	sadd.s32 s30, s8;
	[tilespmem:v62+s26+$0x0] =	vst.idx.msk $0xffff, v22  }
0x249: {  	[hbm4b:s0+s21] =	stream.strided.scatter [tilespmem:s26], [sflag:$0x2], $0x2000, s22, s21, $0x38;
	[tilespmem:$0x13400] =	vst v63  }
0x24a: {  	_ =	swait.ge [sflag:s23], $0x2000  }
0x24b: {  	[sflag:s23] =	ssyncset.done $0x0  }
0x24c: {  	[sflag:s23] =	ssyncadd.s32 $0xFFFFE000  }
0x24d: {  	_ =	swait.ge [sflag:s23], $0x2000  }
0x24e: {  	[sflag:s23] =	ssyncset.done $0x0  }
0x24f: {  	s28 =	sadd.s32 $0x1, s28;
	[sflag:s23] =	ssyncadd.s32 $0xFFFFE000  }
0x250: {  	p0 =	sne.s32 s28, s9;
	_ =	swait.ge [sflag:s23], $0x2000  }
.Ltmp14:
0x251: {  	[sflag:s23] =	ssyncset.done $0x0;
	(pc) =	sbr.rel @p0 .LBB2_1-.Ltmp14, $4  }
0x252: {  	[sflag:s23] =	ssyncadd.s32 $0xFFFFE000  }
0x253: {  	_ =	swait.ge [sflag:s23], $0x2000  }
0x254: {  	[sflag:s23] =	ssyncset.done $0x0  }
0x255: {  	[sflag:s23] =	ssyncadd.s32 $0xFFFFE000  }
0x256: {  	_ =	sfence.sel $0x180000  }
0x257: {  	[bflag:$0x0] =	sbarrier.arrive $0xFFFF  }
0x258: {  	_ =	strace $0x9000004A  }
0x259: {  	s0 =	stileid.u32;
	[bflag:$0x2] =	sbarrier.arrive $0xFFFF  }
0x25a: {  	p0 =	sne.s32 s0, $0x0;
	s0 =	rddreg [dreg:$0x2]  }
0x25b: {  	s0 =	sadd.s32 @!p0 $0x100000, s0  }
0x25c: {  	[sflag:s0] =	ssyncadd.tile.s32 @!p0 $0x1;
	_ =	shalt  }
.Lfunc_end2:
_tile_overlayer_lowered:
.L_overlay_start_2:
0x25d: {  	(tag) =	ssettag $0x2  }
0x25e: {  	s0 =	rddreg [dreg:$0x0];
	s2 =	stileid.u32  }
0x25f: {  	s1 =	rddreg [dreg:$0x1];
	p0 =	sne.s32 s2, $0x0  }
0x260: {  	s3 =	rddreg [dreg:$0x2];
	[bflag:$0x3] =	sbarrier.arrive $0xFFFF;
	s2 =	simm.s32 @!p0 $0x1C04  }
0x261: {  	[timem:s3], [sflag:s2] =	dma.local @!p0 [hbm:s0], s1  }
0x262: {  	s0 =	simm.s32 @!p0 $0x4  }
0x263: {  	_ =	swait.ge @!p0 [sflag:s0], s1  }
0x264: {  	s1 =	ssub.s32 @!p0 $0x0, s1;
	[sflag:s0] =	ssyncset.done @!p0 $0x0  }
0x265: {  	[sflag:s0] =	ssyncadd.s32 @!p0 s1  }
0x266: {  	[bflag:$0x3] =	sbarrier.arrive $0xFFFF  }
0x267: {  	_ =	shalt  }

</sc_bundles>
